<compile_context>
chip_gen: v7x
topology: tpu7x:2x2x1
jax: 0.10.2.dev20260603
libtpu: 0.0.44.dev20260713+nightly
codegen_flags: <defaults>
</compile_context>

<pallas_src>
import functools

import jax
import jax.numpy as jnp
from jax import lax
from jax.experimental import pallas as pl
from jax.experimental.pallas import tpu as pltpu
from jax.experimental.pallas import tpu_sc as plsc

N_FIELDS = 26
VOCAB = 100000
EMB = 16
EPS = 1e-5

NW = 32
NROWS = N_FIELDS * EMB
RPW = NROWS // NW


def _gather_kernel(B):
    mesh = plsc.VectorSubcoreMesh(core_axis_name="c", subcore_axis_name="s")

    @functools.partial(
        pl.kernel,
        out_type=jax.ShapeDtypeStruct((NROWS, B), jnp.float32),
        mesh=mesh,
        compiler_params=pltpu.CompilerParams(use_tc_tiling_on_sc=True,
                                             needs_layout_passes=False),
        scratch_types=[
            pltpu.VMEM((VOCAB,), jnp.float32),
            pltpu.VMEM((B // NW * NW,), jnp.float32),
            pltpu.SemaphoreType.DMA,
            pltpu.SemaphoreType.DMA,
            pltpu.SemaphoreType.DMA,
        ],
    )
    def gk(tt_hbm, idxf_hbm, out_hbm, row_v, io_v, rsem, isem, wsem):
        wid = lax.axis_index("s") * 2 + lax.axis_index("c")
        row0 = wid * RPW

        def row_dma(k):
            return pltpu.async_copy(tt_hbm.at[row0 + k], row_v, rsem)

        def idx_dma(k):
            f = lax.shift_right_logical(row0 + k, 4)
            return pltpu.async_copy(idxf_hbm.at[f], io_v, isem)

        cr = row_dma(0)
        ci = idx_dma(0)
        for k in range(RPW):
            cr.wait()
            ci.wait()

            def blk(kk, carry):
                for j in range(16):
                    off = kk * 256 + j * 16
                    iv = plsc.bitcast(io_v[pl.ds(off, 16)], jnp.int32)
                    io_v[pl.ds(off, 16)] = plsc.load_gather(row_v, [iv])
                return carry

            lax.fori_loop(0, B // 256, blk, 0)
            if k + 1 < RPW:
                cr = row_dma(k + 1)
            wb = pltpu.async_copy(io_v, out_hbm.at[row0 + k], wsem)
            wb.wait()
            if k + 1 < RPW:
                ci = idx_dma(k + 1)

    return gk


def _mlp_body(xn_ref, emb_ref, w0n_ref, w0e_ref, b0_ref, w1_ref, b1_ref,
              w2_ref, b2_ref, w3_ref, b3_ref, out_ref):
    dg = lambda a, b, ca, cb: lax.dot_general(
        a, b, (((ca,), (cb,)), ((), ())),
        preferred_element_type=jnp.float32)
    h = dg(w0e_ref[...], emb_ref[...], 0, 0)
    h = h + dg(w0n_ref[...], xn_ref[...], 0, 1)
    h = jnp.maximum(h + b0_ref[...], 0.0)
    h = jnp.maximum(dg(w1_ref[...], h, 0, 0) + b1_ref[...], 0.0)
    h = jnp.maximum(dg(w2_ref[...], h, 0, 0) + b2_ref[...], 0.0)
    out_ref[...] = dg(w3_ref[...], h, 0, 0) + b3_ref[...]


def kernel(x_num, x_cat, tables, W0, b0, g0, be0, W1, b1, g1, be1,
           W2, b2, g2, be2, W3, b3):
    B = x_num.shape[0]

    tt = tables.transpose(0, 2, 1).reshape(NROWS, VOCAB)
    idxf = lax.bitcast_convert_type(x_cat.astype(jnp.int32).T, jnp.float32)

    inv = 1.0 / jnp.sqrt(1.0 + EPS)
    s0, s1, s2 = g0 * inv, g1 * inv, g2 * inv
    W0f = W0 * s0[None, :]
    b0T = (b0 * s0 + be0)[:, None]
    W1f = W1 * s1[None, :]
    b1T = (b1 * s1 + be1)[:, None]
    W2f = W2 * s2[None, :]
    b2T = (b2 * s2 + be2)[:, None]
    W0n = W0f[:13]
    W0e = W0f[13:]
    w3p = jnp.pad(W3, ((0, 0), (0, 7)))
    b3T = jnp.pad(b3.reshape(1, 1), ((0, 7), (0, 0)))

    embT = _gather_kernel(B)(tt, idxf)

    BM = 4096
    nb = B // BM
    full = lambda s: pl.BlockSpec(s, lambda i: (0, 0))
    out2 = pl.pallas_call(
        _mlp_body,
        grid=(nb,),
        in_specs=[
            pl.BlockSpec((BM, 13), lambda i: (i, 0)),
            pl.BlockSpec((NROWS, BM), lambda i: (0, i)),
            full((13, 128)), full((NROWS, 128)), full((128, 1)),
            full((128, 64)), full((64, 1)),
            full((64, 32)), full((32, 1)),
            full((32, 8)), full((8, 1)),
        ],
        out_specs=pl.BlockSpec((8, BM), lambda i: (0, i)),
        out_shape=jax.ShapeDtypeStruct((8, B), jnp.float32),
    )(x_num, embT, W0n, W0e, b0T, W1f, b1T, W2f, b2T, w3p, b3T)

    return out2[0, :]

# --- scband reference (transcript-rebuilt; emitter-appended) ---
"""Pipeline reference for scband-embedding-mlp-51161650430098 (READ-ONLY COPY).

The authoritative reference and input builder live on the scoring server;
editing this copy changes nothing except your own understanding.
"""

import jax, jax.numpy as jnp
import numpy as np

N_FIELDS = 26
VOCAB = 100000
EMB = 16
NUMF = 13
B = 16384
HID = [128, 64, 32]
EPS = 1e-5


def setup_inputs(seed: int = 0) -> dict:
    key = jax.random.key(seed)
    ks = jax.random.split(key, 20)
    inp = {}
    inp["x_num"] = jax.random.normal(ks[0], (B, NUMF), dtype=jnp.float32)
    inp["x_cat"] = jax.random.randint(ks[1], (B, N_FIELDS), 0, VOCAB)
    # embedding tables (all fields same shape -> stacked)
    inp["tables"] = jax.random.normal(ks[2], (N_FIELDS, VOCAB, EMB), dtype=jnp.float32) * 0.02
    in_dim = NUMF + N_FIELDS * EMB  # 429
    dims = [in_dim] + HID + [1]
    # hidden layers: linear + batchnorm(eval) params
    for i in range(3):
        inp[f"W{i}"] = jax.random.normal(ks[3 + 2 * i], (dims[i], dims[i + 1]), dtype=jnp.float32) * 0.02
        inp[f"b{i}"] = jnp.zeros((dims[i + 1],), dtype=jnp.float32)
        inp[f"g{i}"] = jnp.ones((dims[i + 1],), dtype=jnp.float32)
        inp[f"be{i}"] = jnp.zeros((dims[i + 1],), dtype=jnp.float32)
    inp["W3"] = jax.random.normal(ks[12], (dims[3], dims[4]), dtype=jnp.float32) * 0.02
    inp["b3"] = jnp.zeros((dims[4],), dtype=jnp.float32)
    return inp


def reference(x_num, x_cat, tables, W0, b0, g0, be0, W1, b1, g1, be1, W2, b2, g2, be2, W3, b3):
    # embedding lookups: gather one row per field per example
    f_idx = jnp.arange(N_FIELDS)[None, :]  # (1, 26)
    emb = tables[f_idx, x_cat]             # (B, 26, EMB)
    x = jnp.concatenate([x_num, emb.reshape(x_num.shape[0], -1)], axis=1)
    inv = 1.0 / jnp.sqrt(1.0 + EPS)  # BatchNorm eval: running_mean=0, running_var=1
    for (W, b, g, be) in ((W0, b0, g0, be0), (W1, b1, g1, be1), (W2, b2, g2, be2)):
        x = x @ W + b
        x = g * (x * inv) + be
        x = jax.nn.relu(x)
        # dropout is identity in eval mode
    out = x @ W3 + b3
    return out.squeeze(-1)

if __name__ == "__main__":
    import jax
    _d = setup_inputs()
    print(jax.jit(kernel)(*tuple(_d.values())))

</pallas_src>

<mosaic_0001>
#map = affine_map<(d0, d1) -> (0, 0)>
module attributes {stable_mosaic.version = 14 : i64} {
  func.func @gk(%arg0: i32, %arg1: i32, %arg2: memref<416x100000xf32, #tpu.memory_space<hbm>>, %arg3: memref<26x16384xf32, #tpu.memory_space<hbm>>, %arg4: memref<416x16384xf32, #tpu.memory_space<hbm>>, %arg5: memref<100000xf32, #tpu.memory_space<vmem>>, %arg6: memref<16384xf32, #tpu.memory_space<vmem>>, %arg7: memref<!tpu.dma_semaphore, #tpu.memory_space<semaphore_mem>>, %arg8: memref<!tpu.dma_semaphore, #tpu.memory_space<semaphore_mem>>, %arg9: memref<!tpu.dma_semaphore, #tpu.memory_space<semaphore_mem>>) attributes {dimension_semantics = [#tpu.dimension_semantics<core_parallel>, #tpu.dimension_semantics<subcore_parallel>], iteration_bounds = array<i64: 2, 16>, scalar_prefetch = 0 : i64, scratch_operands = 5 : i64, tpu.core_type = #tpu.core_type<sc_vector_subcore>, window_params = [{transform_indices = #map}, {transform_indices = #map}, {transform_indices = #map}]} {
    %mul3A = arith.constant 2 : i32
    %mul3A_0 = arith.muli %arg1, %mul3A : i32
    %add3A = arith.addi %mul3A_0, %arg0 : i32
    %mul3A_1 = arith.constant 13 : i32
    %mul3A_2 = arith.muli %add3A, %mul3A_1 : i32
    %add3A_3 = arith.constant 0 : i32
    %add3A_4 = arith.addi %mul3A_2, %add3A_3 : i32
    %dma_start3A = arith.constant 0 : i32
    %dma_start3A_5 = tpu.memref_slice %arg2[%add3A_4, %dma_start3A] : memref<416x100000xf32, #tpu.memory_space<hbm>> -> memref<1x100000xf32, #tpu.memory_space<hbm>>
    %dma_start3A_6 = tpu.memref_squeeze %dma_start3A_5 : memref<1x100000xf32, #tpu.memory_space<hbm>> -> memref<100000xf32, #tpu.memory_space<hbm>>
    %dma_start3A_7 = arith.constant 0 : i32
    %dma_start3A_8 = tpu.memref_slice %arg2[%add3A_4, %dma_start3A_7] : memref<416x100000xf32, #tpu.memory_space<hbm>> -> memref<1x100000xf32, #tpu.memory_space<hbm>>
    %dma_start3A_9 = tpu.memref_squeeze %dma_start3A_8 : memref<1x100000xf32, #tpu.memory_space<hbm>> -> memref<100000xf32, #tpu.memory_space<hbm>>
    tpu.enqueue_dma source(%dma_start3A_9 : memref<100000xf32, #tpu.memory_space<hbm>>) target(%arg5 : memref<100000xf32, #tpu.memory_space<vmem>>) target_semaphore(%arg7 : memref<!tpu.dma_semaphore, #tpu.memory_space<semaphore_mem>>)
    %add3A_10 = arith.constant 0 : i32
    %add3A_11 = arith.addi %mul3A_2, %add3A_10 : i32
    %shift_right_logical3A = arith.constant 4 : i32
    %shift_right_logical3A_12 = arith.shrui %add3A_11, %shift_right_logical3A : i32
    %dma_start3A_13 = arith.constant 0 : i32
    %dma_start3A_14 = tpu.memref_slice %arg3[%shift_right_logical3A_12, %dma_start3A_13] : memref<26x16384xf32, #tpu.memory_space<hbm>> -> memref<1x16384xf32, #tpu.memory_space<hbm>>
    %dma_start3A_15 = tpu.memref_squeeze %dma_start3A_14 : memref<1x16384xf32, #tpu.memory_space<hbm>> -> memref<16384xf32, #tpu.memory_space<hbm>>
    %dma_start3A_16 = arith.constant 0 : i32
    %dma_start3A_17 = tpu.memref_slice %arg3[%shift_right_logical3A_12, %dma_start3A_16] : memref<26x16384xf32, #tpu.memory_space<hbm>> -> memref<1x16384xf32, #tpu.memory_space<hbm>>
    %dma_start3A_18 = tpu.memref_squeeze %dma_start3A_17 : memref<1x16384xf32, #tpu.memory_space<hbm>> -> memref<16384xf32, #tpu.memory_space<hbm>>
    tpu.enqueue_dma source(%dma_start3A_18 : memref<16384xf32, #tpu.memory_space<hbm>>) target(%arg6 : memref<16384xf32, #tpu.memory_space<vmem>>) target_semaphore(%arg8 : memref<!tpu.dma_semaphore, #tpu.memory_space<semaphore_mem>>)
    %dma_wait3A = arith.constant 0 : i32
    %dma_wait3A_19 = tpu.memref_slice %arg2[%add3A_4, %dma_wait3A] : memref<416x100000xf32, #tpu.memory_space<hbm>> -> memref<1x100000xf32, #tpu.memory_space<hbm>>
    %dma_wait3A_20 = tpu.memref_squeeze %dma_wait3A_19 : memref<1x100000xf32, #tpu.memory_space<hbm>> -> memref<100000xf32, #tpu.memory_space<hbm>>
    %dma_wait3A_21 = arith.constant 0 : i32
    %dma_wait3A_22 = tpu.memref_slice %arg2[%add3A_4, %dma_wait3A_21] : memref<416x100000xf32, #tpu.memory_space<hbm>> -> memref<1x100000xf32, #tpu.memory_space<hbm>>
    %dma_wait3A_23 = tpu.memref_squeeze %dma_wait3A_22 : memref<1x100000xf32, #tpu.memory_space<hbm>> -> memref<100000xf32, #tpu.memory_space<hbm>>
    tpu.wait_dma2 semaphore(%arg7 : memref<!tpu.dma_semaphore, #tpu.memory_space<semaphore_mem>>) src(%dma_wait3A_23 : memref<100000xf32, #tpu.memory_space<hbm>>) dst(%arg5 : memref<100000xf32, #tpu.memory_space<vmem>>)
    %dma_wait3A_24 = arith.constant 0 : i32
    %dma_wait3A_25 = tpu.memref_slice %arg3[%shift_right_logical3A_12, %dma_wait3A_24] : memref<26x16384xf32, #tpu.memory_space<hbm>> -> memref<1x16384xf32, #tpu.memory_space<hbm>>
    %dma_wait3A_26 = tpu.memref_squeeze %dma_wait3A_25 : memref<1x16384xf32, #tpu.memory_space<hbm>> -> memref<16384xf32, #tpu.memory_space<hbm>>
    %dma_wait3A_27 = arith.constant 0 : i32
    %dma_wait3A_28 = tpu.memref_slice %arg3[%shift_right_logical3A_12, %dma_wait3A_27] : memref<26x16384xf32, #tpu.memory_space<hbm>> -> memref<1x16384xf32, #tpu.memory_space<hbm>>
    %dma_wait3A_29 = tpu.memref_squeeze %dma_wait3A_28 : memref<1x16384xf32, #tpu.memory_space<hbm>> -> memref<16384xf32, #tpu.memory_space<hbm>>
    tpu.wait_dma2 semaphore(%arg8 : memref<!tpu.dma_semaphore, #tpu.memory_space<semaphore_mem>>) src(%dma_wait3A_29 : memref<16384xf32, #tpu.memory_space<hbm>>) dst(%arg6 : memref<16384xf32, #tpu.memory_space<vmem>>)
    %scan3A = arith.constant 0 : i32
    %scan3A_30 = arith.constant 0 : i32
    %scan3A_31 = arith.constant 64 : i32
    %scan3A_32 = arith.addi %scan3A_30, %scan3A_31 : i32
    %scan3A_33 = arith.constant 1 : i32
    scf.for %scan3A_649 = %scan3A_30 to %scan3A_32 step %scan3A_33  : i32 {
      %mul3A_650 = arith.constant 256 : i32
      %mul3A_651 = arith.muli %scan3A_649, %mul3A_650 : i32
      %add3A_652 = arith.constant 0 : i32
      %add3A_653 = arith.addi %mul3A_651, %add3A_652 : i32
      %get3A = arith.index_cast %add3A_653 : i32 to index
      %get3A_654 = tpu.vector_load %arg6[%get3A] {strides = array<i32>} : memref<16384xf32, #tpu.memory_space<vmem>>, vector<16xf32>,
      %bitcast3A = vector.bitcast %get3A_654 : vector<16xf32> to vector<16xi32>
      %gather3A = tpu.vector_load_idx %arg5[%bitcast3A] : memref<100000xf32, #tpu.memory_space<vmem>>[vector<16xi32>], vector<16xf32>,
      %swap3A = arith.index_cast %add3A_653 : i32 to index
      %swap3A_655 = tpu.vector_load %arg6[%swap3A] {strides = array<i32>} : memref<16384xf32, #tpu.memory_space<vmem>>, vector<16xf32>,
      tpu.vector_store %arg6[%swap3A], %gather3A {strides = array<i32>} : memref<16384xf32, #tpu.memory_space<vmem>>, vector<16xf32>,
      %mul3A_656 = arith.constant 256 : i32
      %mul3A_657 = arith.muli %scan3A_649, %mul3A_656 : i32
      %add3A_658 = arith.constant 16 : i32
      %add3A_659 = arith.addi %mul3A_657, %add3A_658 : i32
      %get3A_660 = arith.index_cast %add3A_659 : i32 to index
      %get3A_661 = tpu.vector_load %arg6[%get3A_660] {strides = array<i32>} : memref<16384xf32, #tpu.memory_space<vmem>>, vector<16xf32>,
      %bitcast3A_662 = vector.bitcast %get3A_661 : vector<16xf32> to vector<16xi32>
      %gather3A_663 = tpu.vector_load_idx %arg5[%bitcast3A_662] : memref<100000xf32, #tpu.memory_space<vmem>>[vector<16xi32>], vector<16xf32>,
      %swap3A_664 = arith.index_cast %add3A_659 : i32 to index
      %swap3A_665 = tpu.vector_load %arg6[%swap3A_664] {strides = array<i32>} : memref<16384xf32, #tpu.memory_space<vmem>>, vector<16xf32>,
      tpu.vector_store %arg6[%swap3A_664], %gather3A_663 {strides = array<i32>} : memref<16384xf32, #tpu.memory_space<vmem>>, vector<16xf32>,
      %mul3A_666 = arith.constant 256 : i32
      %mul3A_667 = arith.muli %scan3A_649, %mul3A_666 : i32
      %add3A_668 = arith.constant 32 : i32
      %add3A_669 = arith.addi %mul3A_667, %add3A_668 : i32
      %get3A_670 = arith.index_cast %add3A_669 : i32 to index
      %get3A_671 = tpu.vector_load %arg6[%get3A_670] {strides = array<i32>} : memref<16384xf32, #tpu.memory_space<vmem>>, vector<16xf32>,
      %bitcast3A_672 = vector.bitcast %get3A_671 : vector<16xf32> to vector<16xi32>
      %gather3A_673 = tpu.vector_load_idx %arg5[%bitcast3A_672] : memref<100000xf32, #tpu.memory_space<vmem>>[vector<16xi32>], vector<16xf32>,
      %swap3A_674 = arith.index_cast %add3A_669 : i32 to index
      %swap3A_675 = tpu.vector_load %arg6[%swap3A_674] {strides = array<i32>} : memref<16384xf32, #tpu.memory_space<vmem>>, vector<16xf32>,
      tpu.vector_store %arg6[%swap3A_674], %gather3A_673 {strides = array<i32>} : memref<16384xf32, #tpu.memory_space<vmem>>, vector<16xf32>,
      %mul3A_676 = arith.constant 256 : i32
      %mul3A_677 = arith.muli %scan3A_649, %mul3A_676 : i32
      %add3A_678 = arith.constant 48 : i32
      %add3A_679 = arith.addi %mul3A_677, %add3A_678 : i32
      %get3A_680 = arith.index_cast %add3A_679 : i32 to index
      %get3A_681 = tpu.vector_load %arg6[%get3A_680] {strides = array<i32>} : memref<16384xf32, #tpu.memory_space<vmem>>, vector<16xf32>,
      %bitcast3A_682 = vector.bitcast %get3A_681 : vector<16xf32> to vector<16xi32>
      %gather3A_683 = tpu.vector_load_idx %arg5[%bitcast3A_682] : memref<100000xf32, #tpu.memory_space<vmem>>[vector<16xi32>], vector<16xf32>,
      %swap3A_684 = arith.index_cast %add3A_679 : i32 to index
      %swap3A_685 = tpu.vector_load %arg6[%swap3A_684] {strides = array<i32>} : memref<16384xf32, #tpu.memory_space<vmem>>, vector<16xf32>,
      tpu.vector_store %arg6[%swap3A_684], %gather3A_683 {strides = array<i32>} : memref<16384xf32, #tpu.memory_space<vmem>>, vector<16xf32>,
      %mul3A_686 = arith.constant 256 : i32
      %mul3A_687 = arith.muli %scan3A_649, %mul3A_686 : i32
      %add3A_688 = arith.constant 64 : i32
      %add3A_689 = arith.addi %mul3A_687, %add3A_688 : i32
      %get3A_690 = arith.index_cast %add3A_689 : i32 to index
      %get3A_691 = tpu.vector_load %arg6[%get3A_690] {strides = array<i32>} : memref<16384xf32, #tpu.memory_space<vmem>>, vector<16xf32>,
      %bitcast3A_692 = vector.bitcast %get3A_691 : vector<16xf32> to vector<16xi32>
      %gather3A_693 = tpu.vector_load_idx %arg5[%bitcast3A_692] : memref<100000xf32, #tpu.memory_space<vmem>>[vector<16xi32>], vector<16xf32>,
      %swap3A_694 = arith.index_cast %add3A_689 : i32 to index
      %swap3A_695 = tpu.vector_load %arg6[%swap3A_694] {strides = array<i32>} : memref<16384xf32, #tpu.memory_space<vmem>>, vector<16xf32>,
      tpu.vector_store %arg6[%swap3A_694], %gather3A_693 {strides = array<i32>} : memref<16384xf32, #tpu.memory_space<vmem>>, vector<16xf32>,
      %mul3A_696 = arith.constant 256 : i32
      %mul3A_697 = arith.muli %scan3A_649, %mul3A_696 : i32
      %add3A_698 = arith.constant 80 : i32
      %add3A_699 = arith.addi %mul3A_697, %add3A_698 : i32
      %get3A_700 = arith.index_cast %add3A_699 : i32 to index
      %get3A_701 = tpu.vector_load %arg6[%get3A_700] {strides = array<i32>} : memref<16384xf32, #tpu.memory_space<vmem>>, vector<16xf32>,
      %bitcast3A_702 = vector.bitcast %get3A_701 : vector<16xf32> to vector<16xi32>
      %gather3A_703 = tpu.vector_load_idx %arg5[%bitcast3A_702] : memref<100000xf32, #tpu.memory_space<vmem>>[vector<16xi32>], vector<16xf32>,
      %swap3A_704 = arith.index_cast %add3A_699 : i32 to index
      %swap3A_705 = tpu.vector_load %arg6[%swap3A_704] {strides = array<i32>} : memref<16384xf32, #tpu.memory_space<vmem>>, vector<16xf32>,
      tpu.vector_store %arg6[%swap3A_704], %gather3A_703 {strides = array<i32>} : memref<16384xf32, #tpu.memory_space<vmem>>, vector<16xf32>,
      %mul3A_706 = arith.constant 256 : i32
      %mul3A_707 = arith.muli %scan3A_649, %mul3A_706 : i32
      %add3A_708 = arith.constant 96 : i32
      %add3A_709 = arith.addi %mul3A_707, %add3A_708 : i32
      %get3A_710 = arith.index_cast %add3A_709 : i32 to index
      %get3A_711 = tpu.vector_load %arg6[%get3A_710] {strides = array<i32>} : memref<16384xf32, #tpu.memory_space<vmem>>, vector<16xf32>,
      %bitcast3A_712 = vector.bitcast %get3A_711 : vector<16xf32> to vector<16xi32>
      %gather3A_713 = tpu.vector_load_idx %arg5[%bitcast3A_712] : memref<100000xf32, #tpu.memory_space<vmem>>[vector<16xi32>], vector<16xf32>,
      %swap3A_714 = arith.index_cast %add3A_709 : i32 to index
      %swap3A_715 = tpu.vector_load %arg6[%swap3A_714] {strides = array<i32>} : memref<16384xf32, #tpu.memory_space<vmem>>, vector<16xf32>,
      tpu.vector_store %arg6[%swap3A_714], %gather3A_713 {strides = array<i32>} : memref<16384xf32, #tpu.memory_space<vmem>>, vector<16xf32>,
      %mul3A_716 = arith.constant 256 : i32
      %mul3A_717 = arith.muli %scan3A_649, %mul3A_716 : i32
      %add3A_718 = arith.constant 112 : i32
      %add3A_719 = arith.addi %mul3A_717, %add3A_718 : i32
      %get3A_720 = arith.index_cast %add3A_719 : i32 to index
      %get3A_721 = tpu.vector_load %arg6[%get3A_720] {strides = array<i32>} : memref<16384xf32, #tpu.memory_space<vmem>>, vector<16xf32>,
      %bitcast3A_722 = vector.bitcast %get3A_721 : vector<16xf32> to vector<16xi32>
      %gather3A_723 = tpu.vector_load_idx %arg5[%bitcast3A_722] : memref<100000xf32, #tpu.memory_space<vmem>>[vector<16xi32>], vector<16xf32>,
      %swap3A_724 = arith.index_cast %add3A_719 : i32 to index
      %swap3A_725 = tpu.vector_load %arg6[%swap3A_724] {strides = array<i32>} : memref<16384xf32, #tpu.memory_space<vmem>>, vector<16xf32>,
      tpu.vector_store %arg6[%swap3A_724], %gather3A_723 {strides = array<i32>} : memref<16384xf32, #tpu.memory_space<vmem>>, vector<16xf32>,
      %mul3A_726 = arith.constant 256 : i32
      %mul3A_727 = arith.muli %scan3A_649, %mul3A_726 : i32
      %add3A_728 = arith.constant 128 : i32
      %add3A_729 = arith.addi %mul3A_727, %add3A_728 : i32
      %get3A_730 = arith.index_cast %add3A_729 : i32 to index
      %get3A_731 = tpu.vector_load %arg6[%get3A_730] {strides = array<i32>} : memref<16384xf32, #tpu.memory_space<vmem>>, vector<16xf32>,
      %bitcast3A_732 = vector.bitcast %get3A_731 : vector<16xf32> to vector<16xi32>
      %gather3A_733 = tpu.vector_load_idx %arg5[%bitcast3A_732] : memref<100000xf32, #tpu.memory_space<vmem>>[vector<16xi32>], vector<16xf32>,
      %swap3A_734 = arith.index_cast %add3A_729 : i32 to index
      %swap3A_735 = tpu.vector_load %arg6[%swap3A_734] {strides = array<i32>} : memref<16384xf32, #tpu.memory_space<vmem>>, vector<16xf32>,
      tpu.vector_store %arg6[%swap3A_734], %gather3A_733 {strides = array<i32>} : memref<16384xf32, #tpu.memory_space<vmem>>, vector<16xf32>,
      %mul3A_736 = arith.constant 256 : i32
      %mul3A_737 = arith.muli %scan3A_649, %mul3A_736 : i32
      %add3A_738 = arith.constant 144 : i32
      %add3A_739 = arith.addi %mul3A_737, %add3A_738 : i32
      %get3A_740 = arith.index_cast %add3A_739 : i32 to index
      %get3A_741 = tpu.vector_load %arg6[%get3A_740] {strides = array<i32>} : memref<16384xf32, #tpu.memory_space<vmem>>, vector<16xf32>,
      %bitcast3A_742 = vector.bitcast %get3A_741 : vector<16xf32> to vector<16xi32>
      %gather3A_743 = tpu.vector_load_idx %arg5[%bitcast3A_742] : memref<100000xf32, #tpu.memory_space<vmem>>[vector<16xi32>], vector<16xf32>,
      %swap3A_744 = arith.index_cast %add3A_739 : i32 to index
      %swap3A_745 = tpu.vector_load %arg6[%swap3A_744] {strides = array<i32>} : memref<16384xf32, #tpu.memory_space<vmem>>, vector<16xf32>,
      tpu.vector_store %arg6[%swap3A_744], %gather3A_743 {strides = array<i32>} : memref<16384xf32, #tpu.memory_space<vmem>>, vector<16xf32>,
      %mul3A_746 = arith.constant 256 : i32
      %mul3A_747 = arith.muli %scan3A_649, %mul3A_746 : i32
      %add3A_748 = arith.constant 160 : i32
      %add3A_749 = arith.addi %mul3A_747, %add3A_748 : i32
      %get3A_750 = arith.index_cast %add3A_749 : i32 to index
      %get3A_751 = tpu.vector_load %arg6[%get3A_750] {strides = array<i32>} : memref<16384xf32, #tpu.memory_space<vmem>>, vector<16xf32>,
      %bitcast3A_752 = vector.bitcast %get3A_751 : vector<16xf32> to vector<16xi32>
      %gather3A_753 = tpu.vector_load_idx %arg5[%bitcast3A_752] : memref<100000xf32, #tpu.memory_space<vmem>>[vector<16xi32>], vector<16xf32>,
      %swap3A_754 = arith.index_cast %add3A_749 : i32 to index
      %swap3A_755 = tpu.vector_load %arg6[%swap3A_754] {strides = array<i32>} : memref<16384xf32, #tpu.memory_space<vmem>>, vector<16xf32>,
      tpu.vector_store %arg6[%swap3A_754], %gather3A_753 {strides = array<i32>} : memref<16384xf32, #tpu.memory_space<vmem>>, vector<16xf32>,
      %mul3A_756 = arith.constant 256 : i32
      %mul3A_757 = arith.muli %scan3A_649, %mul3A_756 : i32
      %add3A_758 = arith.constant 176 : i32
      %add3A_759 = arith.addi %mul3A_757, %add3A_758 : i32
      %get3A_760 = arith.index_cast %add3A_759 : i32 to index
      %get3A_761 = tpu.vector_load %arg6[%get3A_760] {strides = array<i32>} : memref<16384xf32, #tpu.memory_space<vmem>>, vector<16xf32>,
      %bitcast3A_762 = vector.bitcast %get3A_761 : vector<16xf32> to vector<16xi32>
      %gather3A_763 = tpu.vector_load_idx %arg5[%bitcast3A_762] : memref<100000xf32, #tpu.memory_space<vmem>>[vector<16xi32>], vector<16xf32>,
      %swap3A_764 = arith.index_cast %add3A_759 : i32 to index
      %swap3A_765 = tpu.vector_load %arg6[%swap3A_764] {strides = array<i32>} : memref<16384xf32, #tpu.memory_space<vmem>>, vector<16xf32>,
      tpu.vector_store %arg6[%swap3A_764], %gather3A_763 {strides = array<i32>} : memref<16384xf32, #tpu.memory_space<vmem>>, vector<16xf32>,
      %mul3A_766 = arith.constant 256 : i32
      %mul3A_767 = arith.muli %scan3A_649, %mul3A_766 : i32
      %add3A_768 = arith.constant 192 : i32
      %add3A_769 = arith.addi %mul3A_767, %add3A_768 : i32
      %get3A_770 = arith.index_cast %add3A_769 : i32 to index
      %get3A_771 = tpu.vector_load %arg6[%get3A_770] {strides = array<i32>} : memref<16384xf32, #tpu.memory_space<vmem>>, vector<16xf32>,
      %bitcast3A_772 = vector.bitcast %get3A_771 : vector<16xf32> to vector<16xi32>
      %gather3A_773 = tpu.vector_load_idx %arg5[%bitcast3A_772] : memref<100000xf32, #tpu.memory_space<vmem>>[vector<16xi32>], vector<16xf32>,
      %swap3A_774 = arith.index_cast %add3A_769 : i32 to index
      %swap3A_775 = tpu.vector_load %arg6[%swap3A_774] {strides = array<i32>} : memref<16384xf32, #tpu.memory_space<vmem>>, vector<16xf32>,
      tpu.vector_store %arg6[%swap3A_774], %gather3A_773 {strides = array<i32>} : memref<16384xf32, #tpu.memory_space<vmem>>, vector<16xf32>,
      %mul3A_776 = arith.constant 256 : i32
      %mul3A_777 = arith.muli %scan3A_649, %mul3A_776 : i32
      %add3A_778 = arith.constant 208 : i32
      %add3A_779 = arith.addi %mul3A_777, %add3A_778 : i32
      %get3A_780 = arith.index_cast %add3A_779 : i32 to index
      %get3A_781 = tpu.vector_load %arg6[%get3A_780] {strides = array<i32>} : memref<16384xf32, #tpu.memory_space<vmem>>, vector<16xf32>,
      %bitcast3A_782 = vector.bitcast %get3A_781 : vector<16xf32> to vector<16xi32>
      %gather3A_783 = tpu.vector_load_idx %arg5[%bitcast3A_782] : memref<100000xf32, #tpu.memory_space<vmem>>[vector<16xi32>], vector<16xf32>,
      %swap3A_784 = arith.index_cast %add3A_779 : i32 to index
      %swap3A_785 = tpu.vector_load %arg6[%swap3A_784] {strides = array<i32>} : memref<16384xf32, #tpu.memory_space<vmem>>, vector<16xf32>,
      tpu.vector_store %arg6[%swap3A_784], %gather3A_783 {strides = array<i32>} : memref<16384xf32, #tpu.memory_space<vmem>>, vector<16xf32>,
      %mul3A_786 = arith.constant 256 : i32
      %mul3A_787 = arith.muli %scan3A_649, %mul3A_786 : i32
      %add3A_788 = arith.constant 224 : i32
      %add3A_789 = arith.addi %mul3A_787, %add3A_788 : i32
      %get3A_790 = arith.index_cast %add3A_789 : i32 to index
      %get3A_791 = tpu.vector_load %arg6[%get3A_790] {strides = array<i32>} : memref<16384xf32, #tpu.memory_space<vmem>>, vector<16xf32>,
      %bitcast3A_792 = vector.bitcast %get3A_791 : vector<16xf32> to vector<16xi32>
      %gather3A_793 = tpu.vector_load_idx %arg5[%bitcast3A_792] : memref<100000xf32, #tpu.memory_space<vmem>>[vector<16xi32>], vector<16xf32>,
      %swap3A_794 = arith.index_cast %add3A_789 : i32 to index
      %swap3A_795 = tpu.vector_load %arg6[%swap3A_794] {strides = array<i32>} : memref<16384xf32, #tpu.memory_space<vmem>>, vector<16xf32>,
      tpu.vector_store %arg6[%swap3A_794], %gather3A_793 {strides = array<i32>} : memref<16384xf32, #tpu.memory_space<vmem>>, vector<16xf32>,
      %mul3A_796 = arith.constant 256 : i32
      %mul3A_797 = arith.muli %scan3A_649, %mul3A_796 : i32
      %add3A_798 = arith.constant 240 : i32
      %add3A_799 = arith.addi %mul3A_797, %add3A_798 : i32
      %get3A_800 = arith.index_cast %add3A_799 : i32 to index
      %get3A_801 = tpu.vector_load %arg6[%get3A_800] {strides = array<i32>} : memref<16384xf32, #tpu.memory_space<vmem>>, vector<16xf32>,
      %bitcast3A_802 = vector.bitcast %get3A_801 : vector<16xf32> to vector<16xi32>
      %gather3A_803 = tpu.vector_load_idx %arg5[%bitcast3A_802] : memref<100000xf32, #tpu.memory_space<vmem>>[vector<16xi32>], vector<16xf32>,
      %swap3A_804 = arith.index_cast %add3A_799 : i32 to index
      %swap3A_805 = tpu.vector_load %arg6[%swap3A_804] {strides = array<i32>} : memref<16384xf32, #tpu.memory_space<vmem>>, vector<16xf32>,
      tpu.vector_store %arg6[%swap3A_804], %gather3A_803 {strides = array<i32>} : memref<16384xf32, #tpu.memory_space<vmem>>, vector<16xf32>,
    }
    %scan3A_34 = arith.constant 64 : i32
    %add3A_35 = arith.constant 1 : i32
    %add3A_36 = arith.addi %mul3A_2, %add3A_35 : i32
    %dma_start3A_37 = arith.constant 0 : i32
    %dma_start3A_38 = tpu.memref_slice %arg2[%add3A_36, %dma_start3A_37] : memref<416x100000xf32, #tpu.memory_space<hbm>> -> memref<1x100000xf32, #tpu.memory_space<hbm>>
    %dma_start3A_39 = tpu.memref_squeeze %dma_start3A_38 : memref<1x100000xf32, #tpu.memory_space<hbm>> -> memref<100000xf32, #tpu.memory_space<hbm>>
    %dma_start3A_40 = arith.constant 0 : i32
    %dma_start3A_41 = tpu.memref_slice %arg2[%add3A_36, %dma_start3A_40] : memref<416x100000xf32, #tpu.memory_space<hbm>> -> memref<1x100000xf32, #tpu.memory_space<hbm>>
    %dma_start3A_42 = tpu.memref_squeeze %dma_start3A_41 : memref<1x100000xf32, #tpu.memory_space<hbm>> -> memref<100000xf32, #tpu.memory_space<hbm>>
    tpu.enqueue_dma source(%dma_start3A_42 : memref<100000xf32, #tpu.memory_space<hbm>>) target(%arg5 : memref<100000xf32, #tpu.memory_space<vmem>>) target_semaphore(%arg7 : memref<!tpu.dma_semaphore, #tpu.memory_space<semaphore_mem>>)
    %add3A_43 = arith.constant 0 : i32
    %add3A_44 = arith.addi %mul3A_2, %add3A_43 : i32
    %dma_start3A_45 = arith.constant 0 : i32
    %dma_start3A_46 = tpu.memref_slice %arg4[%add3A_44, %dma_start3A_45] : memref<416x16384xf32, #tpu.memory_space<hbm>> -> memref<1x16384xf32, #tpu.memory_space<hbm>>
    %dma_start3A_47 = tpu.memref_squeeze %dma_start3A_46 : memref<1x16384xf32, #tpu.memory_space<hbm>> -> memref<16384xf32, #tpu.memory_space<hbm>>
    %dma_start3A_48 = arith.constant 0 : i32
    %dma_start3A_49 = tpu.memref_slice %arg4[%add3A_44, %dma_start3A_48] : memref<416x16384xf32, #tpu.memory_space<hbm>> -> memref<1x16384xf32, #tpu.memory_space<hbm>>
    %dma_start3A_50 = tpu.memref_squeeze %dma_start3A_49 : memref<1x16384xf32, #tpu.memory_space<hbm>> -> memref<16384xf32, #tpu.memory_space<hbm>>
    tpu.enqueue_dma source(%arg6 : memref<16384xf32, #tpu.memory_space<vmem>>) target(%dma_start3A_50 : memref<16384xf32, #tpu.memory_space<hbm>>) target_semaphore(%arg9 : memref<!tpu.dma_semaphore, #tpu.memory_space<semaphore_mem>>)
    %dma_wait3A_51 = arith.constant 0 : i32
    %dma_wait3A_52 = tpu.memref_slice %arg4[%add3A_44, %dma_wait3A_51] : memref<416x16384xf32, #tpu.memory_space<hbm>> -> memref<1x16384xf32, #tpu.memory_space<hbm>>
    %dma_wait3A_53 = tpu.memref_squeeze %dma_wait3A_52 : memref<1x16384xf32, #tpu.memory_space<hbm>> -> memref<16384xf32, #tpu.memory_space<hbm>>
    %dma_wait3A_54 = arith.constant 0 : i32
    %dma_wait3A_55 = tpu.memref_slice %arg4[%add3A_44, %dma_wait3A_54] : memref<416x16384xf32, #tpu.memory_space<hbm>> -> memref<1x16384xf32, #tpu.memory_space<hbm>>
    %dma_wait3A_56 = tpu.memref_squeeze %dma_wait3A_55 : memref<1x16384xf32, #tpu.memory_space<hbm>> -> memref<16384xf32, #tpu.memory_space<hbm>>
    tpu.wait_dma2 semaphore(%arg9 : memref<!tpu.dma_semaphore, #tpu.memory_space<semaphore_mem>>) src(%arg6 : memref<16384xf32, #tpu.memory_space<vmem>>) dst(%dma_wait3A_56 : memref<16384xf32, #tpu.memory_space<hbm>>)
    %add3A_57 = arith.constant 1 : i32
    %add3A_58 = arith.addi %mul3A_2, %add3A_57 : i32
    %shift_right_logical3A_59 = arith.constant 4 : i32
    %shift_right_logical3A_60 = arith.shrui %add3A_58, %shift_right_logical3A_59 : i32
    %dma_start3A_61 = arith.constant 0 : i32
    %dma_start3A_62 = tpu.memref_slice %arg3[%shift_right_logical3A_60, %dma_start3A_61] : memref<26x16384xf32, #tpu.memory_space<hbm>> -> memref<1x16384xf32, #tpu.memory_space<hbm>>
    %dma_start3A_63 = tpu.memref_squeeze %dma_start3A_62 : memref<1x16384xf32, #tpu.memory_space<hbm>> -> memref<16384xf32, #tpu.memory_space<hbm>>
    %dma_start3A_64 = arith.constant 0 : i32
    %dma_start3A_65 = tpu.memref_slice %arg3[%shift_right_logical3A_60, %dma_start3A_64] : memref<26x16384xf32, #tpu.memory_space<hbm>> -> memref<1x16384xf32, #tpu.memory_space<hbm>>
    %dma_start3A_66 = tpu.memref_squeeze %dma_start3A_65 : memref<1x16384xf32, #tpu.memory_space<hbm>> -> memref<16384xf32, #tpu.memory_space<hbm>>
    tpu.enqueue_dma source(%dma_start3A_66 : memref<16384xf32, #tpu.memory_space<hbm>>) target(%arg6 : memref<16384xf32, #tpu.memory_space<vmem>>) target_semaphore(%arg8 : memref<!tpu.dma_semaphore, #tpu.memory_space<semaphore_mem>>)
    %dma_wait3A_67 = arith.constant 0 : i32
    %dma_wait3A_68 = tpu.memref_slice %arg2[%add3A_36, %dma_wait3A_67] : memref<416x100000xf32, #tpu.memory_space<hbm>> -> memref<1x100000xf32, #tpu.memory_space<hbm>>
    %dma_wait3A_69 = tpu.memref_squeeze %dma_wait3A_68 : memref<1x100000xf32, #tpu.memory_space<hbm>> -> memref<100000xf32, #tpu.memory_space<hbm>>
    %dma_wait3A_70 = arith.constant 0 : i32
    %dma_wait3A_71 = tpu.memref_slice %arg2[%add3A_36, %dma_wait3A_70] : memref<416x100000xf32, #tpu.memory_space<hbm>> -> memref<1x100000xf32, #tpu.memory_space<hbm>>
    %dma_wait3A_72 = tpu.memref_squeeze %dma_wait3A_71 : memref<1x100000xf32, #tpu.memory_space<hbm>> -> memref<100000xf32, #tpu.memory_space<hbm>>
    tpu.wait_dma2 semaphore(%arg7 : memref<!tpu.dma_semaphore, #tpu.memory_space<semaphore_mem>>) src(%dma_wait3A_72 : memref<100000xf32, #tpu.memory_space<hbm>>) dst(%arg5 : memref<100000xf32, #tpu.memory_space<vmem>>)
    %dma_wait3A_73 = arith.constant 0 : i32
    %dma_wait3A_74 = tpu.memref_slice %arg3[%shift_right_logical3A_60, %dma_wait3A_73] : memref<26x16384xf32, #tpu.memory_space<hbm>> -> memref<1x16384xf32, #tpu.memory_space<hbm>>
    %dma_wait3A_75 = tpu.memref_squeeze %dma_wait3A_74 : memref<1x16384xf32, #tpu.memory_space<hbm>> -> memref<16384xf32, #tpu.memory_space<hbm>>
    %dma_wait3A_76 = arith.constant 0 : i32
    %dma_wait3A_77 = tpu.memref_slice %arg3[%shift_right_logical3A_60, %dma_wait3A_76] : memref<26x16384xf32, #tpu.memory_space<hbm>> -> memref<1x16384xf32, #tpu.memory_space<hbm>>
    %dma_wait3A_78 = tpu.memref_squeeze %dma_wait3A_77 : memref<1x16384xf32, #tpu.memory_space<hbm>> -> memref<16384xf32, #tpu.memory_space<hbm>>
    tpu.wait_dma2 semaphore(%arg8 : memref<!tpu.dma_semaphore, #tpu.memory_space<semaphore_mem>>) src(%dma_wait3A_78 : memref<16384xf32, #tpu.memory_space<hbm>>) dst(%arg6 : memref<16384xf32, #tpu.memory_space<vmem>>)
    %scan3A_79 = arith.constant 0 : i32
    %scan3A_80 = arith.constant 0 : i32
    %scan3A_81 = arith.constant 64 : i32
    %scan3A_82 = arith.addi %scan3A_80, %scan3A_81 : i32
    %scan3A_83 = arith.constant 1 : i32
    scf.for %scan3A_649 = %scan3A_80 to %scan3A_82 step %scan3A_83  : i32 {
      %mul3A_650 = arith.constant 256 : i32
      %mul3A_651 = arith.muli %scan3A_649, %mul3A_650 : i32
      %add3A_652 = arith.constant 0 : i32
      %add3A_653 = arith.addi %mul3A_651, %add3A_652 : i32
      %get3A = arith.index_cast %add3A_653 : i32 to index
      %get3A_654 = tpu.vector_load %arg6[%get3A] {strides = array<i32>} : memref<16384xf32, #tpu.memory_space<vmem>>, vector<16xf32>,
      %bitcast3A = vector.bitcast %get3A_654 : vector<16xf32> to vector<16xi32>
      %gather3A = tpu.vector_load_idx %arg5[%bitcast3A] : memref<100000xf32, #tpu.memory_space<vmem>>[vector<16xi32>], vector<16xf32>,
      %swap3A = arith.index_cast %add3A_653 : i32 to index
      %swap3A_655 = tpu.vector_load %arg6[%swap3A] {strides = array<i32>} : memref<16384xf32, #tpu.memory_space<vmem>>, vector<16xf32>,
      tpu.vector_store %arg6[%swap3A], %gather3A {strides = array<i32>} : memref<16384xf32, #tpu.memory_space<vmem>>, vector<16xf32>,
      %mul3A_656 = arith.constant 256 : i32
      %mul3A_657 = arith.muli %scan3A_649, %mul3A_656 : i32
      %add3A_658 = arith.constant 16 : i32
      %add3A_659 = arith.addi %mul3A_657, %add3A_658 : i32
      %get3A_660 = arith.index_cast %add3A_659 : i32 to index
      %get3A_661 = tpu.vector_load %arg6[%get3A_660] {strides = array<i32>} : memref<16384xf32, #tpu.memory_space<vmem>>, vector<16xf32>,
      %bitcast3A_662 = vector.bitcast %get3A_661 : vector<16xf32> to vector<16xi32>
      %gather3A_663 = tpu.vector_load_idx %arg5[%bitcast3A_662] : memref<100000xf32, #tpu.memory_space<vmem>>[vector<16xi32>], vector<16xf32>,
      %swap3A_664 = arith.index_cast %add3A_659 : i32 to index
      %swap3A_665 = tpu.vector_load %arg6[%swap3A_664] {strides = array<i32>} : memref<16384xf32, #tpu.memory_space<vmem>>, vector<16xf32>,
      tpu.vector_store %arg6[%swap3A_664], %gather3A_663 {strides = array<i32>} : memref<16384xf32, #tpu.memory_space<vmem>>, vector<16xf32>,
      %mul3A_666 = arith.constant 256 : i32
      %mul3A_667 = arith.muli %scan3A_649, %mul3A_666 : i32
      %add3A_668 = arith.constant 32 : i32
      %add3A_669 = arith.addi %mul3A_667, %add3A_668 : i32
      %get3A_670 = arith.index_cast %add3A_669 : i32 to index
      %get3A_671 = tpu.vector_load %arg6[%get3A_670] {strides = array<i32>} : memref<16384xf32, #tpu.memory_space<vmem>>, vector<16xf32>,
      %bitcast3A_672 = vector.bitcast %get3A_671 : vector<16xf32> to vector<16xi32>
      %gather3A_673 = tpu.vector_load_idx %arg5[%bitcast3A_672] : memref<100000xf32, #tpu.memory_space<vmem>>[vector<16xi32>], vector<16xf32>,
      %swap3A_674 = arith.index_cast %add3A_669 : i32 to index
      %swap3A_675 = tpu.vector_load %arg6[%swap3A_674] {strides = array<i32>} : memref<16384xf32, #tpu.memory_space<vmem>>, vector<16xf32>,
      tpu.vector_store %arg6[%swap3A_674], %gather3A_673 {strides = array<i32>} : memref<16384xf32, #tpu.memory_space<vmem>>, vector<16xf32>,
      %mul3A_676 = arith.constant 256 : i32
      %mul3A_677 = arith.muli %scan3A_649, %mul3A_676 : i32
      %add3A_678 = arith.constant 48 : i32
      %add3A_679 = arith.addi %mul3A_677, %add3A_678 : i32
      %get3A_680 = arith.index_cast %add3A_679 : i32 to index
      %get3A_681 = tpu.vector_load %arg6[%get3A_680] {strides = array<i32>} : memref<16384xf32, #tpu.memory_space<vmem>>, vector<16xf32>,
      %bitcast3A_682 = vector.bitcast %get3A_681 : vector<16xf32> to vector<16xi32>
      %gather3A_683 = tpu.vector_load_idx %arg5[%bitcast3A_682] : memref<100000xf32, #tpu.memory_space<vmem>>[vector<16xi32>], vector<16xf32>,
      %swap3A_684 = arith.index_cast %add3A_679 : i32 to index
      %swap3A_685 = tpu.vector_load %arg6[%swap3A_684] {strides = array<i32>} : memref<16384xf32, #tpu.memory_space<vmem>>, vector<16xf32>,
      tpu.vector_store %arg6[%swap3A_684], %gather3A_683 {strides = array<i32>} : memref<16384xf32, #tpu.memory_space<vmem>>, vector<16xf32>,
      %mul3A_686 = arith.constant 256 : i32
      %mul3A_687 = arith.muli %scan3A_649, %mul3A_686 : i32
      %add3A_688 = arith.constant 64 : i32
      %add3A_689 = arith.addi %mul3A_687, %add3A_688 : i32
      %get3A_690 = arith.index_cast %add3A_689 : i32 to index
      %get3A_691 = tpu.vector_load %arg6[%get3A_690] {strides = array<i32>} : memref<16384xf32, #tpu.memory_space<vmem>>, vector<16xf32>,
      %bitcast3A_692 = vector.bitcast %get3A_691 : vector<16xf32> to vector<16xi32>
      %gather3A_693 = tpu.vector_load_idx %arg5[%bitcast3A_692] : memref<100000xf32, #tpu.memory_space<vmem>>[vector<16xi32>], vector<16xf32>,
      %swap3A_694 = arith.index_cast %add3A_689 : i32 to index
      %swap3A_695 = tpu.vector_load %arg6[%swap3A_694] {strides = array<i32>} : memref<16384xf32, #tpu.memory_space<vmem>>, vector<16xf32>,
      tpu.vector_store %arg6[%swap3A_694], %gather3A_693 {strides = array<i32>} : memref<16384xf32, #tpu.memory_space<vmem>>, vector<16xf32>,
      %mul3A_696 = arith.constant 256 : i32
      %mul3A_697 = arith.muli %scan3A_649, %mul3A_696 : i32
      %add3A_698 = arith.constant 80 : i32
      %add3A_699 = arith.addi %mul3A_697, %add3A_698 : i32
      %get3A_700 = arith.index_cast %add3A_699 : i32 to index
      %get3A_701 = tpu.vector_load %arg6[%get3A_700] {strides = array<i32>} : memref<16384xf32, #tpu.memory_space<vmem>>, vector<16xf32>,
      %bitcast3A_702 = vector.bitcast %get3A_701 : vector<16xf32> to vector<16xi32>
      %gather3A_703 = tpu.vector_load_idx %arg5[%bitcast3A_702] : memref<100000xf32, #tpu.memory_space<vmem>>[vector<16xi32>], vector<16xf32>,
      %swap3A_704 = arith.index_cast %add3A_699 : i32 to index
      %swap3A_705 = tpu.vector_load %arg6[%swap3A_704] {strides = array<i32>} : memref<16384xf32, #tpu.memory_space<vmem>>, vector<16xf32>,
      tpu.vector_store %arg6[%swap3A_704], %gather3A_703 {strides = array<i32>} : memref<16384xf32, #tpu.memory_space<vmem>>, vector<16xf32>,
      %mul3A_706 = arith.constant 256 : i32
      %mul3A_707 = arith.muli %scan3A_649, %mul3A_706 : i32
      %add3A_708 = arith.constant 96 : i32
      %add3A_709 = arith.addi %mul3A_707, %add3A_708 : i32
      %get3A_710 = arith.index_cast %add3A_709 : i32 to index
      %get3A_711 = tpu.vector_load %arg6[%get3A_710] {strides = array<i32>} : memref<16384xf32, #tpu.memory_space<vmem>>, vector<16xf32>,
      %bitcast3A_712 = vector.bitcast %get3A_711 : vector<16xf32> to vector<16xi32>
      %gather3A_713 = tpu.vector_load_idx %arg5[%bitcast3A_712] : memref<100000xf32, #tpu.memory_space<vmem>>[vector<16xi32>], vector<16xf32>,
      %swap3A_714 = arith.index_cast %add3A_709 : i32 to index
      %swap3A_715 = tpu.vector_load %arg6[%swap3A_714] {strides = array<i32>} : memref<16384xf32, #tpu.memory_space<vmem>>, vector<16xf32>,
      tpu.vector_store %arg6[%swap3A_714], %gather3A_713 {strides = array<i32>} : memref<16384xf32, #tpu.memory_space<vmem>>, vector<16xf32>,
      %mul3A_716 = arith.constant 256 : i32
      %mul3A_717 = arith.muli %scan3A_649, %mul3A_716 : i32
      %add3A_718 = arith.constant 112 : i32
      %add3A_719 = arith.addi %mul3A_717, %add3A_718 : i32
      %get3A_720 = arith.index_cast %add3A_719 : i32 to index
      %get3A_721 = tpu.vector_load %arg6[%get3A_720] {strides = array<i32>} : memref<16384xf32, #tpu.memory_space<vmem>>, vector<16xf32>,
      %bitcast3A_722 = vector.bitcast %get3A_721 : vector<16xf32> to vector<16xi32>
      %gather3A_723 = tpu.vector_load_idx %arg5[%bitcast3A_722] : memref<100000xf32, #tpu.memory_space<vmem>>[vector<16xi32>], vector<16xf32>,
      %swap3A_724 = arith.index_cast %add3A_719 : i32 to index
      %swap3A_725 = tpu.vector_load %arg6[%swap3A_724] {strides = array<i32>} : memref<16384xf32, #tpu.memory_space<vmem>>, vector<16xf32>,
      tpu.vector_store %arg6[%swap3A_724], %gather3A_723 {strides = array<i32>} : memref<16384xf32, #tpu.memory_space<vmem>>, vector<16xf32>,
      %mul3A_726 = arith.constant 256 : i32
      %mul3A_727 = arith.muli %scan3A_649, %mul3A_726 : i32
      %add3A_728 = arith.constant 128 : i32
      %add3A_729 = arith.addi %mul3A_727, %add3A_728 : i32
      %get3A_730 = arith.index_cast %add3A_729 : i32 to index
      %get3A_731 = tpu.vector_load %arg6[%get3A_730] {strides = array<i32>} : memref<16384xf32, #tpu.memory_space<vmem>>, vector<16xf32>,
      %bitcast3A_732 = vector.bitcast %get3A_731 : vector<16xf32> to vector<16xi32>
      %gather3A_733 = tpu.vector_load_idx %arg5[%bitcast3A_732] : memref<100000xf32, #tpu.memory_space<vmem>>[vector<16xi32>], vector<16xf32>,
      %swap3A_734 = arith.index_cast %add3A_729 : i32 to index
      %swap3A_735 = tpu.vector_load %arg6[%swap3A_734] {strides = array<i32>} : memref<16384xf32, #tpu.memory_space<vmem>>, vector<16xf32>,
      tpu.vector_store %arg6[%swap3A_734], %gather3A_733 {strides = array<i32>} : memref<16384xf32, #tpu.memory_space<vmem>>, vector<16xf32>,
      %mul3A_736 = arith.constant 256 : i32
      %mul3A_737 = arith.muli %scan3A_649, %mul3A_736 : i32
      %add3A_738 = arith.constant 144 : i32
      %add3A_739 = arith.addi %mul3A_737, %add3A_738 : i32
      %get3A_740 = arith.index_cast %add3A_739 : i32 to index
      %get3A_741 = tpu.vector_load %arg6[%get3A_740] {strides = array<i32>} : memref<16384xf32, #tpu.memory_space<vmem>>, vector<16xf32>,
      %bitcast3A_742 = vector.bitcast %get3A_741 : vector<16xf32> to vector<16xi32>
      %gather3A_743 = tpu.vector_load_idx %arg5[%bitcast3A_742] : memref<100000xf32, #tpu.memory_space<vmem>>[vector<16xi32>], vector<16xf32>,
      %swap3A_744 = arith.index_cast %add3A_739 : i32 to index
      %swap3A_745 = tpu.vector_load %arg6[%swap3A_744] {strides = array<i32>} : memref<16384xf32, #tpu.memory_space<vmem>>, vector<16xf32>,
      tpu.vector_store %arg6[%swap3A_744], %gather3A_743 {strides = array<i32>} : memref<16384xf32, #tpu.memory_space<vmem>>, vector<16xf32>,
      %mul3A_746 = arith.constant 256 : i32
      %mul3A_747 = arith.muli %scan3A_649, %mul3A_746 : i32
      %add3A_748 = arith.constant 160 : i32
      %add3A_749 = arith.addi %mul3A_747, %add3A_748 : i32
      %get3A_750 = arith.index_cast %add3A_749 : i32 to index
      %get3A_751 = tpu.vector_load %arg6[%get3A_750] {strides = array<i32>} : memref<16384xf32, #tpu.memory_space<vmem>>, vector<16xf32>,
      %bitcast3A_752 = vector.bitcast %get3A_751 : vector<16xf32> to vector<16xi32>
      %gather3A_753 = tpu.vector_load_idx %arg5[%bitcast3A_752] : memref<100000xf32, #tpu.memory_space<vmem>>[vector<16xi32>], vector<16xf32>,
      %swap3A_754 = arith.index_cast %add3A_749 : i32 to index
      %swap3A_755 = tpu.vector_load %arg6[%swap3A_754] {strides = array<i32>} : memref<16384xf32, #tpu.memory_space<vmem>>, vector<16xf32>,
      tpu.vector_store %arg6[%swap3A_754], %gather3A_753 {strides = array<i32>} : memref<16384xf32, #tpu.memory_space<vmem>>, vector<16xf32>,
      %mul3A_756 = arith.constant 256 : i32
      %mul3A_757 = arith.muli %scan3A_649, %mul3A_756 : i32
      %add3A_758 = arith.constant 176 : i32
      %add3A_759 = arith.addi %mul3A_757, %add3A_758 : i32
      %get3A_760 = arith.index_cast %add3A_759 : i32 to index
      %get3A_761 = tpu.vector_load %arg6[%get3A_760] {strides = array<i32>} : memref<16384xf32, #tpu.memory_space<vmem>>, vector<16xf32>,
      %bitcast3A_762 = vector.bitcast %get3A_761 : vector<16xf32> to vector<16xi32>
      %gather3A_763 = tpu.vector_load_idx %arg5[%bitcast3A_762] : memref<100000xf32, #tpu.memory_space<vmem>>[vector<16xi32>], vector<16xf32>,
      %swap3A_764 = arith.index_cast %add3A_759 : i32 to index
      %swap3A_765 = tpu.vector_load %arg6[%swap3A_764] {strides = array<i32>} : memref<16384xf32, #tpu.memory_space<vmem>>, vector<16xf32>,
      tpu.vector_store %arg6[%swap3A_764], %gather3A_763 {strides = array<i32>} : memref<16384xf32, #tpu.memory_space<vmem>>, vector<16xf32>,
      %mul3A_766 = arith.constant 256 : i32
      %mul3A_767 = arith.muli %scan3A_649, %mul3A_766 : i32
      %add3A_768 = arith.constant 192 : i32
      %add3A_769 = arith.addi %mul3A_767, %add3A_768 : i32
      %get3A_770 = arith.index_cast %add3A_769 : i32 to index
      %get3A_771 = tpu.vector_load %arg6[%get3A_770] {strides = array<i32>} : memref<16384xf32, #tpu.memory_space<vmem>>, vector<16xf32>,
      %bitcast3A_772 = vector.bitcast %get3A_771 : vector<16xf32> to vector<16xi32>
      %gather3A_773 = tpu.vector_load_idx %arg5[%bitcast3A_772] : memref<100000xf32, #tpu.memory_space<vmem>>[vector<16xi32>], vector<16xf32>,
      %swap3A_774 = arith.index_cast %add3A_769 : i32 to index
      %swap3A_775 = tpu.vector_load %arg6[%swap3A_774] {strides = array<i32>} : memref<16384xf32, #tpu.memory_space<vmem>>, vector<16xf32>,
      tpu.vector_store %arg6[%swap3A_774], %gather3A_773 {strides = array<i32>} : memref<16384xf32, #tpu.memory_space<vmem>>, vector<16xf32>,
      %mul3A_776 = arith.constant 256 : i32
      %mul3A_777 = arith.muli %scan3A_649, %mul3A_776 : i32
      %add3A_778 = arith.constant 208 : i32
      %add3A_779 = arith.addi %mul3A_777, %add3A_778 : i32
      %get3A_780 = arith.index_cast %add3A_779 : i32 to index
      %get3A_781 = tpu.vector_load %arg6[%get3A_780] {strides = array<i32>} : memref<16384xf32, #tpu.memory_space<vmem>>, vector<16xf32>,
      %bitcast3A_782 = vector.bitcast %get3A_781 : vector<16xf32> to vector<16xi32>
      %gather3A_783 = tpu.vector_load_idx %arg5[%bitcast3A_782] : memref<100000xf32, #tpu.memory_space<vmem>>[vector<16xi32>], vector<16xf32>,
      %swap3A_784 = arith.index_cast %add3A_779 : i32 to index
      %swap3A_785 = tpu.vector_load %arg6[%swap3A_784] {strides = array<i32>} : memref<16384xf32, #tpu.memory_space<vmem>>, vector<16xf32>,
      tpu.vector_store %arg6[%swap3A_784], %gather3A_783 {strides = array<i32>} : memref<16384xf32, #tpu.memory_space<vmem>>, vector<16xf32>,
      %mul3A_786 = arith.constant 256 : i32
      %mul3A_787 = arith.muli %scan3A_649, %mul3A_786 : i32
      %add3A_788 = arith.constant 224 : i32
      %add3A_789 = arith.addi %mul3A_787, %add3A_788 : i32
      %get3A_790 = arith.index_cast %add3A_789 : i32 to index
      %get3A_791 = tpu.vector_load %arg6[%get3A_790] {strides = array<i32>} : memref<16384xf32, #tpu.memory_space<vmem>>, vector<16xf32>,
      %bitcast3A_792 = vector.bitcast %get3A_791 : vector<16xf32> to vector<16xi32>
      %gather3A_793 = tpu.vector_load_idx %arg5[%bitcast3A_792] : memref<100000xf32, #tpu.memory_space<vmem>>[vector<16xi32>], vector<16xf32>,
      %swap3A_794 = arith.index_cast %add3A_789 : i32 to index
      %swap3A_795 = tpu.vector_load %arg6[%swap3A_794] {strides = array<i32>} : memref<16384xf32, #tpu.memory_space<vmem>>, vector<16xf32>,
      tpu.vector_store %arg6[%swap3A_794], %gather3A_793 {strides = array<i32>} : memref<16384xf32, #tpu.memory_space<vmem>>, vector<16xf32>,
      %mul3A_796 = arith.constant 256 : i32
      %mul3A_797 = arith.muli %scan3A_649, %mul3A_796 : i32
      %add3A_798 = arith.constant 240 : i32
      %add3A_799 = arith.addi %mul3A_797, %add3A_798 : i32
      %get3A_800 = arith.index_cast %add3A_799 : i32 to index
      %get3A_801 = tpu.vector_load %arg6[%get3A_800] {strides = array<i32>} : memref<16384xf32, #tpu.memory_space<vmem>>, vector<16xf32>,
      %bitcast3A_802 = vector.bitcast %get3A_801 : vector<16xf32> to vector<16xi32>
      %gather3A_803 = tpu.vector_load_idx %arg5[%bitcast3A_802] : memref<100000xf32, #tpu.memory_space<vmem>>[vector<16xi32>], vector<16xf32>,
      %swap3A_804 = arith.index_cast %add3A_799 : i32 to index
      %swap3A_805 = tpu.vector_load %arg6[%swap3A_804] {strides = array<i32>} : memref<16384xf32, #tpu.memory_space<vmem>>, vector<16xf32>,
      tpu.vector_store %arg6[%swap3A_804], %gather3A_803 {strides = array<i32>} : memref<16384xf32, #tpu.memory_space<vmem>>, vector<16xf32>,
    }
    %scan3A_84 = arith.constant 64 : i32
    %add3A_85 = arith.constant 2 : i32
    %add3A_86 = arith.addi %mul3A_2, %add3A_85 : i32
    %dma_start3A_87 = arith.constant 0 : i32
    %dma_start3A_88 = tpu.memref_slice %arg2[%add3A_86, %dma_start3A_87] : memref<416x100000xf32, #tpu.memory_space<hbm>> -> memref<1x100000xf32, #tpu.memory_space<hbm>>
    %dma_start3A_89 = tpu.memref_squeeze %dma_start3A_88 : memref<1x100000xf32, #tpu.memory_space<hbm>> -> memref<100000xf32, #tpu.memory_space<hbm>>
    %dma_start3A_90 = arith.constant 0 : i32
    %dma_start3A_91 = tpu.memref_slice %arg2[%add3A_86, %dma_start3A_90] : memref<416x100000xf32, #tpu.memory_space<hbm>> -> memref<1x100000xf32, #tpu.memory_space<hbm>>
    %dma_start3A_92 = tpu.memref_squeeze %dma_start3A_91 : memref<1x100000xf32, #tpu.memory_space<hbm>> -> memref<100000xf32, #tpu.memory_space<hbm>>
    tpu.enqueue_dma source(%dma_start3A_92 : memref<100000xf32, #tpu.memory_space<hbm>>) target(%arg5 : memref<100000xf32, #tpu.memory_space<vmem>>) target_semaphore(%arg7 : memref<!tpu.dma_semaphore, #tpu.memory_space<semaphore_mem>>)
    %add3A_93 = arith.constant 1 : i32
    %add3A_94 = arith.addi %mul3A_2, %add3A_93 : i32
    %dma_start3A_95 = arith.constant 0 : i32
    %dma_start3A_96 = tpu.memref_slice %arg4[%add3A_94, %dma_start3A_95] : memref<416x16384xf32, #tpu.memory_space<hbm>> -> memref<1x16384xf32, #tpu.memory_space<hbm>>
    %dma_start3A_97 = tpu.memref_squeeze %dma_start3A_96 : memref<1x16384xf32, #tpu.memory_space<hbm>> -> memref<16384xf32, #tpu.memory_space<hbm>>
    %dma_start3A_98 = arith.constant 0 : i32
    %dma_start3A_99 = tpu.memref_slice %arg4[%add3A_94, %dma_start3A_98] : memref<416x16384xf32, #tpu.memory_space<hbm>> -> memref<1x16384xf32, #tpu.memory_space<hbm>>
    %dma_start3A_100 = tpu.memref_squeeze %dma_start3A_99 : memref<1x16384xf32, #tpu.memory_space<hbm>> -> memref<16384xf32, #tpu.memory_space<hbm>>
    tpu.enqueue_dma source(%arg6 : memref<16384xf32, #tpu.memory_space<vmem>>) target(%dma_start3A_100 : memref<16384xf32, #tpu.memory_space<hbm>>) target_semaphore(%arg9 : memref<!tpu.dma_semaphore, #tpu.memory_space<semaphore_mem>>)
    %dma_wait3A_101 = arith.constant 0 : i32
    %dma_wait3A_102 = tpu.memref_slice %arg4[%add3A_94, %dma_wait3A_101] : memref<416x16384xf32, #tpu.memory_space<hbm>> -> memref<1x16384xf32, #tpu.memory_space<hbm>>
    %dma_wait3A_103 = tpu.memref_squeeze %dma_wait3A_102 : memref<1x16384xf32, #tpu.memory_space<hbm>> -> memref<16384xf32, #tpu.memory_space<hbm>>
    %dma_wait3A_104 = arith.constant 0 : i32
    %dma_wait3A_105 = tpu.memref_slice %arg4[%add3A_94, %dma_wait3A_104] : memref<416x16384xf32, #tpu.memory_space<hbm>> -> memref<1x16384xf32, #tpu.memory_space<hbm>>
    %dma_wait3A_106 = tpu.memref_squeeze %dma_wait3A_105 : memref<1x16384xf32, #tpu.memory_space<hbm>> -> memref<16384xf32, #tpu.memory_space<hbm>>
    tpu.wait_dma2 semaphore(%arg9 : memref<!tpu.dma_semaphore, #tpu.memory_space<semaphore_mem>>) src(%arg6 : memref<16384xf32, #tpu.memory_space<vmem>>) dst(%dma_wait3A_106 : memref<16384xf32, #tpu.memory_space<hbm>>)
    %add3A_107 = arith.constant 2 : i32
    %add3A_108 = arith.addi %mul3A_2, %add3A_107 : i32
    %shift_right_logical3A_109 = arith.constant 4 : i32
    %shift_right_logical3A_110 = arith.shrui %add3A_108, %shift_right_logical3A_109 : i32
    %dma_start3A_111 = arith.constant 0 : i32
    %dma_start3A_112 = tpu.memref_slice %arg3[%shift_right_logical3A_110, %dma_start3A_111] : memref<26x16384xf32, #tpu.memory_space<hbm>> -> memref<1x16384xf32, #tpu.memory_space<hbm>>
    %dma_start3A_113 = tpu.memref_squeeze %dma_start3A_112 : memref<1x16384xf32, #tpu.memory_space<hbm>> -> memref<16384xf32, #tpu.memory_space<hbm>>
    %dma_start3A_114 = arith.constant 0 : i32
    %dma_start3A_115 = tpu.memref_slice %arg3[%shift_right_logical3A_110, %dma_start3A_114] : memref<26x16384xf32, #tpu.memory_space<hbm>> -> memref<1x16384xf32, #tpu.memory_space<hbm>>
    %dma_start3A_116 = tpu.memref_squeeze %dma_start3A_115 : memref<1x16384xf32, #tpu.memory_space<hbm>> -> memref<16384xf32, #tpu.memory_space<hbm>>
    tpu.enqueue_dma source(%dma_start3A_116 : memref<16384xf32, #tpu.memory_space<hbm>>) target(%arg6 : memref<16384xf32, #tpu.memory_space<vmem>>) target_semaphore(%arg8 : memref<!tpu.dma_semaphore, #tpu.memory_space<semaphore_mem>>)
    %dma_wait3A_117 = arith.constant 0 : i32
    %dma_wait3A_118 = tpu.memref_slice %arg2[%add3A_86, %dma_wait3A_117] : memref<416x100000xf32, #tpu.memory_space<hbm>> -> memref<1x100000xf32, #tpu.memory_space<hbm>>
    %dma_wait3A_119 = tpu.memref_squeeze %dma_wait3A_118 : memref<1x100000xf32, #tpu.memory_space<hbm>> -> memref<100000xf32, #tpu.memory_space<hbm>>
    %dma_wait3A_120 = arith.constant 0 : i32
    %dma_wait3A_121 = tpu.memref_slice %arg2[%add3A_86, %dma_wait3A_120] : memref<416x100000xf32, #tpu.memory_space<hbm>> -> memref<1x100000xf32, #tpu.memory_space<hbm>>
    %dma_wait3A_122 = tpu.memref_squeeze %dma_wait3A_121 : memref<1x100000xf32, #tpu.memory_space<hbm>> -> memref<100000xf32, #tpu.memory_space<hbm>>
    tpu.wait_dma2 semaphore(%arg7 : memref<!tpu.dma_semaphore, #tpu.memory_space<semaphore_mem>>) src(%dma_wait3A_122 : memref<100000xf32, #tpu.memory_space<hbm>>) dst(%arg5 : memref<100000xf32, #tpu.memory_space<vmem>>)
    %dma_wait3A_123 = arith.constant 0 : i32
    %dma_wait3A_124 = tpu.memref_slice %arg3[%shift_right_logical3A_110, %dma_wait3A_123] : memref<26x16384xf32, #tpu.memory_space<hbm>> -> memref<1x16384xf32, #tpu.memory_space<hbm>>
    %dma_wait3A_125 = tpu.memref_squeeze %dma_wait3A_124 : memref<1x16384xf32, #tpu.memory_space<hbm>> -> memref<16384xf32, #tpu.memory_space<hbm>>
    %dma_wait3A_126 = arith.constant 0 : i32
    %dma_wait3A_127 = tpu.memref_slice %arg3[%shift_right_logical3A_110, %dma_wait3A_126] : memref<26x16384xf32, #tpu.memory_space<hbm>> -> memref<1x16384xf32, #tpu.memory_space<hbm>>
    %dma_wait3A_128 = tpu.memref_squeeze %dma_wait3A_127 : memref<1x16384xf32, #tpu.memory_space<hbm>> -> memref<16384xf32, #tpu.memory_space<hbm>>
    tpu.wait_dma2 semaphore(%arg8 : memref<!tpu.dma_semaphore, #tpu.memory_space<semaphore_mem>>) src(%dma_wait3A_128 : memref<16384xf32, #tpu.memory_space<hbm>>) dst(%arg6 : memref<16384xf32, #tpu.memory_space<vmem>>)
    %scan3A_129 = arith.constant 0 : i32
    %scan3A_130 = arith.constant 0 : i32
    %scan3A_131 = arith.constant 64 : i32
    %scan3A_132 = arith.addi %scan3A_130, %scan3A_131 : i32
    %scan3A_133 = arith.constant 1 : i32
    scf.for %scan3A_649 = %scan3A_130 to %scan3A_132 step %scan3A_133  : i32 {
      %mul3A_650 = arith.constant 256 : i32
      %mul3A_651 = arith.muli %scan3A_649, %mul3A_650 : i32
      %add3A_652 = arith.constant 0 : i32
      %add3A_653 = arith.addi %mul3A_651, %add3A_652 : i32
      %get3A = arith.index_cast %add3A_653 : i32 to index
      %get3A_654 = tpu.vector_load %arg6[%get3A] {strides = array<i32>} : memref<16384xf32, #tpu.memory_space<vmem>>, vector<16xf32>,
      %bitcast3A = vector.bitcast %get3A_654 : vector<16xf32> to vector<16xi32>
      %gather3A = tpu.vector_load_idx %arg5[%bitcast3A] : memref<100000xf32, #tpu.memory_space<vmem>>[vector<16xi32>], vector<16xf32>,
      %swap3A = arith.index_cast %add3A_653 : i32 to index
      %swap3A_655 = tpu.vector_load %arg6[%swap3A] {strides = array<i32>} : memref<16384xf32, #tpu.memory_space<vmem>>, vector<16xf32>,
      tpu.vector_store %arg6[%swap3A], %gather3A {strides = array<i32>} : memref<16384xf32, #tpu.memory_space<vmem>>, vector<16xf32>,
      %mul3A_656 = arith.constant 256 : i32
      %mul3A_657 = arith.muli %scan3A_649, %mul3A_656 : i32
      %add3A_658 = arith.constant 16 : i32
      %add3A_659 = arith.addi %mul3A_657, %add3A_658 : i32
      %get3A_660 = arith.index_cast %add3A_659 : i32 to index
      %get3A_661 = tpu.vector_load %arg6[%get3A_660] {strides = array<i32>} : memref<16384xf32, #tpu.memory_space<vmem>>, vector<16xf32>,
      %bitcast3A_662 = vector.bitcast %get3A_661 : vector<16xf32> to vector<16xi32>
      %gather3A_663 = tpu.vector_load_idx %arg5[%bitcast3A_662] : memref<100000xf32, #tpu.memory_space<vmem>>[vector<16xi32>], vector<16xf32>,
      %swap3A_664 = arith.index_cast %add3A_659 : i32 to index
      %swap3A_665 = tpu.vector_load %arg6[%swap3A_664] {strides = array<i32>} : memref<16384xf32, #tpu.memory_space<vmem>>, vector<16xf32>,
      tpu.vector_store %arg6[%swap3A_664], %gather3A_663 {strides = array<i32>} : memref<16384xf32, #tpu.memory_space<vmem>>, vector<16xf32>,
      %mul3A_666 = arith.constant 256 : i32
      %mul3A_667 = arith.muli %scan3A_649, %mul3A_666 : i32
      %add3A_668 = arith.constant 32 : i32
      %add3A_669 = arith.addi %mul3A_667, %add3A_668 : i32
      %get3A_670 = arith.index_cast %add3A_669 : i32 to index
      %get3A_671 = tpu.vector_load %arg6[%get3A_670] {strides = array<i32>} : memref<16384xf32, #tpu.memory_space<vmem>>, vector<16xf32>,
      %bitcast3A_672 = vector.bitcast %get3A_671 : vector<16xf32> to vector<16xi32>
      %gather3A_673 = tpu.vector_load_idx %arg5[%bitcast3A_672] : memref<100000xf32, #tpu.memory_space<vmem>>[vector<16xi32>], vector<16xf32>,
      %swap3A_674 = arith.index_cast %add3A_669 : i32 to index
      %swap3A_675 = tpu.vector_load %arg6[%swap3A_674] {strides = array<i32>} : memref<16384xf32, #tpu.memory_space<vmem>>, vector<16xf32>,
      tpu.vector_store %arg6[%swap3A_674], %gather3A_673 {strides = array<i32>} : memref<16384xf32, #tpu.memory_space<vmem>>, vector<16xf32>,
      %mul3A_676 = arith.constant 256 : i32
      %mul3A_677 = arith.muli %scan3A_649, %mul3A_676 : i32
      %add3A_678 = arith.constant 48 : i32
      %add3A_679 = arith.addi %mul3A_677, %add3A_678 : i32
      %get3A_680 = arith.index_cast %add3A_679 : i32 to index
      %get3A_681 = tpu.vector_load %arg6[%get3A_680] {strides = array<i32>} : memref<16384xf32, #tpu.memory_space<vmem>>, vector<16xf32>,
      %bitcast3A_682 = vector.bitcast %get3A_681 : vector<16xf32> to vector<16xi32>
      %gather3A_683 = tpu.vector_load_idx %arg5[%bitcast3A_682] : memref<100000xf32, #tpu.memory_space<vmem>>[vector<16xi32>], vector<16xf32>,
      %swap3A_684 = arith.index_cast %add3A_679 : i32 to index
      %swap3A_685 = tpu.vector_load %arg6[%swap3A_684] {strides = array<i32>} : memref<16384xf32, #tpu.memory_space<vmem>>, vector<16xf32>,
      tpu.vector_store %arg6[%swap3A_684], %gather3A_683 {strides = array<i32>} : memref<16384xf32, #tpu.memory_space<vmem>>, vector<16xf32>,
      %mul3A_686 = arith.constant 256 : i32
      %mul3A_687 = arith.muli %scan3A_649, %mul3A_686 : i32
      %add3A_688 = arith.constant 64 : i32
      %add3A_689 = arith.addi %mul3A_687, %add3A_688 : i32
      %get3A_690 = arith.index_cast %add3A_689 : i32 to index
      %get3A_691 = tpu.vector_load %arg6[%get3A_690] {strides = array<i32>} : memref<16384xf32, #tpu.memory_space<vmem>>, vector<16xf32>,
      %bitcast3A_692 = vector.bitcast %get3A_691 : vector<16xf32> to vector<16xi32>
      %gather3A_693 = tpu.vector_load_idx %arg5[%bitcast3A_692] : memref<100000xf32, #tpu.memory_space<vmem>>[vector<16xi32>], vector<16xf32>,
      %swap3A_694 = arith.index_cast %add3A_689 : i32 to index
      %swap3A_695 = tpu.vector_load %arg6[%swap3A_694] {strides = array<i32>} : memref<16384xf32, #tpu.memory_space<vmem>>, vector<16xf32>,
      tpu.vector_store %arg6[%swap3A_694], %gather3A_693 {strides = array<i32>} : memref<16384xf32, #tpu.memory_space<vmem>>, vector<16xf32>,
      %mul3A_696 = arith.constant 256 : i32
      %mul3A_697 = arith.muli %scan3A_649, %mul3A_696 : i32
      %add3A_698 = arith.constant 80 : i32
      %add3A_699 = arith.addi %mul3A_697, %add3A_698 : i32
      %get3A_700 = arith.index_cast %add3A_699 : i32 to index
      %get3A_701 = tpu.vector_load %arg6[%get3A_700] {strides = array<i32>} : memref<16384xf32, #tpu.memory_space<vmem>>, vector<16xf32>,
      %bitcast3A_702 = vector.bitcast %get3A_701 : vector<16xf32> to vector<16xi32>
      %gather3A_703 = tpu.vector_load_idx %arg5[%bitcast3A_702] : memref<100000xf32, #tpu.memory_space<vmem>>[vector<16xi32>], vector<16xf32>,
      %swap3A_704 = arith.index_cast %add3A_699 : i32 to index
      %swap3A_705 = tpu.vector_load %arg6[%swap3A_704] {strides = array<i32>} : memref<16384xf32, #tpu.memory_space<vmem>>, vector<16xf32>,
      tpu.vector_store %arg6[%swap3A_704], %gather3A_703 {strides = array<i32>} : memref<16384xf32, #tpu.memory_space<vmem>>, vector<16xf32>,
      %mul3A_706 = arith.constant 256 : i32
      %mul3A_707 = arith.muli %scan3A_649, %mul3A_706 : i32
      %add3A_708 = arith.constant 96 : i32
      %add3A_709 = arith.addi %mul3A_707, %add3A_708 : i32
      %get3A_710 = arith.index_cast %add3A_709 : i32 to index
      %get3A_711 = tpu.vector_load %arg6[%get3A_710] {strides = array<i32>} : memref<16384xf32, #tpu.memory_space<vmem>>, vector<16xf32>,
      %bitcast3A_712 = vector.bitcast %get3A_711 : vector<16xf32> to vector<16xi32>
      %gather3A_713 = tpu.vector_load_idx %arg5[%bitcast3A_712] : memref<100000xf32, #tpu.memory_space<vmem>>[vector<16xi32>], vector<16xf32>,
      %swap3A_714 = arith.index_cast %add3A_709 : i32 to index
      %swap3A_715 = tpu.vector_load %arg6[%swap3A_714] {strides = array<i32>} : memref<16384xf32, #tpu.memory_space<vmem>>, vector<16xf32>,
      tpu.vector_store %arg6[%swap3A_714], %gather3A_713 {strides = array<i32>} : memref<16384xf32, #tpu.memory_space<vmem>>, vector<16xf32>,
      %mul3A_716 = arith.constant 256 : i32
      %mul3A_717 = arith.muli %scan3A_649, %mul3A_716 : i32
      %add3A_718 = arith.constant 112 : i32
      %add3A_719 = arith.addi %mul3A_717, %add3A_718 : i32
      %get3A_720 = arith.index_cast %add3A_719 : i32 to index
      %get3A_721 = tpu.vector_load %arg6[%get3A_720] {strides = array<i32>} : memref<16384xf32, #tpu.memory_space<vmem>>, vector<16xf32>,
      %bitcast3A_722 = vector.bitcast %get3A_721 : vector<16xf32> to vector<16xi32>
      %gather3A_723 = tpu.vector_load_idx %arg5[%bitcast3A_722] : memref<100000xf32, #tpu.memory_space<vmem>>[vector<16xi32>], vector<16xf32>,
      %swap3A_724 = arith.index_cast %add3A_719 : i32 to index
      %swap3A_725 = tpu.vector_load %arg6[%swap3A_724] {strides = array<i32>} : memref<16384xf32, #tpu.memory_space<vmem>>, vector<16xf32>,
      tpu.vector_store %arg6[%swap3A_724], %gather3A_723 {strides = array<i32>} : memref<16384xf32, #tpu.memory_space<vmem>>, vector<16xf32>,
      %mul3A_726 = arith.constant 256 : i32
      %mul3A_727 = arith.muli %scan3A_649, %mul3A_726 : i32
      %add3A_728 = arith.constant 128 : i32
      %add3A_729 = arith.addi %mul3A_727, %add3A_728 : i32
      %get3A_730 = arith.index_cast %add3A_729 : i32 to index
      %get3A_731 = tpu.vector_load %arg6[%get3A_730] {strides = array<i32>} : memref<16384xf32, #tpu.memory_space<vmem>>, vector<16xf32>,
      %bitcast3A_732 = vector.bitcast %get3A_731 : vector<16xf32> to vector<16xi32>
      %gather3A_733 = tpu.vector_load_idx %arg5[%bitcast3A_732] : memref<100000xf32, #tpu.memory_space<vmem>>[vector<16xi32>], vector<16xf32>,
      %swap3A_734 = arith.index_cast %add3A_729 : i32 to index
      %swap3A_735 = tpu.vector_load %arg6[%swap3A_734] {strides = array<i32>} : memref<16384xf32, #tpu.memory_space<vmem>>, vector<16xf32>,
      tpu.vector_store %arg6[%swap3A_734], %gather3A_733 {strides = array<i32>} : memref<16384xf32, #tpu.memory_space<vmem>>, vector<16xf32>,
      %mul3A_736 = arith.constant 256 : i32
      %mul3A_737 = arith.muli %scan3A_649, %mul3A_736 : i32
      %add3A_738 = arith.constant 144 : i32
      %add3A_739 = arith.addi %mul3A_737, %add3A_738 : i32
      %get3A_740 = arith.index_cast %add3A_739 : i32 to index
      %get3A_741 = tpu.vector_load %arg6[%get3A_740] {strides = array<i32>} : memref<16384xf32, #tpu.memory_space<vmem>>, vector<16xf32>,
      %bitcast3A_742 = vector.bitcast %get3A_741 : vector<16xf32> to vector<16xi32>
      %gather3A_743 = tpu.vector_load_idx %arg5[%bitcast3A_742] : memref<100000xf32, #tpu.memory_space<vmem>>[vector<16xi32>], vector<16xf32>,
      %swap3A_744 = arith.index_cast %add3A_739 : i32 to index
      %swap3A_745 = tpu.vector_load %arg6[%swap3A_744] {strides = array<i32>} : memref<16384xf32, #tpu.memory_space<vmem>>, vector<16xf32>,
      tpu.vector_store %arg6[%swap3A_744], %gather3A_743 {strides = array<i32>} : memref<16384xf32, #tpu.memory_space<vmem>>, vector<16xf32>,
      %mul3A_746 = arith.constant 256 : i32
      %mul3A_747 = arith.muli %scan3A_649, %mul3A_746 : i32
      %add3A_748 = arith.constant 160 : i32
      %add3A_749 = arith.addi %mul3A_747, %add3A_748 : i32
      %get3A_750 = arith.index_cast %add3A_749 : i32 to index
      %get3A_751 = tpu.vector_load %arg6[%get3A_750] {strides = array<i32>} : memref<16384xf32, #tpu.memory_space<vmem>>, vector<16xf32>,
      %bitcast3A_752 = vector.bitcast %get3A_751 : vector<16xf32> to vector<16xi32>
      %gather3A_753 = tpu.vector_load_idx %arg5[%bitcast3A_752] : memref<100000xf32, #tpu.memory_space<vmem>>[vector<16xi32>], vector<16xf32>,
      %swap3A_754 = arith.index_cast %add3A_749 : i32 to index
      %swap3A_755 = tpu.vector_load %arg6[%swap3A_754] {strides = array<i32>} : memref<16384xf32, #tpu.memory_space<vmem>>, vector<16xf32>,
      tpu.vector_store %arg6[%swap3A_754], %gather3A_753 {strides = array<i32>} : memref<16384xf32, #tpu.memory_space<vmem>>, vector<16xf32>,
      %mul3A_756 = arith.constant 256 : i32
      %mul3A_757 = arith.muli %scan3A_649, %mul3A_756 : i32
      %add3A_758 = arith.constant 176 : i32
      %add3A_759 = arith.addi %mul3A_757, %add3A_758 : i32
      %get3A_760 = arith.index_cast %add3A_759 : i32 to index
      %get3A_761 = tpu.vector_load %arg6[%get3A_760] {strides = array<i32>} : memref<16384xf32, #tpu.memory_space<vmem>>, vector<16xf32>,
      %bitcast3A_762 = vector.bitcast %get3A_761 : vector<16xf32> to vector<16xi32>
      %gather3A_763 = tpu.vector_load_idx %arg5[%bitcast3A_762] : memref<100000xf32, #tpu.memory_space<vmem>>[vector<16xi32>], vector<16xf32>,
      %swap3A_764 = arith.index_cast %add3A_759 : i32 to index
      %swap3A_765 = tpu.vector_load %arg6[%swap3A_764] {strides = array<i32>} : memref<16384xf32, #tpu.memory_space<vmem>>, vector<16xf32>,
      tpu.vector_store %arg6[%swap3A_764], %gather3A_763 {strides = array<i32>} : memref<16384xf32, #tpu.memory_space<vmem>>, vector<16xf32>,
      %mul3A_766 = arith.constant 256 : i32
      %mul3A_767 = arith.muli %scan3A_649, %mul3A_766 : i32
      %add3A_768 = arith.constant 192 : i32
      %add3A_769 = arith.addi %mul3A_767, %add3A_768 : i32
      %get3A_770 = arith.index_cast %add3A_769 : i32 to index
      %get3A_771 = tpu.vector_load %arg6[%get3A_770] {strides = array<i32>} : memref<16384xf32, #tpu.memory_space<vmem>>, vector<16xf32>,
      %bitcast3A_772 = vector.bitcast %get3A_771 : vector<16xf32> to vector<16xi32>
      %gather3A_773 = tpu.vector_load_idx %arg5[%bitcast3A_772] : memref<100000xf32, #tpu.memory_space<vmem>>[vector<16xi32>], vector<16xf32>,
      %swap3A_774 = arith.index_cast %add3A_769 : i32 to index
      %swap3A_775 = tpu.vector_load %arg6[%swap3A_774] {strides = array<i32>} : memref<16384xf32, #tpu.memory_space<vmem>>, vector<16xf32>,
      tpu.vector_store %arg6[%swap3A_774], %gather3A_773 {strides = array<i32>} : memref<16384xf32, #tpu.memory_space<vmem>>, vector<16xf32>,
      %mul3A_776 = arith.constant 256 : i32
      %mul3A_777 = arith.muli %scan3A_649, %mul3A_776 : i32
      %add3A_778 = arith.constant 208 : i32
      %add3A_779 = arith.addi %mul3A_777, %add3A_778 : i32
      %get3A_780 = arith.index_cast %add3A_779 : i32 to index
      %get3A_781 = tpu.vector_load %arg6[%get3A_780] {strides = array<i32>} : memref<16384xf32, #tpu.memory_space<vmem>>, vector<16xf32>,
      %bitcast3A_782 = vector.bitcast %get3A_781 : vector<16xf32> to vector<16xi32>
      %gather3A_783 = tpu.vector_load_idx %arg5[%bitcast3A_782] : memref<100000xf32, #tpu.memory_space<vmem>>[vector<16xi32>], vector<16xf32>,
      %swap3A_784 = arith.index_cast %add3A_779 : i32 to index
      %swap3A_785 = tpu.vector_load %arg6[%swap3A_784] {strides = array<i32>} : memref<16384xf32, #tpu.memory_space<vmem>>, vector<16xf32>,
      tpu.vector_store %arg6[%swap3A_784], %gather3A_783 {strides = array<i32>} : memref<16384xf32, #tpu.memory_space<vmem>>, vector<16xf32>,
      %mul3A_786 = arith.constant 256 : i32
      %mul3A_787 = arith.muli %scan3A_649, %mul3A_786 : i32
      %add3A_788 = arith.constant 224 : i32
      %add3A_789 = arith.addi %mul3A_787, %add3A_788 : i32
      %get3A_790 = arith.index_cast %add3A_789 : i32 to index
      %get3A_791 = tpu.vector_load %arg6[%get3A_790] {strides = array<i32>} : memref<16384xf32, #tpu.memory_space<vmem>>, vector<16xf32>,
      %bitcast3A_792 = vector.bitcast %get3A_791 : vector<16xf32> to vector<16xi32>
      %gather3A_793 = tpu.vector_load_idx %arg5[%bitcast3A_792] : memref<100000xf32, #tpu.memory_space<vmem>>[vector<16xi32>], vector<16xf32>,
      %swap3A_794 = arith.index_cast %add3A_789 : i32 to index
      %swap3A_795 = tpu.vector_load %arg6[%swap3A_794] {strides = array<i32>} : memref<16384xf32, #tpu.memory_space<vmem>>, vector<16xf32>,
      tpu.vector_store %arg6[%swap3A_794], %gather3A_793 {strides = array<i32>} : memref<16384xf32, #tpu.memory_space<vmem>>, vector<16xf32>,
      %mul3A_796 = arith.constant 256 : i32
      %mul3A_797 = arith.muli %scan3A_649, %mul3A_796 : i32
      %add3A_798 = arith.constant 240 : i32
      %add3A_799 = arith.addi %mul3A_797, %add3A_798 : i32
      %get3A_800 = arith.index_cast %add3A_799 : i32 to index
      %get3A_801 = tpu.vector_load %arg6[%get3A_800] {strides = array<i32>} : memref<16384xf32, #tpu.memory_space<vmem>>, vector<16xf32>,
      %bitcast3A_802 = vector.bitcast %get3A_801 : vector<16xf32> to vector<16xi32>
      %gather3A_803 = tpu.vector_load_idx %arg5[%bitcast3A_802] : memref<100000xf32, #tpu.memory_space<vmem>>[vector<16xi32>], vector<16xf32>,
      %swap3A_804 = arith.index_cast %add3A_799 : i32 to index
      %swap3A_805 = tpu.vector_load %arg6[%swap3A_804] {strides = array<i32>} : memref<16384xf32, #tpu.memory_space<vmem>>, vector<16xf32>,
      tpu.vector_store %arg6[%swap3A_804], %gather3A_803 {strides = array<i32>} : memref<16384xf32, #tpu.memory_space<vmem>>, vector<16xf32>,
    }
    %scan3A_134 = arith.constant 64 : i32
    %add3A_135 = arith.constant 3 : i32
    %add3A_136 = arith.addi %mul3A_2, %add3A_135 : i32
    %dma_start3A_137 = arith.constant 0 : i32
    %dma_start3A_138 = tpu.memref_slice %arg2[%add3A_136, %dma_start3A_137] : memref<416x100000xf32, #tpu.memory_space<hbm>> -> memref<1x100000xf32, #tpu.memory_space<hbm>>
    %dma_start3A_139 = tpu.memref_squeeze %dma_start3A_138 : memref<1x100000xf32, #tpu.memory_space<hbm>> -> memref<100000xf32, #tpu.memory_space<hbm>>
    %dma_start3A_140 = arith.constant 0 : i32
    %dma_start3A_141 = tpu.memref_slice %arg2[%add3A_136, %dma_start3A_140] : memref<416x100000xf32, #tpu.memory_space<hbm>> -> memref<1x100000xf32, #tpu.memory_space<hbm>>
    %dma_start3A_142 = tpu.memref_squeeze %dma_start3A_141 : memref<1x100000xf32, #tpu.memory_space<hbm>> -> memref<100000xf32, #tpu.memory_space<hbm>>
    tpu.enqueue_dma source(%dma_start3A_142 : memref<100000xf32, #tpu.memory_space<hbm>>) target(%arg5 : memref<100000xf32, #tpu.memory_space<vmem>>) target_semaphore(%arg7 : memref<!tpu.dma_semaphore, #tpu.memory_space<semaphore_mem>>)
    %add3A_143 = arith.constant 2 : i32
    %add3A_144 = arith.addi %mul3A_2, %add3A_143 : i32
    %dma_start3A_145 = arith.constant 0 : i32
    %dma_start3A_146 = tpu.memref_slice %arg4[%add3A_144, %dma_start3A_145] : memref<416x16384xf32, #tpu.memory_space<hbm>> -> memref<1x16384xf32, #tpu.memory_space<hbm>>
    %dma_start3A_147 = tpu.memref_squeeze %dma_start3A_146 : memref<1x16384xf32, #tpu.memory_space<hbm>> -> memref<16384xf32, #tpu.memory_space<hbm>>
    %dma_start3A_148 = arith.constant 0 : i32
    %dma_start3A_149 = tpu.memref_slice %arg4[%add3A_144, %dma_start3A_148] : memref<416x16384xf32, #tpu.memory_space<hbm>> -> memref<1x16384xf32, #tpu.memory_space<hbm>>
    %dma_start3A_150 = tpu.memref_squeeze %dma_start3A_149 : memref<1x16384xf32, #tpu.memory_space<hbm>> -> memref<16384xf32, #tpu.memory_space<hbm>>
    tpu.enqueue_dma source(%arg6 : memref<16384xf32, #tpu.memory_space<vmem>>) target(%dma_start3A_150 : memref<16384xf32, #tpu.memory_space<hbm>>) target_semaphore(%arg9 : memref<!tpu.dma_semaphore, #tpu.memory_space<semaphore_mem>>)
    %dma_wait3A_151 = arith.constant 0 : i32
    %dma_wait3A_152 = tpu.memref_slice %arg4[%add3A_144, %dma_wait3A_151] : memref<416x16384xf32, #tpu.memory_space<hbm>> -> memref<1x16384xf32, #tpu.memory_space<hbm>>
    %dma_wait3A_153 = tpu.memref_squeeze %dma_wait3A_152 : memref<1x16384xf32, #tpu.memory_space<hbm>> -> memref<16384xf32, #tpu.memory_space<hbm>>
    %dma_wait3A_154 = arith.constant 0 : i32
    %dma_wait3A_155 = tpu.memref_slice %arg4[%add3A_144, %dma_wait3A_154] : memref<416x16384xf32, #tpu.memory_space<hbm>> -> memref<1x16384xf32, #tpu.memory_space<hbm>>
    %dma_wait3A_156 = tpu.memref_squeeze %dma_wait3A_155 : memref<1x16384xf32, #tpu.memory_space<hbm>> -> memref<16384xf32, #tpu.memory_space<hbm>>
    tpu.wait_dma2 semaphore(%arg9 : memref<!tpu.dma_semaphore, #tpu.memory_space<semaphore_mem>>) src(%arg6 : memref<16384xf32, #tpu.memory_space<vmem>>) dst(%dma_wait3A_156 : memref<16384xf32, #tpu.memory_space<hbm>>)
    %add3A_157 = arith.constant 3 : i32
    %add3A_158 = arith.addi %mul3A_2, %add3A_157 : i32
    %shift_right_logical3A_159 = arith.constant 4 : i32
    %shift_right_logical3A_160 = arith.shrui %add3A_158, %shift_right_logical3A_159 : i32
    %dma_start3A_161 = arith.constant 0 : i32
    %dma_start3A_162 = tpu.memref_slice %arg3[%shift_right_logical3A_160, %dma_start3A_161] : memref<26x16384xf32, #tpu.memory_space<hbm>> -> memref<1x16384xf32, #tpu.memory_space<hbm>>
    %dma_start3A_163 = tpu.memref_squeeze %dma_start3A_162 : memref<1x16384xf32, #tpu.memory_space<hbm>> -> memref<16384xf32, #tpu.memory_space<hbm>>
    %dma_start3A_164 = arith.constant 0 : i32
    %dma_start3A_165 = tpu.memref_slice %arg3[%shift_right_logical3A_160, %dma_start3A_164] : memref<26x16384xf32, #tpu.memory_space<hbm>> -> memref<1x16384xf32, #tpu.memory_space<hbm>>
    %dma_start3A_166 = tpu.memref_squeeze %dma_start3A_165 : memref<1x16384xf32, #tpu.memory_space<hbm>> -> memref<16384xf32, #tpu.memory_space<hbm>>
    tpu.enqueue_dma source(%dma_start3A_166 : memref<16384xf32, #tpu.memory_space<hbm>>) target(%arg6 : memref<16384xf32, #tpu.memory_space<vmem>>) target_semaphore(%arg8 : memref<!tpu.dma_semaphore, #tpu.memory_space<semaphore_mem>>)
    %dma_wait3A_167 = arith.constant 0 : i32
    %dma_wait3A_168 = tpu.memref_slice %arg2[%add3A_136, %dma_wait3A_167] : memref<416x100000xf32, #tpu.memory_space<hbm>> -> memref<1x100000xf32, #tpu.memory_space<hbm>>
    %dma_wait3A_169 = tpu.memref_squeeze %dma_wait3A_168 : memref<1x100000xf32, #tpu.memory_space<hbm>> -> memref<100000xf32, #tpu.memory_space<hbm>>
    %dma_wait3A_170 = arith.constant 0 : i32
    %dma_wait3A_171 = tpu.memref_slice %arg2[%add3A_136, %dma_wait3A_170] : memref<416x100000xf32, #tpu.memory_space<hbm>> -> memref<1x100000xf32, #tpu.memory_space<hbm>>
    %dma_wait3A_172 = tpu.memref_squeeze %dma_wait3A_171 : memref<1x100000xf32, #tpu.memory_space<hbm>> -> memref<100000xf32, #tpu.memory_space<hbm>>
    tpu.wait_dma2 semaphore(%arg7 : memref<!tpu.dma_semaphore, #tpu.memory_space<semaphore_mem>>) src(%dma_wait3A_172 : memref<100000xf32, #tpu.memory_space<hbm>>) dst(%arg5 : memref<100000xf32, #tpu.memory_space<vmem>>)
    %dma_wait3A_173 = arith.constant 0 : i32
    %dma_wait3A_174 = tpu.memref_slice %arg3[%shift_right_logical3A_160, %dma_wait3A_173] : memref<26x16384xf32, #tpu.memory_space<hbm>> -> memref<1x16384xf32, #tpu.memory_space<hbm>>
    %dma_wait3A_175 = tpu.memref_squeeze %dma_wait3A_174 : memref<1x16384xf32, #tpu.memory_space<hbm>> -> memref<16384xf32, #tpu.memory_space<hbm>>
    %dma_wait3A_176 = arith.constant 0 : i32
    %dma_wait3A_177 = tpu.memref_slice %arg3[%shift_right_logical3A_160, %dma_wait3A_176] : memref<26x16384xf32, #tpu.memory_space<hbm>> -> memref<1x16384xf32, #tpu.memory_space<hbm>>
    %dma_wait3A_178 = tpu.memref_squeeze %dma_wait3A_177 : memref<1x16384xf32, #tpu.memory_space<hbm>> -> memref<16384xf32, #tpu.memory_space<hbm>>
    tpu.wait_dma2 semaphore(%arg8 : memref<!tpu.dma_semaphore, #tpu.memory_space<semaphore_mem>>) src(%dma_wait3A_178 : memref<16384xf32, #tpu.memory_space<hbm>>) dst(%arg6 : memref<16384xf32, #tpu.memory_space<vmem>>)
    %scan3A_179 = arith.constant 0 : i32
    %scan3A_180 = arith.constant 0 : i32
    %scan3A_181 = arith.constant 64 : i32
    %scan3A_182 = arith.addi %scan3A_180, %scan3A_181 : i32
    %scan3A_183 = arith.constant 1 : i32
    scf.for %scan3A_649 = %scan3A_180 to %scan3A_182 step %scan3A_183  : i32 {
      %mul3A_650 = arith.constant 256 : i32
      %mul3A_651 = arith.muli %scan3A_649, %mul3A_650 : i32
      %add3A_652 = arith.constant 0 : i32
      %add3A_653 = arith.addi %mul3A_651, %add3A_652 : i32
      %get3A = arith.index_cast %add3A_653 : i32 to index
      %get3A_654 = tpu.vector_load %arg6[%get3A] {strides = array<i32>} : memref<16384xf32, #tpu.memory_space<vmem>>, vector<16xf32>,
      %bitcast3A = vector.bitcast %get3A_654 : vector<16xf32> to vector<16xi32>
      %gather3A = tpu.vector_load_idx %arg5[%bitcast3A] : memref<100000xf32, #tpu.memory_space<vmem>>[vector<16xi32>], vector<16xf32>,
      %swap3A = arith.index_cast %add3A_653 : i32 to index
      %swap3A_655 = tpu.vector_load %arg6[%swap3A] {strides = array<i32>} : memref<16384xf32, #tpu.memory_space<vmem>>, vector<16xf32>,
      tpu.vector_store %arg6[%swap3A], %gather3A {strides = array<i32>} : memref<16384xf32, #tpu.memory_space<vmem>>, vector<16xf32>,
      %mul3A_656 = arith.constant 256 : i32
      %mul3A_657 = arith.muli %scan3A_649, %mul3A_656 : i32
      %add3A_658 = arith.constant 16 : i32
      %add3A_659 = arith.addi %mul3A_657, %add3A_658 : i32
      %get3A_660 = arith.index_cast %add3A_659 : i32 to index
      %get3A_661 = tpu.vector_load %arg6[%get3A_660] {strides = array<i32>} : memref<16384xf32, #tpu.memory_space<vmem>>, vector<16xf32>,
      %bitcast3A_662 = vector.bitcast %get3A_661 : vector<16xf32> to vector<16xi32>
      %gather3A_663 = tpu.vector_load_idx %arg5[%bitcast3A_662] : memref<100000xf32, #tpu.memory_space<vmem>>[vector<16xi32>], vector<16xf32>,
      %swap3A_664 = arith.index_cast %add3A_659 : i32 to index
      %swap3A_665 = tpu.vector_load %arg6[%swap3A_664] {strides = array<i32>} : memref<16384xf32, #tpu.memory_space<vmem>>, vector<16xf32>,
      tpu.vector_store %arg6[%swap3A_664], %gather3A_663 {strides = array<i32>} : memref<16384xf32, #tpu.memory_space<vmem>>, vector<16xf32>,
      %mul3A_666 = arith.constant 256 : i32
      %mul3A_667 = arith.muli %scan3A_649, %mul3A_666 : i32
      %add3A_668 = arith.constant 32 : i32
      %add3A_669 = arith.addi %mul3A_667, %add3A_668 : i32
      %get3A_670 = arith.index_cast %add3A_669 : i32 to index
      %get3A_671 = tpu.vector_load %arg6[%get3A_670] {strides = array<i32>} : memref<16384xf32, #tpu.memory_space<vmem>>, vector<16xf32>,
      %bitcast3A_672 = vector.bitcast %get3A_671 : vector<16xf32> to vector<16xi32>
      %gather3A_673 = tpu.vector_load_idx %arg5[%bitcast3A_672] : memref<100000xf32, #tpu.memory_space<vmem>>[vector<16xi32>], vector<16xf32>,
      %swap3A_674 = arith.index_cast %add3A_669 : i32 to index
      %swap3A_675 = tpu.vector_load %arg6[%swap3A_674] {strides = array<i32>} : memref<16384xf32, #tpu.memory_space<vmem>>, vector<16xf32>,
      tpu.vector_store %arg6[%swap3A_674], %gather3A_673 {strides = array<i32>} : memref<16384xf32, #tpu.memory_space<vmem>>, vector<16xf32>,
      %mul3A_676 = arith.constant 256 : i32
      %mul3A_677 = arith.muli %scan3A_649, %mul3A_676 : i32
      %add3A_678 = arith.constant 48 : i32
      %add3A_679 = arith.addi %mul3A_677, %add3A_678 : i32
      %get3A_680 = arith.index_cast %add3A_679 : i32 to index
      %get3A_681 = tpu.vector_load %arg6[%get3A_680] {strides = array<i32>} : memref<16384xf32, #tpu.memory_space<vmem>>, vector<16xf32>,
      %bitcast3A_682 = vector.bitcast %get3A_681 : vector<16xf32> to vector<16xi32>
      %gather3A_683 = tpu.vector_load_idx %arg5[%bitcast3A_682] : memref<100000xf32, #tpu.memory_space<vmem>>[vector<16xi32>], vector<16xf32>,
      %swap3A_684 = arith.index_cast %add3A_679 : i32 to index
      %swap3A_685 = tpu.vector_load %arg6[%swap3A_684] {strides = array<i32>} : memref<16384xf32, #tpu.memory_space<vmem>>, vector<16xf32>,
      tpu.vector_store %arg6[%swap3A_684], %gather3A_683 {strides = array<i32>} : memref<16384xf32, #tpu.memory_space<vmem>>, vector<16xf32>,
      %mul3A_686 = arith.constant 256 : i32
      %mul3A_687 = arith.muli %scan3A_649, %mul3A_686 : i32
      %add3A_688 = arith.constant 64 : i32
      %add3A_689 = arith.addi %mul3A_687, %add3A_688 : i32
      %get3A_690 = arith.index_cast %add3A_689 : i32 to index
      %get3A_691 = tpu.vector_load %arg6[%get3A_690] {strides = array<i32>} : memref<16384xf32, #tpu.memory_space<vmem>>, vector<16xf32>,
      %bitcast3A_692 = vector.bitcast %get3A_691 : vector<16xf32> to vector<16xi32>
      %gather3A_693 = tpu.vector_load_idx %arg5[%bitcast3A_692] : memref<100000xf32, #tpu.memory_space<vmem>>[vector<16xi32>], vector<16xf32>,
      %swap3A_694 = arith.index_cast %add3A_689 : i32 to index
      %swap3A_695 = tpu.vector_load %arg6[%swap3A_694] {strides = array<i32>} : memref<16384xf32, #tpu.memory_space<vmem>>, vector<16xf32>,
      tpu.vector_store %arg6[%swap3A_694], %gather3A_693 {strides = array<i32>} : memref<16384xf32, #tpu.memory_space<vmem>>, vector<16xf32>,
      %mul3A_696 = arith.constant 256 : i32
      %mul3A_697 = arith.muli %scan3A_649, %mul3A_696 : i32
      %add3A_698 = arith.constant 80 : i32
      %add3A_699 = arith.addi %mul3A_697, %add3A_698 : i32
      %get3A_700 = arith.index_cast %add3A_699 : i32 to index
      %get3A_701 = tpu.vector_load %arg6[%get3A_700] {strides = array<i32>} : memref<16384xf32, #tpu.memory_space<vmem>>, vector<16xf32>,
      %bitcast3A_702 = vector.bitcast %get3A_701 : vector<16xf32> to vector<16xi32>
      %gather3A_703 = tpu.vector_load_idx %arg5[%bitcast3A_702] : memref<100000xf32, #tpu.memory_space<vmem>>[vector<16xi32>], vector<16xf32>,
      %swap3A_704 = arith.index_cast %add3A_699 : i32 to index
      %swap3A_705 = tpu.vector_load %arg6[%swap3A_704] {strides = array<i32>} : memref<16384xf32, #tpu.memory_space<vmem>>, vector<16xf32>,
      tpu.vector_store %arg6[%swap3A_704], %gather3A_703 {strides = array<i32>} : memref<16384xf32, #tpu.memory_space<vmem>>, vector<16xf32>,
      %mul3A_706 = arith.constant 256 : i32
      %mul3A_707 = arith.muli %scan3A_649, %mul3A_706 : i32
      %add3A_708 = arith.constant 96 : i32
      %add3A_709 = arith.addi %mul3A_707, %add3A_708 : i32
      %get3A_710 = arith.index_cast %add3A_709 : i32 to index
      %get3A_711 = tpu.vector_load %arg6[%get3A_710] {strides = array<i32>} : memref<16384xf32, #tpu.memory_space<vmem>>, vector<16xf32>,
      %bitcast3A_712 = vector.bitcast %get3A_711 : vector<16xf32> to vector<16xi32>
      %gather3A_713 = tpu.vector_load_idx %arg5[%bitcast3A_712] : memref<100000xf32, #tpu.memory_space<vmem>>[vector<16xi32>], vector<16xf32>,
      %swap3A_714 = arith.index_cast %add3A_709 : i32 to index
      %swap3A_715 = tpu.vector_load %arg6[%swap3A_714] {strides = array<i32>} : memref<16384xf32, #tpu.memory_space<vmem>>, vector<16xf32>,
      tpu.vector_store %arg6[%swap3A_714], %gather3A_713 {strides = array<i32>} : memref<16384xf32, #tpu.memory_space<vmem>>, vector<16xf32>,
      %mul3A_716 = arith.constant 256 : i32
      %mul3A_717 = arith.muli %scan3A_649, %mul3A_716 : i32
      %add3A_718 = arith.constant 112 : i32
      %add3A_719 = arith.addi %mul3A_717, %add3A_718 : i32
      %get3A_720 = arith.index_cast %add3A_719 : i32 to index
      %get3A_721 = tpu.vector_load %arg6[%get3A_720] {strides = array<i32>} : memref<16384xf32, #tpu.memory_space<vmem>>, vector<16xf32>,
      %bitcast3A_722 = vector.bitcast %get3A_721 : vector<16xf32> to vector<16xi32>
      %gather3A_723 = tpu.vector_load_idx %arg5[%bitcast3A_722] : memref<100000xf32, #tpu.memory_space<vmem>>[vector<16xi32>], vector<16xf32>,
      %swap3A_724 = arith.index_cast %add3A_719 : i32 to index
      %swap3A_725 = tpu.vector_load %arg6[%swap3A_724] {strides = array<i32>} : memref<16384xf32, #tpu.memory_space<vmem>>, vector<16xf32>,
      tpu.vector_store %arg6[%swap3A_724], %gather3A_723 {strides = array<i32>} : memref<16384xf32, #tpu.memory_space<vmem>>, vector<16xf32>,
      %mul3A_726 = arith.constant 256 : i32
      %mul3A_727 = arith.muli %scan3A_649, %mul3A_726 : i32
      %add3A_728 = arith.constant 128 : i32
      %add3A_729 = arith.addi %mul3A_727, %add3A_728 : i32
      %get3A_730 = arith.index_cast %add3A_729 : i32 to index
      %get3A_731 = tpu.vector_load %arg6[%get3A_730] {strides = array<i32>} : memref<16384xf32, #tpu.memory_space<vmem>>, vector<16xf32>,
      %bitcast3A_732 = vector.bitcast %get3A_731 : vector<16xf32> to vector<16xi32>
      %gather3A_733 = tpu.vector_load_idx %arg5[%bitcast3A_732] : memref<100000xf32, #tpu.memory_space<vmem>>[vector<16xi32>], vector<16xf32>,
      %swap3A_734 = arith.index_cast %add3A_729 : i32 to index
      %swap3A_735 = tpu.vector_load %arg6[%swap3A_734] {strides = array<i32>} : memref<16384xf32, #tpu.memory_space<vmem>>, vector<16xf32>,
      tpu.vector_store %arg6[%swap3A_734], %gather3A_733 {strides = array<i32>} : memref<16384xf32, #tpu.memory_space<vmem>>, vector<16xf32>,
      %mul3A_736 = arith.constant 256 : i32
      %mul3A_737 = arith.muli %scan3A_649, %mul3A_736 : i32
      %add3A_738 = arith.constant 144 : i32
      %add3A_739 = arith.addi %mul3A_737, %add3A_738 : i32
      %get3A_740 = arith.index_cast %add3A_739 : i32 to index
      %get3A_741 = tpu.vector_load %arg6[%get3A_740] {strides = array<i32>} : memref<16384xf32, #tpu.memory_space<vmem>>, vector<16xf32>,
      %bitcast3A_742 = vector.bitcast %get3A_741 : vector<16xf32> to vector<16xi32>
      %gather3A_743 = tpu.vector_load_idx %arg5[%bitcast3A_742] : memref<100000xf32, #tpu.memory_space<vmem>>[vector<16xi32>], vector<16xf32>,
      %swap3A_744 = arith.index_cast %add3A_739 : i32 to index
      %swap3A_745 = tpu.vector_load %arg6[%swap3A_744] {strides = array<i32>} : memref<16384xf32, #tpu.memory_space<vmem>>, vector<16xf32>,
      tpu.vector_store %arg6[%swap3A_744], %gather3A_743 {strides = array<i32>} : memref<16384xf32, #tpu.memory_space<vmem>>, vector<16xf32>,
      %mul3A_746 = arith.constant 256 : i32
      %mul3A_747 = arith.muli %scan3A_649, %mul3A_746 : i32
      %add3A_748 = arith.constant 160 : i32
      %add3A_749 = arith.addi %mul3A_747, %add3A_748 : i32
      %get3A_750 = arith.index_cast %add3A_749 : i32 to index
      %get3A_751 = tpu.vector_load %arg6[%get3A_750] {strides = array<i32>} : memref<16384xf32, #tpu.memory_space<vmem>>, vector<16xf32>,
      %bitcast3A_752 = vector.bitcast %get3A_751 : vector<16xf32> to vector<16xi32>
      %gather3A_753 = tpu.vector_load_idx %arg5[%bitcast3A_752] : memref<100000xf32, #tpu.memory_space<vmem>>[vector<16xi32>], vector<16xf32>,
      %swap3A_754 = arith.index_cast %add3A_749 : i32 to index
      %swap3A_755 = tpu.vector_load %arg6[%swap3A_754] {strides = array<i32>} : memref<16384xf32, #tpu.memory_space<vmem>>, vector<16xf32>,
      tpu.vector_store %arg6[%swap3A_754], %gather3A_753 {strides = array<i32>} : memref<16384xf32, #tpu.memory_space<vmem>>, vector<16xf32>,
      %mul3A_756 = arith.constant 256 : i32
      %mul3A_757 = arith.muli %scan3A_649, %mul3A_756 : i32
      %add3A_758 = arith.constant 176 : i32
      %add3A_759 = arith.addi %mul3A_757, %add3A_758 : i32
      %get3A_760 = arith.index_cast %add3A_759 : i32 to index
      %get3A_761 = tpu.vector_load %arg6[%get3A_760] {strides = array<i32>} : memref<16384xf32, #tpu.memory_space<vmem>>, vector<16xf32>,
      %bitcast3A_762 = vector.bitcast %get3A_761 : vector<16xf32> to vector<16xi32>
      %gather3A_763 = tpu.vector_load_idx %arg5[%bitcast3A_762] : memref<100000xf32, #tpu.memory_space<vmem>>[vector<16xi32>], vector<16xf32>,
      %swap3A_764 = arith.index_cast %add3A_759 : i32 to index
      %swap3A_765 = tpu.vector_load %arg6[%swap3A_764] {strides = array<i32>} : memref<16384xf32, #tpu.memory_space<vmem>>, vector<16xf32>,
      tpu.vector_store %arg6[%swap3A_764], %gather3A_763 {strides = array<i32>} : memref<16384xf32, #tpu.memory_space<vmem>>, vector<16xf32>,
      %mul3A_766 = arith.constant 256 : i32
      %mul3A_767 = arith.muli %scan3A_649, %mul3A_766 : i32
      %add3A_768 = arith.constant 192 : i32
      %add3A_769 = arith.addi %mul3A_767, %add3A_768 : i32
      %get3A_770 = arith.index_cast %add3A_769 : i32 to index
      %get3A_771 = tpu.vector_load %arg6[%get3A_770] {strides = array<i32>} : memref<16384xf32, #tpu.memory_space<vmem>>, vector<16xf32>,
      %bitcast3A_772 = vector.bitcast %get3A_771 : vector<16xf32> to vector<16xi32>
      %gather3A_773 = tpu.vector_load_idx %arg5[%bitcast3A_772] : memref<100000xf32, #tpu.memory_space<vmem>>[vector<16xi32>], vector<16xf32>,
      %swap3A_774 = arith.index_cast %add3A_769 : i32 to index
      %swap3A_775 = tpu.vector_load %arg6[%swap3A_774] {strides = array<i32>} : memref<16384xf32, #tpu.memory_space<vmem>>, vector<16xf32>,
      tpu.vector_store %arg6[%swap3A_774], %gather3A_773 {strides = array<i32>} : memref<16384xf32, #tpu.memory_space<vmem>>, vector<16xf32>,
      %mul3A_776 = arith.constant 256 : i32
      %mul3A_777 = arith.muli %scan3A_649, %mul3A_776 : i32
      %add3A_778 = arith.constant 208 : i32
      %add3A_779 = arith.addi %mul3A_777, %add3A_778 : i32
      %get3A_780 = arith.index_cast %add3A_779 : i32 to index
      %get3A_781 = tpu.vector_load %arg6[%get3A_780] {strides = array<i32>} : memref<16384xf32, #tpu.memory_space<vmem>>, vector<16xf32>,
      %bitcast3A_782 = vector.bitcast %get3A_781 : vector<16xf32> to vector<16xi32>
      %gather3A_783 = tpu.vector_load_idx %arg5[%bitcast3A_782] : memref<100000xf32, #tpu.memory_space<vmem>>[vector<16xi32>], vector<16xf32>,
      %swap3A_784 = arith.index_cast %add3A_779 : i32 to index
      %swap3A_785 = tpu.vector_load %arg6[%swap3A_784] {strides = array<i32>} : memref<16384xf32, #tpu.memory_space<vmem>>, vector<16xf32>,
      tpu.vector_store %arg6[%swap3A_784], %gather3A_783 {strides = array<i32>} : memref<16384xf32, #tpu.memory_space<vmem>>, vector<16xf32>,
      %mul3A_786 = arith.constant 256 : i32
      %mul3A_787 = arith.muli %scan3A_649, %mul3A_786 : i32
      %add3A_788 = arith.constant 224 : i32
      %add3A_789 = arith.addi %mul3A_787, %add3A_788 : i32
      %get3A_790 = arith.index_cast %add3A_789 : i32 to index
      %get3A_791 = tpu.vector_load %arg6[%get3A_790] {strides = array<i32>} : memref<16384xf32, #tpu.memory_space<vmem>>, vector<16xf32>,
      %bitcast3A_792 = vector.bitcast %get3A_791 : vector<16xf32> to vector<16xi32>
      %gather3A_793 = tpu.vector_load_idx %arg5[%bitcast3A_792] : memref<100000xf32, #tpu.memory_space<vmem>>[vector<16xi32>], vector<16xf32>,
      %swap3A_794 = arith.index_cast %add3A_789 : i32 to index
      %swap3A_795 = tpu.vector_load %arg6[%swap3A_794] {strides = array<i32>} : memref<16384xf32, #tpu.memory_space<vmem>>, vector<16xf32>,
      tpu.vector_store %arg6[%swap3A_794], %gather3A_793 {strides = array<i32>} : memref<16384xf32, #tpu.memory_space<vmem>>, vector<16xf32>,
      %mul3A_796 = arith.constant 256 : i32
      %mul3A_797 = arith.muli %scan3A_649, %mul3A_796 : i32
      %add3A_798 = arith.constant 240 : i32
      %add3A_799 = arith.addi %mul3A_797, %add3A_798 : i32
      %get3A_800 = arith.index_cast %add3A_799 : i32 to index
      %get3A_801 = tpu.vector_load %arg6[%get3A_800] {strides = array<i32>} : memref<16384xf32, #tpu.memory_space<vmem>>, vector<16xf32>,
      %bitcast3A_802 = vector.bitcast %get3A_801 : vector<16xf32> to vector<16xi32>
      %gather3A_803 = tpu.vector_load_idx %arg5[%bitcast3A_802] : memref<100000xf32, #tpu.memory_space<vmem>>[vector<16xi32>], vector<16xf32>,
      %swap3A_804 = arith.index_cast %add3A_799 : i32 to index
      %swap3A_805 = tpu.vector_load %arg6[%swap3A_804] {strides = array<i32>} : memref<16384xf32, #tpu.memory_space<vmem>>, vector<16xf32>,
      tpu.vector_store %arg6[%swap3A_804], %gather3A_803 {strides = array<i32>} : memref<16384xf32, #tpu.memory_space<vmem>>, vector<16xf32>,
    }
    %scan3A_184 = arith.constant 64 : i32
    %add3A_185 = arith.constant 4 : i32
    %add3A_186 = arith.addi %mul3A_2, %add3A_185 : i32
    %dma_start3A_187 = arith.constant 0 : i32
    %dma_start3A_188 = tpu.memref_slice %arg2[%add3A_186, %dma_start3A_187] : memref<416x100000xf32, #tpu.memory_space<hbm>> -> memref<1x100000xf32, #tpu.memory_space<hbm>>
    %dma_start3A_189 = tpu.memref_squeeze %dma_start3A_188 : memref<1x100000xf32, #tpu.memory_space<hbm>> -> memref<100000xf32, #tpu.memory_space<hbm>>
    %dma_start3A_190 = arith.constant 0 : i32
    %dma_start3A_191 = tpu.memref_slice %arg2[%add3A_186, %dma_start3A_190] : memref<416x100000xf32, #tpu.memory_space<hbm>> -> memref<1x100000xf32, #tpu.memory_space<hbm>>
    %dma_start3A_192 = tpu.memref_squeeze %dma_start3A_191 : memref<1x100000xf32, #tpu.memory_space<hbm>> -> memref<100000xf32, #tpu.memory_space<hbm>>
    tpu.enqueue_dma source(%dma_start3A_192 : memref<100000xf32, #tpu.memory_space<hbm>>) target(%arg5 : memref<100000xf32, #tpu.memory_space<vmem>>) target_semaphore(%arg7 : memref<!tpu.dma_semaphore, #tpu.memory_space<semaphore_mem>>)
    %add3A_193 = arith.constant 3 : i32
    %add3A_194 = arith.addi %mul3A_2, %add3A_193 : i32
    %dma_start3A_195 = arith.constant 0 : i32
    %dma_start3A_196 = tpu.memref_slice %arg4[%add3A_194, %dma_start3A_195] : memref<416x16384xf32, #tpu.memory_space<hbm>> -> memref<1x16384xf32, #tpu.memory_space<hbm>>
    %dma_start3A_197 = tpu.memref_squeeze %dma_start3A_196 : memref<1x16384xf32, #tpu.memory_space<hbm>> -> memref<16384xf32, #tpu.memory_space<hbm>>
    %dma_start3A_198 = arith.constant 0 : i32
    %dma_start3A_199 = tpu.memref_slice %arg4[%add3A_194, %dma_start3A_198] : memref<416x16384xf32, #tpu.memory_space<hbm>> -> memref<1x16384xf32, #tpu.memory_space<hbm>>
    %dma_start3A_200 = tpu.memref_squeeze %dma_start3A_199 : memref<1x16384xf32, #tpu.memory_space<hbm>> -> memref<16384xf32, #tpu.memory_space<hbm>>
    tpu.enqueue_dma source(%arg6 : memref<16384xf32, #tpu.memory_space<vmem>>) target(%dma_start3A_200 : memref<16384xf32, #tpu.memory_space<hbm>>) target_semaphore(%arg9 : memref<!tpu.dma_semaphore, #tpu.memory_space<semaphore_mem>>)
    %dma_wait3A_201 = arith.constant 0 : i32
    %dma_wait3A_202 = tpu.memref_slice %arg4[%add3A_194, %dma_wait3A_201] : memref<416x16384xf32, #tpu.memory_space<hbm>> -> memref<1x16384xf32, #tpu.memory_space<hbm>>
    %dma_wait3A_203 = tpu.memref_squeeze %dma_wait3A_202 : memref<1x16384xf32, #tpu.memory_space<hbm>> -> memref<16384xf32, #tpu.memory_space<hbm>>
    %dma_wait3A_204 = arith.constant 0 : i32
    %dma_wait3A_205 = tpu.memref_slice %arg4[%add3A_194, %dma_wait3A_204] : memref<416x16384xf32, #tpu.memory_space<hbm>> -> memref<1x16384xf32, #tpu.memory_space<hbm>>
    %dma_wait3A_206 = tpu.memref_squeeze %dma_wait3A_205 : memref<1x16384xf32, #tpu.memory_space<hbm>> -> memref<16384xf32, #tpu.memory_space<hbm>>
    tpu.wait_dma2 semaphore(%arg9 : memref<!tpu.dma_semaphore, #tpu.memory_space<semaphore_mem>>) src(%arg6 : memref<16384xf32, #tpu.memory_space<vmem>>) dst(%dma_wait3A_206 : memref<16384xf32, #tpu.memory_space<hbm>>)
    %add3A_207 = arith.constant 4 : i32
    %add3A_208 = arith.addi %mul3A_2, %add3A_207 : i32
    %shift_right_logical3A_209 = arith.constant 4 : i32
    %shift_right_logical3A_210 = arith.shrui %add3A_208, %shift_right_logical3A_209 : i32
    %dma_start3A_211 = arith.constant 0 : i32
    %dma_start3A_212 = tpu.memref_slice %arg3[%shift_right_logical3A_210, %dma_start3A_211] : memref<26x16384xf32, #tpu.memory_space<hbm>> -> memref<1x16384xf32, #tpu.memory_space<hbm>>
    %dma_start3A_213 = tpu.memref_squeeze %dma_start3A_212 : memref<1x16384xf32, #tpu.memory_space<hbm>> -> memref<16384xf32, #tpu.memory_space<hbm>>
    %dma_start3A_214 = arith.constant 0 : i32
    %dma_start3A_215 = tpu.memref_slice %arg3[%shift_right_logical3A_210, %dma_start3A_214] : memref<26x16384xf32, #tpu.memory_space<hbm>> -> memref<1x16384xf32, #tpu.memory_space<hbm>>
    %dma_start3A_216 = tpu.memref_squeeze %dma_start3A_215 : memref<1x16384xf32, #tpu.memory_space<hbm>> -> memref<16384xf32, #tpu.memory_space<hbm>>
    tpu.enqueue_dma source(%dma_start3A_216 : memref<16384xf32, #tpu.memory_space<hbm>>) target(%arg6 : memref<16384xf32, #tpu.memory_space<vmem>>) target_semaphore(%arg8 : memref<!tpu.dma_semaphore, #tpu.memory_space<semaphore_mem>>)
    %dma_wait3A_217 = arith.constant 0 : i32
    %dma_wait3A_218 = tpu.memref_slice %arg2[%add3A_186, %dma_wait3A_217] : memref<416x100000xf32, #tpu.memory_space<hbm>> -> memref<1x100000xf32, #tpu.memory_space<hbm>>
    %dma_wait3A_219 = tpu.memref_squeeze %dma_wait3A_218 : memref<1x100000xf32, #tpu.memory_space<hbm>> -> memref<100000xf32, #tpu.memory_space<hbm>>
    %dma_wait3A_220 = arith.constant 0 : i32
    %dma_wait3A_221 = tpu.memref_slice %arg2[%add3A_186, %dma_wait3A_220] : memref<416x100000xf32, #tpu.memory_space<hbm>> -> memref<1x100000xf32, #tpu.memory_space<hbm>>
    %dma_wait3A_222 = tpu.memref_squeeze %dma_wait3A_221 : memref<1x100000xf32, #tpu.memory_space<hbm>> -> memref<100000xf32, #tpu.memory_space<hbm>>
    tpu.wait_dma2 semaphore(%arg7 : memref<!tpu.dma_semaphore, #tpu.memory_space<semaphore_mem>>) src(%dma_wait3A_222 : memref<100000xf32, #tpu.memory_space<hbm>>) dst(%arg5 : memref<100000xf32, #tpu.memory_space<vmem>>)
    %dma_wait3A_223 = arith.constant 0 : i32
    %dma_wait3A_224 = tpu.memref_slice %arg3[%shift_right_logical3A_210, %dma_wait3A_223] : memref<26x16384xf32, #tpu.memory_space<hbm>> -> memref<1x16384xf32, #tpu.memory_space<hbm>>
    %dma_wait3A_225 = tpu.memref_squeeze %dma_wait3A_224 : memref<1x16384xf32, #tpu.memory_space<hbm>> -> memref<16384xf32, #tpu.memory_space<hbm>>
    %dma_wait3A_226 = arith.constant 0 : i32
    %dma_wait3A_227 = tpu.memref_slice %arg3[%shift_right_logical3A_210, %dma_wait3A_226] : memref<26x16384xf32, #tpu.memory_space<hbm>> -> memref<1x16384xf32, #tpu.memory_space<hbm>>
    %dma_wait3A_228 = tpu.memref_squeeze %dma_wait3A_227 : memref<1x16384xf32, #tpu.memory_space<hbm>> -> memref<16384xf32, #tpu.memory_space<hbm>>
    tpu.wait_dma2 semaphore(%arg8 : memref<!tpu.dma_semaphore, #tpu.memory_space<semaphore_mem>>) src(%dma_wait3A_228 : memref<16384xf32, #tpu.memory_space<hbm>>) dst(%arg6 : memref<16384xf32, #tpu.memory_space<vmem>>)
    %scan3A_229 = arith.constant 0 : i32
    %scan3A_230 = arith.constant 0 : i32
    %scan3A_231 = arith.constant 64 : i32
    %scan3A_232 = arith.addi %scan3A_230, %scan3A_231 : i32
    %scan3A_233 = arith.constant 1 : i32
    scf.for %scan3A_649 = %scan3A_230 to %scan3A_232 step %scan3A_233  : i32 {
      %mul3A_650 = arith.constant 256 : i32
      %mul3A_651 = arith.muli %scan3A_649, %mul3A_650 : i32
      %add3A_652 = arith.constant 0 : i32
      %add3A_653 = arith.addi %mul3A_651, %add3A_652 : i32
      %get3A = arith.index_cast %add3A_653 : i32 to index
      %get3A_654 = tpu.vector_load %arg6[%get3A] {strides = array<i32>} : memref<16384xf32, #tpu.memory_space<vmem>>, vector<16xf32>,
      %bitcast3A = vector.bitcast %get3A_654 : vector<16xf32> to vector<16xi32>
      %gather3A = tpu.vector_load_idx %arg5[%bitcast3A] : memref<100000xf32, #tpu.memory_space<vmem>>[vector<16xi32>], vector<16xf32>,
      %swap3A = arith.index_cast %add3A_653 : i32 to index
      %swap3A_655 = tpu.vector_load %arg6[%swap3A] {strides = array<i32>} : memref<16384xf32, #tpu.memory_space<vmem>>, vector<16xf32>,
      tpu.vector_store %arg6[%swap3A], %gather3A {strides = array<i32>} : memref<16384xf32, #tpu.memory_space<vmem>>, vector<16xf32>,
      %mul3A_656 = arith.constant 256 : i32
      %mul3A_657 = arith.muli %scan3A_649, %mul3A_656 : i32
      %add3A_658 = arith.constant 16 : i32
      %add3A_659 = arith.addi %mul3A_657, %add3A_658 : i32
      %get3A_660 = arith.index_cast %add3A_659 : i32 to index
      %get3A_661 = tpu.vector_load %arg6[%get3A_660] {strides = array<i32>} : memref<16384xf32, #tpu.memory_space<vmem>>, vector<16xf32>,
      %bitcast3A_662 = vector.bitcast %get3A_661 : vector<16xf32> to vector<16xi32>
      %gather3A_663 = tpu.vector_load_idx %arg5[%bitcast3A_662] : memref<100000xf32, #tpu.memory_space<vmem>>[vector<16xi32>], vector<16xf32>,
      %swap3A_664 = arith.index_cast %add3A_659 : i32 to index
      %swap3A_665 = tpu.vector_load %arg6[%swap3A_664] {strides = array<i32>} : memref<16384xf32, #tpu.memory_space<vmem>>, vector<16xf32>,
      tpu.vector_store %arg6[%swap3A_664], %gather3A_663 {strides = array<i32>} : memref<16384xf32, #tpu.memory_space<vmem>>, vector<16xf32>,
      %mul3A_666 = arith.constant 256 : i32
      %mul3A_667 = arith.muli %scan3A_649, %mul3A_666 : i32
      %add3A_668 = arith.constant 32 : i32
      %add3A_669 = arith.addi %mul3A_667, %add3A_668 : i32
      %get3A_670 = arith.index_cast %add3A_669 : i32 to index
      %get3A_671 = tpu.vector_load %arg6[%get3A_670] {strides = array<i32>} : memref<16384xf32, #tpu.memory_space<vmem>>, vector<16xf32>,
      %bitcast3A_672 = vector.bitcast %get3A_671 : vector<16xf32> to vector<16xi32>
      %gather3A_673 = tpu.vector_load_idx %arg5[%bitcast3A_672] : memref<100000xf32, #tpu.memory_space<vmem>>[vector<16xi32>], vector<16xf32>,
      %swap3A_674 = arith.index_cast %add3A_669 : i32 to index
      %swap3A_675 = tpu.vector_load %arg6[%swap3A_674] {strides = array<i32>} : memref<16384xf32, #tpu.memory_space<vmem>>, vector<16xf32>,
      tpu.vector_store %arg6[%swap3A_674], %gather3A_673 {strides = array<i32>} : memref<16384xf32, #tpu.memory_space<vmem>>, vector<16xf32>,
      %mul3A_676 = arith.constant 256 : i32
      %mul3A_677 = arith.muli %scan3A_649, %mul3A_676 : i32
      %add3A_678 = arith.constant 48 : i32
      %add3A_679 = arith.addi %mul3A_677, %add3A_678 : i32
      %get3A_680 = arith.index_cast %add3A_679 : i32 to index
      %get3A_681 = tpu.vector_load %arg6[%get3A_680] {strides = array<i32>} : memref<16384xf32, #tpu.memory_space<vmem>>, vector<16xf32>,
      %bitcast3A_682 = vector.bitcast %get3A_681 : vector<16xf32> to vector<16xi32>
      %gather3A_683 = tpu.vector_load_idx %arg5[%bitcast3A_682] : memref<100000xf32, #tpu.memory_space<vmem>>[vector<16xi32>], vector<16xf32>,
      %swap3A_684 = arith.index_cast %add3A_679 : i32 to index
      %swap3A_685 = tpu.vector_load %arg6[%swap3A_684] {strides = array<i32>} : memref<16384xf32, #tpu.memory_space<vmem>>, vector<16xf32>,
      tpu.vector_store %arg6[%swap3A_684], %gather3A_683 {strides = array<i32>} : memref<16384xf32, #tpu.memory_space<vmem>>, vector<16xf32>,
      %mul3A_686 = arith.constant 256 : i32
      %mul3A_687 = arith.muli %scan3A_649, %mul3A_686 : i32
      %add3A_688 = arith.constant 64 : i32
      %add3A_689 = arith.addi %mul3A_687, %add3A_688 : i32
      %get3A_690 = arith.index_cast %add3A_689 : i32 to index
      %get3A_691 = tpu.vector_load %arg6[%get3A_690] {strides = array<i32>} : memref<16384xf32, #tpu.memory_space<vmem>>, vector<16xf32>,
      %bitcast3A_692 = vector.bitcast %get3A_691 : vector<16xf32> to vector<16xi32>
      %gather3A_693 = tpu.vector_load_idx %arg5[%bitcast3A_692] : memref<100000xf32, #tpu.memory_space<vmem>>[vector<16xi32>], vector<16xf32>,
      %swap3A_694 = arith.index_cast %add3A_689 : i32 to index
      %swap3A_695 = tpu.vector_load %arg6[%swap3A_694] {strides = array<i32>} : memref<16384xf32, #tpu.memory_space<vmem>>, vector<16xf32>,
      tpu.vector_store %arg6[%swap3A_694], %gather3A_693 {strides = array<i32>} : memref<16384xf32, #tpu.memory_space<vmem>>, vector<16xf32>,
      %mul3A_696 = arith.constant 256 : i32
      %mul3A_697 = arith.muli %scan3A_649, %mul3A_696 : i32
      %add3A_698 = arith.constant 80 : i32
      %add3A_699 = arith.addi %mul3A_697, %add3A_698 : i32
      %get3A_700 = arith.index_cast %add3A_699 : i32 to index
      %get3A_701 = tpu.vector_load %arg6[%get3A_700] {strides = array<i32>} : memref<16384xf32, #tpu.memory_space<vmem>>, vector<16xf32>,
      %bitcast3A_702 = vector.bitcast %get3A_701 : vector<16xf32> to vector<16xi32>
      %gather3A_703 = tpu.vector_load_idx %arg5[%bitcast3A_702] : memref<100000xf32, #tpu.memory_space<vmem>>[vector<16xi32>], vector<16xf32>,
      %swap3A_704 = arith.index_cast %add3A_699 : i32 to index
      %swap3A_705 = tpu.vector_load %arg6[%swap3A_704] {strides = array<i32>} : memref<16384xf32, #tpu.memory_space<vmem>>, vector<16xf32>,
      tpu.vector_store %arg6[%swap3A_704], %gather3A_703 {strides = array<i32>} : memref<16384xf32, #tpu.memory_space<vmem>>, vector<16xf32>,
      %mul3A_706 = arith.constant 256 : i32
      %mul3A_707 = arith.muli %scan3A_649, %mul3A_706 : i32
      %add3A_708 = arith.constant 96 : i32
      %add3A_709 = arith.addi %mul3A_707, %add3A_708 : i32
      %get3A_710 = arith.index_cast %add3A_709 : i32 to index
      %get3A_711 = tpu.vector_load %arg6[%get3A_710] {strides = array<i32>} : memref<16384xf32, #tpu.memory_space<vmem>>, vector<16xf32>,
      %bitcast3A_712 = vector.bitcast %get3A_711 : vector<16xf32> to vector<16xi32>
      %gather3A_713 = tpu.vector_load_idx %arg5[%bitcast3A_712] : memref<100000xf32, #tpu.memory_space<vmem>>[vector<16xi32>], vector<16xf32>,
      %swap3A_714 = arith.index_cast %add3A_709 : i32 to index
      %swap3A_715 = tpu.vector_load %arg6[%swap3A_714] {strides = array<i32>} : memref<16384xf32, #tpu.memory_space<vmem>>, vector<16xf32>,
      tpu.vector_store %arg6[%swap3A_714], %gather3A_713 {strides = array<i32>} : memref<16384xf32, #tpu.memory_space<vmem>>, vector<16xf32>,
      %mul3A_716 = arith.constant 256 : i32
      %mul3A_717 = arith.muli %scan3A_649, %mul3A_716 : i32
      %add3A_718 = arith.constant 112 : i32
      %add3A_719 = arith.addi %mul3A_717, %add3A_718 : i32
      %get3A_720 = arith.index_cast %add3A_719 : i32 to index
      %get3A_721 = tpu.vector_load %arg6[%get3A_720] {strides = array<i32>} : memref<16384xf32, #tpu.memory_space<vmem>>, vector<16xf32>,
      %bitcast3A_722 = vector.bitcast %get3A_721 : vector<16xf32> to vector<16xi32>
      %gather3A_723 = tpu.vector_load_idx %arg5[%bitcast3A_722] : memref<100000xf32, #tpu.memory_space<vmem>>[vector<16xi32>], vector<16xf32>,
      %swap3A_724 = arith.index_cast %add3A_719 : i32 to index
      %swap3A_725 = tpu.vector_load %arg6[%swap3A_724] {strides = array<i32>} : memref<16384xf32, #tpu.memory_space<vmem>>, vector<16xf32>,
      tpu.vector_store %arg6[%swap3A_724], %gather3A_723 {strides = array<i32>} : memref<16384xf32, #tpu.memory_space<vmem>>, vector<16xf32>,
      %mul3A_726 = arith.constant 256 : i32
      %mul3A_727 = arith.muli %scan3A_649, %mul3A_726 : i32
      %add3A_728 = arith.constant 128 : i32
      %add3A_729 = arith.addi %mul3A_727, %add3A_728 : i32
      %get3A_730 = arith.index_cast %add3A_729 : i32 to index
      %get3A_731 = tpu.vector_load %arg6[%get3A_730] {strides = array<i32>} : memref<16384xf32, #tpu.memory_space<vmem>>, vector<16xf32>,
      %bitcast3A_732 = vector.bitcast %get3A_731 : vector<16xf32> to vector<16xi32>
      %gather3A_733 = tpu.vector_load_idx %arg5[%bitcast3A_732] : memref<100000xf32, #tpu.memory_space<vmem>>[vector<16xi32>], vector<16xf32>,
      %swap3A_734 = arith.index_cast %add3A_729 : i32 to index
      %swap3A_735 = tpu.vector_load %arg6[%swap3A_734] {strides = array<i32>} : memref<16384xf32, #tpu.memory_space<vmem>>, vector<16xf32>,
      tpu.vector_store %arg6[%swap3A_734], %gather3A_733 {strides = array<i32>} : memref<16384xf32, #tpu.memory_space<vmem>>, vector<16xf32>,
      %mul3A_736 = arith.constant 256 : i32
      %mul3A_737 = arith.muli %scan3A_649, %mul3A_736 : i32
      %add3A_738 = arith.constant 144 : i32
      %add3A_739 = arith.addi %mul3A_737, %add3A_738 : i32
      %get3A_740 = arith.index_cast %add3A_739 : i32 to index
      %get3A_741 = tpu.vector_load %arg6[%get3A_740] {strides = array<i32>} : memref<16384xf32, #tpu.memory_space<vmem>>, vector<16xf32>,
      %bitcast3A_742 = vector.bitcast %get3A_741 : vector<16xf32> to vector<16xi32>
      %gather3A_743 = tpu.vector_load_idx %arg5[%bitcast3A_742] : memref<100000xf32, #tpu.memory_space<vmem>>[vector<16xi32>], vector<16xf32>,
      %swap3A_744 = arith.index_cast %add3A_739 : i32 to index
      %swap3A_745 = tpu.vector_load %arg6[%swap3A_744] {strides = array<i32>} : memref<16384xf32, #tpu.memory_space<vmem>>, vector<16xf32>,
      tpu.vector_store %arg6[%swap3A_744], %gather3A_743 {strides = array<i32>} : memref<16384xf32, #tpu.memory_space<vmem>>, vector<16xf32>,
      %mul3A_746 = arith.constant 256 : i32
      %mul3A_747 = arith.muli %scan3A_649, %mul3A_746 : i32
      %add3A_748 = arith.constant 160 : i32
      %add3A_749 = arith.addi %mul3A_747, %add3A_748 : i32
      %get3A_750 = arith.index_cast %add3A_749 : i32 to index
      %get3A_751 = tpu.vector_load %arg6[%get3A_750] {strides = array<i32>} : memref<16384xf32, #tpu.memory_space<vmem>>, vector<16xf32>,
      %bitcast3A_752 = vector.bitcast %get3A_751 : vector<16xf32> to vector<16xi32>
      %gather3A_753 = tpu.vector_load_idx %arg5[%bitcast3A_752] : memref<100000xf32, #tpu.memory_space<vmem>>[vector<16xi32>], vector<16xf32>,
      %swap3A_754 = arith.index_cast %add3A_749 : i32 to index
      %swap3A_755 = tpu.vector_load %arg6[%swap3A_754] {strides = array<i32>} : memref<16384xf32, #tpu.memory_space<vmem>>, vector<16xf32>,
      tpu.vector_store %arg6[%swap3A_754], %gather3A_753 {strides = array<i32>} : memref<16384xf32, #tpu.memory_space<vmem>>, vector<16xf32>,
      %mul3A_756 = arith.constant 256 : i32
      %mul3A_757 = arith.muli %scan3A_649, %mul3A_756 : i32
      %add3A_758 = arith.constant 176 : i32
      %add3A_759 = arith.addi %mul3A_757, %add3A_758 : i32
      %get3A_760 = arith.index_cast %add3A_759 : i32 to index
      %get3A_761 = tpu.vector_load %arg6[%get3A_760] {strides = array<i32>} : memref<16384xf32, #tpu.memory_space<vmem>>, vector<16xf32>,
      %bitcast3A_762 = vector.bitcast %get3A_761 : vector<16xf32> to vector<16xi32>
      %gather3A_763 = tpu.vector_load_idx %arg5[%bitcast3A_762] : memref<100000xf32, #tpu.memory_space<vmem>>[vector<16xi32>], vector<16xf32>,
      %swap3A_764 = arith.index_cast %add3A_759 : i32 to index
      %swap3A_765 = tpu.vector_load %arg6[%swap3A_764] {strides = array<i32>} : memref<16384xf32, #tpu.memory_space<vmem>>, vector<16xf32>,
      tpu.vector_store %arg6[%swap3A_764], %gather3A_763 {strides = array<i32>} : memref<16384xf32, #tpu.memory_space<vmem>>, vector<16xf32>,
      %mul3A_766 = arith.constant 256 : i32
      %mul3A_767 = arith.muli %scan3A_649, %mul3A_766 : i32
      %add3A_768 = arith.constant 192 : i32
      %add3A_769 = arith.addi %mul3A_767, %add3A_768 : i32
      %get3A_770 = arith.index_cast %add3A_769 : i32 to index
      %get3A_771 = tpu.vector_load %arg6[%get3A_770] {strides = array<i32>} : memref<16384xf32, #tpu.memory_space<vmem>>, vector<16xf32>,
      %bitcast3A_772 = vector.bitcast %get3A_771 : vector<16xf32> to vector<16xi32>
      %gather3A_773 = tpu.vector_load_idx %arg5[%bitcast3A_772] : memref<100000xf32, #tpu.memory_space<vmem>>[vector<16xi32>], vector<16xf32>,
      %swap3A_774 = arith.index_cast %add3A_769 : i32 to index
      %swap3A_775 = tpu.vector_load %arg6[%swap3A_774] {strides = array<i32>} : memref<16384xf32, #tpu.memory_space<vmem>>, vector<16xf32>,
      tpu.vector_store %arg6[%swap3A_774], %gather3A_773 {strides = array<i32>} : memref<16384xf32, #tpu.memory_space<vmem>>, vector<16xf32>,
      %mul3A_776 = arith.constant 256 : i32
      %mul3A_777 = arith.muli %scan3A_649, %mul3A_776 : i32
      %add3A_778 = arith.constant 208 : i32
      %add3A_779 = arith.addi %mul3A_777, %add3A_778 : i32
      %get3A_780 = arith.index_cast %add3A_779 : i32 to index
      %get3A_781 = tpu.vector_load %arg6[%get3A_780] {strides = array<i32>} : memref<16384xf32, #tpu.memory_space<vmem>>, vector<16xf32>,
      %bitcast3A_782 = vector.bitcast %get3A_781 : vector<16xf32> to vector<16xi32>
      %gather3A_783 = tpu.vector_load_idx %arg5[%bitcast3A_782] : memref<100000xf32, #tpu.memory_space<vmem>>[vector<16xi32>], vector<16xf32>,
      %swap3A_784 = arith.index_cast %add3A_779 : i32 to index
      %swap3A_785 = tpu.vector_load %arg6[%swap3A_784] {strides = array<i32>} : memref<16384xf32, #tpu.memory_space<vmem>>, vector<16xf32>,
      tpu.vector_store %arg6[%swap3A_784], %gather3A_783 {strides = array<i32>} : memref<16384xf32, #tpu.memory_space<vmem>>, vector<16xf32>,
      %mul3A_786 = arith.constant 256 : i32
      %mul3A_787 = arith.muli %scan3A_649, %mul3A_786 : i32
      %add3A_788 = arith.constant 224 : i32
      %add3A_789 = arith.addi %mul3A_787, %add3A_788 : i32
      %get3A_790 = arith.index_cast %add3A_789 : i32 to index
      %get3A_791 = tpu.vector_load %arg6[%get3A_790] {strides = array<i32>} : memref<16384xf32, #tpu.memory_space<vmem>>, vector<16xf32>,
      %bitcast3A_792 = vector.bitcast %get3A_791 : vector<16xf32> to vector<16xi32>
      %gather3A_793 = tpu.vector_load_idx %arg5[%bitcast3A_792] : memref<100000xf32, #tpu.memory_space<vmem>>[vector<16xi32>], vector<16xf32>,
      %swap3A_794 = arith.index_cast %add3A_789 : i32 to index
      %swap3A_795 = tpu.vector_load %arg6[%swap3A_794] {strides = array<i32>} : memref<16384xf32, #tpu.memory_space<vmem>>, vector<16xf32>,
      tpu.vector_store %arg6[%swap3A_794], %gather3A_793 {strides = array<i32>} : memref<16384xf32, #tpu.memory_space<vmem>>, vector<16xf32>,
      %mul3A_796 = arith.constant 256 : i32
      %mul3A_797 = arith.muli %scan3A_649, %mul3A_796 : i32
      %add3A_798 = arith.constant 240 : i32
      %add3A_799 = arith.addi %mul3A_797, %add3A_798 : i32
      %get3A_800 = arith.index_cast %add3A_799 : i32 to index
      %get3A_801 = tpu.vector_load %arg6[%get3A_800] {strides = array<i32>} : memref<16384xf32, #tpu.memory_space<vmem>>, vector<16xf32>,
      %bitcast3A_802 = vector.bitcast %get3A_801 : vector<16xf32> to vector<16xi32>
      %gather3A_803 = tpu.vector_load_idx %arg5[%bitcast3A_802] : memref<100000xf32, #tpu.memory_space<vmem>>[vector<16xi32>], vector<16xf32>,
      %swap3A_804 = arith.index_cast %add3A_799 : i32 to index
      %swap3A_805 = tpu.vector_load %arg6[%swap3A_804] {strides = array<i32>} : memref<16384xf32, #tpu.memory_space<vmem>>, vector<16xf32>,
      tpu.vector_store %arg6[%swap3A_804], %gather3A_803 {strides = array<i32>} : memref<16384xf32, #tpu.memory_space<vmem>>, vector<16xf32>,
    }
    %scan3A_234 = arith.constant 64 : i32
    %add3A_235 = arith.constant 5 : i32
    %add3A_236 = arith.addi %mul3A_2, %add3A_235 : i32
    %dma_start3A_237 = arith.constant 0 : i32
    %dma_start3A_238 = tpu.memref_slice %arg2[%add3A_236, %dma_start3A_237] : memref<416x100000xf32, #tpu.memory_space<hbm>> -> memref<1x100000xf32, #tpu.memory_space<hbm>>
    %dma_start3A_239 = tpu.memref_squeeze %dma_start3A_238 : memref<1x100000xf32, #tpu.memory_space<hbm>> -> memref<100000xf32, #tpu.memory_space<hbm>>
    %dma_start3A_240 = arith.constant 0 : i32
    %dma_start3A_241 = tpu.memref_slice %arg2[%add3A_236, %dma_start3A_240] : memref<416x100000xf32, #tpu.memory_space<hbm>> -> memref<1x100000xf32, #tpu.memory_space<hbm>>
    %dma_start3A_242 = tpu.memref_squeeze %dma_start3A_241 : memref<1x100000xf32, #tpu.memory_space<hbm>> -> memref<100000xf32, #tpu.memory_space<hbm>>
    tpu.enqueue_dma source(%dma_start3A_242 : memref<100000xf32, #tpu.memory_space<hbm>>) target(%arg5 : memref<100000xf32, #tpu.memory_space<vmem>>) target_semaphore(%arg7 : memref<!tpu.dma_semaphore, #tpu.memory_space<semaphore_mem>>)
    %add3A_243 = arith.constant 4 : i32
    %add3A_244 = arith.addi %mul3A_2, %add3A_243 : i32
    %dma_start3A_245 = arith.constant 0 : i32
    %dma_start3A_246 = tpu.memref_slice %arg4[%add3A_244, %dma_start3A_245] : memref<416x16384xf32, #tpu.memory_space<hbm>> -> memref<1x16384xf32, #tpu.memory_space<hbm>>
    %dma_start3A_247 = tpu.memref_squeeze %dma_start3A_246 : memref<1x16384xf32, #tpu.memory_space<hbm>> -> memref<16384xf32, #tpu.memory_space<hbm>>
    %dma_start3A_248 = arith.constant 0 : i32
    %dma_start3A_249 = tpu.memref_slice %arg4[%add3A_244, %dma_start3A_248] : memref<416x16384xf32, #tpu.memory_space<hbm>> -> memref<1x16384xf32, #tpu.memory_space<hbm>>
    %dma_start3A_250 = tpu.memref_squeeze %dma_start3A_249 : memref<1x16384xf32, #tpu.memory_space<hbm>> -> memref<16384xf32, #tpu.memory_space<hbm>>
    tpu.enqueue_dma source(%arg6 : memref<16384xf32, #tpu.memory_space<vmem>>) target(%dma_start3A_250 : memref<16384xf32, #tpu.memory_space<hbm>>) target_semaphore(%arg9 : memref<!tpu.dma_semaphore, #tpu.memory_space<semaphore_mem>>)
    %dma_wait3A_251 = arith.constant 0 : i32
    %dma_wait3A_252 = tpu.memref_slice %arg4[%add3A_244, %dma_wait3A_251] : memref<416x16384xf32, #tpu.memory_space<hbm>> -> memref<1x16384xf32, #tpu.memory_space<hbm>>
    %dma_wait3A_253 = tpu.memref_squeeze %dma_wait3A_252 : memref<1x16384xf32, #tpu.memory_space<hbm>> -> memref<16384xf32, #tpu.memory_space<hbm>>
    %dma_wait3A_254 = arith.constant 0 : i32
    %dma_wait3A_255 = tpu.memref_slice %arg4[%add3A_244, %dma_wait3A_254] : memref<416x16384xf32, #tpu.memory_space<hbm>> -> memref<1x16384xf32, #tpu.memory_space<hbm>>
    %dma_wait3A_256 = tpu.memref_squeeze %dma_wait3A_255 : memref<1x16384xf32, #tpu.memory_space<hbm>> -> memref<16384xf32, #tpu.memory_space<hbm>>
    tpu.wait_dma2 semaphore(%arg9 : memref<!tpu.dma_semaphore, #tpu.memory_space<semaphore_mem>>) src(%arg6 : memref<16384xf32, #tpu.memory_space<vmem>>) dst(%dma_wait3A_256 : memref<16384xf32, #tpu.memory_space<hbm>>)
    %add3A_257 = arith.constant 5 : i32
    %add3A_258 = arith.addi %mul3A_2, %add3A_257 : i32
    %shift_right_logical3A_259 = arith.constant 4 : i32
    %shift_right_logical3A_260 = arith.shrui %add3A_258, %shift_right_logical3A_259 : i32
    %dma_start3A_261 = arith.constant 0 : i32
    %dma_start3A_262 = tpu.memref_slice %arg3[%shift_right_logical3A_260, %dma_start3A_261] : memref<26x16384xf32, #tpu.memory_space<hbm>> -> memref<1x16384xf32, #tpu.memory_space<hbm>>
    %dma_start3A_263 = tpu.memref_squeeze %dma_start3A_262 : memref<1x16384xf32, #tpu.memory_space<hbm>> -> memref<16384xf32, #tpu.memory_space<hbm>>
    %dma_start3A_264 = arith.constant 0 : i32
    %dma_start3A_265 = tpu.memref_slice %arg3[%shift_right_logical3A_260, %dma_start3A_264] : memref<26x16384xf32, #tpu.memory_space<hbm>> -> memref<1x16384xf32, #tpu.memory_space<hbm>>
    %dma_start3A_266 = tpu.memref_squeeze %dma_start3A_265 : memref<1x16384xf32, #tpu.memory_space<hbm>> -> memref<16384xf32, #tpu.memory_space<hbm>>
    tpu.enqueue_dma source(%dma_start3A_266 : memref<16384xf32, #tpu.memory_space<hbm>>) target(%arg6 : memref<16384xf32, #tpu.memory_space<vmem>>) target_semaphore(%arg8 : memref<!tpu.dma_semaphore, #tpu.memory_space<semaphore_mem>>)
    %dma_wait3A_267 = arith.constant 0 : i32
    %dma_wait3A_268 = tpu.memref_slice %arg2[%add3A_236, %dma_wait3A_267] : memref<416x100000xf32, #tpu.memory_space<hbm>> -> memref<1x100000xf32, #tpu.memory_space<hbm>>
    %dma_wait3A_269 = tpu.memref_squeeze %dma_wait3A_268 : memref<1x100000xf32, #tpu.memory_space<hbm>> -> memref<100000xf32, #tpu.memory_space<hbm>>
    %dma_wait3A_270 = arith.constant 0 : i32
    %dma_wait3A_271 = tpu.memref_slice %arg2[%add3A_236, %dma_wait3A_270] : memref<416x100000xf32, #tpu.memory_space<hbm>> -> memref<1x100000xf32, #tpu.memory_space<hbm>>
    %dma_wait3A_272 = tpu.memref_squeeze %dma_wait3A_271 : memref<1x100000xf32, #tpu.memory_space<hbm>> -> memref<100000xf32, #tpu.memory_space<hbm>>
    tpu.wait_dma2 semaphore(%arg7 : memref<!tpu.dma_semaphore, #tpu.memory_space<semaphore_mem>>) src(%dma_wait3A_272 : memref<100000xf32, #tpu.memory_space<hbm>>) dst(%arg5 : memref<100000xf32, #tpu.memory_space<vmem>>)
    %dma_wait3A_273 = arith.constant 0 : i32
    %dma_wait3A_274 = tpu.memref_slice %arg3[%shift_right_logical3A_260, %dma_wait3A_273] : memref<26x16384xf32, #tpu.memory_space<hbm>> -> memref<1x16384xf32, #tpu.memory_space<hbm>>
    %dma_wait3A_275 = tpu.memref_squeeze %dma_wait3A_274 : memref<1x16384xf32, #tpu.memory_space<hbm>> -> memref<16384xf32, #tpu.memory_space<hbm>>
    %dma_wait3A_276 = arith.constant 0 : i32
    %dma_wait3A_277 = tpu.memref_slice %arg3[%shift_right_logical3A_260, %dma_wait3A_276] : memref<26x16384xf32, #tpu.memory_space<hbm>> -> memref<1x16384xf32, #tpu.memory_space<hbm>>
    %dma_wait3A_278 = tpu.memref_squeeze %dma_wait3A_277 : memref<1x16384xf32, #tpu.memory_space<hbm>> -> memref<16384xf32, #tpu.memory_space<hbm>>
    tpu.wait_dma2 semaphore(%arg8 : memref<!tpu.dma_semaphore, #tpu.memory_space<semaphore_mem>>) src(%dma_wait3A_278 : memref<16384xf32, #tpu.memory_space<hbm>>) dst(%arg6 : memref<16384xf32, #tpu.memory_space<vmem>>)
    %scan3A_279 = arith.constant 0 : i32
    %scan3A_280 = arith.constant 0 : i32
    %scan3A_281 = arith.constant 64 : i32
    %scan3A_282 = arith.addi %scan3A_280, %scan3A_281 : i32
    %scan3A_283 = arith.constant 1 : i32
    scf.for %scan3A_649 = %scan3A_280 to %scan3A_282 step %scan3A_283  : i32 {
      %mul3A_650 = arith.constant 256 : i32
      %mul3A_651 = arith.muli %scan3A_649, %mul3A_650 : i32
      %add3A_652 = arith.constant 0 : i32
      %add3A_653 = arith.addi %mul3A_651, %add3A_652 : i32
      %get3A = arith.index_cast %add3A_653 : i32 to index
      %get3A_654 = tpu.vector_load %arg6[%get3A] {strides = array<i32>} : memref<16384xf32, #tpu.memory_space<vmem>>, vector<16xf32>,
      %bitcast3A = vector.bitcast %get3A_654 : vector<16xf32> to vector<16xi32>
      %gather3A = tpu.vector_load_idx %arg5[%bitcast3A] : memref<100000xf32, #tpu.memory_space<vmem>>[vector<16xi32>], vector<16xf32>,
      %swap3A = arith.index_cast %add3A_653 : i32 to index
      %swap3A_655 = tpu.vector_load %arg6[%swap3A] {strides = array<i32>} : memref<16384xf32, #tpu.memory_space<vmem>>, vector<16xf32>,
      tpu.vector_store %arg6[%swap3A], %gather3A {strides = array<i32>} : memref<16384xf32, #tpu.memory_space<vmem>>, vector<16xf32>,
      %mul3A_656 = arith.constant 256 : i32
      %mul3A_657 = arith.muli %scan3A_649, %mul3A_656 : i32
      %add3A_658 = arith.constant 16 : i32
      %add3A_659 = arith.addi %mul3A_657, %add3A_658 : i32
      %get3A_660 = arith.index_cast %add3A_659 : i32 to index
      %get3A_661 = tpu.vector_load %arg6[%get3A_660] {strides = array<i32>} : memref<16384xf32, #tpu.memory_space<vmem>>, vector<16xf32>,
      %bitcast3A_662 = vector.bitcast %get3A_661 : vector<16xf32> to vector<16xi32>
      %gather3A_663 = tpu.vector_load_idx %arg5[%bitcast3A_662] : memref<100000xf32, #tpu.memory_space<vmem>>[vector<16xi32>], vector<16xf32>,
      %swap3A_664 = arith.index_cast %add3A_659 : i32 to index
      %swap3A_665 = tpu.vector_load %arg6[%swap3A_664] {strides = array<i32>} : memref<16384xf32, #tpu.memory_space<vmem>>, vector<16xf32>,
      tpu.vector_store %arg6[%swap3A_664], %gather3A_663 {strides = array<i32>} : memref<16384xf32, #tpu.memory_space<vmem>>, vector<16xf32>,
      %mul3A_666 = arith.constant 256 : i32
      %mul3A_667 = arith.muli %scan3A_649, %mul3A_666 : i32
      %add3A_668 = arith.constant 32 : i32
      %add3A_669 = arith.addi %mul3A_667, %add3A_668 : i32
      %get3A_670 = arith.index_cast %add3A_669 : i32 to index
      %get3A_671 = tpu.vector_load %arg6[%get3A_670] {strides = array<i32>} : memref<16384xf32, #tpu.memory_space<vmem>>, vector<16xf32>,
      %bitcast3A_672 = vector.bitcast %get3A_671 : vector<16xf32> to vector<16xi32>
      %gather3A_673 = tpu.vector_load_idx %arg5[%bitcast3A_672] : memref<100000xf32, #tpu.memory_space<vmem>>[vector<16xi32>], vector<16xf32>,
      %swap3A_674 = arith.index_cast %add3A_669 : i32 to index
      %swap3A_675 = tpu.vector_load %arg6[%swap3A_674] {strides = array<i32>} : memref<16384xf32, #tpu.memory_space<vmem>>, vector<16xf32>,
      tpu.vector_store %arg6[%swap3A_674], %gather3A_673 {strides = array<i32>} : memref<16384xf32, #tpu.memory_space<vmem>>, vector<16xf32>,
      %mul3A_676 = arith.constant 256 : i32
      %mul3A_677 = arith.muli %scan3A_649, %mul3A_676 : i32
      %add3A_678 = arith.constant 48 : i32
      %add3A_679 = arith.addi %mul3A_677, %add3A_678 : i32
      %get3A_680 = arith.index_cast %add3A_679 : i32 to index
      %get3A_681 = tpu.vector_load %arg6[%get3A_680] {strides = array<i32>} : memref<16384xf32, #tpu.memory_space<vmem>>, vector<16xf32>,
      %bitcast3A_682 = vector.bitcast %get3A_681 : vector<16xf32> to vector<16xi32>
      %gather3A_683 = tpu.vector_load_idx %arg5[%bitcast3A_682] : memref<100000xf32, #tpu.memory_space<vmem>>[vector<16xi32>], vector<16xf32>,
      %swap3A_684 = arith.index_cast %add3A_679 : i32 to index
      %swap3A_685 = tpu.vector_load %arg6[%swap3A_684] {strides = array<i32>} : memref<16384xf32, #tpu.memory_space<vmem>>, vector<16xf32>,
      tpu.vector_store %arg6[%swap3A_684], %gather3A_683 {strides = array<i32>} : memref<16384xf32, #tpu.memory_space<vmem>>, vector<16xf32>,
      %mul3A_686 = arith.constant 256 : i32
      %mul3A_687 = arith.muli %scan3A_649, %mul3A_686 : i32
      %add3A_688 = arith.constant 64 : i32
      %add3A_689 = arith.addi %mul3A_687, %add3A_688 : i32
      %get3A_690 = arith.index_cast %add3A_689 : i32 to index
      %get3A_691 = tpu.vector_load %arg6[%get3A_690] {strides = array<i32>} : memref<16384xf32, #tpu.memory_space<vmem>>, vector<16xf32>,
      %bitcast3A_692 = vector.bitcast %get3A_691 : vector<16xf32> to vector<16xi32>
      %gather3A_693 = tpu.vector_load_idx %arg5[%bitcast3A_692] : memref<100000xf32, #tpu.memory_space<vmem>>[vector<16xi32>], vector<16xf32>,
      %swap3A_694 = arith.index_cast %add3A_689 : i32 to index
      %swap3A_695 = tpu.vector_load %arg6[%swap3A_694] {strides = array<i32>} : memref<16384xf32, #tpu.memory_space<vmem>>, vector<16xf32>,
      tpu.vector_store %arg6[%swap3A_694], %gather3A_693 {strides = array<i32>} : memref<16384xf32, #tpu.memory_space<vmem>>, vector<16xf32>,
      %mul3A_696 = arith.constant 256 : i32
      %mul3A_697 = arith.muli %scan3A_649, %mul3A_696 : i32
      %add3A_698 = arith.constant 80 : i32
      %add3A_699 = arith.addi %mul3A_697, %add3A_698 : i32
      %get3A_700 = arith.index_cast %add3A_699 : i32 to index
      %get3A_701 = tpu.vector_load %arg6[%get3A_700] {strides = array<i32>} : memref<16384xf32, #tpu.memory_space<vmem>>, vector<16xf32>,
      %bitcast3A_702 = vector.bitcast %get3A_701 : vector<16xf32> to vector<16xi32>
      %gather3A_703 = tpu.vector_load_idx %arg5[%bitcast3A_702] : memref<100000xf32, #tpu.memory_space<vmem>>[vector<16xi32>], vector<16xf32>,
      %swap3A_704 = arith.index_cast %add3A_699 : i32 to index
      %swap3A_705 = tpu.vector_load %arg6[%swap3A_704] {strides = array<i32>} : memref<16384xf32, #tpu.memory_space<vmem>>, vector<16xf32>,
      tpu.vector_store %arg6[%swap3A_704], %gather3A_703 {strides = array<i32>} : memref<16384xf32, #tpu.memory_space<vmem>>, vector<16xf32>,
      %mul3A_706 = arith.constant 256 : i32
      %mul3A_707 = arith.muli %scan3A_649, %mul3A_706 : i32
      %add3A_708 = arith.constant 96 : i32
      %add3A_709 = arith.addi %mul3A_707, %add3A_708 : i32
      %get3A_710 = arith.index_cast %add3A_709 : i32 to index
      %get3A_711 = tpu.vector_load %arg6[%get3A_710] {strides = array<i32>} : memref<16384xf32, #tpu.memory_space<vmem>>, vector<16xf32>,
      %bitcast3A_712 = vector.bitcast %get3A_711 : vector<16xf32> to vector<16xi32>
      %gather3A_713 = tpu.vector_load_idx %arg5[%bitcast3A_712] : memref<100000xf32, #tpu.memory_space<vmem>>[vector<16xi32>], vector<16xf32>,
      %swap3A_714 = arith.index_cast %add3A_709 : i32 to index
      %swap3A_715 = tpu.vector_load %arg6[%swap3A_714] {strides = array<i32>} : memref<16384xf32, #tpu.memory_space<vmem>>, vector<16xf32>,
      tpu.vector_store %arg6[%swap3A_714], %gather3A_713 {strides = array<i32>} : memref<16384xf32, #tpu.memory_space<vmem>>, vector<16xf32>,
      %mul3A_716 = arith.constant 256 : i32
      %mul3A_717 = arith.muli %scan3A_649, %mul3A_716 : i32
      %add3A_718 = arith.constant 112 : i32
      %add3A_719 = arith.addi %mul3A_717, %add3A_718 : i32
      %get3A_720 = arith.index_cast %add3A_719 : i32 to index
      %get3A_721 = tpu.vector_load %arg6[%get3A_720] {strides = array<i32>} : memref<16384xf32, #tpu.memory_space<vmem>>, vector<16xf32>,
      %bitcast3A_722 = vector.bitcast %get3A_721 : vector<16xf32> to vector<16xi32>
      %gather3A_723 = tpu.vector_load_idx %arg5[%bitcast3A_722] : memref<100000xf32, #tpu.memory_space<vmem>>[vector<16xi32>], vector<16xf32>,
      %swap3A_724 = arith.index_cast %add3A_719 : i32 to index
      %swap3A_725 = tpu.vector_load %arg6[%swap3A_724] {strides = array<i32>} : memref<16384xf32, #tpu.memory_space<vmem>>, vector<16xf32>,
      tpu.vector_store %arg6[%swap3A_724], %gather3A_723 {strides = array<i32>} : memref<16384xf32, #tpu.memory_space<vmem>>, vector<16xf32>,
      %mul3A_726 = arith.constant 256 : i32
      %mul3A_727 = arith.muli %scan3A_649, %mul3A_726 : i32
      %add3A_728 = arith.constant 128 : i32
      %add3A_729 = arith.addi %mul3A_727, %add3A_728 : i32
      %get3A_730 = arith.index_cast %add3A_729 : i32 to index
      %get3A_731 = tpu.vector_load %arg6[%get3A_730] {strides = array<i32>} : memref<16384xf32, #tpu.memory_space<vmem>>, vector<16xf32>,
      %bitcast3A_732 = vector.bitcast %get3A_731 : vector<16xf32> to vector<16xi32>
      %gather3A_733 = tpu.vector_load_idx %arg5[%bitcast3A_732] : memref<100000xf32, #tpu.memory_space<vmem>>[vector<16xi32>], vector<16xf32>,
      %swap3A_734 = arith.index_cast %add3A_729 : i32 to index
      %swap3A_735 = tpu.vector_load %arg6[%swap3A_734] {strides = array<i32>} : memref<16384xf32, #tpu.memory_space<vmem>>, vector<16xf32>,
      tpu.vector_store %arg6[%swap3A_734], %gather3A_733 {strides = array<i32>} : memref<16384xf32, #tpu.memory_space<vmem>>, vector<16xf32>,
      %mul3A_736 = arith.constant 256 : i32
      %mul3A_737 = arith.muli %scan3A_649, %mul3A_736 : i32
      %add3A_738 = arith.constant 144 : i32
      %add3A_739 = arith.addi %mul3A_737, %add3A_738 : i32
      %get3A_740 = arith.index_cast %add3A_739 : i32 to index
      %get3A_741 = tpu.vector_load %arg6[%get3A_740] {strides = array<i32>} : memref<16384xf32, #tpu.memory_space<vmem>>, vector<16xf32>,
      %bitcast3A_742 = vector.bitcast %get3A_741 : vector<16xf32> to vector<16xi32>
      %gather3A_743 = tpu.vector_load_idx %arg5[%bitcast3A_742] : memref<100000xf32, #tpu.memory_space<vmem>>[vector<16xi32>], vector<16xf32>,
      %swap3A_744 = arith.index_cast %add3A_739 : i32 to index
      %swap3A_745 = tpu.vector_load %arg6[%swap3A_744] {strides = array<i32>} : memref<16384xf32, #tpu.memory_space<vmem>>, vector<16xf32>,
      tpu.vector_store %arg6[%swap3A_744], %gather3A_743 {strides = array<i32>} : memref<16384xf32, #tpu.memory_space<vmem>>, vector<16xf32>,
      %mul3A_746 = arith.constant 256 : i32
      %mul3A_747 = arith.muli %scan3A_649, %mul3A_746 : i32
      %add3A_748 = arith.constant 160 : i32
      %add3A_749 = arith.addi %mul3A_747, %add3A_748 : i32
      %get3A_750 = arith.index_cast %add3A_749 : i32 to index
      %get3A_751 = tpu.vector_load %arg6[%get3A_750] {strides = array<i32>} : memref<16384xf32, #tpu.memory_space<vmem>>, vector<16xf32>,
      %bitcast3A_752 = vector.bitcast %get3A_751 : vector<16xf32> to vector<16xi32>
      %gather3A_753 = tpu.vector_load_idx %arg5[%bitcast3A_752] : memref<100000xf32, #tpu.memory_space<vmem>>[vector<16xi32>], vector<16xf32>,
      %swap3A_754 = arith.index_cast %add3A_749 : i32 to index
      %swap3A_755 = tpu.vector_load %arg6[%swap3A_754] {strides = array<i32>} : memref<16384xf32, #tpu.memory_space<vmem>>, vector<16xf32>,
      tpu.vector_store %arg6[%swap3A_754], %gather3A_753 {strides = array<i32>} : memref<16384xf32, #tpu.memory_space<vmem>>, vector<16xf32>,
      %mul3A_756 = arith.constant 256 : i32
      %mul3A_757 = arith.muli %scan3A_649, %mul3A_756 : i32
      %add3A_758 = arith.constant 176 : i32
      %add3A_759 = arith.addi %mul3A_757, %add3A_758 : i32
      %get3A_760 = arith.index_cast %add3A_759 : i32 to index
      %get3A_761 = tpu.vector_load %arg6[%get3A_760] {strides = array<i32>} : memref<16384xf32, #tpu.memory_space<vmem>>, vector<16xf32>,
      %bitcast3A_762 = vector.bitcast %get3A_761 : vector<16xf32> to vector<16xi32>
      %gather3A_763 = tpu.vector_load_idx %arg5[%bitcast3A_762] : memref<100000xf32, #tpu.memory_space<vmem>>[vector<16xi32>], vector<16xf32>,
      %swap3A_764 = arith.index_cast %add3A_759 : i32 to index
      %swap3A_765 = tpu.vector_load %arg6[%swap3A_764] {strides = array<i32>} : memref<16384xf32, #tpu.memory_space<vmem>>, vector<16xf32>,
      tpu.vector_store %arg6[%swap3A_764], %gather3A_763 {strides = array<i32>} : memref<16384xf32, #tpu.memory_space<vmem>>, vector<16xf32>,
      %mul3A_766 = arith.constant 256 : i32
      %mul3A_767 = arith.muli %scan3A_649, %mul3A_766 : i32
      %add3A_768 = arith.constant 192 : i32
      %add3A_769 = arith.addi %mul3A_767, %add3A_768 : i32
      %get3A_770 = arith.index_cast %add3A_769 : i32 to index
      %get3A_771 = tpu.vector_load %arg6[%get3A_770] {strides = array<i32>} : memref<16384xf32, #tpu.memory_space<vmem>>, vector<16xf32>,
      %bitcast3A_772 = vector.bitcast %get3A_771 : vector<16xf32> to vector<16xi32>
      %gather3A_773 = tpu.vector_load_idx %arg5[%bitcast3A_772] : memref<100000xf32, #tpu.memory_space<vmem>>[vector<16xi32>], vector<16xf32>,
      %swap3A_774 = arith.index_cast %add3A_769 : i32 to index
      %swap3A_775 = tpu.vector_load %arg6[%swap3A_774] {strides = array<i32>} : memref<16384xf32, #tpu.memory_space<vmem>>, vector<16xf32>,
      tpu.vector_store %arg6[%swap3A_774], %gather3A_773 {strides = array<i32>} : memref<16384xf32, #tpu.memory_space<vmem>>, vector<16xf32>,
      %mul3A_776 = arith.constant 256 : i32
      %mul3A_777 = arith.muli %scan3A_649, %mul3A_776 : i32
      %add3A_778 = arith.constant 208 : i32
      %add3A_779 = arith.addi %mul3A_777, %add3A_778 : i32
      %get3A_780 = arith.index_cast %add3A_779 : i32 to index
      %get3A_781 = tpu.vector_load %arg6[%get3A_780] {strides = array<i32>} : memref<16384xf32, #tpu.memory_space<vmem>>, vector<16xf32>,
      %bitcast3A_782 = vector.bitcast %get3A_781 : vector<16xf32> to vector<16xi32>
      %gather3A_783 = tpu.vector_load_idx %arg5[%bitcast3A_782] : memref<100000xf32, #tpu.memory_space<vmem>>[vector<16xi32>], vector<16xf32>,
      %swap3A_784 = arith.index_cast %add3A_779 : i32 to index
      %swap3A_785 = tpu.vector_load %arg6[%swap3A_784] {strides = array<i32>} : memref<16384xf32, #tpu.memory_space<vmem>>, vector<16xf32>,
      tpu.vector_store %arg6[%swap3A_784], %gather3A_783 {strides = array<i32>} : memref<16384xf32, #tpu.memory_space<vmem>>, vector<16xf32>,
      %mul3A_786 = arith.constant 256 : i32
      %mul3A_787 = arith.muli %scan3A_649, %mul3A_786 : i32
      %add3A_788 = arith.constant 224 : i32
      %add3A_789 = arith.addi %mul3A_787, %add3A_788 : i32
      %get3A_790 = arith.index_cast %add3A_789 : i32 to index
      %get3A_791 = tpu.vector_load %arg6[%get3A_790] {strides = array<i32>} : memref<16384xf32, #tpu.memory_space<vmem>>, vector<16xf32>,
      %bitcast3A_792 = vector.bitcast %get3A_791 : vector<16xf32> to vector<16xi32>
      %gather3A_793 = tpu.vector_load_idx %arg5[%bitcast3A_792] : memref<100000xf32, #tpu.memory_space<vmem>>[vector<16xi32>], vector<16xf32>,
      %swap3A_794 = arith.index_cast %add3A_789 : i32 to index
      %swap3A_795 = tpu.vector_load %arg6[%swap3A_794] {strides = array<i32>} : memref<16384xf32, #tpu.memory_space<vmem>>, vector<16xf32>,
      tpu.vector_store %arg6[%swap3A_794], %gather3A_793 {strides = array<i32>} : memref<16384xf32, #tpu.memory_space<vmem>>, vector<16xf32>,
      %mul3A_796 = arith.constant 256 : i32
      %mul3A_797 = arith.muli %scan3A_649, %mul3A_796 : i32
      %add3A_798 = arith.constant 240 : i32
      %add3A_799 = arith.addi %mul3A_797, %add3A_798 : i32
      %get3A_800 = arith.index_cast %add3A_799 : i32 to index
      %get3A_801 = tpu.vector_load %arg6[%get3A_800] {strides = array<i32>} : memref<16384xf32, #tpu.memory_space<vmem>>, vector<16xf32>,
      %bitcast3A_802 = vector.bitcast %get3A_801 : vector<16xf32> to vector<16xi32>
      %gather3A_803 = tpu.vector_load_idx %arg5[%bitcast3A_802] : memref<100000xf32, #tpu.memory_space<vmem>>[vector<16xi32>], vector<16xf32>,
      %swap3A_804 = arith.index_cast %add3A_799 : i32 to index
      %swap3A_805 = tpu.vector_load %arg6[%swap3A_804] {strides = array<i32>} : memref<16384xf32, #tpu.memory_space<vmem>>, vector<16xf32>,
      tpu.vector_store %arg6[%swap3A_804], %gather3A_803 {strides = array<i32>} : memref<16384xf32, #tpu.memory_space<vmem>>, vector<16xf32>,
    }
    %scan3A_284 = arith.constant 64 : i32
    %add3A_285 = arith.constant 6 : i32
    %add3A_286 = arith.addi %mul3A_2, %add3A_285 : i32
    %dma_start3A_287 = arith.constant 0 : i32
    %dma_start3A_288 = tpu.memref_slice %arg2[%add3A_286, %dma_start3A_287] : memref<416x100000xf32, #tpu.memory_space<hbm>> -> memref<1x100000xf32, #tpu.memory_space<hbm>>
    %dma_start3A_289 = tpu.memref_squeeze %dma_start3A_288 : memref<1x100000xf32, #tpu.memory_space<hbm>> -> memref<100000xf32, #tpu.memory_space<hbm>>
    %dma_start3A_290 = arith.constant 0 : i32
    %dma_start3A_291 = tpu.memref_slice %arg2[%add3A_286, %dma_start3A_290] : memref<416x100000xf32, #tpu.memory_space<hbm>> -> memref<1x100000xf32, #tpu.memory_space<hbm>>
    %dma_start3A_292 = tpu.memref_squeeze %dma_start3A_291 : memref<1x100000xf32, #tpu.memory_space<hbm>> -> memref<100000xf32, #tpu.memory_space<hbm>>
    tpu.enqueue_dma source(%dma_start3A_292 : memref<100000xf32, #tpu.memory_space<hbm>>) target(%arg5 : memref<100000xf32, #tpu.memory_space<vmem>>) target_semaphore(%arg7 : memref<!tpu.dma_semaphore, #tpu.memory_space<semaphore_mem>>)
    %add3A_293 = arith.constant 5 : i32
    %add3A_294 = arith.addi %mul3A_2, %add3A_293 : i32
    %dma_start3A_295 = arith.constant 0 : i32
    %dma_start3A_296 = tpu.memref_slice %arg4[%add3A_294, %dma_start3A_295] : memref<416x16384xf32, #tpu.memory_space<hbm>> -> memref<1x16384xf32, #tpu.memory_space<hbm>>
    %dma_start3A_297 = tpu.memref_squeeze %dma_start3A_296 : memref<1x16384xf32, #tpu.memory_space<hbm>> -> memref<16384xf32, #tpu.memory_space<hbm>>
    %dma_start3A_298 = arith.constant 0 : i32
    %dma_start3A_299 = tpu.memref_slice %arg4[%add3A_294, %dma_start3A_298] : memref<416x16384xf32, #tpu.memory_space<hbm>> -> memref<1x16384xf32, #tpu.memory_space<hbm>>
    %dma_start3A_300 = tpu.memref_squeeze %dma_start3A_299 : memref<1x16384xf32, #tpu.memory_space<hbm>> -> memref<16384xf32, #tpu.memory_space<hbm>>
    tpu.enqueue_dma source(%arg6 : memref<16384xf32, #tpu.memory_space<vmem>>) target(%dma_start3A_300 : memref<16384xf32, #tpu.memory_space<hbm>>) target_semaphore(%arg9 : memref<!tpu.dma_semaphore, #tpu.memory_space<semaphore_mem>>)
    %dma_wait3A_301 = arith.constant 0 : i32
    %dma_wait3A_302 = tpu.memref_slice %arg4[%add3A_294, %dma_wait3A_301] : memref<416x16384xf32, #tpu.memory_space<hbm>> -> memref<1x16384xf32, #tpu.memory_space<hbm>>
    %dma_wait3A_303 = tpu.memref_squeeze %dma_wait3A_302 : memref<1x16384xf32, #tpu.memory_space<hbm>> -> memref<16384xf32, #tpu.memory_space<hbm>>
    %dma_wait3A_304 = arith.constant 0 : i32
    %dma_wait3A_305 = tpu.memref_slice %arg4[%add3A_294, %dma_wait3A_304] : memref<416x16384xf32, #tpu.memory_space<hbm>> -> memref<1x16384xf32, #tpu.memory_space<hbm>>
    %dma_wait3A_306 = tpu.memref_squeeze %dma_wait3A_305 : memref<1x16384xf32, #tpu.memory_space<hbm>> -> memref<16384xf32, #tpu.memory_space<hbm>>
    tpu.wait_dma2 semaphore(%arg9 : memref<!tpu.dma_semaphore, #tpu.memory_space<semaphore_mem>>) src(%arg6 : memref<16384xf32, #tpu.memory_space<vmem>>) dst(%dma_wait3A_306 : memref<16384xf32, #tpu.memory_space<hbm>>)
    %add3A_307 = arith.constant 6 : i32
    %add3A_308 = arith.addi %mul3A_2, %add3A_307 : i32
    %shift_right_logical3A_309 = arith.constant 4 : i32
    %shift_right_logical3A_310 = arith.shrui %add3A_308, %shift_right_logical3A_309 : i32
    %dma_start3A_311 = arith.constant 0 : i32
    %dma_start3A_312 = tpu.memref_slice %arg3[%shift_right_logical3A_310, %dma_start3A_311] : memref<26x16384xf32, #tpu.memory_space<hbm>> -> memref<1x16384xf32, #tpu.memory_space<hbm>>
    %dma_start3A_313 = tpu.memref_squeeze %dma_start3A_312 : memref<1x16384xf32, #tpu.memory_space<hbm>> -> memref<16384xf32, #tpu.memory_space<hbm>>
    %dma_start3A_314 = arith.constant 0 : i32
    %dma_start3A_315 = tpu.memref_slice %arg3[%shift_right_logical3A_310, %dma_start3A_314] : memref<26x16384xf32, #tpu.memory_space<hbm>> -> memref<1x16384xf32, #tpu.memory_space<hbm>>
    %dma_start3A_316 = tpu.memref_squeeze %dma_start3A_315 : memref<1x16384xf32, #tpu.memory_space<hbm>> -> memref<16384xf32, #tpu.memory_space<hbm>>
    tpu.enqueue_dma source(%dma_start3A_316 : memref<16384xf32, #tpu.memory_space<hbm>>) target(%arg6 : memref<16384xf32, #tpu.memory_space<vmem>>) target_semaphore(%arg8 : memref<!tpu.dma_semaphore, #tpu.memory_space<semaphore_mem>>)
    %dma_wait3A_317 = arith.constant 0 : i32
    %dma_wait3A_318 = tpu.memref_slice %arg2[%add3A_286, %dma_wait3A_317] : memref<416x100000xf32, #tpu.memory_space<hbm>> -> memref<1x100000xf32, #tpu.memory_space<hbm>>
    %dma_wait3A_319 = tpu.memref_squeeze %dma_wait3A_318 : memref<1x100000xf32, #tpu.memory_space<hbm>> -> memref<100000xf32, #tpu.memory_space<hbm>>
    %dma_wait3A_320 = arith.constant 0 : i32
    %dma_wait3A_321 = tpu.memref_slice %arg2[%add3A_286, %dma_wait3A_320] : memref<416x100000xf32, #tpu.memory_space<hbm>> -> memref<1x100000xf32, #tpu.memory_space<hbm>>
    %dma_wait3A_322 = tpu.memref_squeeze %dma_wait3A_321 : memref<1x100000xf32, #tpu.memory_space<hbm>> -> memref<100000xf32, #tpu.memory_space<hbm>>
    tpu.wait_dma2 semaphore(%arg7 : memref<!tpu.dma_semaphore, #tpu.memory_space<semaphore_mem>>) src(%dma_wait3A_322 : memref<100000xf32, #tpu.memory_space<hbm>>) dst(%arg5 : memref<100000xf32, #tpu.memory_space<vmem>>)
    %dma_wait3A_323 = arith.constant 0 : i32
    %dma_wait3A_324 = tpu.memref_slice %arg3[%shift_right_logical3A_310, %dma_wait3A_323] : memref<26x16384xf32, #tpu.memory_space<hbm>> -> memref<1x16384xf32, #tpu.memory_space<hbm>>
    %dma_wait3A_325 = tpu.memref_squeeze %dma_wait3A_324 : memref<1x16384xf32, #tpu.memory_space<hbm>> -> memref<16384xf32, #tpu.memory_space<hbm>>
    %dma_wait3A_326 = arith.constant 0 : i32
    %dma_wait3A_327 = tpu.memref_slice %arg3[%shift_right_logical3A_310, %dma_wait3A_326] : memref<26x16384xf32, #tpu.memory_space<hbm>> -> memref<1x16384xf32, #tpu.memory_space<hbm>>
    %dma_wait3A_328 = tpu.memref_squeeze %dma_wait3A_327 : memref<1x16384xf32, #tpu.memory_space<hbm>> -> memref<16384xf32, #tpu.memory_space<hbm>>
    tpu.wait_dma2 semaphore(%arg8 : memref<!tpu.dma_semaphore, #tpu.memory_space<semaphore_mem>>) src(%dma_wait3A_328 : memref<16384xf32, #tpu.memory_space<hbm>>) dst(%arg6 : memref<16384xf32, #tpu.memory_space<vmem>>)
    %scan3A_329 = arith.constant 0 : i32
    %scan3A_330 = arith.constant 0 : i32
    %scan3A_331 = arith.constant 64 : i32
    %scan3A_332 = arith.addi %scan3A_330, %scan3A_331 : i32
    %scan3A_333 = arith.constant 1 : i32
    scf.for %scan3A_649 = %scan3A_330 to %scan3A_332 step %scan3A_333  : i32 {
      %mul3A_650 = arith.constant 256 : i32
      %mul3A_651 = arith.muli %scan3A_649, %mul3A_650 : i32
      %add3A_652 = arith.constant 0 : i32
      %add3A_653 = arith.addi %mul3A_651, %add3A_652 : i32
      %get3A = arith.index_cast %add3A_653 : i32 to index
      %get3A_654 = tpu.vector_load %arg6[%get3A] {strides = array<i32>} : memref<16384xf32, #tpu.memory_space<vmem>>, vector<16xf32>,
      %bitcast3A = vector.bitcast %get3A_654 : vector<16xf32> to vector<16xi32>
      %gather3A = tpu.vector_load_idx %arg5[%bitcast3A] : memref<100000xf32, #tpu.memory_space<vmem>>[vector<16xi32>], vector<16xf32>,
      %swap3A = arith.index_cast %add3A_653 : i32 to index
      %swap3A_655 = tpu.vector_load %arg6[%swap3A] {strides = array<i32>} : memref<16384xf32, #tpu.memory_space<vmem>>, vector<16xf32>,
      tpu.vector_store %arg6[%swap3A], %gather3A {strides = array<i32>} : memref<16384xf32, #tpu.memory_space<vmem>>, vector<16xf32>,
      %mul3A_656 = arith.constant 256 : i32
      %mul3A_657 = arith.muli %scan3A_649, %mul3A_656 : i32
      %add3A_658 = arith.constant 16 : i32
      %add3A_659 = arith.addi %mul3A_657, %add3A_658 : i32
      %get3A_660 = arith.index_cast %add3A_659 : i32 to index
      %get3A_661 = tpu.vector_load %arg6[%get3A_660] {strides = array<i32>} : memref<16384xf32, #tpu.memory_space<vmem>>, vector<16xf32>,
      %bitcast3A_662 = vector.bitcast %get3A_661 : vector<16xf32> to vector<16xi32>
      %gather3A_663 = tpu.vector_load_idx %arg5[%bitcast3A_662] : memref<100000xf32, #tpu.memory_space<vmem>>[vector<16xi32>], vector<16xf32>,
      %swap3A_664 = arith.index_cast %add3A_659 : i32 to index
      %swap3A_665 = tpu.vector_load %arg6[%swap3A_664] {strides = array<i32>} : memref<16384xf32, #tpu.memory_space<vmem>>, vector<16xf32>,
      tpu.vector_store %arg6[%swap3A_664], %gather3A_663 {strides = array<i32>} : memref<16384xf32, #tpu.memory_space<vmem>>, vector<16xf32>,
      %mul3A_666 = arith.constant 256 : i32
      %mul3A_667 = arith.muli %scan3A_649, %mul3A_666 : i32
      %add3A_668 = arith.constant 32 : i32
      %add3A_669 = arith.addi %mul3A_667, %add3A_668 : i32
      %get3A_670 = arith.index_cast %add3A_669 : i32 to index
      %get3A_671 = tpu.vector_load %arg6[%get3A_670] {strides = array<i32>} : memref<16384xf32, #tpu.memory_space<vmem>>, vector<16xf32>,
      %bitcast3A_672 = vector.bitcast %get3A_671 : vector<16xf32> to vector<16xi32>
      %gather3A_673 = tpu.vector_load_idx %arg5[%bitcast3A_672] : memref<100000xf32, #tpu.memory_space<vmem>>[vector<16xi32>], vector<16xf32>,
      %swap3A_674 = arith.index_cast %add3A_669 : i32 to index
      %swap3A_675 = tpu.vector_load %arg6[%swap3A_674] {strides = array<i32>} : memref<16384xf32, #tpu.memory_space<vmem>>, vector<16xf32>,
      tpu.vector_store %arg6[%swap3A_674], %gather3A_673 {strides = array<i32>} : memref<16384xf32, #tpu.memory_space<vmem>>, vector<16xf32>,
      %mul3A_676 = arith.constant 256 : i32
      %mul3A_677 = arith.muli %scan3A_649, %mul3A_676 : i32
      %add3A_678 = arith.constant 48 : i32
      %add3A_679 = arith.addi %mul3A_677, %add3A_678 : i32
      %get3A_680 = arith.index_cast %add3A_679 : i32 to index
      %get3A_681 = tpu.vector_load %arg6[%get3A_680] {strides = array<i32>} : memref<16384xf32, #tpu.memory_space<vmem>>, vector<16xf32>,
      %bitcast3A_682 = vector.bitcast %get3A_681 : vector<16xf32> to vector<16xi32>
      %gather3A_683 = tpu.vector_load_idx %arg5[%bitcast3A_682] : memref<100000xf32, #tpu.memory_space<vmem>>[vector<16xi32>], vector<16xf32>,
      %swap3A_684 = arith.index_cast %add3A_679 : i32 to index
      %swap3A_685 = tpu.vector_load %arg6[%swap3A_684] {strides = array<i32>} : memref<16384xf32, #tpu.memory_space<vmem>>, vector<16xf32>,
      tpu.vector_store %arg6[%swap3A_684], %gather3A_683 {strides = array<i32>} : memref<16384xf32, #tpu.memory_space<vmem>>, vector<16xf32>,
      %mul3A_686 = arith.constant 256 : i32
      %mul3A_687 = arith.muli %scan3A_649, %mul3A_686 : i32
      %add3A_688 = arith.constant 64 : i32
      %add3A_689 = arith.addi %mul3A_687, %add3A_688 : i32
      %get3A_690 = arith.index_cast %add3A_689 : i32 to index
      %get3A_691 = tpu.vector_load %arg6[%get3A_690] {strides = array<i32>} : memref<16384xf32, #tpu.memory_space<vmem>>, vector<16xf32>,
      %bitcast3A_692 = vector.bitcast %get3A_691 : vector<16xf32> to vector<16xi32>
      %gather3A_693 = tpu.vector_load_idx %arg5[%bitcast3A_692] : memref<100000xf32, #tpu.memory_space<vmem>>[vector<16xi32>], vector<16xf32>,
      %swap3A_694 = arith.index_cast %add3A_689 : i32 to index
      %swap3A_695 = tpu.vector_load %arg6[%swap3A_694] {strides = array<i32>} : memref<16384xf32, #tpu.memory_space<vmem>>, vector<16xf32>,
      tpu.vector_store %arg6[%swap3A_694], %gather3A_693 {strides = array<i32>} : memref<16384xf32, #tpu.memory_space<vmem>>, vector<16xf32>,
      %mul3A_696 = arith.constant 256 : i32
      %mul3A_697 = arith.muli %scan3A_649, %mul3A_696 : i32
      %add3A_698 = arith.constant 80 : i32
      %add3A_699 = arith.addi %mul3A_697, %add3A_698 : i32
      %get3A_700 = arith.index_cast %add3A_699 : i32 to index
      %get3A_701 = tpu.vector_load %arg6[%get3A_700] {strides = array<i32>} : memref<16384xf32, #tpu.memory_space<vmem>>, vector<16xf32>,
      %bitcast3A_702 = vector.bitcast %get3A_701 : vector<16xf32> to vector<16xi32>
      %gather3A_703 = tpu.vector_load_idx %arg5[%bitcast3A_702] : memref<100000xf32, #tpu.memory_space<vmem>>[vector<16xi32>], vector<16xf32>,
      %swap3A_704 = arith.index_cast %add3A_699 : i32 to index
      %swap3A_705 = tpu.vector_load %arg6[%swap3A_704] {strides = array<i32>} : memref<16384xf32, #tpu.memory_space<vmem>>, vector<16xf32>,
      tpu.vector_store %arg6[%swap3A_704], %gather3A_703 {strides = array<i32>} : memref<16384xf32, #tpu.memory_space<vmem>>, vector<16xf32>,
      %mul3A_706 = arith.constant 256 : i32
      %mul3A_707 = arith.muli %scan3A_649, %mul3A_706 : i32
      %add3A_708 = arith.constant 96 : i32
      %add3A_709 = arith.addi %mul3A_707, %add3A_708 : i32
      %get3A_710 = arith.index_cast %add3A_709 : i32 to index
      %get3A_711 = tpu.vector_load %arg6[%get3A_710] {strides = array<i32>} : memref<16384xf32, #tpu.memory_space<vmem>>, vector<16xf32>,
      %bitcast3A_712 = vector.bitcast %get3A_711 : vector<16xf32> to vector<16xi32>
      %gather3A_713 = tpu.vector_load_idx %arg5[%bitcast3A_712] : memref<100000xf32, #tpu.memory_space<vmem>>[vector<16xi32>], vector<16xf32>,
      %swap3A_714 = arith.index_cast %add3A_709 : i32 to index
      %swap3A_715 = tpu.vector_load %arg6[%swap3A_714] {strides = array<i32>} : memref<16384xf32, #tpu.memory_space<vmem>>, vector<16xf32>,
      tpu.vector_store %arg6[%swap3A_714], %gather3A_713 {strides = array<i32>} : memref<16384xf32, #tpu.memory_space<vmem>>, vector<16xf32>,
      %mul3A_716 = arith.constant 256 : i32
      %mul3A_717 = arith.muli %scan3A_649, %mul3A_716 : i32
      %add3A_718 = arith.constant 112 : i32
      %add3A_719 = arith.addi %mul3A_717, %add3A_718 : i32
      %get3A_720 = arith.index_cast %add3A_719 : i32 to index
      %get3A_721 = tpu.vector_load %arg6[%get3A_720] {strides = array<i32>} : memref<16384xf32, #tpu.memory_space<vmem>>, vector<16xf32>,
      %bitcast3A_722 = vector.bitcast %get3A_721 : vector<16xf32> to vector<16xi32>
      %gather3A_723 = tpu.vector_load_idx %arg5[%bitcast3A_722] : memref<100000xf32, #tpu.memory_space<vmem>>[vector<16xi32>], vector<16xf32>,
      %swap3A_724 = arith.index_cast %add3A_719 : i32 to index
      %swap3A_725 = tpu.vector_load %arg6[%swap3A_724] {strides = array<i32>} : memref<16384xf32, #tpu.memory_space<vmem>>, vector<16xf32>,
      tpu.vector_store %arg6[%swap3A_724], %gather3A_723 {strides = array<i32>} : memref<16384xf32, #tpu.memory_space<vmem>>, vector<16xf32>,
      %mul3A_726 = arith.constant 256 : i32
      %mul3A_727 = arith.muli %scan3A_649, %mul3A_726 : i32
      %add3A_728 = arith.constant 128 : i32
      %add3A_729 = arith.addi %mul3A_727, %add3A_728 : i32
      %get3A_730 = arith.index_cast %add3A_729 : i32 to index
      %get3A_731 = tpu.vector_load %arg6[%get3A_730] {strides = array<i32>} : memref<16384xf32, #tpu.memory_space<vmem>>, vector<16xf32>,
      %bitcast3A_732 = vector.bitcast %get3A_731 : vector<16xf32> to vector<16xi32>
      %gather3A_733 = tpu.vector_load_idx %arg5[%bitcast3A_732] : memref<100000xf32, #tpu.memory_space<vmem>>[vector<16xi32>], vector<16xf32>,
      %swap3A_734 = arith.index_cast %add3A_729 : i32 to index
      %swap3A_735 = tpu.vector_load %arg6[%swap3A_734] {strides = array<i32>} : memref<16384xf32, #tpu.memory_space<vmem>>, vector<16xf32>,
      tpu.vector_store %arg6[%swap3A_734], %gather3A_733 {strides = array<i32>} : memref<16384xf32, #tpu.memory_space<vmem>>, vector<16xf32>,
      %mul3A_736 = arith.constant 256 : i32
      %mul3A_737 = arith.muli %scan3A_649, %mul3A_736 : i32
      %add3A_738 = arith.constant 144 : i32
      %add3A_739 = arith.addi %mul3A_737, %add3A_738 : i32
      %get3A_740 = arith.index_cast %add3A_739 : i32 to index
      %get3A_741 = tpu.vector_load %arg6[%get3A_740] {strides = array<i32>} : memref<16384xf32, #tpu.memory_space<vmem>>, vector<16xf32>,
      %bitcast3A_742 = vector.bitcast %get3A_741 : vector<16xf32> to vector<16xi32>
      %gather3A_743 = tpu.vector_load_idx %arg5[%bitcast3A_742] : memref<100000xf32, #tpu.memory_space<vmem>>[vector<16xi32>], vector<16xf32>,
      %swap3A_744 = arith.index_cast %add3A_739 : i32 to index
      %swap3A_745 = tpu.vector_load %arg6[%swap3A_744] {strides = array<i32>} : memref<16384xf32, #tpu.memory_space<vmem>>, vector<16xf32>,
      tpu.vector_store %arg6[%swap3A_744], %gather3A_743 {strides = array<i32>} : memref<16384xf32, #tpu.memory_space<vmem>>, vector<16xf32>,
      %mul3A_746 = arith.constant 256 : i32
      %mul3A_747 = arith.muli %scan3A_649, %mul3A_746 : i32
      %add3A_748 = arith.constant 160 : i32
      %add3A_749 = arith.addi %mul3A_747, %add3A_748 : i32
      %get3A_750 = arith.index_cast %add3A_749 : i32 to index
      %get3A_751 = tpu.vector_load %arg6[%get3A_750] {strides = array<i32>} : memref<16384xf32, #tpu.memory_space<vmem>>, vector<16xf32>,
      %bitcast3A_752 = vector.bitcast %get3A_751 : vector<16xf32> to vector<16xi32>
      %gather3A_753 = tpu.vector_load_idx %arg5[%bitcast3A_752] : memref<100000xf32, #tpu.memory_space<vmem>>[vector<16xi32>], vector<16xf32>,
      %swap3A_754 = arith.index_cast %add3A_749 : i32 to index
      %swap3A_755 = tpu.vector_load %arg6[%swap3A_754] {strides = array<i32>} : memref<16384xf32, #tpu.memory_space<vmem>>, vector<16xf32>,
      tpu.vector_store %arg6[%swap3A_754], %gather3A_753 {strides = array<i32>} : memref<16384xf32, #tpu.memory_space<vmem>>, vector<16xf32>,
      %mul3A_756 = arith.constant 256 : i32
      %mul3A_757 = arith.muli %scan3A_649, %mul3A_756 : i32
      %add3A_758 = arith.constant 176 : i32
      %add3A_759 = arith.addi %mul3A_757, %add3A_758 : i32
      %get3A_760 = arith.index_cast %add3A_759 : i32 to index
      %get3A_761 = tpu.vector_load %arg6[%get3A_760] {strides = array<i32>} : memref<16384xf32, #tpu.memory_space<vmem>>, vector<16xf32>,
      %bitcast3A_762 = vector.bitcast %get3A_761 : vector<16xf32> to vector<16xi32>
      %gather3A_763 = tpu.vector_load_idx %arg5[%bitcast3A_762] : memref<100000xf32, #tpu.memory_space<vmem>>[vector<16xi32>], vector<16xf32>,
      %swap3A_764 = arith.index_cast %add3A_759 : i32 to index
      %swap3A_765 = tpu.vector_load %arg6[%swap3A_764] {strides = array<i32>} : memref<16384xf32, #tpu.memory_space<vmem>>, vector<16xf32>,
      tpu.vector_store %arg6[%swap3A_764], %gather3A_763 {strides = array<i32>} : memref<16384xf32, #tpu.memory_space<vmem>>, vector<16xf32>,
      %mul3A_766 = arith.constant 256 : i32
      %mul3A_767 = arith.muli %scan3A_649, %mul3A_766 : i32
      %add3A_768 = arith.constant 192 : i32
      %add3A_769 = arith.addi %mul3A_767, %add3A_768 : i32
      %get3A_770 = arith.index_cast %add3A_769 : i32 to index
      %get3A_771 = tpu.vector_load %arg6[%get3A_770] {strides = array<i32>} : memref<16384xf32, #tpu.memory_space<vmem>>, vector<16xf32>,
      %bitcast3A_772 = vector.bitcast %get3A_771 : vector<16xf32> to vector<16xi32>
      %gather3A_773 = tpu.vector_load_idx %arg5[%bitcast3A_772] : memref<100000xf32, #tpu.memory_space<vmem>>[vector<16xi32>], vector<16xf32>,
      %swap3A_774 = arith.index_cast %add3A_769 : i32 to index
      %swap3A_775 = tpu.vector_load %arg6[%swap3A_774] {strides = array<i32>} : memref<16384xf32, #tpu.memory_space<vmem>>, vector<16xf32>,
      tpu.vector_store %arg6[%swap3A_774], %gather3A_773 {strides = array<i32>} : memref<16384xf32, #tpu.memory_space<vmem>>, vector<16xf32>,
      %mul3A_776 = arith.constant 256 : i32
      %mul3A_777 = arith.muli %scan3A_649, %mul3A_776 : i32
      %add3A_778 = arith.constant 208 : i32
      %add3A_779 = arith.addi %mul3A_777, %add3A_778 : i32
      %get3A_780 = arith.index_cast %add3A_779 : i32 to index
      %get3A_781 = tpu.vector_load %arg6[%get3A_780] {strides = array<i32>} : memref<16384xf32, #tpu.memory_space<vmem>>, vector<16xf32>,
      %bitcast3A_782 = vector.bitcast %get3A_781 : vector<16xf32> to vector<16xi32>
      %gather3A_783 = tpu.vector_load_idx %arg5[%bitcast3A_782] : memref<100000xf32, #tpu.memory_space<vmem>>[vector<16xi32>], vector<16xf32>,
      %swap3A_784 = arith.index_cast %add3A_779 : i32 to index
      %swap3A_785 = tpu.vector_load %arg6[%swap3A_784] {strides = array<i32>} : memref<16384xf32, #tpu.memory_space<vmem>>, vector<16xf32>,
      tpu.vector_store %arg6[%swap3A_784], %gather3A_783 {strides = array<i32>} : memref<16384xf32, #tpu.memory_space<vmem>>, vector<16xf32>,
      %mul3A_786 = arith.constant 256 : i32
      %mul3A_787 = arith.muli %scan3A_649, %mul3A_786 : i32
      %add3A_788 = arith.constant 224 : i32
      %add3A_789 = arith.addi %mul3A_787, %add3A_788 : i32
      %get3A_790 = arith.index_cast %add3A_789 : i32 to index
      %get3A_791 = tpu.vector_load %arg6[%get3A_790] {strides = array<i32>} : memref<16384xf32, #tpu.memory_space<vmem>>, vector<16xf32>,
      %bitcast3A_792 = vector.bitcast %get3A_791 : vector<16xf32> to vector<16xi32>
      %gather3A_793 = tpu.vector_load_idx %arg5[%bitcast3A_792] : memref<100000xf32, #tpu.memory_space<vmem>>[vector<16xi32>], vector<16xf32>,
      %swap3A_794 = arith.index_cast %add3A_789 : i32 to index
      %swap3A_795 = tpu.vector_load %arg6[%swap3A_794] {strides = array<i32>} : memref<16384xf32, #tpu.memory_space<vmem>>, vector<16xf32>,
      tpu.vector_store %arg6[%swap3A_794], %gather3A_793 {strides = array<i32>} : memref<16384xf32, #tpu.memory_space<vmem>>, vector<16xf32>,
      %mul3A_796 = arith.constant 256 : i32
      %mul3A_797 = arith.muli %scan3A_649, %mul3A_796 : i32
      %add3A_798 = arith.constant 240 : i32
      %add3A_799 = arith.addi %mul3A_797, %add3A_798 : i32
      %get3A_800 = arith.index_cast %add3A_799 : i32 to index
      %get3A_801 = tpu.vector_load %arg6[%get3A_800] {strides = array<i32>} : memref<16384xf32, #tpu.memory_space<vmem>>, vector<16xf32>,
      %bitcast3A_802 = vector.bitcast %get3A_801 : vector<16xf32> to vector<16xi32>
      %gather3A_803 = tpu.vector_load_idx %arg5[%bitcast3A_802] : memref<100000xf32, #tpu.memory_space<vmem>>[vector<16xi32>], vector<16xf32>,
      %swap3A_804 = arith.index_cast %add3A_799 : i32 to index
      %swap3A_805 = tpu.vector_load %arg6[%swap3A_804] {strides = array<i32>} : memref<16384xf32, #tpu.memory_space<vmem>>, vector<16xf32>,
      tpu.vector_store %arg6[%swap3A_804], %gather3A_803 {strides = array<i32>} : memref<16384xf32, #tpu.memory_space<vmem>>, vector<16xf32>,
    }
    %scan3A_334 = arith.constant 64 : i32
    %add3A_335 = arith.constant 7 : i32
    %add3A_336 = arith.addi %mul3A_2, %add3A_335 : i32
    %dma_start3A_337 = arith.constant 0 : i32
    %dma_start3A_338 = tpu.memref_slice %arg2[%add3A_336, %dma_start3A_337] : memref<416x100000xf32, #tpu.memory_space<hbm>> -> memref<1x100000xf32, #tpu.memory_space<hbm>>
    %dma_start3A_339 = tpu.memref_squeeze %dma_start3A_338 : memref<1x100000xf32, #tpu.memory_space<hbm>> -> memref<100000xf32, #tpu.memory_space<hbm>>
    %dma_start3A_340 = arith.constant 0 : i32
    %dma_start3A_341 = tpu.memref_slice %arg2[%add3A_336, %dma_start3A_340] : memref<416x100000xf32, #tpu.memory_space<hbm>> -> memref<1x100000xf32, #tpu.memory_space<hbm>>
    %dma_start3A_342 = tpu.memref_squeeze %dma_start3A_341 : memref<1x100000xf32, #tpu.memory_space<hbm>> -> memref<100000xf32, #tpu.memory_space<hbm>>
    tpu.enqueue_dma source(%dma_start3A_342 : memref<100000xf32, #tpu.memory_space<hbm>>) target(%arg5 : memref<100000xf32, #tpu.memory_space<vmem>>) target_semaphore(%arg7 : memref<!tpu.dma_semaphore, #tpu.memory_space<semaphore_mem>>)
    %add3A_343 = arith.constant 6 : i32
    %add3A_344 = arith.addi %mul3A_2, %add3A_343 : i32
    %dma_start3A_345 = arith.constant 0 : i32
    %dma_start3A_346 = tpu.memref_slice %arg4[%add3A_344, %dma_start3A_345] : memref<416x16384xf32, #tpu.memory_space<hbm>> -> memref<1x16384xf32, #tpu.memory_space<hbm>>
    %dma_start3A_347 = tpu.memref_squeeze %dma_start3A_346 : memref<1x16384xf32, #tpu.memory_space<hbm>> -> memref<16384xf32, #tpu.memory_space<hbm>>
    %dma_start3A_348 = arith.constant 0 : i32
    %dma_start3A_349 = tpu.memref_slice %arg4[%add3A_344, %dma_start3A_348] : memref<416x16384xf32, #tpu.memory_space<hbm>> -> memref<1x16384xf32, #tpu.memory_space<hbm>>
    %dma_start3A_350 = tpu.memref_squeeze %dma_start3A_349 : memref<1x16384xf32, #tpu.memory_space<hbm>> -> memref<16384xf32, #tpu.memory_space<hbm>>
    tpu.enqueue_dma source(%arg6 : memref<16384xf32, #tpu.memory_space<vmem>>) target(%dma_start3A_350 : memref<16384xf32, #tpu.memory_space<hbm>>) target_semaphore(%arg9 : memref<!tpu.dma_semaphore, #tpu.memory_space<semaphore_mem>>)
    %dma_wait3A_351 = arith.constant 0 : i32
    %dma_wait3A_352 = tpu.memref_slice %arg4[%add3A_344, %dma_wait3A_351] : memref<416x16384xf32, #tpu.memory_space<hbm>> -> memref<1x16384xf32, #tpu.memory_space<hbm>>
    %dma_wait3A_353 = tpu.memref_squeeze %dma_wait3A_352 : memref<1x16384xf32, #tpu.memory_space<hbm>> -> memref<16384xf32, #tpu.memory_space<hbm>>
    %dma_wait3A_354 = arith.constant 0 : i32
    %dma_wait3A_355 = tpu.memref_slice %arg4[%add3A_344, %dma_wait3A_354] : memref<416x16384xf32, #tpu.memory_space<hbm>> -> memref<1x16384xf32, #tpu.memory_space<hbm>>
    %dma_wait3A_356 = tpu.memref_squeeze %dma_wait3A_355 : memref<1x16384xf32, #tpu.memory_space<hbm>> -> memref<16384xf32, #tpu.memory_space<hbm>>
    tpu.wait_dma2 semaphore(%arg9 : memref<!tpu.dma_semaphore, #tpu.memory_space<semaphore_mem>>) src(%arg6 : memref<16384xf32, #tpu.memory_space<vmem>>) dst(%dma_wait3A_356 : memref<16384xf32, #tpu.memory_space<hbm>>)
    %add3A_357 = arith.constant 7 : i32
    %add3A_358 = arith.addi %mul3A_2, %add3A_357 : i32
    %shift_right_logical3A_359 = arith.constant 4 : i32
    %shift_right_logical3A_360 = arith.shrui %add3A_358, %shift_right_logical3A_359 : i32
    %dma_start3A_361 = arith.constant 0 : i32
    %dma_start3A_362 = tpu.memref_slice %arg3[%shift_right_logical3A_360, %dma_start3A_361] : memref<26x16384xf32, #tpu.memory_space<hbm>> -> memref<1x16384xf32, #tpu.memory_space<hbm>>
    %dma_start3A_363 = tpu.memref_squeeze %dma_start3A_362 : memref<1x16384xf32, #tpu.memory_space<hbm>> -> memref<16384xf32, #tpu.memory_space<hbm>>
    %dma_start3A_364 = arith.constant 0 : i32
    %dma_start3A_365 = tpu.memref_slice %arg3[%shift_right_logical3A_360, %dma_start3A_364] : memref<26x16384xf32, #tpu.memory_space<hbm>> -> memref<1x16384xf32, #tpu.memory_space<hbm>>
    %dma_start3A_366 = tpu.memref_squeeze %dma_start3A_365 : memref<1x16384xf32, #tpu.memory_space<hbm>> -> memref<16384xf32, #tpu.memory_space<hbm>>
    tpu.enqueue_dma source(%dma_start3A_366 : memref<16384xf32, #tpu.memory_space<hbm>>) target(%arg6 : memref<16384xf32, #tpu.memory_space<vmem>>) target_semaphore(%arg8 : memref<!tpu.dma_semaphore, #tpu.memory_space<semaphore_mem>>)
    %dma_wait3A_367 = arith.constant 0 : i32
    %dma_wait3A_368 = tpu.memref_slice %arg2[%add3A_336, %dma_wait3A_367] : memref<416x100000xf32, #tpu.memory_space<hbm>> -> memref<1x100000xf32, #tpu.memory_space<hbm>>
    %dma_wait3A_369 = tpu.memref_squeeze %dma_wait3A_368 : memref<1x100000xf32, #tpu.memory_space<hbm>> -> memref<100000xf32, #tpu.memory_space<hbm>>
    %dma_wait3A_370 = arith.constant 0 : i32
    %dma_wait3A_371 = tpu.memref_slice %arg2[%add3A_336, %dma_wait3A_370] : memref<416x100000xf32, #tpu.memory_space<hbm>> -> memref<1x100000xf32, #tpu.memory_space<hbm>>
    %dma_wait3A_372 = tpu.memref_squeeze %dma_wait3A_371 : memref<1x100000xf32, #tpu.memory_space<hbm>> -> memref<100000xf32, #tpu.memory_space<hbm>>
    tpu.wait_dma2 semaphore(%arg7 : memref<!tpu.dma_semaphore, #tpu.memory_space<semaphore_mem>>) src(%dma_wait3A_372 : memref<100000xf32, #tpu.memory_space<hbm>>) dst(%arg5 : memref<100000xf32, #tpu.memory_space<vmem>>)
    %dma_wait3A_373 = arith.constant 0 : i32
    %dma_wait3A_374 = tpu.memref_slice %arg3[%shift_right_logical3A_360, %dma_wait3A_373] : memref<26x16384xf32, #tpu.memory_space<hbm>> -> memref<1x16384xf32, #tpu.memory_space<hbm>>
    %dma_wait3A_375 = tpu.memref_squeeze %dma_wait3A_374 : memref<1x16384xf32, #tpu.memory_space<hbm>> -> memref<16384xf32, #tpu.memory_space<hbm>>
    %dma_wait3A_376 = arith.constant 0 : i32
    %dma_wait3A_377 = tpu.memref_slice %arg3[%shift_right_logical3A_360, %dma_wait3A_376] : memref<26x16384xf32, #tpu.memory_space<hbm>> -> memref<1x16384xf32, #tpu.memory_space<hbm>>
    %dma_wait3A_378 = tpu.memref_squeeze %dma_wait3A_377 : memref<1x16384xf32, #tpu.memory_space<hbm>> -> memref<16384xf32, #tpu.memory_space<hbm>>
    tpu.wait_dma2 semaphore(%arg8 : memref<!tpu.dma_semaphore, #tpu.memory_space<semaphore_mem>>) src(%dma_wait3A_378 : memref<16384xf32, #tpu.memory_space<hbm>>) dst(%arg6 : memref<16384xf32, #tpu.memory_space<vmem>>)
    %scan3A_379 = arith.constant 0 : i32
    %scan3A_380 = arith.constant 0 : i32
    %scan3A_381 = arith.constant 64 : i32
    %scan3A_382 = arith.addi %scan3A_380, %scan3A_381 : i32
    %scan3A_383 = arith.constant 1 : i32
    scf.for %scan3A_649 = %scan3A_380 to %scan3A_382 step %scan3A_383  : i32 {
      %mul3A_650 = arith.constant 256 : i32
      %mul3A_651 = arith.muli %scan3A_649, %mul3A_650 : i32
      %add3A_652 = arith.constant 0 : i32
      %add3A_653 = arith.addi %mul3A_651, %add3A_652 : i32
      %get3A = arith.index_cast %add3A_653 : i32 to index
      %get3A_654 = tpu.vector_load %arg6[%get3A] {strides = array<i32>} : memref<16384xf32, #tpu.memory_space<vmem>>, vector<16xf32>,
      %bitcast3A = vector.bitcast %get3A_654 : vector<16xf32> to vector<16xi32>
      %gather3A = tpu.vector_load_idx %arg5[%bitcast3A] : memref<100000xf32, #tpu.memory_space<vmem>>[vector<16xi32>], vector<16xf32>,
      %swap3A = arith.index_cast %add3A_653 : i32 to index
      %swap3A_655 = tpu.vector_load %arg6[%swap3A] {strides = array<i32>} : memref<16384xf32, #tpu.memory_space<vmem>>, vector<16xf32>,
      tpu.vector_store %arg6[%swap3A], %gather3A {strides = array<i32>} : memref<16384xf32, #tpu.memory_space<vmem>>, vector<16xf32>,
      %mul3A_656 = arith.constant 256 : i32
      %mul3A_657 = arith.muli %scan3A_649, %mul3A_656 : i32
      %add3A_658 = arith.constant 16 : i32
      %add3A_659 = arith.addi %mul3A_657, %add3A_658 : i32
      %get3A_660 = arith.index_cast %add3A_659 : i32 to index
      %get3A_661 = tpu.vector_load %arg6[%get3A_660] {strides = array<i32>} : memref<16384xf32, #tpu.memory_space<vmem>>, vector<16xf32>,
      %bitcast3A_662 = vector.bitcast %get3A_661 : vector<16xf32> to vector<16xi32>
      %gather3A_663 = tpu.vector_load_idx %arg5[%bitcast3A_662] : memref<100000xf32, #tpu.memory_space<vmem>>[vector<16xi32>], vector<16xf32>,
      %swap3A_664 = arith.index_cast %add3A_659 : i32 to index
      %swap3A_665 = tpu.vector_load %arg6[%swap3A_664] {strides = array<i32>} : memref<16384xf32, #tpu.memory_space<vmem>>, vector<16xf32>,
      tpu.vector_store %arg6[%swap3A_664], %gather3A_663 {strides = array<i32>} : memref<16384xf32, #tpu.memory_space<vmem>>, vector<16xf32>,
      %mul3A_666 = arith.constant 256 : i32
      %mul3A_667 = arith.muli %scan3A_649, %mul3A_666 : i32
      %add3A_668 = arith.constant 32 : i32
      %add3A_669 = arith.addi %mul3A_667, %add3A_668 : i32
      %get3A_670 = arith.index_cast %add3A_669 : i32 to index
      %get3A_671 = tpu.vector_load %arg6[%get3A_670] {strides = array<i32>} : memref<16384xf32, #tpu.memory_space<vmem>>, vector<16xf32>,
      %bitcast3A_672 = vector.bitcast %get3A_671 : vector<16xf32> to vector<16xi32>
      %gather3A_673 = tpu.vector_load_idx %arg5[%bitcast3A_672] : memref<100000xf32, #tpu.memory_space<vmem>>[vector<16xi32>], vector<16xf32>,
      %swap3A_674 = arith.index_cast %add3A_669 : i32 to index
      %swap3A_675 = tpu.vector_load %arg6[%swap3A_674] {strides = array<i32>} : memref<16384xf32, #tpu.memory_space<vmem>>, vector<16xf32>,
      tpu.vector_store %arg6[%swap3A_674], %gather3A_673 {strides = array<i32>} : memref<16384xf32, #tpu.memory_space<vmem>>, vector<16xf32>,
      %mul3A_676 = arith.constant 256 : i32
      %mul3A_677 = arith.muli %scan3A_649, %mul3A_676 : i32
      %add3A_678 = arith.constant 48 : i32
      %add3A_679 = arith.addi %mul3A_677, %add3A_678 : i32
      %get3A_680 = arith.index_cast %add3A_679 : i32 to index
      %get3A_681 = tpu.vector_load %arg6[%get3A_680] {strides = array<i32>} : memref<16384xf32, #tpu.memory_space<vmem>>, vector<16xf32>,
      %bitcast3A_682 = vector.bitcast %get3A_681 : vector<16xf32> to vector<16xi32>
      %gather3A_683 = tpu.vector_load_idx %arg5[%bitcast3A_682] : memref<100000xf32, #tpu.memory_space<vmem>>[vector<16xi32>], vector<16xf32>,
      %swap3A_684 = arith.index_cast %add3A_679 : i32 to index
      %swap3A_685 = tpu.vector_load %arg6[%swap3A_684] {strides = array<i32>} : memref<16384xf32, #tpu.memory_space<vmem>>, vector<16xf32>,
      tpu.vector_store %arg6[%swap3A_684], %gather3A_683 {strides = array<i32>} : memref<16384xf32, #tpu.memory_space<vmem>>, vector<16xf32>,
      %mul3A_686 = arith.constant 256 : i32
      %mul3A_687 = arith.muli %scan3A_649, %mul3A_686 : i32
      %add3A_688 = arith.constant 64 : i32
      %add3A_689 = arith.addi %mul3A_687, %add3A_688 : i32
      %get3A_690 = arith.index_cast %add3A_689 : i32 to index
      %get3A_691 = tpu.vector_load %arg6[%get3A_690] {strides = array<i32>} : memref<16384xf32, #tpu.memory_space<vmem>>, vector<16xf32>,
      %bitcast3A_692 = vector.bitcast %get3A_691 : vector<16xf32> to vector<16xi32>
      %gather3A_693 = tpu.vector_load_idx %arg5[%bitcast3A_692] : memref<100000xf32, #tpu.memory_space<vmem>>[vector<16xi32>], vector<16xf32>,
      %swap3A_694 = arith.index_cast %add3A_689 : i32 to index
      %swap3A_695 = tpu.vector_load %arg6[%swap3A_694] {strides = array<i32>} : memref<16384xf32, #tpu.memory_space<vmem>>, vector<16xf32>,
      tpu.vector_store %arg6[%swap3A_694], %gather3A_693 {strides = array<i32>} : memref<16384xf32, #tpu.memory_space<vmem>>, vector<16xf32>,
      %mul3A_696 = arith.constant 256 : i32
      %mul3A_697 = arith.muli %scan3A_649, %mul3A_696 : i32
      %add3A_698 = arith.constant 80 : i32
      %add3A_699 = arith.addi %mul3A_697, %add3A_698 : i32
      %get3A_700 = arith.index_cast %add3A_699 : i32 to index
      %get3A_701 = tpu.vector_load %arg6[%get3A_700] {strides = array<i32>} : memref<16384xf32, #tpu.memory_space<vmem>>, vector<16xf32>,
      %bitcast3A_702 = vector.bitcast %get3A_701 : vector<16xf32> to vector<16xi32>
      %gather3A_703 = tpu.vector_load_idx %arg5[%bitcast3A_702] : memref<100000xf32, #tpu.memory_space<vmem>>[vector<16xi32>], vector<16xf32>,
      %swap3A_704 = arith.index_cast %add3A_699 : i32 to index
      %swap3A_705 = tpu.vector_load %arg6[%swap3A_704] {strides = array<i32>} : memref<16384xf32, #tpu.memory_space<vmem>>, vector<16xf32>,
      tpu.vector_store %arg6[%swap3A_704], %gather3A_703 {strides = array<i32>} : memref<16384xf32, #tpu.memory_space<vmem>>, vector<16xf32>,
      %mul3A_706 = arith.constant 256 : i32
      %mul3A_707 = arith.muli %scan3A_649, %mul3A_706 : i32
      %add3A_708 = arith.constant 96 : i32
      %add3A_709 = arith.addi %mul3A_707, %add3A_708 : i32
      %get3A_710 = arith.index_cast %add3A_709 : i32 to index
      %get3A_711 = tpu.vector_load %arg6[%get3A_710] {strides = array<i32>} : memref<16384xf32, #tpu.memory_space<vmem>>, vector<16xf32>,
      %bitcast3A_712 = vector.bitcast %get3A_711 : vector<16xf32> to vector<16xi32>
      %gather3A_713 = tpu.vector_load_idx %arg5[%bitcast3A_712] : memref<100000xf32, #tpu.memory_space<vmem>>[vector<16xi32>], vector<16xf32>,
      %swap3A_714 = arith.index_cast %add3A_709 : i32 to index
      %swap3A_715 = tpu.vector_load %arg6[%swap3A_714] {strides = array<i32>} : memref<16384xf32, #tpu.memory_space<vmem>>, vector<16xf32>,
      tpu.vector_store %arg6[%swap3A_714], %gather3A_713 {strides = array<i32>} : memref<16384xf32, #tpu.memory_space<vmem>>, vector<16xf32>,
      %mul3A_716 = arith.constant 256 : i32
      %mul3A_717 = arith.muli %scan3A_649, %mul3A_716 : i32
      %add3A_718 = arith.constant 112 : i32
      %add3A_719 = arith.addi %mul3A_717, %add3A_718 : i32
      %get3A_720 = arith.index_cast %add3A_719 : i32 to index
      %get3A_721 = tpu.vector_load %arg6[%get3A_720] {strides = array<i32>} : memref<16384xf32, #tpu.memory_space<vmem>>, vector<16xf32>,
      %bitcast3A_722 = vector.bitcast %get3A_721 : vector<16xf32> to vector<16xi32>
      %gather3A_723 = tpu.vector_load_idx %arg5[%bitcast3A_722] : memref<100000xf32, #tpu.memory_space<vmem>>[vector<16xi32>], vector<16xf32>,
      %swap3A_724 = arith.index_cast %add3A_719 : i32 to index
      %swap3A_725 = tpu.vector_load %arg6[%swap3A_724] {strides = array<i32>} : memref<16384xf32, #tpu.memory_space<vmem>>, vector<16xf32>,
      tpu.vector_store %arg6[%swap3A_724], %gather3A_723 {strides = array<i32>} : memref<16384xf32, #tpu.memory_space<vmem>>, vector<16xf32>,
      %mul3A_726 = arith.constant 256 : i32
      %mul3A_727 = arith.muli %scan3A_649, %mul3A_726 : i32
      %add3A_728 = arith.constant 128 : i32
      %add3A_729 = arith.addi %mul3A_727, %add3A_728 : i32
      %get3A_730 = arith.index_cast %add3A_729 : i32 to index
      %get3A_731 = tpu.vector_load %arg6[%get3A_730] {strides = array<i32>} : memref<16384xf32, #tpu.memory_space<vmem>>, vector<16xf32>,
      %bitcast3A_732 = vector.bitcast %get3A_731 : vector<16xf32> to vector<16xi32>
      %gather3A_733 = tpu.vector_load_idx %arg5[%bitcast3A_732] : memref<100000xf32, #tpu.memory_space<vmem>>[vector<16xi32>], vector<16xf32>,
      %swap3A_734 = arith.index_cast %add3A_729 : i32 to index
      %swap3A_735 = tpu.vector_load %arg6[%swap3A_734] {strides = array<i32>} : memref<16384xf32, #tpu.memory_space<vmem>>, vector<16xf32>,
      tpu.vector_store %arg6[%swap3A_734], %gather3A_733 {strides = array<i32>} : memref<16384xf32, #tpu.memory_space<vmem>>, vector<16xf32>,
      %mul3A_736 = arith.constant 256 : i32
      %mul3A_737 = arith.muli %scan3A_649, %mul3A_736 : i32
      %add3A_738 = arith.constant 144 : i32
      %add3A_739 = arith.addi %mul3A_737, %add3A_738 : i32
      %get3A_740 = arith.index_cast %add3A_739 : i32 to index
      %get3A_741 = tpu.vector_load %arg6[%get3A_740] {strides = array<i32>} : memref<16384xf32, #tpu.memory_space<vmem>>, vector<16xf32>,
      %bitcast3A_742 = vector.bitcast %get3A_741 : vector<16xf32> to vector<16xi32>
      %gather3A_743 = tpu.vector_load_idx %arg5[%bitcast3A_742] : memref<100000xf32, #tpu.memory_space<vmem>>[vector<16xi32>], vector<16xf32>,
      %swap3A_744 = arith.index_cast %add3A_739 : i32 to index
      %swap3A_745 = tpu.vector_load %arg6[%swap3A_744] {strides = array<i32>} : memref<16384xf32, #tpu.memory_space<vmem>>, vector<16xf32>,
      tpu.vector_store %arg6[%swap3A_744], %gather3A_743 {strides = array<i32>} : memref<16384xf32, #tpu.memory_space<vmem>>, vector<16xf32>,
      %mul3A_746 = arith.constant 256 : i32
      %mul3A_747 = arith.muli %scan3A_649, %mul3A_746 : i32
      %add3A_748 = arith.constant 160 : i32
      %add3A_749 = arith.addi %mul3A_747, %add3A_748 : i32
      %get3A_750 = arith.index_cast %add3A_749 : i32 to index
      %get3A_751 = tpu.vector_load %arg6[%get3A_750] {strides = array<i32>} : memref<16384xf32, #tpu.memory_space<vmem>>, vector<16xf32>,
      %bitcast3A_752 = vector.bitcast %get3A_751 : vector<16xf32> to vector<16xi32>
      %gather3A_753 = tpu.vector_load_idx %arg5[%bitcast3A_752] : memref<100000xf32, #tpu.memory_space<vmem>>[vector<16xi32>], vector<16xf32>,
      %swap3A_754 = arith.index_cast %add3A_749 : i32 to index
      %swap3A_755 = tpu.vector_load %arg6[%swap3A_754] {strides = array<i32>} : memref<16384xf32, #tpu.memory_space<vmem>>, vector<16xf32>,
      tpu.vector_store %arg6[%swap3A_754], %gather3A_753 {strides = array<i32>} : memref<16384xf32, #tpu.memory_space<vmem>>, vector<16xf32>,
      %mul3A_756 = arith.constant 256 : i32
      %mul3A_757 = arith.muli %scan3A_649, %mul3A_756 : i32
      %add3A_758 = arith.constant 176 : i32
      %add3A_759 = arith.addi %mul3A_757, %add3A_758 : i32
      %get3A_760 = arith.index_cast %add3A_759 : i32 to index
      %get3A_761 = tpu.vector_load %arg6[%get3A_760] {strides = array<i32>} : memref<16384xf32, #tpu.memory_space<vmem>>, vector<16xf32>,
      %bitcast3A_762 = vector.bitcast %get3A_761 : vector<16xf32> to vector<16xi32>
      %gather3A_763 = tpu.vector_load_idx %arg5[%bitcast3A_762] : memref<100000xf32, #tpu.memory_space<vmem>>[vector<16xi32>], vector<16xf32>,
      %swap3A_764 = arith.index_cast %add3A_759 : i32 to index
      %swap3A_765 = tpu.vector_load %arg6[%swap3A_764] {strides = array<i32>} : memref<16384xf32, #tpu.memory_space<vmem>>, vector<16xf32>,
      tpu.vector_store %arg6[%swap3A_764], %gather3A_763 {strides = array<i32>} : memref<16384xf32, #tpu.memory_space<vmem>>, vector<16xf32>,
      %mul3A_766 = arith.constant 256 : i32
      %mul3A_767 = arith.muli %scan3A_649, %mul3A_766 : i32
      %add3A_768 = arith.constant 192 : i32
      %add3A_769 = arith.addi %mul3A_767, %add3A_768 : i32
      %get3A_770 = arith.index_cast %add3A_769 : i32 to index
      %get3A_771 = tpu.vector_load %arg6[%get3A_770] {strides = array<i32>} : memref<16384xf32, #tpu.memory_space<vmem>>, vector<16xf32>,
      %bitcast3A_772 = vector.bitcast %get3A_771 : vector<16xf32> to vector<16xi32>
      %gather3A_773 = tpu.vector_load_idx %arg5[%bitcast3A_772] : memref<100000xf32, #tpu.memory_space<vmem>>[vector<16xi32>], vector<16xf32>,
      %swap3A_774 = arith.index_cast %add3A_769 : i32 to index
      %swap3A_775 = tpu.vector_load %arg6[%swap3A_774] {strides = array<i32>} : memref<16384xf32, #tpu.memory_space<vmem>>, vector<16xf32>,
      tpu.vector_store %arg6[%swap3A_774], %gather3A_773 {strides = array<i32>} : memref<16384xf32, #tpu.memory_space<vmem>>, vector<16xf32>,
      %mul3A_776 = arith.constant 256 : i32
      %mul3A_777 = arith.muli %scan3A_649, %mul3A_776 : i32
      %add3A_778 = arith.constant 208 : i32
      %add3A_779 = arith.addi %mul3A_777, %add3A_778 : i32
      %get3A_780 = arith.index_cast %add3A_779 : i32 to index
      %get3A_781 = tpu.vector_load %arg6[%get3A_780] {strides = array<i32>} : memref<16384xf32, #tpu.memory_space<vmem>>, vector<16xf32>,
      %bitcast3A_782 = vector.bitcast %get3A_781 : vector<16xf32> to vector<16xi32>
      %gather3A_783 = tpu.vector_load_idx %arg5[%bitcast3A_782] : memref<100000xf32, #tpu.memory_space<vmem>>[vector<16xi32>], vector<16xf32>,
      %swap3A_784 = arith.index_cast %add3A_779 : i32 to index
      %swap3A_785 = tpu.vector_load %arg6[%swap3A_784] {strides = array<i32>} : memref<16384xf32, #tpu.memory_space<vmem>>, vector<16xf32>,
      tpu.vector_store %arg6[%swap3A_784], %gather3A_783 {strides = array<i32>} : memref<16384xf32, #tpu.memory_space<vmem>>, vector<16xf32>,
      %mul3A_786 = arith.constant 256 : i32
      %mul3A_787 = arith.muli %scan3A_649, %mul3A_786 : i32
      %add3A_788 = arith.constant 224 : i32
      %add3A_789 = arith.addi %mul3A_787, %add3A_788 : i32
      %get3A_790 = arith.index_cast %add3A_789 : i32 to index
      %get3A_791 = tpu.vector_load %arg6[%get3A_790] {strides = array<i32>} : memref<16384xf32, #tpu.memory_space<vmem>>, vector<16xf32>,
      %bitcast3A_792 = vector.bitcast %get3A_791 : vector<16xf32> to vector<16xi32>
      %gather3A_793 = tpu.vector_load_idx %arg5[%bitcast3A_792] : memref<100000xf32, #tpu.memory_space<vmem>>[vector<16xi32>], vector<16xf32>,
      %swap3A_794 = arith.index_cast %add3A_789 : i32 to index
      %swap3A_795 = tpu.vector_load %arg6[%swap3A_794] {strides = array<i32>} : memref<16384xf32, #tpu.memory_space<vmem>>, vector<16xf32>,
      tpu.vector_store %arg6[%swap3A_794], %gather3A_793 {strides = array<i32>} : memref<16384xf32, #tpu.memory_space<vmem>>, vector<16xf32>,
      %mul3A_796 = arith.constant 256 : i32
      %mul3A_797 = arith.muli %scan3A_649, %mul3A_796 : i32
      %add3A_798 = arith.constant 240 : i32
      %add3A_799 = arith.addi %mul3A_797, %add3A_798 : i32
      %get3A_800 = arith.index_cast %add3A_799 : i32 to index
      %get3A_801 = tpu.vector_load %arg6[%get3A_800] {strides = array<i32>} : memref<16384xf32, #tpu.memory_space<vmem>>, vector<16xf32>,
      %bitcast3A_802 = vector.bitcast %get3A_801 : vector<16xf32> to vector<16xi32>
      %gather3A_803 = tpu.vector_load_idx %arg5[%bitcast3A_802] : memref<100000xf32, #tpu.memory_space<vmem>>[vector<16xi32>], vector<16xf32>,
      %swap3A_804 = arith.index_cast %add3A_799 : i32 to index
      %swap3A_805 = tpu.vector_load %arg6[%swap3A_804] {strides = array<i32>} : memref<16384xf32, #tpu.memory_space<vmem>>, vector<16xf32>,
      tpu.vector_store %arg6[%swap3A_804], %gather3A_803 {strides = array<i32>} : memref<16384xf32, #tpu.memory_space<vmem>>, vector<16xf32>,
    }
    %scan3A_384 = arith.constant 64 : i32
    %add3A_385 = arith.constant 8 : i32
    %add3A_386 = arith.addi %mul3A_2, %add3A_385 : i32
    %dma_start3A_387 = arith.constant 0 : i32
    %dma_start3A_388 = tpu.memref_slice %arg2[%add3A_386, %dma_start3A_387] : memref<416x100000xf32, #tpu.memory_space<hbm>> -> memref<1x100000xf32, #tpu.memory_space<hbm>>
    %dma_start3A_389 = tpu.memref_squeeze %dma_start3A_388 : memref<1x100000xf32, #tpu.memory_space<hbm>> -> memref<100000xf32, #tpu.memory_space<hbm>>
    %dma_start3A_390 = arith.constant 0 : i32
    %dma_start3A_391 = tpu.memref_slice %arg2[%add3A_386, %dma_start3A_390] : memref<416x100000xf32, #tpu.memory_space<hbm>> -> memref<1x100000xf32, #tpu.memory_space<hbm>>
    %dma_start3A_392 = tpu.memref_squeeze %dma_start3A_391 : memref<1x100000xf32, #tpu.memory_space<hbm>> -> memref<100000xf32, #tpu.memory_space<hbm>>
    tpu.enqueue_dma source(%dma_start3A_392 : memref<100000xf32, #tpu.memory_space<hbm>>) target(%arg5 : memref<100000xf32, #tpu.memory_space<vmem>>) target_semaphore(%arg7 : memref<!tpu.dma_semaphore, #tpu.memory_space<semaphore_mem>>)
    %add3A_393 = arith.constant 7 : i32
    %add3A_394 = arith.addi %mul3A_2, %add3A_393 : i32
    %dma_start3A_395 = arith.constant 0 : i32
    %dma_start3A_396 = tpu.memref_slice %arg4[%add3A_394, %dma_start3A_395] : memref<416x16384xf32, #tpu.memory_space<hbm>> -> memref<1x16384xf32, #tpu.memory_space<hbm>>
    %dma_start3A_397 = tpu.memref_squeeze %dma_start3A_396 : memref<1x16384xf32, #tpu.memory_space<hbm>> -> memref<16384xf32, #tpu.memory_space<hbm>>
    %dma_start3A_398 = arith.constant 0 : i32
    %dma_start3A_399 = tpu.memref_slice %arg4[%add3A_394, %dma_start3A_398] : memref<416x16384xf32, #tpu.memory_space<hbm>> -> memref<1x16384xf32, #tpu.memory_space<hbm>>
    %dma_start3A_400 = tpu.memref_squeeze %dma_start3A_399 : memref<1x16384xf32, #tpu.memory_space<hbm>> -> memref<16384xf32, #tpu.memory_space<hbm>>
    tpu.enqueue_dma source(%arg6 : memref<16384xf32, #tpu.memory_space<vmem>>) target(%dma_start3A_400 : memref<16384xf32, #tpu.memory_space<hbm>>) target_semaphore(%arg9 : memref<!tpu.dma_semaphore, #tpu.memory_space<semaphore_mem>>)
    %dma_wait3A_401 = arith.constant 0 : i32
    %dma_wait3A_402 = tpu.memref_slice %arg4[%add3A_394, %dma_wait3A_401] : memref<416x16384xf32, #tpu.memory_space<hbm>> -> memref<1x16384xf32, #tpu.memory_space<hbm>>
    %dma_wait3A_403 = tpu.memref_squeeze %dma_wait3A_402 : memref<1x16384xf32, #tpu.memory_space<hbm>> -> memref<16384xf32, #tpu.memory_space<hbm>>
    %dma_wait3A_404 = arith.constant 0 : i32
    %dma_wait3A_405 = tpu.memref_slice %arg4[%add3A_394, %dma_wait3A_404] : memref<416x16384xf32, #tpu.memory_space<hbm>> -> memref<1x16384xf32, #tpu.memory_space<hbm>>
    %dma_wait3A_406 = tpu.memref_squeeze %dma_wait3A_405 : memref<1x16384xf32, #tpu.memory_space<hbm>> -> memref<16384xf32, #tpu.memory_space<hbm>>
    tpu.wait_dma2 semaphore(%arg9 : memref<!tpu.dma_semaphore, #tpu.memory_space<semaphore_mem>>) src(%arg6 : memref<16384xf32, #tpu.memory_space<vmem>>) dst(%dma_wait3A_406 : memref<16384xf32, #tpu.memory_space<hbm>>)
    %add3A_407 = arith.constant 8 : i32
    %add3A_408 = arith.addi %mul3A_2, %add3A_407 : i32
    %shift_right_logical3A_409 = arith.constant 4 : i32
    %shift_right_logical3A_410 = arith.shrui %add3A_408, %shift_right_logical3A_409 : i32
    %dma_start3A_411 = arith.constant 0 : i32
    %dma_start3A_412 = tpu.memref_slice %arg3[%shift_right_logical3A_410, %dma_start3A_411] : memref<26x16384xf32, #tpu.memory_space<hbm>> -> memref<1x16384xf32, #tpu.memory_space<hbm>>
    %dma_start3A_413 = tpu.memref_squeeze %dma_start3A_412 : memref<1x16384xf32, #tpu.memory_space<hbm>> -> memref<16384xf32, #tpu.memory_space<hbm>>
    %dma_start3A_414 = arith.constant 0 : i32
    %dma_start3A_415 = tpu.memref_slice %arg3[%shift_right_logical3A_410, %dma_start3A_414] : memref<26x16384xf32, #tpu.memory_space<hbm>> -> memref<1x16384xf32, #tpu.memory_space<hbm>>
    %dma_start3A_416 = tpu.memref_squeeze %dma_start3A_415 : memref<1x16384xf32, #tpu.memory_space<hbm>> -> memref<16384xf32, #tpu.memory_space<hbm>>
    tpu.enqueue_dma source(%dma_start3A_416 : memref<16384xf32, #tpu.memory_space<hbm>>) target(%arg6 : memref<16384xf32, #tpu.memory_space<vmem>>) target_semaphore(%arg8 : memref<!tpu.dma_semaphore, #tpu.memory_space<semaphore_mem>>)
    %dma_wait3A_417 = arith.constant 0 : i32
    %dma_wait3A_418 = tpu.memref_slice %arg2[%add3A_386, %dma_wait3A_417] : memref<416x100000xf32, #tpu.memory_space<hbm>> -> memref<1x100000xf32, #tpu.memory_space<hbm>>
    %dma_wait3A_419 = tpu.memref_squeeze %dma_wait3A_418 : memref<1x100000xf32, #tpu.memory_space<hbm>> -> memref<100000xf32, #tpu.memory_space<hbm>>
    %dma_wait3A_420 = arith.constant 0 : i32
    %dma_wait3A_421 = tpu.memref_slice %arg2[%add3A_386, %dma_wait3A_420] : memref<416x100000xf32, #tpu.memory_space<hbm>> -> memref<1x100000xf32, #tpu.memory_space<hbm>>
    %dma_wait3A_422 = tpu.memref_squeeze %dma_wait3A_421 : memref<1x100000xf32, #tpu.memory_space<hbm>> -> memref<100000xf32, #tpu.memory_space<hbm>>
    tpu.wait_dma2 semaphore(%arg7 : memref<!tpu.dma_semaphore, #tpu.memory_space<semaphore_mem>>) src(%dma_wait3A_422 : memref<100000xf32, #tpu.memory_space<hbm>>) dst(%arg5 : memref<100000xf32, #tpu.memory_space<vmem>>)
    %dma_wait3A_423 = arith.constant 0 : i32
    %dma_wait3A_424 = tpu.memref_slice %arg3[%shift_right_logical3A_410, %dma_wait3A_423] : memref<26x16384xf32, #tpu.memory_space<hbm>> -> memref<1x16384xf32, #tpu.memory_space<hbm>>
    %dma_wait3A_425 = tpu.memref_squeeze %dma_wait3A_424 : memref<1x16384xf32, #tpu.memory_space<hbm>> -> memref<16384xf32, #tpu.memory_space<hbm>>
    %dma_wait3A_426 = arith.constant 0 : i32
    %dma_wait3A_427 = tpu.memref_slice %arg3[%shift_right_logical3A_410, %dma_wait3A_426] : memref<26x16384xf32, #tpu.memory_space<hbm>> -> memref<1x16384xf32, #tpu.memory_space<hbm>>
    %dma_wait3A_428 = tpu.memref_squeeze %dma_wait3A_427 : memref<1x16384xf32, #tpu.memory_space<hbm>> -> memref<16384xf32, #tpu.memory_space<hbm>>
    tpu.wait_dma2 semaphore(%arg8 : memref<!tpu.dma_semaphore, #tpu.memory_space<semaphore_mem>>) src(%dma_wait3A_428 : memref<16384xf32, #tpu.memory_space<hbm>>) dst(%arg6 : memref<16384xf32, #tpu.memory_space<vmem>>)
    %scan3A_429 = arith.constant 0 : i32
    %scan3A_430 = arith.constant 0 : i32
    %scan3A_431 = arith.constant 64 : i32
    %scan3A_432 = arith.addi %scan3A_430, %scan3A_431 : i32
    %scan3A_433 = arith.constant 1 : i32
    scf.for %scan3A_649 = %scan3A_430 to %scan3A_432 step %scan3A_433  : i32 {
      %mul3A_650 = arith.constant 256 : i32
      %mul3A_651 = arith.muli %scan3A_649, %mul3A_650 : i32
      %add3A_652 = arith.constant 0 : i32
      %add3A_653 = arith.addi %mul3A_651, %add3A_652 : i32
      %get3A = arith.index_cast %add3A_653 : i32 to index
      %get3A_654 = tpu.vector_load %arg6[%get3A] {strides = array<i32>} : memref<16384xf32, #tpu.memory_space<vmem>>, vector<16xf32>,
      %bitcast3A = vector.bitcast %get3A_654 : vector<16xf32> to vector<16xi32>
      %gather3A = tpu.vector_load_idx %arg5[%bitcast3A] : memref<100000xf32, #tpu.memory_space<vmem>>[vector<16xi32>], vector<16xf32>,
      %swap3A = arith.index_cast %add3A_653 : i32 to index
      %swap3A_655 = tpu.vector_load %arg6[%swap3A] {strides = array<i32>} : memref<16384xf32, #tpu.memory_space<vmem>>, vector<16xf32>,
      tpu.vector_store %arg6[%swap3A], %gather3A {strides = array<i32>} : memref<16384xf32, #tpu.memory_space<vmem>>, vector<16xf32>,
      %mul3A_656 = arith.constant 256 : i32
      %mul3A_657 = arith.muli %scan3A_649, %mul3A_656 : i32
      %add3A_658 = arith.constant 16 : i32
      %add3A_659 = arith.addi %mul3A_657, %add3A_658 : i32
      %get3A_660 = arith.index_cast %add3A_659 : i32 to index
      %get3A_661 = tpu.vector_load %arg6[%get3A_660] {strides = array<i32>} : memref<16384xf32, #tpu.memory_space<vmem>>, vector<16xf32>,
      %bitcast3A_662 = vector.bitcast %get3A_661 : vector<16xf32> to vector<16xi32>
      %gather3A_663 = tpu.vector_load_idx %arg5[%bitcast3A_662] : memref<100000xf32, #tpu.memory_space<vmem>>[vector<16xi32>], vector<16xf32>,
      %swap3A_664 = arith.index_cast %add3A_659 : i32 to index
      %swap3A_665 = tpu.vector_load %arg6[%swap3A_664] {strides = array<i32>} : memref<16384xf32, #tpu.memory_space<vmem>>, vector<16xf32>,
      tpu.vector_store %arg6[%swap3A_664], %gather3A_663 {strides = array<i32>} : memref<16384xf32, #tpu.memory_space<vmem>>, vector<16xf32>,
      %mul3A_666 = arith.constant 256 : i32
      %mul3A_667 = arith.muli %scan3A_649, %mul3A_666 : i32
      %add3A_668 = arith.constant 32 : i32
      %add3A_669 = arith.addi %mul3A_667, %add3A_668 : i32
      %get3A_670 = arith.index_cast %add3A_669 : i32 to index
      %get3A_671 = tpu.vector_load %arg6[%get3A_670] {strides = array<i32>} : memref<16384xf32, #tpu.memory_space<vmem>>, vector<16xf32>,
      %bitcast3A_672 = vector.bitcast %get3A_671 : vector<16xf32> to vector<16xi32>
      %gather3A_673 = tpu.vector_load_idx %arg5[%bitcast3A_672] : memref<100000xf32, #tpu.memory_space<vmem>>[vector<16xi32>], vector<16xf32>,
      %swap3A_674 = arith.index_cast %add3A_669 : i32 to index
      %swap3A_675 = tpu.vector_load %arg6[%swap3A_674] {strides = array<i32>} : memref<16384xf32, #tpu.memory_space<vmem>>, vector<16xf32>,
      tpu.vector_store %arg6[%swap3A_674], %gather3A_673 {strides = array<i32>} : memref<16384xf32, #tpu.memory_space<vmem>>, vector<16xf32>,
      %mul3A_676 = arith.constant 256 : i32
      %mul3A_677 = arith.muli %scan3A_649, %mul3A_676 : i32
      %add3A_678 = arith.constant 48 : i32
      %add3A_679 = arith.addi %mul3A_677, %add3A_678 : i32
      %get3A_680 = arith.index_cast %add3A_679 : i32 to index
      %get3A_681 = tpu.vector_load %arg6[%get3A_680] {strides = array<i32>} : memref<16384xf32, #tpu.memory_space<vmem>>, vector<16xf32>,
      %bitcast3A_682 = vector.bitcast %get3A_681 : vector<16xf32> to vector<16xi32>
      %gather3A_683 = tpu.vector_load_idx %arg5[%bitcast3A_682] : memref<100000xf32, #tpu.memory_space<vmem>>[vector<16xi32>], vector<16xf32>,
      %swap3A_684 = arith.index_cast %add3A_679 : i32 to index
      %swap3A_685 = tpu.vector_load %arg6[%swap3A_684] {strides = array<i32>} : memref<16384xf32, #tpu.memory_space<vmem>>, vector<16xf32>,
      tpu.vector_store %arg6[%swap3A_684], %gather3A_683 {strides = array<i32>} : memref<16384xf32, #tpu.memory_space<vmem>>, vector<16xf32>,
      %mul3A_686 = arith.constant 256 : i32
      %mul3A_687 = arith.muli %scan3A_649, %mul3A_686 : i32
      %add3A_688 = arith.constant 64 : i32
      %add3A_689 = arith.addi %mul3A_687, %add3A_688 : i32
      %get3A_690 = arith.index_cast %add3A_689 : i32 to index
      %get3A_691 = tpu.vector_load %arg6[%get3A_690] {strides = array<i32>} : memref<16384xf32, #tpu.memory_space<vmem>>, vector<16xf32>,
      %bitcast3A_692 = vector.bitcast %get3A_691 : vector<16xf32> to vector<16xi32>
      %gather3A_693 = tpu.vector_load_idx %arg5[%bitcast3A_692] : memref<100000xf32, #tpu.memory_space<vmem>>[vector<16xi32>], vector<16xf32>,
      %swap3A_694 = arith.index_cast %add3A_689 : i32 to index
      %swap3A_695 = tpu.vector_load %arg6[%swap3A_694] {strides = array<i32>} : memref<16384xf32, #tpu.memory_space<vmem>>, vector<16xf32>,
      tpu.vector_store %arg6[%swap3A_694], %gather3A_693 {strides = array<i32>} : memref<16384xf32, #tpu.memory_space<vmem>>, vector<16xf32>,
      %mul3A_696 = arith.constant 256 : i32
      %mul3A_697 = arith.muli %scan3A_649, %mul3A_696 : i32
      %add3A_698 = arith.constant 80 : i32
      %add3A_699 = arith.addi %mul3A_697, %add3A_698 : i32
      %get3A_700 = arith.index_cast %add3A_699 : i32 to index
      %get3A_701 = tpu.vector_load %arg6[%get3A_700] {strides = array<i32>} : memref<16384xf32, #tpu.memory_space<vmem>>, vector<16xf32>,
      %bitcast3A_702 = vector.bitcast %get3A_701 : vector<16xf32> to vector<16xi32>
      %gather3A_703 = tpu.vector_load_idx %arg5[%bitcast3A_702] : memref<100000xf32, #tpu.memory_space<vmem>>[vector<16xi32>], vector<16xf32>,
      %swap3A_704 = arith.index_cast %add3A_699 : i32 to index
      %swap3A_705 = tpu.vector_load %arg6[%swap3A_704] {strides = array<i32>} : memref<16384xf32, #tpu.memory_space<vmem>>, vector<16xf32>,
      tpu.vector_store %arg6[%swap3A_704], %gather3A_703 {strides = array<i32>} : memref<16384xf32, #tpu.memory_space<vmem>>, vector<16xf32>,
      %mul3A_706 = arith.constant 256 : i32
      %mul3A_707 = arith.muli %scan3A_649, %mul3A_706 : i32
      %add3A_708 = arith.constant 96 : i32
      %add3A_709 = arith.addi %mul3A_707, %add3A_708 : i32
      %get3A_710 = arith.index_cast %add3A_709 : i32 to index
      %get3A_711 = tpu.vector_load %arg6[%get3A_710] {strides = array<i32>} : memref<16384xf32, #tpu.memory_space<vmem>>, vector<16xf32>,
      %bitcast3A_712 = vector.bitcast %get3A_711 : vector<16xf32> to vector<16xi32>
      %gather3A_713 = tpu.vector_load_idx %arg5[%bitcast3A_712] : memref<100000xf32, #tpu.memory_space<vmem>>[vector<16xi32>], vector<16xf32>,
      %swap3A_714 = arith.index_cast %add3A_709 : i32 to index
      %swap3A_715 = tpu.vector_load %arg6[%swap3A_714] {strides = array<i32>} : memref<16384xf32, #tpu.memory_space<vmem>>, vector<16xf32>,
      tpu.vector_store %arg6[%swap3A_714], %gather3A_713 {strides = array<i32>} : memref<16384xf32, #tpu.memory_space<vmem>>, vector<16xf32>,
      %mul3A_716 = arith.constant 256 : i32
      %mul3A_717 = arith.muli %scan3A_649, %mul3A_716 : i32
      %add3A_718 = arith.constant 112 : i32
      %add3A_719 = arith.addi %mul3A_717, %add3A_718 : i32
      %get3A_720 = arith.index_cast %add3A_719 : i32 to index
      %get3A_721 = tpu.vector_load %arg6[%get3A_720] {strides = array<i32>} : memref<16384xf32, #tpu.memory_space<vmem>>, vector<16xf32>,
      %bitcast3A_722 = vector.bitcast %get3A_721 : vector<16xf32> to vector<16xi32>
      %gather3A_723 = tpu.vector_load_idx %arg5[%bitcast3A_722] : memref<100000xf32, #tpu.memory_space<vmem>>[vector<16xi32>], vector<16xf32>,
      %swap3A_724 = arith.index_cast %add3A_719 : i32 to index
      %swap3A_725 = tpu.vector_load %arg6[%swap3A_724] {strides = array<i32>} : memref<16384xf32, #tpu.memory_space<vmem>>, vector<16xf32>,
      tpu.vector_store %arg6[%swap3A_724], %gather3A_723 {strides = array<i32>} : memref<16384xf32, #tpu.memory_space<vmem>>, vector<16xf32>,
      %mul3A_726 = arith.constant 256 : i32
      %mul3A_727 = arith.muli %scan3A_649, %mul3A_726 : i32
      %add3A_728 = arith.constant 128 : i32
      %add3A_729 = arith.addi %mul3A_727, %add3A_728 : i32
      %get3A_730 = arith.index_cast %add3A_729 : i32 to index
      %get3A_731 = tpu.vector_load %arg6[%get3A_730] {strides = array<i32>} : memref<16384xf32, #tpu.memory_space<vmem>>, vector<16xf32>,
      %bitcast3A_732 = vector.bitcast %get3A_731 : vector<16xf32> to vector<16xi32>
      %gather3A_733 = tpu.vector_load_idx %arg5[%bitcast3A_732] : memref<100000xf32, #tpu.memory_space<vmem>>[vector<16xi32>], vector<16xf32>,
      %swap3A_734 = arith.index_cast %add3A_729 : i32 to index
      %swap3A_735 = tpu.vector_load %arg6[%swap3A_734] {strides = array<i32>} : memref<16384xf32, #tpu.memory_space<vmem>>, vector<16xf32>,
      tpu.vector_store %arg6[%swap3A_734], %gather3A_733 {strides = array<i32>} : memref<16384xf32, #tpu.memory_space<vmem>>, vector<16xf32>,
      %mul3A_736 = arith.constant 256 : i32
      %mul3A_737 = arith.muli %scan3A_649, %mul3A_736 : i32
      %add3A_738 = arith.constant 144 : i32
      %add3A_739 = arith.addi %mul3A_737, %add3A_738 : i32
      %get3A_740 = arith.index_cast %add3A_739 : i32 to index
      %get3A_741 = tpu.vector_load %arg6[%get3A_740] {strides = array<i32>} : memref<16384xf32, #tpu.memory_space<vmem>>, vector<16xf32>,
      %bitcast3A_742 = vector.bitcast %get3A_741 : vector<16xf32> to vector<16xi32>
      %gather3A_743 = tpu.vector_load_idx %arg5[%bitcast3A_742] : memref<100000xf32, #tpu.memory_space<vmem>>[vector<16xi32>], vector<16xf32>,
      %swap3A_744 = arith.index_cast %add3A_739 : i32 to index
      %swap3A_745 = tpu.vector_load %arg6[%swap3A_744] {strides = array<i32>} : memref<16384xf32, #tpu.memory_space<vmem>>, vector<16xf32>,
      tpu.vector_store %arg6[%swap3A_744], %gather3A_743 {strides = array<i32>} : memref<16384xf32, #tpu.memory_space<vmem>>, vector<16xf32>,
      %mul3A_746 = arith.constant 256 : i32
      %mul3A_747 = arith.muli %scan3A_649, %mul3A_746 : i32
      %add3A_748 = arith.constant 160 : i32
      %add3A_749 = arith.addi %mul3A_747, %add3A_748 : i32
      %get3A_750 = arith.index_cast %add3A_749 : i32 to index
      %get3A_751 = tpu.vector_load %arg6[%get3A_750] {strides = array<i32>} : memref<16384xf32, #tpu.memory_space<vmem>>, vector<16xf32>,
      %bitcast3A_752 = vector.bitcast %get3A_751 : vector<16xf32> to vector<16xi32>
      %gather3A_753 = tpu.vector_load_idx %arg5[%bitcast3A_752] : memref<100000xf32, #tpu.memory_space<vmem>>[vector<16xi32>], vector<16xf32>,
      %swap3A_754 = arith.index_cast %add3A_749 : i32 to index
      %swap3A_755 = tpu.vector_load %arg6[%swap3A_754] {strides = array<i32>} : memref<16384xf32, #tpu.memory_space<vmem>>, vector<16xf32>,
      tpu.vector_store %arg6[%swap3A_754], %gather3A_753 {strides = array<i32>} : memref<16384xf32, #tpu.memory_space<vmem>>, vector<16xf32>,
      %mul3A_756 = arith.constant 256 : i32
      %mul3A_757 = arith.muli %scan3A_649, %mul3A_756 : i32
      %add3A_758 = arith.constant 176 : i32
      %add3A_759 = arith.addi %mul3A_757, %add3A_758 : i32
      %get3A_760 = arith.index_cast %add3A_759 : i32 to index
      %get3A_761 = tpu.vector_load %arg6[%get3A_760] {strides = array<i32>} : memref<16384xf32, #tpu.memory_space<vmem>>, vector<16xf32>,
      %bitcast3A_762 = vector.bitcast %get3A_761 : vector<16xf32> to vector<16xi32>
      %gather3A_763 = tpu.vector_load_idx %arg5[%bitcast3A_762] : memref<100000xf32, #tpu.memory_space<vmem>>[vector<16xi32>], vector<16xf32>,
      %swap3A_764 = arith.index_cast %add3A_759 : i32 to index
      %swap3A_765 = tpu.vector_load %arg6[%swap3A_764] {strides = array<i32>} : memref<16384xf32, #tpu.memory_space<vmem>>, vector<16xf32>,
      tpu.vector_store %arg6[%swap3A_764], %gather3A_763 {strides = array<i32>} : memref<16384xf32, #tpu.memory_space<vmem>>, vector<16xf32>,
      %mul3A_766 = arith.constant 256 : i32
      %mul3A_767 = arith.muli %scan3A_649, %mul3A_766 : i32
      %add3A_768 = arith.constant 192 : i32
      %add3A_769 = arith.addi %mul3A_767, %add3A_768 : i32
      %get3A_770 = arith.index_cast %add3A_769 : i32 to index
      %get3A_771 = tpu.vector_load %arg6[%get3A_770] {strides = array<i32>} : memref<16384xf32, #tpu.memory_space<vmem>>, vector<16xf32>,
      %bitcast3A_772 = vector.bitcast %get3A_771 : vector<16xf32> to vector<16xi32>
      %gather3A_773 = tpu.vector_load_idx %arg5[%bitcast3A_772] : memref<100000xf32, #tpu.memory_space<vmem>>[vector<16xi32>], vector<16xf32>,
      %swap3A_774 = arith.index_cast %add3A_769 : i32 to index
      %swap3A_775 = tpu.vector_load %arg6[%swap3A_774] {strides = array<i32>} : memref<16384xf32, #tpu.memory_space<vmem>>, vector<16xf32>,
      tpu.vector_store %arg6[%swap3A_774], %gather3A_773 {strides = array<i32>} : memref<16384xf32, #tpu.memory_space<vmem>>, vector<16xf32>,
      %mul3A_776 = arith.constant 256 : i32
      %mul3A_777 = arith.muli %scan3A_649, %mul3A_776 : i32
      %add3A_778 = arith.constant 208 : i32
      %add3A_779 = arith.addi %mul3A_777, %add3A_778 : i32
      %get3A_780 = arith.index_cast %add3A_779 : i32 to index
      %get3A_781 = tpu.vector_load %arg6[%get3A_780] {strides = array<i32>} : memref<16384xf32, #tpu.memory_space<vmem>>, vector<16xf32>,
      %bitcast3A_782 = vector.bitcast %get3A_781 : vector<16xf32> to vector<16xi32>
      %gather3A_783 = tpu.vector_load_idx %arg5[%bitcast3A_782] : memref<100000xf32, #tpu.memory_space<vmem>>[vector<16xi32>], vector<16xf32>,
      %swap3A_784 = arith.index_cast %add3A_779 : i32 to index
      %swap3A_785 = tpu.vector_load %arg6[%swap3A_784] {strides = array<i32>} : memref<16384xf32, #tpu.memory_space<vmem>>, vector<16xf32>,
      tpu.vector_store %arg6[%swap3A_784], %gather3A_783 {strides = array<i32>} : memref<16384xf32, #tpu.memory_space<vmem>>, vector<16xf32>,
      %mul3A_786 = arith.constant 256 : i32
      %mul3A_787 = arith.muli %scan3A_649, %mul3A_786 : i32
      %add3A_788 = arith.constant 224 : i32
      %add3A_789 = arith.addi %mul3A_787, %add3A_788 : i32
      %get3A_790 = arith.index_cast %add3A_789 : i32 to index
      %get3A_791 = tpu.vector_load %arg6[%get3A_790] {strides = array<i32>} : memref<16384xf32, #tpu.memory_space<vmem>>, vector<16xf32>,
      %bitcast3A_792 = vector.bitcast %get3A_791 : vector<16xf32> to vector<16xi32>
      %gather3A_793 = tpu.vector_load_idx %arg5[%bitcast3A_792] : memref<100000xf32, #tpu.memory_space<vmem>>[vector<16xi32>], vector<16xf32>,
      %swap3A_794 = arith.index_cast %add3A_789 : i32 to index
      %swap3A_795 = tpu.vector_load %arg6[%swap3A_794] {strides = array<i32>} : memref<16384xf32, #tpu.memory_space<vmem>>, vector<16xf32>,
      tpu.vector_store %arg6[%swap3A_794], %gather3A_793 {strides = array<i32>} : memref<16384xf32, #tpu.memory_space<vmem>>, vector<16xf32>,
      %mul3A_796 = arith.constant 256 : i32
      %mul3A_797 = arith.muli %scan3A_649, %mul3A_796 : i32
      %add3A_798 = arith.constant 240 : i32
      %add3A_799 = arith.addi %mul3A_797, %add3A_798 : i32
      %get3A_800 = arith.index_cast %add3A_799 : i32 to index
      %get3A_801 = tpu.vector_load %arg6[%get3A_800] {strides = array<i32>} : memref<16384xf32, #tpu.memory_space<vmem>>, vector<16xf32>,
      %bitcast3A_802 = vector.bitcast %get3A_801 : vector<16xf32> to vector<16xi32>
      %gather3A_803 = tpu.vector_load_idx %arg5[%bitcast3A_802] : memref<100000xf32, #tpu.memory_space<vmem>>[vector<16xi32>], vector<16xf32>,
      %swap3A_804 = arith.index_cast %add3A_799 : i32 to index
      %swap3A_805 = tpu.vector_load %arg6[%swap3A_804] {strides = array<i32>} : memref<16384xf32, #tpu.memory_space<vmem>>, vector<16xf32>,
      tpu.vector_store %arg6[%swap3A_804], %gather3A_803 {strides = array<i32>} : memref<16384xf32, #tpu.memory_space<vmem>>, vector<16xf32>,
    }
    %scan3A_434 = arith.constant 64 : i32
    %add3A_435 = arith.constant 9 : i32
    %add3A_436 = arith.addi %mul3A_2, %add3A_435 : i32
    %dma_start3A_437 = arith.constant 0 : i32
    %dma_start3A_438 = tpu.memref_slice %arg2[%add3A_436, %dma_start3A_437] : memref<416x100000xf32, #tpu.memory_space<hbm>> -> memref<1x100000xf32, #tpu.memory_space<hbm>>
    %dma_start3A_439 = tpu.memref_squeeze %dma_start3A_438 : memref<1x100000xf32, #tpu.memory_space<hbm>> -> memref<100000xf32, #tpu.memory_space<hbm>>
    %dma_start3A_440 = arith.constant 0 : i32
    %dma_start3A_441 = tpu.memref_slice %arg2[%add3A_436, %dma_start3A_440] : memref<416x100000xf32, #tpu.memory_space<hbm>> -> memref<1x100000xf32, #tpu.memory_space<hbm>>
    %dma_start3A_442 = tpu.memref_squeeze %dma_start3A_441 : memref<1x100000xf32, #tpu.memory_space<hbm>> -> memref<100000xf32, #tpu.memory_space<hbm>>
    tpu.enqueue_dma source(%dma_start3A_442 : memref<100000xf32, #tpu.memory_space<hbm>>) target(%arg5 : memref<100000xf32, #tpu.memory_space<vmem>>) target_semaphore(%arg7 : memref<!tpu.dma_semaphore, #tpu.memory_space<semaphore_mem>>)
    %add3A_443 = arith.constant 8 : i32
    %add3A_444 = arith.addi %mul3A_2, %add3A_443 : i32
    %dma_start3A_445 = arith.constant 0 : i32
    %dma_start3A_446 = tpu.memref_slice %arg4[%add3A_444, %dma_start3A_445] : memref<416x16384xf32, #tpu.memory_space<hbm>> -> memref<1x16384xf32, #tpu.memory_space<hbm>>
    %dma_start3A_447 = tpu.memref_squeeze %dma_start3A_446 : memref<1x16384xf32, #tpu.memory_space<hbm>> -> memref<16384xf32, #tpu.memory_space<hbm>>
    %dma_start3A_448 = arith.constant 0 : i32
    %dma_start3A_449 = tpu.memref_slice %arg4[%add3A_444, %dma_start3A_448] : memref<416x16384xf32, #tpu.memory_space<hbm>> -> memref<1x16384xf32, #tpu.memory_space<hbm>>
    %dma_start3A_450 = tpu.memref_squeeze %dma_start3A_449 : memref<1x16384xf32, #tpu.memory_space<hbm>> -> memref<16384xf32, #tpu.memory_space<hbm>>
    tpu.enqueue_dma source(%arg6 : memref<16384xf32, #tpu.memory_space<vmem>>) target(%dma_start3A_450 : memref<16384xf32, #tpu.memory_space<hbm>>) target_semaphore(%arg9 : memref<!tpu.dma_semaphore, #tpu.memory_space<semaphore_mem>>)
    %dma_wait3A_451 = arith.constant 0 : i32
    %dma_wait3A_452 = tpu.memref_slice %arg4[%add3A_444, %dma_wait3A_451] : memref<416x16384xf32, #tpu.memory_space<hbm>> -> memref<1x16384xf32, #tpu.memory_space<hbm>>
    %dma_wait3A_453 = tpu.memref_squeeze %dma_wait3A_452 : memref<1x16384xf32, #tpu.memory_space<hbm>> -> memref<16384xf32, #tpu.memory_space<hbm>>
    %dma_wait3A_454 = arith.constant 0 : i32
    %dma_wait3A_455 = tpu.memref_slice %arg4[%add3A_444, %dma_wait3A_454] : memref<416x16384xf32, #tpu.memory_space<hbm>> -> memref<1x16384xf32, #tpu.memory_space<hbm>>
    %dma_wait3A_456 = tpu.memref_squeeze %dma_wait3A_455 : memref<1x16384xf32, #tpu.memory_space<hbm>> -> memref<16384xf32, #tpu.memory_space<hbm>>
    tpu.wait_dma2 semaphore(%arg9 : memref<!tpu.dma_semaphore, #tpu.memory_space<semaphore_mem>>) src(%arg6 : memref<16384xf32, #tpu.memory_space<vmem>>) dst(%dma_wait3A_456 : memref<16384xf32, #tpu.memory_space<hbm>>)
    %add3A_457 = arith.constant 9 : i32
    %add3A_458 = arith.addi %mul3A_2, %add3A_457 : i32
    %shift_right_logical3A_459 = arith.constant 4 : i32
    %shift_right_logical3A_460 = arith.shrui %add3A_458, %shift_right_logical3A_459 : i32
    %dma_start3A_461 = arith.constant 0 : i32
    %dma_start3A_462 = tpu.memref_slice %arg3[%shift_right_logical3A_460, %dma_start3A_461] : memref<26x16384xf32, #tpu.memory_space<hbm>> -> memref<1x16384xf32, #tpu.memory_space<hbm>>
    %dma_start3A_463 = tpu.memref_squeeze %dma_start3A_462 : memref<1x16384xf32, #tpu.memory_space<hbm>> -> memref<16384xf32, #tpu.memory_space<hbm>>
    %dma_start3A_464 = arith.constant 0 : i32
    %dma_start3A_465 = tpu.memref_slice %arg3[%shift_right_logical3A_460, %dma_start3A_464] : memref<26x16384xf32, #tpu.memory_space<hbm>> -> memref<1x16384xf32, #tpu.memory_space<hbm>>
    %dma_start3A_466 = tpu.memref_squeeze %dma_start3A_465 : memref<1x16384xf32, #tpu.memory_space<hbm>> -> memref<16384xf32, #tpu.memory_space<hbm>>
    tpu.enqueue_dma source(%dma_start3A_466 : memref<16384xf32, #tpu.memory_space<hbm>>) target(%arg6 : memref<16384xf32, #tpu.memory_space<vmem>>) target_semaphore(%arg8 : memref<!tpu.dma_semaphore, #tpu.memory_space<semaphore_mem>>)
    %dma_wait3A_467 = arith.constant 0 : i32
    %dma_wait3A_468 = tpu.memref_slice %arg2[%add3A_436, %dma_wait3A_467] : memref<416x100000xf32, #tpu.memory_space<hbm>> -> memref<1x100000xf32, #tpu.memory_space<hbm>>
    %dma_wait3A_469 = tpu.memref_squeeze %dma_wait3A_468 : memref<1x100000xf32, #tpu.memory_space<hbm>> -> memref<100000xf32, #tpu.memory_space<hbm>>
    %dma_wait3A_470 = arith.constant 0 : i32
    %dma_wait3A_471 = tpu.memref_slice %arg2[%add3A_436, %dma_wait3A_470] : memref<416x100000xf32, #tpu.memory_space<hbm>> -> memref<1x100000xf32, #tpu.memory_space<hbm>>
    %dma_wait3A_472 = tpu.memref_squeeze %dma_wait3A_471 : memref<1x100000xf32, #tpu.memory_space<hbm>> -> memref<100000xf32, #tpu.memory_space<hbm>>
    tpu.wait_dma2 semaphore(%arg7 : memref<!tpu.dma_semaphore, #tpu.memory_space<semaphore_mem>>) src(%dma_wait3A_472 : memref<100000xf32, #tpu.memory_space<hbm>>) dst(%arg5 : memref<100000xf32, #tpu.memory_space<vmem>>)
    %dma_wait3A_473 = arith.constant 0 : i32
    %dma_wait3A_474 = tpu.memref_slice %arg3[%shift_right_logical3A_460, %dma_wait3A_473] : memref<26x16384xf32, #tpu.memory_space<hbm>> -> memref<1x16384xf32, #tpu.memory_space<hbm>>
    %dma_wait3A_475 = tpu.memref_squeeze %dma_wait3A_474 : memref<1x16384xf32, #tpu.memory_space<hbm>> -> memref<16384xf32, #tpu.memory_space<hbm>>
    %dma_wait3A_476 = arith.constant 0 : i32
    %dma_wait3A_477 = tpu.memref_slice %arg3[%shift_right_logical3A_460, %dma_wait3A_476] : memref<26x16384xf32, #tpu.memory_space<hbm>> -> memref<1x16384xf32, #tpu.memory_space<hbm>>
    %dma_wait3A_478 = tpu.memref_squeeze %dma_wait3A_477 : memref<1x16384xf32, #tpu.memory_space<hbm>> -> memref<16384xf32, #tpu.memory_space<hbm>>
    tpu.wait_dma2 semaphore(%arg8 : memref<!tpu.dma_semaphore, #tpu.memory_space<semaphore_mem>>) src(%dma_wait3A_478 : memref<16384xf32, #tpu.memory_space<hbm>>) dst(%arg6 : memref<16384xf32, #tpu.memory_space<vmem>>)
    %scan3A_479 = arith.constant 0 : i32
    %scan3A_480 = arith.constant 0 : i32
    %scan3A_481 = arith.constant 64 : i32
    %scan3A_482 = arith.addi %scan3A_480, %scan3A_481 : i32
    %scan3A_483 = arith.constant 1 : i32
    scf.for %scan3A_649 = %scan3A_480 to %scan3A_482 step %scan3A_483  : i32 {
      %mul3A_650 = arith.constant 256 : i32
      %mul3A_651 = arith.muli %scan3A_649, %mul3A_650 : i32
      %add3A_652 = arith.constant 0 : i32
      %add3A_653 = arith.addi %mul3A_651, %add3A_652 : i32
      %get3A = arith.index_cast %add3A_653 : i32 to index
      %get3A_654 = tpu.vector_load %arg6[%get3A] {strides = array<i32>} : memref<16384xf32, #tpu.memory_space<vmem>>, vector<16xf32>,
      %bitcast3A = vector.bitcast %get3A_654 : vector<16xf32> to vector<16xi32>
      %gather3A = tpu.vector_load_idx %arg5[%bitcast3A] : memref<100000xf32, #tpu.memory_space<vmem>>[vector<16xi32>], vector<16xf32>,
      %swap3A = arith.index_cast %add3A_653 : i32 to index
      %swap3A_655 = tpu.vector_load %arg6[%swap3A] {strides = array<i32>} : memref<16384xf32, #tpu.memory_space<vmem>>, vector<16xf32>,
      tpu.vector_store %arg6[%swap3A], %gather3A {strides = array<i32>} : memref<16384xf32, #tpu.memory_space<vmem>>, vector<16xf32>,
      %mul3A_656 = arith.constant 256 : i32
      %mul3A_657 = arith.muli %scan3A_649, %mul3A_656 : i32
      %add3A_658 = arith.constant 16 : i32
      %add3A_659 = arith.addi %mul3A_657, %add3A_658 : i32
      %get3A_660 = arith.index_cast %add3A_659 : i32 to index
      %get3A_661 = tpu.vector_load %arg6[%get3A_660] {strides = array<i32>} : memref<16384xf32, #tpu.memory_space<vmem>>, vector<16xf32>,
      %bitcast3A_662 = vector.bitcast %get3A_661 : vector<16xf32> to vector<16xi32>
      %gather3A_663 = tpu.vector_load_idx %arg5[%bitcast3A_662] : memref<100000xf32, #tpu.memory_space<vmem>>[vector<16xi32>], vector<16xf32>,
      %swap3A_664 = arith.index_cast %add3A_659 : i32 to index
      %swap3A_665 = tpu.vector_load %arg6[%swap3A_664] {strides = array<i32>} : memref<16384xf32, #tpu.memory_space<vmem>>, vector<16xf32>,
      tpu.vector_store %arg6[%swap3A_664], %gather3A_663 {strides = array<i32>} : memref<16384xf32, #tpu.memory_space<vmem>>, vector<16xf32>,
      %mul3A_666 = arith.constant 256 : i32
      %mul3A_667 = arith.muli %scan3A_649, %mul3A_666 : i32
      %add3A_668 = arith.constant 32 : i32
      %add3A_669 = arith.addi %mul3A_667, %add3A_668 : i32
      %get3A_670 = arith.index_cast %add3A_669 : i32 to index
      %get3A_671 = tpu.vector_load %arg6[%get3A_670] {strides = array<i32>} : memref<16384xf32, #tpu.memory_space<vmem>>, vector<16xf32>,
      %bitcast3A_672 = vector.bitcast %get3A_671 : vector<16xf32> to vector<16xi32>
      %gather3A_673 = tpu.vector_load_idx %arg5[%bitcast3A_672] : memref<100000xf32, #tpu.memory_space<vmem>>[vector<16xi32>], vector<16xf32>,
      %swap3A_674 = arith.index_cast %add3A_669 : i32 to index
      %swap3A_675 = tpu.vector_load %arg6[%swap3A_674] {strides = array<i32>} : memref<16384xf32, #tpu.memory_space<vmem>>, vector<16xf32>,
      tpu.vector_store %arg6[%swap3A_674], %gather3A_673 {strides = array<i32>} : memref<16384xf32, #tpu.memory_space<vmem>>, vector<16xf32>,
      %mul3A_676 = arith.constant 256 : i32
      %mul3A_677 = arith.muli %scan3A_649, %mul3A_676 : i32
      %add3A_678 = arith.constant 48 : i32
      %add3A_679 = arith.addi %mul3A_677, %add3A_678 : i32
      %get3A_680 = arith.index_cast %add3A_679 : i32 to index
      %get3A_681 = tpu.vector_load %arg6[%get3A_680] {strides = array<i32>} : memref<16384xf32, #tpu.memory_space<vmem>>, vector<16xf32>,
      %bitcast3A_682 = vector.bitcast %get3A_681 : vector<16xf32> to vector<16xi32>
      %gather3A_683 = tpu.vector_load_idx %arg5[%bitcast3A_682] : memref<100000xf32, #tpu.memory_space<vmem>>[vector<16xi32>], vector<16xf32>,
      %swap3A_684 = arith.index_cast %add3A_679 : i32 to index
      %swap3A_685 = tpu.vector_load %arg6[%swap3A_684] {strides = array<i32>} : memref<16384xf32, #tpu.memory_space<vmem>>, vector<16xf32>,
      tpu.vector_store %arg6[%swap3A_684], %gather3A_683 {strides = array<i32>} : memref<16384xf32, #tpu.memory_space<vmem>>, vector<16xf32>,
      %mul3A_686 = arith.constant 256 : i32
      %mul3A_687 = arith.muli %scan3A_649, %mul3A_686 : i32
      %add3A_688 = arith.constant 64 : i32
      %add3A_689 = arith.addi %mul3A_687, %add3A_688 : i32
      %get3A_690 = arith.index_cast %add3A_689 : i32 to index
      %get3A_691 = tpu.vector_load %arg6[%get3A_690] {strides = array<i32>} : memref<16384xf32, #tpu.memory_space<vmem>>, vector<16xf32>,
      %bitcast3A_692 = vector.bitcast %get3A_691 : vector<16xf32> to vector<16xi32>
      %gather3A_693 = tpu.vector_load_idx %arg5[%bitcast3A_692] : memref<100000xf32, #tpu.memory_space<vmem>>[vector<16xi32>], vector<16xf32>,
      %swap3A_694 = arith.index_cast %add3A_689 : i32 to index
      %swap3A_695 = tpu.vector_load %arg6[%swap3A_694] {strides = array<i32>} : memref<16384xf32, #tpu.memory_space<vmem>>, vector<16xf32>,
      tpu.vector_store %arg6[%swap3A_694], %gather3A_693 {strides = array<i32>} : memref<16384xf32, #tpu.memory_space<vmem>>, vector<16xf32>,
      %mul3A_696 = arith.constant 256 : i32
      %mul3A_697 = arith.muli %scan3A_649, %mul3A_696 : i32
      %add3A_698 = arith.constant 80 : i32
      %add3A_699 = arith.addi %mul3A_697, %add3A_698 : i32
      %get3A_700 = arith.index_cast %add3A_699 : i32 to index
      %get3A_701 = tpu.vector_load %arg6[%get3A_700] {strides = array<i32>} : memref<16384xf32, #tpu.memory_space<vmem>>, vector<16xf32>,
      %bitcast3A_702 = vector.bitcast %get3A_701 : vector<16xf32> to vector<16xi32>
      %gather3A_703 = tpu.vector_load_idx %arg5[%bitcast3A_702] : memref<100000xf32, #tpu.memory_space<vmem>>[vector<16xi32>], vector<16xf32>,
      %swap3A_704 = arith.index_cast %add3A_699 : i32 to index
      %swap3A_705 = tpu.vector_load %arg6[%swap3A_704] {strides = array<i32>} : memref<16384xf32, #tpu.memory_space<vmem>>, vector<16xf32>,
      tpu.vector_store %arg6[%swap3A_704], %gather3A_703 {strides = array<i32>} : memref<16384xf32, #tpu.memory_space<vmem>>, vector<16xf32>,
      %mul3A_706 = arith.constant 256 : i32
      %mul3A_707 = arith.muli %scan3A_649, %mul3A_706 : i32
      %add3A_708 = arith.constant 96 : i32
      %add3A_709 = arith.addi %mul3A_707, %add3A_708 : i32
      %get3A_710 = arith.index_cast %add3A_709 : i32 to index
      %get3A_711 = tpu.vector_load %arg6[%get3A_710] {strides = array<i32>} : memref<16384xf32, #tpu.memory_space<vmem>>, vector<16xf32>,
      %bitcast3A_712 = vector.bitcast %get3A_711 : vector<16xf32> to vector<16xi32>
      %gather3A_713 = tpu.vector_load_idx %arg5[%bitcast3A_712] : memref<100000xf32, #tpu.memory_space<vmem>>[vector<16xi32>], vector<16xf32>,
      %swap3A_714 = arith.index_cast %add3A_709 : i32 to index
      %swap3A_715 = tpu.vector_load %arg6[%swap3A_714] {strides = array<i32>} : memref<16384xf32, #tpu.memory_space<vmem>>, vector<16xf32>,
      tpu.vector_store %arg6[%swap3A_714], %gather3A_713 {strides = array<i32>} : memref<16384xf32, #tpu.memory_space<vmem>>, vector<16xf32>,
      %mul3A_716 = arith.constant 256 : i32
      %mul3A_717 = arith.muli %scan3A_649, %mul3A_716 : i32
      %add3A_718 = arith.constant 112 : i32
      %add3A_719 = arith.addi %mul3A_717, %add3A_718 : i32
      %get3A_720 = arith.index_cast %add3A_719 : i32 to index
      %get3A_721 = tpu.vector_load %arg6[%get3A_720] {strides = array<i32>} : memref<16384xf32, #tpu.memory_space<vmem>>, vector<16xf32>,
      %bitcast3A_722 = vector.bitcast %get3A_721 : vector<16xf32> to vector<16xi32>
      %gather3A_723 = tpu.vector_load_idx %arg5[%bitcast3A_722] : memref<100000xf32, #tpu.memory_space<vmem>>[vector<16xi32>], vector<16xf32>,
      %swap3A_724 = arith.index_cast %add3A_719 : i32 to index
      %swap3A_725 = tpu.vector_load %arg6[%swap3A_724] {strides = array<i32>} : memref<16384xf32, #tpu.memory_space<vmem>>, vector<16xf32>,
      tpu.vector_store %arg6[%swap3A_724], %gather3A_723 {strides = array<i32>} : memref<16384xf32, #tpu.memory_space<vmem>>, vector<16xf32>,
      %mul3A_726 = arith.constant 256 : i32
      %mul3A_727 = arith.muli %scan3A_649, %mul3A_726 : i32
      %add3A_728 = arith.constant 128 : i32
      %add3A_729 = arith.addi %mul3A_727, %add3A_728 : i32
      %get3A_730 = arith.index_cast %add3A_729 : i32 to index
      %get3A_731 = tpu.vector_load %arg6[%get3A_730] {strides = array<i32>} : memref<16384xf32, #tpu.memory_space<vmem>>, vector<16xf32>,
      %bitcast3A_732 = vector.bitcast %get3A_731 : vector<16xf32> to vector<16xi32>
      %gather3A_733 = tpu.vector_load_idx %arg5[%bitcast3A_732] : memref<100000xf32, #tpu.memory_space<vmem>>[vector<16xi32>], vector<16xf32>,
      %swap3A_734 = arith.index_cast %add3A_729 : i32 to index
      %swap3A_735 = tpu.vector_load %arg6[%swap3A_734] {strides = array<i32>} : memref<16384xf32, #tpu.memory_space<vmem>>, vector<16xf32>,
      tpu.vector_store %arg6[%swap3A_734], %gather3A_733 {strides = array<i32>} : memref<16384xf32, #tpu.memory_space<vmem>>, vector<16xf32>,
      %mul3A_736 = arith.constant 256 : i32
      %mul3A_737 = arith.muli %scan3A_649, %mul3A_736 : i32
      %add3A_738 = arith.constant 144 : i32
      %add3A_739 = arith.addi %mul3A_737, %add3A_738 : i32
      %get3A_740 = arith.index_cast %add3A_739 : i32 to index
      %get3A_741 = tpu.vector_load %arg6[%get3A_740] {strides = array<i32>} : memref<16384xf32, #tpu.memory_space<vmem>>, vector<16xf32>,
      %bitcast3A_742 = vector.bitcast %get3A_741 : vector<16xf32> to vector<16xi32>
      %gather3A_743 = tpu.vector_load_idx %arg5[%bitcast3A_742] : memref<100000xf32, #tpu.memory_space<vmem>>[vector<16xi32>], vector<16xf32>,
      %swap3A_744 = arith.index_cast %add3A_739 : i32 to index
      %swap3A_745 = tpu.vector_load %arg6[%swap3A_744] {strides = array<i32>} : memref<16384xf32, #tpu.memory_space<vmem>>, vector<16xf32>,
      tpu.vector_store %arg6[%swap3A_744], %gather3A_743 {strides = array<i32>} : memref<16384xf32, #tpu.memory_space<vmem>>, vector<16xf32>,
      %mul3A_746 = arith.constant 256 : i32
      %mul3A_747 = arith.muli %scan3A_649, %mul3A_746 : i32
      %add3A_748 = arith.constant 160 : i32
      %add3A_749 = arith.addi %mul3A_747, %add3A_748 : i32
      %get3A_750 = arith.index_cast %add3A_749 : i32 to index
      %get3A_751 = tpu.vector_load %arg6[%get3A_750] {strides = array<i32>} : memref<16384xf32, #tpu.memory_space<vmem>>, vector<16xf32>,
      %bitcast3A_752 = vector.bitcast %get3A_751 : vector<16xf32> to vector<16xi32>
      %gather3A_753 = tpu.vector_load_idx %arg5[%bitcast3A_752] : memref<100000xf32, #tpu.memory_space<vmem>>[vector<16xi32>], vector<16xf32>,
      %swap3A_754 = arith.index_cast %add3A_749 : i32 to index
      %swap3A_755 = tpu.vector_load %arg6[%swap3A_754] {strides = array<i32>} : memref<16384xf32, #tpu.memory_space<vmem>>, vector<16xf32>,
      tpu.vector_store %arg6[%swap3A_754], %gather3A_753 {strides = array<i32>} : memref<16384xf32, #tpu.memory_space<vmem>>, vector<16xf32>,
      %mul3A_756 = arith.constant 256 : i32
      %mul3A_757 = arith.muli %scan3A_649, %mul3A_756 : i32
      %add3A_758 = arith.constant 176 : i32
      %add3A_759 = arith.addi %mul3A_757, %add3A_758 : i32
      %get3A_760 = arith.index_cast %add3A_759 : i32 to index
      %get3A_761 = tpu.vector_load %arg6[%get3A_760] {strides = array<i32>} : memref<16384xf32, #tpu.memory_space<vmem>>, vector<16xf32>,
      %bitcast3A_762 = vector.bitcast %get3A_761 : vector<16xf32> to vector<16xi32>
      %gather3A_763 = tpu.vector_load_idx %arg5[%bitcast3A_762] : memref<100000xf32, #tpu.memory_space<vmem>>[vector<16xi32>], vector<16xf32>,
      %swap3A_764 = arith.index_cast %add3A_759 : i32 to index
      %swap3A_765 = tpu.vector_load %arg6[%swap3A_764] {strides = array<i32>} : memref<16384xf32, #tpu.memory_space<vmem>>, vector<16xf32>,
      tpu.vector_store %arg6[%swap3A_764], %gather3A_763 {strides = array<i32>} : memref<16384xf32, #tpu.memory_space<vmem>>, vector<16xf32>,
      %mul3A_766 = arith.constant 256 : i32
      %mul3A_767 = arith.muli %scan3A_649, %mul3A_766 : i32
      %add3A_768 = arith.constant 192 : i32
      %add3A_769 = arith.addi %mul3A_767, %add3A_768 : i32
      %get3A_770 = arith.index_cast %add3A_769 : i32 to index
      %get3A_771 = tpu.vector_load %arg6[%get3A_770] {strides = array<i32>} : memref<16384xf32, #tpu.memory_space<vmem>>, vector<16xf32>,
      %bitcast3A_772 = vector.bitcast %get3A_771 : vector<16xf32> to vector<16xi32>
      %gather3A_773 = tpu.vector_load_idx %arg5[%bitcast3A_772] : memref<100000xf32, #tpu.memory_space<vmem>>[vector<16xi32>], vector<16xf32>,
      %swap3A_774 = arith.index_cast %add3A_769 : i32 to index
      %swap3A_775 = tpu.vector_load %arg6[%swap3A_774] {strides = array<i32>} : memref<16384xf32, #tpu.memory_space<vmem>>, vector<16xf32>,
      tpu.vector_store %arg6[%swap3A_774], %gather3A_773 {strides = array<i32>} : memref<16384xf32, #tpu.memory_space<vmem>>, vector<16xf32>,
      %mul3A_776 = arith.constant 256 : i32
      %mul3A_777 = arith.muli %scan3A_649, %mul3A_776 : i32
      %add3A_778 = arith.constant 208 : i32
      %add3A_779 = arith.addi %mul3A_777, %add3A_778 : i32
      %get3A_780 = arith.index_cast %add3A_779 : i32 to index
      %get3A_781 = tpu.vector_load %arg6[%get3A_780] {strides = array<i32>} : memref<16384xf32, #tpu.memory_space<vmem>>, vector<16xf32>,
      %bitcast3A_782 = vector.bitcast %get3A_781 : vector<16xf32> to vector<16xi32>
      %gather3A_783 = tpu.vector_load_idx %arg5[%bitcast3A_782] : memref<100000xf32, #tpu.memory_space<vmem>>[vector<16xi32>], vector<16xf32>,
      %swap3A_784 = arith.index_cast %add3A_779 : i32 to index
      %swap3A_785 = tpu.vector_load %arg6[%swap3A_784] {strides = array<i32>} : memref<16384xf32, #tpu.memory_space<vmem>>, vector<16xf32>,
      tpu.vector_store %arg6[%swap3A_784], %gather3A_783 {strides = array<i32>} : memref<16384xf32, #tpu.memory_space<vmem>>, vector<16xf32>,
      %mul3A_786 = arith.constant 256 : i32
      %mul3A_787 = arith.muli %scan3A_649, %mul3A_786 : i32
      %add3A_788 = arith.constant 224 : i32
      %add3A_789 = arith.addi %mul3A_787, %add3A_788 : i32
      %get3A_790 = arith.index_cast %add3A_789 : i32 to index
      %get3A_791 = tpu.vector_load %arg6[%get3A_790] {strides = array<i32>} : memref<16384xf32, #tpu.memory_space<vmem>>, vector<16xf32>,
      %bitcast3A_792 = vector.bitcast %get3A_791 : vector<16xf32> to vector<16xi32>
      %gather3A_793 = tpu.vector_load_idx %arg5[%bitcast3A_792] : memref<100000xf32, #tpu.memory_space<vmem>>[vector<16xi32>], vector<16xf32>,
      %swap3A_794 = arith.index_cast %add3A_789 : i32 to index
      %swap3A_795 = tpu.vector_load %arg6[%swap3A_794] {strides = array<i32>} : memref<16384xf32, #tpu.memory_space<vmem>>, vector<16xf32>,
      tpu.vector_store %arg6[%swap3A_794], %gather3A_793 {strides = array<i32>} : memref<16384xf32, #tpu.memory_space<vmem>>, vector<16xf32>,
      %mul3A_796 = arith.constant 256 : i32
      %mul3A_797 = arith.muli %scan3A_649, %mul3A_796 : i32
      %add3A_798 = arith.constant 240 : i32
      %add3A_799 = arith.addi %mul3A_797, %add3A_798 : i32
      %get3A_800 = arith.index_cast %add3A_799 : i32 to index
      %get3A_801 = tpu.vector_load %arg6[%get3A_800] {strides = array<i32>} : memref<16384xf32, #tpu.memory_space<vmem>>, vector<16xf32>,
      %bitcast3A_802 = vector.bitcast %get3A_801 : vector<16xf32> to vector<16xi32>
      %gather3A_803 = tpu.vector_load_idx %arg5[%bitcast3A_802] : memref<100000xf32, #tpu.memory_space<vmem>>[vector<16xi32>], vector<16xf32>,
      %swap3A_804 = arith.index_cast %add3A_799 : i32 to index
      %swap3A_805 = tpu.vector_load %arg6[%swap3A_804] {strides = array<i32>} : memref<16384xf32, #tpu.memory_space<vmem>>, vector<16xf32>,
      tpu.vector_store %arg6[%swap3A_804], %gather3A_803 {strides = array<i32>} : memref<16384xf32, #tpu.memory_space<vmem>>, vector<16xf32>,
    }
    %scan3A_484 = arith.constant 64 : i32
    %add3A_485 = arith.constant 10 : i32
    %add3A_486 = arith.addi %mul3A_2, %add3A_485 : i32
    %dma_start3A_487 = arith.constant 0 : i32
    %dma_start3A_488 = tpu.memref_slice %arg2[%add3A_486, %dma_start3A_487] : memref<416x100000xf32, #tpu.memory_space<hbm>> -> memref<1x100000xf32, #tpu.memory_space<hbm>>
    %dma_start3A_489 = tpu.memref_squeeze %dma_start3A_488 : memref<1x100000xf32, #tpu.memory_space<hbm>> -> memref<100000xf32, #tpu.memory_space<hbm>>
    %dma_start3A_490 = arith.constant 0 : i32
    %dma_start3A_491 = tpu.memref_slice %arg2[%add3A_486, %dma_start3A_490] : memref<416x100000xf32, #tpu.memory_space<hbm>> -> memref<1x100000xf32, #tpu.memory_space<hbm>>
    %dma_start3A_492 = tpu.memref_squeeze %dma_start3A_491 : memref<1x100000xf32, #tpu.memory_space<hbm>> -> memref<100000xf32, #tpu.memory_space<hbm>>
    tpu.enqueue_dma source(%dma_start3A_492 : memref<100000xf32, #tpu.memory_space<hbm>>) target(%arg5 : memref<100000xf32, #tpu.memory_space<vmem>>) target_semaphore(%arg7 : memref<!tpu.dma_semaphore, #tpu.memory_space<semaphore_mem>>)
    %add3A_493 = arith.constant 9 : i32
    %add3A_494 = arith.addi %mul3A_2, %add3A_493 : i32
    %dma_start3A_495 = arith.constant 0 : i32
    %dma_start3A_496 = tpu.memref_slice %arg4[%add3A_494, %dma_start3A_495] : memref<416x16384xf32, #tpu.memory_space<hbm>> -> memref<1x16384xf32, #tpu.memory_space<hbm>>
    %dma_start3A_497 = tpu.memref_squeeze %dma_start3A_496 : memref<1x16384xf32, #tpu.memory_space<hbm>> -> memref<16384xf32, #tpu.memory_space<hbm>>
    %dma_start3A_498 = arith.constant 0 : i32
    %dma_start3A_499 = tpu.memref_slice %arg4[%add3A_494, %dma_start3A_498] : memref<416x16384xf32, #tpu.memory_space<hbm>> -> memref<1x16384xf32, #tpu.memory_space<hbm>>
    %dma_start3A_500 = tpu.memref_squeeze %dma_start3A_499 : memref<1x16384xf32, #tpu.memory_space<hbm>> -> memref<16384xf32, #tpu.memory_space<hbm>>
    tpu.enqueue_dma source(%arg6 : memref<16384xf32, #tpu.memory_space<vmem>>) target(%dma_start3A_500 : memref<16384xf32, #tpu.memory_space<hbm>>) target_semaphore(%arg9 : memref<!tpu.dma_semaphore, #tpu.memory_space<semaphore_mem>>)
    %dma_wait3A_501 = arith.constant 0 : i32
    %dma_wait3A_502 = tpu.memref_slice %arg4[%add3A_494, %dma_wait3A_501] : memref<416x16384xf32, #tpu.memory_space<hbm>> -> memref<1x16384xf32, #tpu.memory_space<hbm>>
    %dma_wait3A_503 = tpu.memref_squeeze %dma_wait3A_502 : memref<1x16384xf32, #tpu.memory_space<hbm>> -> memref<16384xf32, #tpu.memory_space<hbm>>
    %dma_wait3A_504 = arith.constant 0 : i32
    %dma_wait3A_505 = tpu.memref_slice %arg4[%add3A_494, %dma_wait3A_504] : memref<416x16384xf32, #tpu.memory_space<hbm>> -> memref<1x16384xf32, #tpu.memory_space<hbm>>
    %dma_wait3A_506 = tpu.memref_squeeze %dma_wait3A_505 : memref<1x16384xf32, #tpu.memory_space<hbm>> -> memref<16384xf32, #tpu.memory_space<hbm>>
    tpu.wait_dma2 semaphore(%arg9 : memref<!tpu.dma_semaphore, #tpu.memory_space<semaphore_mem>>) src(%arg6 : memref<16384xf32, #tpu.memory_space<vmem>>) dst(%dma_wait3A_506 : memref<16384xf32, #tpu.memory_space<hbm>>)
    %add3A_507 = arith.constant 10 : i32
    %add3A_508 = arith.addi %mul3A_2, %add3A_507 : i32
    %shift_right_logical3A_509 = arith.constant 4 : i32
    %shift_right_logical3A_510 = arith.shrui %add3A_508, %shift_right_logical3A_509 : i32
    %dma_start3A_511 = arith.constant 0 : i32
    %dma_start3A_512 = tpu.memref_slice %arg3[%shift_right_logical3A_510, %dma_start3A_511] : memref<26x16384xf32, #tpu.memory_space<hbm>> -> memref<1x16384xf32, #tpu.memory_space<hbm>>
    %dma_start3A_513 = tpu.memref_squeeze %dma_start3A_512 : memref<1x16384xf32, #tpu.memory_space<hbm>> -> memref<16384xf32, #tpu.memory_space<hbm>>
    %dma_start3A_514 = arith.constant 0 : i32
    %dma_start3A_515 = tpu.memref_slice %arg3[%shift_right_logical3A_510, %dma_start3A_514] : memref<26x16384xf32, #tpu.memory_space<hbm>> -> memref<1x16384xf32, #tpu.memory_space<hbm>>
    %dma_start3A_516 = tpu.memref_squeeze %dma_start3A_515 : memref<1x16384xf32, #tpu.memory_space<hbm>> -> memref<16384xf32, #tpu.memory_space<hbm>>
    tpu.enqueue_dma source(%dma_start3A_516 : memref<16384xf32, #tpu.memory_space<hbm>>) target(%arg6 : memref<16384xf32, #tpu.memory_space<vmem>>) target_semaphore(%arg8 : memref<!tpu.dma_semaphore, #tpu.memory_space<semaphore_mem>>)
    %dma_wait3A_517 = arith.constant 0 : i32
    %dma_wait3A_518 = tpu.memref_slice %arg2[%add3A_486, %dma_wait3A_517] : memref<416x100000xf32, #tpu.memory_space<hbm>> -> memref<1x100000xf32, #tpu.memory_space<hbm>>
    %dma_wait3A_519 = tpu.memref_squeeze %dma_wait3A_518 : memref<1x100000xf32, #tpu.memory_space<hbm>> -> memref<100000xf32, #tpu.memory_space<hbm>>
    %dma_wait3A_520 = arith.constant 0 : i32
    %dma_wait3A_521 = tpu.memref_slice %arg2[%add3A_486, %dma_wait3A_520] : memref<416x100000xf32, #tpu.memory_space<hbm>> -> memref<1x100000xf32, #tpu.memory_space<hbm>>
    %dma_wait3A_522 = tpu.memref_squeeze %dma_wait3A_521 : memref<1x100000xf32, #tpu.memory_space<hbm>> -> memref<100000xf32, #tpu.memory_space<hbm>>
    tpu.wait_dma2 semaphore(%arg7 : memref<!tpu.dma_semaphore, #tpu.memory_space<semaphore_mem>>) src(%dma_wait3A_522 : memref<100000xf32, #tpu.memory_space<hbm>>) dst(%arg5 : memref<100000xf32, #tpu.memory_space<vmem>>)
    %dma_wait3A_523 = arith.constant 0 : i32
    %dma_wait3A_524 = tpu.memref_slice %arg3[%shift_right_logical3A_510, %dma_wait3A_523] : memref<26x16384xf32, #tpu.memory_space<hbm>> -> memref<1x16384xf32, #tpu.memory_space<hbm>>
    %dma_wait3A_525 = tpu.memref_squeeze %dma_wait3A_524 : memref<1x16384xf32, #tpu.memory_space<hbm>> -> memref<16384xf32, #tpu.memory_space<hbm>>
    %dma_wait3A_526 = arith.constant 0 : i32
    %dma_wait3A_527 = tpu.memref_slice %arg3[%shift_right_logical3A_510, %dma_wait3A_526] : memref<26x16384xf32, #tpu.memory_space<hbm>> -> memref<1x16384xf32, #tpu.memory_space<hbm>>
    %dma_wait3A_528 = tpu.memref_squeeze %dma_wait3A_527 : memref<1x16384xf32, #tpu.memory_space<hbm>> -> memref<16384xf32, #tpu.memory_space<hbm>>
    tpu.wait_dma2 semaphore(%arg8 : memref<!tpu.dma_semaphore, #tpu.memory_space<semaphore_mem>>) src(%dma_wait3A_528 : memref<16384xf32, #tpu.memory_space<hbm>>) dst(%arg6 : memref<16384xf32, #tpu.memory_space<vmem>>)
    %scan3A_529 = arith.constant 0 : i32
    %scan3A_530 = arith.constant 0 : i32
    %scan3A_531 = arith.constant 64 : i32
    %scan3A_532 = arith.addi %scan3A_530, %scan3A_531 : i32
    %scan3A_533 = arith.constant 1 : i32
    scf.for %scan3A_649 = %scan3A_530 to %scan3A_532 step %scan3A_533  : i32 {
      %mul3A_650 = arith.constant 256 : i32
      %mul3A_651 = arith.muli %scan3A_649, %mul3A_650 : i32
      %add3A_652 = arith.constant 0 : i32
      %add3A_653 = arith.addi %mul3A_651, %add3A_652 : i32
      %get3A = arith.index_cast %add3A_653 : i32 to index
      %get3A_654 = tpu.vector_load %arg6[%get3A] {strides = array<i32>} : memref<16384xf32, #tpu.memory_space<vmem>>, vector<16xf32>,
      %bitcast3A = vector.bitcast %get3A_654 : vector<16xf32> to vector<16xi32>
      %gather3A = tpu.vector_load_idx %arg5[%bitcast3A] : memref<100000xf32, #tpu.memory_space<vmem>>[vector<16xi32>], vector<16xf32>,
      %swap3A = arith.index_cast %add3A_653 : i32 to index
      %swap3A_655 = tpu.vector_load %arg6[%swap3A] {strides = array<i32>} : memref<16384xf32, #tpu.memory_space<vmem>>, vector<16xf32>,
      tpu.vector_store %arg6[%swap3A], %gather3A {strides = array<i32>} : memref<16384xf32, #tpu.memory_space<vmem>>, vector<16xf32>,
      %mul3A_656 = arith.constant 256 : i32
      %mul3A_657 = arith.muli %scan3A_649, %mul3A_656 : i32
      %add3A_658 = arith.constant 16 : i32
      %add3A_659 = arith.addi %mul3A_657, %add3A_658 : i32
      %get3A_660 = arith.index_cast %add3A_659 : i32 to index
      %get3A_661 = tpu.vector_load %arg6[%get3A_660] {strides = array<i32>} : memref<16384xf32, #tpu.memory_space<vmem>>, vector<16xf32>,
      %bitcast3A_662 = vector.bitcast %get3A_661 : vector<16xf32> to vector<16xi32>
      %gather3A_663 = tpu.vector_load_idx %arg5[%bitcast3A_662] : memref<100000xf32, #tpu.memory_space<vmem>>[vector<16xi32>], vector<16xf32>,
      %swap3A_664 = arith.index_cast %add3A_659 : i32 to index
      %swap3A_665 = tpu.vector_load %arg6[%swap3A_664] {strides = array<i32>} : memref<16384xf32, #tpu.memory_space<vmem>>, vector<16xf32>,
      tpu.vector_store %arg6[%swap3A_664], %gather3A_663 {strides = array<i32>} : memref<16384xf32, #tpu.memory_space<vmem>>, vector<16xf32>,
      %mul3A_666 = arith.constant 256 : i32
      %mul3A_667 = arith.muli %scan3A_649, %mul3A_666 : i32
      %add3A_668 = arith.constant 32 : i32
      %add3A_669 = arith.addi %mul3A_667, %add3A_668 : i32
      %get3A_670 = arith.index_cast %add3A_669 : i32 to index
      %get3A_671 = tpu.vector_load %arg6[%get3A_670] {strides = array<i32>} : memref<16384xf32, #tpu.memory_space<vmem>>, vector<16xf32>,
      %bitcast3A_672 = vector.bitcast %get3A_671 : vector<16xf32> to vector<16xi32>
      %gather3A_673 = tpu.vector_load_idx %arg5[%bitcast3A_672] : memref<100000xf32, #tpu.memory_space<vmem>>[vector<16xi32>], vector<16xf32>,
      %swap3A_674 = arith.index_cast %add3A_669 : i32 to index
      %swap3A_675 = tpu.vector_load %arg6[%swap3A_674] {strides = array<i32>} : memref<16384xf32, #tpu.memory_space<vmem>>, vector<16xf32>,
      tpu.vector_store %arg6[%swap3A_674], %gather3A_673 {strides = array<i32>} : memref<16384xf32, #tpu.memory_space<vmem>>, vector<16xf32>,
      %mul3A_676 = arith.constant 256 : i32
      %mul3A_677 = arith.muli %scan3A_649, %mul3A_676 : i32
      %add3A_678 = arith.constant 48 : i32
      %add3A_679 = arith.addi %mul3A_677, %add3A_678 : i32
      %get3A_680 = arith.index_cast %add3A_679 : i32 to index
      %get3A_681 = tpu.vector_load %arg6[%get3A_680] {strides = array<i32>} : memref<16384xf32, #tpu.memory_space<vmem>>, vector<16xf32>,
      %bitcast3A_682 = vector.bitcast %get3A_681 : vector<16xf32> to vector<16xi32>
      %gather3A_683 = tpu.vector_load_idx %arg5[%bitcast3A_682] : memref<100000xf32, #tpu.memory_space<vmem>>[vector<16xi32>], vector<16xf32>,
      %swap3A_684 = arith.index_cast %add3A_679 : i32 to index
      %swap3A_685 = tpu.vector_load %arg6[%swap3A_684] {strides = array<i32>} : memref<16384xf32, #tpu.memory_space<vmem>>, vector<16xf32>,
      tpu.vector_store %arg6[%swap3A_684], %gather3A_683 {strides = array<i32>} : memref<16384xf32, #tpu.memory_space<vmem>>, vector<16xf32>,
      %mul3A_686 = arith.constant 256 : i32
      %mul3A_687 = arith.muli %scan3A_649, %mul3A_686 : i32
      %add3A_688 = arith.constant 64 : i32
      %add3A_689 = arith.addi %mul3A_687, %add3A_688 : i32
      %get3A_690 = arith.index_cast %add3A_689 : i32 to index
      %get3A_691 = tpu.vector_load %arg6[%get3A_690] {strides = array<i32>} : memref<16384xf32, #tpu.memory_space<vmem>>, vector<16xf32>,
      %bitcast3A_692 = vector.bitcast %get3A_691 : vector<16xf32> to vector<16xi32>
      %gather3A_693 = tpu.vector_load_idx %arg5[%bitcast3A_692] : memref<100000xf32, #tpu.memory_space<vmem>>[vector<16xi32>], vector<16xf32>,
      %swap3A_694 = arith.index_cast %add3A_689 : i32 to index
      %swap3A_695 = tpu.vector_load %arg6[%swap3A_694] {strides = array<i32>} : memref<16384xf32, #tpu.memory_space<vmem>>, vector<16xf32>,
      tpu.vector_store %arg6[%swap3A_694], %gather3A_693 {strides = array<i32>} : memref<16384xf32, #tpu.memory_space<vmem>>, vector<16xf32>,
      %mul3A_696 = arith.constant 256 : i32
      %mul3A_697 = arith.muli %scan3A_649, %mul3A_696 : i32
      %add3A_698 = arith.constant 80 : i32
      %add3A_699 = arith.addi %mul3A_697, %add3A_698 : i32
      %get3A_700 = arith.index_cast %add3A_699 : i32 to index
      %get3A_701 = tpu.vector_load %arg6[%get3A_700] {strides = array<i32>} : memref<16384xf32, #tpu.memory_space<vmem>>, vector<16xf32>,
      %bitcast3A_702 = vector.bitcast %get3A_701 : vector<16xf32> to vector<16xi32>
      %gather3A_703 = tpu.vector_load_idx %arg5[%bitcast3A_702] : memref<100000xf32, #tpu.memory_space<vmem>>[vector<16xi32>], vector<16xf32>,
      %swap3A_704 = arith.index_cast %add3A_699 : i32 to index
      %swap3A_705 = tpu.vector_load %arg6[%swap3A_704] {strides = array<i32>} : memref<16384xf32, #tpu.memory_space<vmem>>, vector<16xf32>,
      tpu.vector_store %arg6[%swap3A_704], %gather3A_703 {strides = array<i32>} : memref<16384xf32, #tpu.memory_space<vmem>>, vector<16xf32>,
      %mul3A_706 = arith.constant 256 : i32
      %mul3A_707 = arith.muli %scan3A_649, %mul3A_706 : i32
      %add3A_708 = arith.constant 96 : i32
      %add3A_709 = arith.addi %mul3A_707, %add3A_708 : i32
      %get3A_710 = arith.index_cast %add3A_709 : i32 to index
      %get3A_711 = tpu.vector_load %arg6[%get3A_710] {strides = array<i32>} : memref<16384xf32, #tpu.memory_space<vmem>>, vector<16xf32>,
      %bitcast3A_712 = vector.bitcast %get3A_711 : vector<16xf32> to vector<16xi32>
      %gather3A_713 = tpu.vector_load_idx %arg5[%bitcast3A_712] : memref<100000xf32, #tpu.memory_space<vmem>>[vector<16xi32>], vector<16xf32>,
      %swap3A_714 = arith.index_cast %add3A_709 : i32 to index
      %swap3A_715 = tpu.vector_load %arg6[%swap3A_714] {strides = array<i32>} : memref<16384xf32, #tpu.memory_space<vmem>>, vector<16xf32>,
      tpu.vector_store %arg6[%swap3A_714], %gather3A_713 {strides = array<i32>} : memref<16384xf32, #tpu.memory_space<vmem>>, vector<16xf32>,
      %mul3A_716 = arith.constant 256 : i32
      %mul3A_717 = arith.muli %scan3A_649, %mul3A_716 : i32
      %add3A_718 = arith.constant 112 : i32
      %add3A_719 = arith.addi %mul3A_717, %add3A_718 : i32
      %get3A_720 = arith.index_cast %add3A_719 : i32 to index
      %get3A_721 = tpu.vector_load %arg6[%get3A_720] {strides = array<i32>} : memref<16384xf32, #tpu.memory_space<vmem>>, vector<16xf32>,
      %bitcast3A_722 = vector.bitcast %get3A_721 : vector<16xf32> to vector<16xi32>
      %gather3A_723 = tpu.vector_load_idx %arg5[%bitcast3A_722] : memref<100000xf32, #tpu.memory_space<vmem>>[vector<16xi32>], vector<16xf32>,
      %swap3A_724 = arith.index_cast %add3A_719 : i32 to index
      %swap3A_725 = tpu.vector_load %arg6[%swap3A_724] {strides = array<i32>} : memref<16384xf32, #tpu.memory_space<vmem>>, vector<16xf32>,
      tpu.vector_store %arg6[%swap3A_724], %gather3A_723 {strides = array<i32>} : memref<16384xf32, #tpu.memory_space<vmem>>, vector<16xf32>,
      %mul3A_726 = arith.constant 256 : i32
      %mul3A_727 = arith.muli %scan3A_649, %mul3A_726 : i32
      %add3A_728 = arith.constant 128 : i32
      %add3A_729 = arith.addi %mul3A_727, %add3A_728 : i32
      %get3A_730 = arith.index_cast %add3A_729 : i32 to index
      %get3A_731 = tpu.vector_load %arg6[%get3A_730] {strides = array<i32>} : memref<16384xf32, #tpu.memory_space<vmem>>, vector<16xf32>,
      %bitcast3A_732 = vector.bitcast %get3A_731 : vector<16xf32> to vector<16xi32>
      %gather3A_733 = tpu.vector_load_idx %arg5[%bitcast3A_732] : memref<100000xf32, #tpu.memory_space<vmem>>[vector<16xi32>], vector<16xf32>,
      %swap3A_734 = arith.index_cast %add3A_729 : i32 to index
      %swap3A_735 = tpu.vector_load %arg6[%swap3A_734] {strides = array<i32>} : memref<16384xf32, #tpu.memory_space<vmem>>, vector<16xf32>,
      tpu.vector_store %arg6[%swap3A_734], %gather3A_733 {strides = array<i32>} : memref<16384xf32, #tpu.memory_space<vmem>>, vector<16xf32>,
      %mul3A_736 = arith.constant 256 : i32
      %mul3A_737 = arith.muli %scan3A_649, %mul3A_736 : i32
      %add3A_738 = arith.constant 144 : i32
      %add3A_739 = arith.addi %mul3A_737, %add3A_738 : i32
      %get3A_740 = arith.index_cast %add3A_739 : i32 to index
      %get3A_741 = tpu.vector_load %arg6[%get3A_740] {strides = array<i32>} : memref<16384xf32, #tpu.memory_space<vmem>>, vector<16xf32>,
      %bitcast3A_742 = vector.bitcast %get3A_741 : vector<16xf32> to vector<16xi32>
      %gather3A_743 = tpu.vector_load_idx %arg5[%bitcast3A_742] : memref<100000xf32, #tpu.memory_space<vmem>>[vector<16xi32>], vector<16xf32>,
      %swap3A_744 = arith.index_cast %add3A_739 : i32 to index
      %swap3A_745 = tpu.vector_load %arg6[%swap3A_744] {strides = array<i32>} : memref<16384xf32, #tpu.memory_space<vmem>>, vector<16xf32>,
      tpu.vector_store %arg6[%swap3A_744], %gather3A_743 {strides = array<i32>} : memref<16384xf32, #tpu.memory_space<vmem>>, vector<16xf32>,
      %mul3A_746 = arith.constant 256 : i32
      %mul3A_747 = arith.muli %scan3A_649, %mul3A_746 : i32
      %add3A_748 = arith.constant 160 : i32
      %add3A_749 = arith.addi %mul3A_747, %add3A_748 : i32
      %get3A_750 = arith.index_cast %add3A_749 : i32 to index
      %get3A_751 = tpu.vector_load %arg6[%get3A_750] {strides = array<i32>} : memref<16384xf32, #tpu.memory_space<vmem>>, vector<16xf32>,
      %bitcast3A_752 = vector.bitcast %get3A_751 : vector<16xf32> to vector<16xi32>
      %gather3A_753 = tpu.vector_load_idx %arg5[%bitcast3A_752] : memref<100000xf32, #tpu.memory_space<vmem>>[vector<16xi32>], vector<16xf32>,
      %swap3A_754 = arith.index_cast %add3A_749 : i32 to index
      %swap3A_755 = tpu.vector_load %arg6[%swap3A_754] {strides = array<i32>} : memref<16384xf32, #tpu.memory_space<vmem>>, vector<16xf32>,
      tpu.vector_store %arg6[%swap3A_754], %gather3A_753 {strides = array<i32>} : memref<16384xf32, #tpu.memory_space<vmem>>, vector<16xf32>,
      %mul3A_756 = arith.constant 256 : i32
      %mul3A_757 = arith.muli %scan3A_649, %mul3A_756 : i32
      %add3A_758 = arith.constant 176 : i32
      %add3A_759 = arith.addi %mul3A_757, %add3A_758 : i32
      %get3A_760 = arith.index_cast %add3A_759 : i32 to index
      %get3A_761 = tpu.vector_load %arg6[%get3A_760] {strides = array<i32>} : memref<16384xf32, #tpu.memory_space<vmem>>, vector<16xf32>,
      %bitcast3A_762 = vector.bitcast %get3A_761 : vector<16xf32> to vector<16xi32>
      %gather3A_763 = tpu.vector_load_idx %arg5[%bitcast3A_762] : memref<100000xf32, #tpu.memory_space<vmem>>[vector<16xi32>], vector<16xf32>,
      %swap3A_764 = arith.index_cast %add3A_759 : i32 to index
      %swap3A_765 = tpu.vector_load %arg6[%swap3A_764] {strides = array<i32>} : memref<16384xf32, #tpu.memory_space<vmem>>, vector<16xf32>,
      tpu.vector_store %arg6[%swap3A_764], %gather3A_763 {strides = array<i32>} : memref<16384xf32, #tpu.memory_space<vmem>>, vector<16xf32>,
      %mul3A_766 = arith.constant 256 : i32
      %mul3A_767 = arith.muli %scan3A_649, %mul3A_766 : i32
      %add3A_768 = arith.constant 192 : i32
      %add3A_769 = arith.addi %mul3A_767, %add3A_768 : i32
      %get3A_770 = arith.index_cast %add3A_769 : i32 to index
      %get3A_771 = tpu.vector_load %arg6[%get3A_770] {strides = array<i32>} : memref<16384xf32, #tpu.memory_space<vmem>>, vector<16xf32>,
      %bitcast3A_772 = vector.bitcast %get3A_771 : vector<16xf32> to vector<16xi32>
      %gather3A_773 = tpu.vector_load_idx %arg5[%bitcast3A_772] : memref<100000xf32, #tpu.memory_space<vmem>>[vector<16xi32>], vector<16xf32>,
      %swap3A_774 = arith.index_cast %add3A_769 : i32 to index
      %swap3A_775 = tpu.vector_load %arg6[%swap3A_774] {strides = array<i32>} : memref<16384xf32, #tpu.memory_space<vmem>>, vector<16xf32>,
      tpu.vector_store %arg6[%swap3A_774], %gather3A_773 {strides = array<i32>} : memref<16384xf32, #tpu.memory_space<vmem>>, vector<16xf32>,
      %mul3A_776 = arith.constant 256 : i32
      %mul3A_777 = arith.muli %scan3A_649, %mul3A_776 : i32
      %add3A_778 = arith.constant 208 : i32
      %add3A_779 = arith.addi %mul3A_777, %add3A_778 : i32
      %get3A_780 = arith.index_cast %add3A_779 : i32 to index
      %get3A_781 = tpu.vector_load %arg6[%get3A_780] {strides = array<i32>} : memref<16384xf32, #tpu.memory_space<vmem>>, vector<16xf32>,
      %bitcast3A_782 = vector.bitcast %get3A_781 : vector<16xf32> to vector<16xi32>
      %gather3A_783 = tpu.vector_load_idx %arg5[%bitcast3A_782] : memref<100000xf32, #tpu.memory_space<vmem>>[vector<16xi32>], vector<16xf32>,
      %swap3A_784 = arith.index_cast %add3A_779 : i32 to index
      %swap3A_785 = tpu.vector_load %arg6[%swap3A_784] {strides = array<i32>} : memref<16384xf32, #tpu.memory_space<vmem>>, vector<16xf32>,
      tpu.vector_store %arg6[%swap3A_784], %gather3A_783 {strides = array<i32>} : memref<16384xf32, #tpu.memory_space<vmem>>, vector<16xf32>,
      %mul3A_786 = arith.constant 256 : i32
      %mul3A_787 = arith.muli %scan3A_649, %mul3A_786 : i32
      %add3A_788 = arith.constant 224 : i32
      %add3A_789 = arith.addi %mul3A_787, %add3A_788 : i32
      %get3A_790 = arith.index_cast %add3A_789 : i32 to index
      %get3A_791 = tpu.vector_load %arg6[%get3A_790] {strides = array<i32>} : memref<16384xf32, #tpu.memory_space<vmem>>, vector<16xf32>,
      %bitcast3A_792 = vector.bitcast %get3A_791 : vector<16xf32> to vector<16xi32>
      %gather3A_793 = tpu.vector_load_idx %arg5[%bitcast3A_792] : memref<100000xf32, #tpu.memory_space<vmem>>[vector<16xi32>], vector<16xf32>,
      %swap3A_794 = arith.index_cast %add3A_789 : i32 to index
      %swap3A_795 = tpu.vector_load %arg6[%swap3A_794] {strides = array<i32>} : memref<16384xf32, #tpu.memory_space<vmem>>, vector<16xf32>,
      tpu.vector_store %arg6[%swap3A_794], %gather3A_793 {strides = array<i32>} : memref<16384xf32, #tpu.memory_space<vmem>>, vector<16xf32>,
      %mul3A_796 = arith.constant 256 : i32
      %mul3A_797 = arith.muli %scan3A_649, %mul3A_796 : i32
      %add3A_798 = arith.constant 240 : i32
      %add3A_799 = arith.addi %mul3A_797, %add3A_798 : i32
      %get3A_800 = arith.index_cast %add3A_799 : i32 to index
      %get3A_801 = tpu.vector_load %arg6[%get3A_800] {strides = array<i32>} : memref<16384xf32, #tpu.memory_space<vmem>>, vector<16xf32>,
      %bitcast3A_802 = vector.bitcast %get3A_801 : vector<16xf32> to vector<16xi32>
      %gather3A_803 = tpu.vector_load_idx %arg5[%bitcast3A_802] : memref<100000xf32, #tpu.memory_space<vmem>>[vector<16xi32>], vector<16xf32>,
      %swap3A_804 = arith.index_cast %add3A_799 : i32 to index
      %swap3A_805 = tpu.vector_load %arg6[%swap3A_804] {strides = array<i32>} : memref<16384xf32, #tpu.memory_space<vmem>>, vector<16xf32>,
      tpu.vector_store %arg6[%swap3A_804], %gather3A_803 {strides = array<i32>} : memref<16384xf32, #tpu.memory_space<vmem>>, vector<16xf32>,
    }
    %scan3A_534 = arith.constant 64 : i32
    %add3A_535 = arith.constant 11 : i32
    %add3A_536 = arith.addi %mul3A_2, %add3A_535 : i32
    %dma_start3A_537 = arith.constant 0 : i32
    %dma_start3A_538 = tpu.memref_slice %arg2[%add3A_536, %dma_start3A_537] : memref<416x100000xf32, #tpu.memory_space<hbm>> -> memref<1x100000xf32, #tpu.memory_space<hbm>>
    %dma_start3A_539 = tpu.memref_squeeze %dma_start3A_538 : memref<1x100000xf32, #tpu.memory_space<hbm>> -> memref<100000xf32, #tpu.memory_space<hbm>>
    %dma_start3A_540 = arith.constant 0 : i32
    %dma_start3A_541 = tpu.memref_slice %arg2[%add3A_536, %dma_start3A_540] : memref<416x100000xf32, #tpu.memory_space<hbm>> -> memref<1x100000xf32, #tpu.memory_space<hbm>>
    %dma_start3A_542 = tpu.memref_squeeze %dma_start3A_541 : memref<1x100000xf32, #tpu.memory_space<hbm>> -> memref<100000xf32, #tpu.memory_space<hbm>>
    tpu.enqueue_dma source(%dma_start3A_542 : memref<100000xf32, #tpu.memory_space<hbm>>) target(%arg5 : memref<100000xf32, #tpu.memory_space<vmem>>) target_semaphore(%arg7 : memref<!tpu.dma_semaphore, #tpu.memory_space<semaphore_mem>>)
    %add3A_543 = arith.constant 10 : i32
    %add3A_544 = arith.addi %mul3A_2, %add3A_543 : i32
    %dma_start3A_545 = arith.constant 0 : i32
    %dma_start3A_546 = tpu.memref_slice %arg4[%add3A_544, %dma_start3A_545] : memref<416x16384xf32, #tpu.memory_space<hbm>> -> memref<1x16384xf32, #tpu.memory_space<hbm>>
    %dma_start3A_547 = tpu.memref_squeeze %dma_start3A_546 : memref<1x16384xf32, #tpu.memory_space<hbm>> -> memref<16384xf32, #tpu.memory_space<hbm>>
    %dma_start3A_548 = arith.constant 0 : i32
    %dma_start3A_549 = tpu.memref_slice %arg4[%add3A_544, %dma_start3A_548] : memref<416x16384xf32, #tpu.memory_space<hbm>> -> memref<1x16384xf32, #tpu.memory_space<hbm>>
    %dma_start3A_550 = tpu.memref_squeeze %dma_start3A_549 : memref<1x16384xf32, #tpu.memory_space<hbm>> -> memref<16384xf32, #tpu.memory_space<hbm>>
    tpu.enqueue_dma source(%arg6 : memref<16384xf32, #tpu.memory_space<vmem>>) target(%dma_start3A_550 : memref<16384xf32, #tpu.memory_space<hbm>>) target_semaphore(%arg9 : memref<!tpu.dma_semaphore, #tpu.memory_space<semaphore_mem>>)
    %dma_wait3A_551 = arith.constant 0 : i32
    %dma_wait3A_552 = tpu.memref_slice %arg4[%add3A_544, %dma_wait3A_551] : memref<416x16384xf32, #tpu.memory_space<hbm>> -> memref<1x16384xf32, #tpu.memory_space<hbm>>
    %dma_wait3A_553 = tpu.memref_squeeze %dma_wait3A_552 : memref<1x16384xf32, #tpu.memory_space<hbm>> -> memref<16384xf32, #tpu.memory_space<hbm>>
    %dma_wait3A_554 = arith.constant 0 : i32
    %dma_wait3A_555 = tpu.memref_slice %arg4[%add3A_544, %dma_wait3A_554] : memref<416x16384xf32, #tpu.memory_space<hbm>> -> memref<1x16384xf32, #tpu.memory_space<hbm>>
    %dma_wait3A_556 = tpu.memref_squeeze %dma_wait3A_555 : memref<1x16384xf32, #tpu.memory_space<hbm>> -> memref<16384xf32, #tpu.memory_space<hbm>>
    tpu.wait_dma2 semaphore(%arg9 : memref<!tpu.dma_semaphore, #tpu.memory_space<semaphore_mem>>) src(%arg6 : memref<16384xf32, #tpu.memory_space<vmem>>) dst(%dma_wait3A_556 : memref<16384xf32, #tpu.memory_space<hbm>>)
    %add3A_557 = arith.constant 11 : i32
    %add3A_558 = arith.addi %mul3A_2, %add3A_557 : i32
    %shift_right_logical3A_559 = arith.constant 4 : i32
    %shift_right_logical3A_560 = arith.shrui %add3A_558, %shift_right_logical3A_559 : i32
    %dma_start3A_561 = arith.constant 0 : i32
    %dma_start3A_562 = tpu.memref_slice %arg3[%shift_right_logical3A_560, %dma_start3A_561] : memref<26x16384xf32, #tpu.memory_space<hbm>> -> memref<1x16384xf32, #tpu.memory_space<hbm>>
    %dma_start3A_563 = tpu.memref_squeeze %dma_start3A_562 : memref<1x16384xf32, #tpu.memory_space<hbm>> -> memref<16384xf32, #tpu.memory_space<hbm>>
    %dma_start3A_564 = arith.constant 0 : i32
    %dma_start3A_565 = tpu.memref_slice %arg3[%shift_right_logical3A_560, %dma_start3A_564] : memref<26x16384xf32, #tpu.memory_space<hbm>> -> memref<1x16384xf32, #tpu.memory_space<hbm>>
    %dma_start3A_566 = tpu.memref_squeeze %dma_start3A_565 : memref<1x16384xf32, #tpu.memory_space<hbm>> -> memref<16384xf32, #tpu.memory_space<hbm>>
    tpu.enqueue_dma source(%dma_start3A_566 : memref<16384xf32, #tpu.memory_space<hbm>>) target(%arg6 : memref<16384xf32, #tpu.memory_space<vmem>>) target_semaphore(%arg8 : memref<!tpu.dma_semaphore, #tpu.memory_space<semaphore_mem>>)
    %dma_wait3A_567 = arith.constant 0 : i32
    %dma_wait3A_568 = tpu.memref_slice %arg2[%add3A_536, %dma_wait3A_567] : memref<416x100000xf32, #tpu.memory_space<hbm>> -> memref<1x100000xf32, #tpu.memory_space<hbm>>
    %dma_wait3A_569 = tpu.memref_squeeze %dma_wait3A_568 : memref<1x100000xf32, #tpu.memory_space<hbm>> -> memref<100000xf32, #tpu.memory_space<hbm>>
    %dma_wait3A_570 = arith.constant 0 : i32
    %dma_wait3A_571 = tpu.memref_slice %arg2[%add3A_536, %dma_wait3A_570] : memref<416x100000xf32, #tpu.memory_space<hbm>> -> memref<1x100000xf32, #tpu.memory_space<hbm>>
    %dma_wait3A_572 = tpu.memref_squeeze %dma_wait3A_571 : memref<1x100000xf32, #tpu.memory_space<hbm>> -> memref<100000xf32, #tpu.memory_space<hbm>>
    tpu.wait_dma2 semaphore(%arg7 : memref<!tpu.dma_semaphore, #tpu.memory_space<semaphore_mem>>) src(%dma_wait3A_572 : memref<100000xf32, #tpu.memory_space<hbm>>) dst(%arg5 : memref<100000xf32, #tpu.memory_space<vmem>>)
    %dma_wait3A_573 = arith.constant 0 : i32
    %dma_wait3A_574 = tpu.memref_slice %arg3[%shift_right_logical3A_560, %dma_wait3A_573] : memref<26x16384xf32, #tpu.memory_space<hbm>> -> memref<1x16384xf32, #tpu.memory_space<hbm>>
    %dma_wait3A_575 = tpu.memref_squeeze %dma_wait3A_574 : memref<1x16384xf32, #tpu.memory_space<hbm>> -> memref<16384xf32, #tpu.memory_space<hbm>>
    %dma_wait3A_576 = arith.constant 0 : i32
    %dma_wait3A_577 = tpu.memref_slice %arg3[%shift_right_logical3A_560, %dma_wait3A_576] : memref<26x16384xf32, #tpu.memory_space<hbm>> -> memref<1x16384xf32, #tpu.memory_space<hbm>>
    %dma_wait3A_578 = tpu.memref_squeeze %dma_wait3A_577 : memref<1x16384xf32, #tpu.memory_space<hbm>> -> memref<16384xf32, #tpu.memory_space<hbm>>
    tpu.wait_dma2 semaphore(%arg8 : memref<!tpu.dma_semaphore, #tpu.memory_space<semaphore_mem>>) src(%dma_wait3A_578 : memref<16384xf32, #tpu.memory_space<hbm>>) dst(%arg6 : memref<16384xf32, #tpu.memory_space<vmem>>)
    %scan3A_579 = arith.constant 0 : i32
    %scan3A_580 = arith.constant 0 : i32
    %scan3A_581 = arith.constant 64 : i32
    %scan3A_582 = arith.addi %scan3A_580, %scan3A_581 : i32
    %scan3A_583 = arith.constant 1 : i32
    scf.for %scan3A_649 = %scan3A_580 to %scan3A_582 step %scan3A_583  : i32 {
      %mul3A_650 = arith.constant 256 : i32
      %mul3A_651 = arith.muli %scan3A_649, %mul3A_650 : i32
      %add3A_652 = arith.constant 0 : i32
      %add3A_653 = arith.addi %mul3A_651, %add3A_652 : i32
      %get3A = arith.index_cast %add3A_653 : i32 to index
      %get3A_654 = tpu.vector_load %arg6[%get3A] {strides = array<i32>} : memref<16384xf32, #tpu.memory_space<vmem>>, vector<16xf32>,
      %bitcast3A = vector.bitcast %get3A_654 : vector<16xf32> to vector<16xi32>
      %gather3A = tpu.vector_load_idx %arg5[%bitcast3A] : memref<100000xf32, #tpu.memory_space<vmem>>[vector<16xi32>], vector<16xf32>,
      %swap3A = arith.index_cast %add3A_653 : i32 to index
      %swap3A_655 = tpu.vector_load %arg6[%swap3A] {strides = array<i32>} : memref<16384xf32, #tpu.memory_space<vmem>>, vector<16xf32>,
      tpu.vector_store %arg6[%swap3A], %gather3A {strides = array<i32>} : memref<16384xf32, #tpu.memory_space<vmem>>, vector<16xf32>,
      %mul3A_656 = arith.constant 256 : i32
      %mul3A_657 = arith.muli %scan3A_649, %mul3A_656 : i32
      %add3A_658 = arith.constant 16 : i32
      %add3A_659 = arith.addi %mul3A_657, %add3A_658 : i32
      %get3A_660 = arith.index_cast %add3A_659 : i32 to index
      %get3A_661 = tpu.vector_load %arg6[%get3A_660] {strides = array<i32>} : memref<16384xf32, #tpu.memory_space<vmem>>, vector<16xf32>,
      %bitcast3A_662 = vector.bitcast %get3A_661 : vector<16xf32> to vector<16xi32>
      %gather3A_663 = tpu.vector_load_idx %arg5[%bitcast3A_662] : memref<100000xf32, #tpu.memory_space<vmem>>[vector<16xi32>], vector<16xf32>,
      %swap3A_664 = arith.index_cast %add3A_659 : i32 to index
      %swap3A_665 = tpu.vector_load %arg6[%swap3A_664] {strides = array<i32>} : memref<16384xf32, #tpu.memory_space<vmem>>, vector<16xf32>,
      tpu.vector_store %arg6[%swap3A_664], %gather3A_663 {strides = array<i32>} : memref<16384xf32, #tpu.memory_space<vmem>>, vector<16xf32>,
      %mul3A_666 = arith.constant 256 : i32
      %mul3A_667 = arith.muli %scan3A_649, %mul3A_666 : i32
      %add3A_668 = arith.constant 32 : i32
      %add3A_669 = arith.addi %mul3A_667, %add3A_668 : i32
      %get3A_670 = arith.index_cast %add3A_669 : i32 to index
      %get3A_671 = tpu.vector_load %arg6[%get3A_670] {strides = array<i32>} : memref<16384xf32, #tpu.memory_space<vmem>>, vector<16xf32>,
      %bitcast3A_672 = vector.bitcast %get3A_671 : vector<16xf32> to vector<16xi32>
      %gather3A_673 = tpu.vector_load_idx %arg5[%bitcast3A_672] : memref<100000xf32, #tpu.memory_space<vmem>>[vector<16xi32>], vector<16xf32>,
      %swap3A_674 = arith.index_cast %add3A_669 : i32 to index
      %swap3A_675 = tpu.vector_load %arg6[%swap3A_674] {strides = array<i32>} : memref<16384xf32, #tpu.memory_space<vmem>>, vector<16xf32>,
      tpu.vector_store %arg6[%swap3A_674], %gather3A_673 {strides = array<i32>} : memref<16384xf32, #tpu.memory_space<vmem>>, vector<16xf32>,
      %mul3A_676 = arith.constant 256 : i32
      %mul3A_677 = arith.muli %scan3A_649, %mul3A_676 : i32
      %add3A_678 = arith.constant 48 : i32
      %add3A_679 = arith.addi %mul3A_677, %add3A_678 : i32
      %get3A_680 = arith.index_cast %add3A_679 : i32 to index
      %get3A_681 = tpu.vector_load %arg6[%get3A_680] {strides = array<i32>} : memref<16384xf32, #tpu.memory_space<vmem>>, vector<16xf32>,
      %bitcast3A_682 = vector.bitcast %get3A_681 : vector<16xf32> to vector<16xi32>
      %gather3A_683 = tpu.vector_load_idx %arg5[%bitcast3A_682] : memref<100000xf32, #tpu.memory_space<vmem>>[vector<16xi32>], vector<16xf32>,
      %swap3A_684 = arith.index_cast %add3A_679 : i32 to index
      %swap3A_685 = tpu.vector_load %arg6[%swap3A_684] {strides = array<i32>} : memref<16384xf32, #tpu.memory_space<vmem>>, vector<16xf32>,
      tpu.vector_store %arg6[%swap3A_684], %gather3A_683 {strides = array<i32>} : memref<16384xf32, #tpu.memory_space<vmem>>, vector<16xf32>,
      %mul3A_686 = arith.constant 256 : i32
      %mul3A_687 = arith.muli %scan3A_649, %mul3A_686 : i32
      %add3A_688 = arith.constant 64 : i32
      %add3A_689 = arith.addi %mul3A_687, %add3A_688 : i32
      %get3A_690 = arith.index_cast %add3A_689 : i32 to index
      %get3A_691 = tpu.vector_load %arg6[%get3A_690] {strides = array<i32>} : memref<16384xf32, #tpu.memory_space<vmem>>, vector<16xf32>,
      %bitcast3A_692 = vector.bitcast %get3A_691 : vector<16xf32> to vector<16xi32>
      %gather3A_693 = tpu.vector_load_idx %arg5[%bitcast3A_692] : memref<100000xf32, #tpu.memory_space<vmem>>[vector<16xi32>], vector<16xf32>,
      %swap3A_694 = arith.index_cast %add3A_689 : i32 to index
      %swap3A_695 = tpu.vector_load %arg6[%swap3A_694] {strides = array<i32>} : memref<16384xf32, #tpu.memory_space<vmem>>, vector<16xf32>,
      tpu.vector_store %arg6[%swap3A_694], %gather3A_693 {strides = array<i32>} : memref<16384xf32, #tpu.memory_space<vmem>>, vector<16xf32>,
      %mul3A_696 = arith.constant 256 : i32
      %mul3A_697 = arith.muli %scan3A_649, %mul3A_696 : i32
      %add3A_698 = arith.constant 80 : i32
      %add3A_699 = arith.addi %mul3A_697, %add3A_698 : i32
      %get3A_700 = arith.index_cast %add3A_699 : i32 to index
      %get3A_701 = tpu.vector_load %arg6[%get3A_700] {strides = array<i32>} : memref<16384xf32, #tpu.memory_space<vmem>>, vector<16xf32>,
      %bitcast3A_702 = vector.bitcast %get3A_701 : vector<16xf32> to vector<16xi32>
      %gather3A_703 = tpu.vector_load_idx %arg5[%bitcast3A_702] : memref<100000xf32, #tpu.memory_space<vmem>>[vector<16xi32>], vector<16xf32>,
      %swap3A_704 = arith.index_cast %add3A_699 : i32 to index
      %swap3A_705 = tpu.vector_load %arg6[%swap3A_704] {strides = array<i32>} : memref<16384xf32, #tpu.memory_space<vmem>>, vector<16xf32>,
      tpu.vector_store %arg6[%swap3A_704], %gather3A_703 {strides = array<i32>} : memref<16384xf32, #tpu.memory_space<vmem>>, vector<16xf32>,
      %mul3A_706 = arith.constant 256 : i32
      %mul3A_707 = arith.muli %scan3A_649, %mul3A_706 : i32
      %add3A_708 = arith.constant 96 : i32
      %add3A_709 = arith.addi %mul3A_707, %add3A_708 : i32
      %get3A_710 = arith.index_cast %add3A_709 : i32 to index
      %get3A_711 = tpu.vector_load %arg6[%get3A_710] {strides = array<i32>} : memref<16384xf32, #tpu.memory_space<vmem>>, vector<16xf32>,
      %bitcast3A_712 = vector.bitcast %get3A_711 : vector<16xf32> to vector<16xi32>
      %gather3A_713 = tpu.vector_load_idx %arg5[%bitcast3A_712] : memref<100000xf32, #tpu.memory_space<vmem>>[vector<16xi32>], vector<16xf32>,
      %swap3A_714 = arith.index_cast %add3A_709 : i32 to index
      %swap3A_715 = tpu.vector_load %arg6[%swap3A_714] {strides = array<i32>} : memref<16384xf32, #tpu.memory_space<vmem>>, vector<16xf32>,
      tpu.vector_store %arg6[%swap3A_714], %gather3A_713 {strides = array<i32>} : memref<16384xf32, #tpu.memory_space<vmem>>, vector<16xf32>,
      %mul3A_716 = arith.constant 256 : i32
      %mul3A_717 = arith.muli %scan3A_649, %mul3A_716 : i32
      %add3A_718 = arith.constant 112 : i32
      %add3A_719 = arith.addi %mul3A_717, %add3A_718 : i32
      %get3A_720 = arith.index_cast %add3A_719 : i32 to index
      %get3A_721 = tpu.vector_load %arg6[%get3A_720] {strides = array<i32>} : memref<16384xf32, #tpu.memory_space<vmem>>, vector<16xf32>,
      %bitcast3A_722 = vector.bitcast %get3A_721 : vector<16xf32> to vector<16xi32>
      %gather3A_723 = tpu.vector_load_idx %arg5[%bitcast3A_722] : memref<100000xf32, #tpu.memory_space<vmem>>[vector<16xi32>], vector<16xf32>,
      %swap3A_724 = arith.index_cast %add3A_719 : i32 to index
      %swap3A_725 = tpu.vector_load %arg6[%swap3A_724] {strides = array<i32>} : memref<16384xf32, #tpu.memory_space<vmem>>, vector<16xf32>,
      tpu.vector_store %arg6[%swap3A_724], %gather3A_723 {strides = array<i32>} : memref<16384xf32, #tpu.memory_space<vmem>>, vector<16xf32>,
      %mul3A_726 = arith.constant 256 : i32
      %mul3A_727 = arith.muli %scan3A_649, %mul3A_726 : i32
      %add3A_728 = arith.constant 128 : i32
      %add3A_729 = arith.addi %mul3A_727, %add3A_728 : i32
      %get3A_730 = arith.index_cast %add3A_729 : i32 to index
      %get3A_731 = tpu.vector_load %arg6[%get3A_730] {strides = array<i32>} : memref<16384xf32, #tpu.memory_space<vmem>>, vector<16xf32>,
      %bitcast3A_732 = vector.bitcast %get3A_731 : vector<16xf32> to vector<16xi32>
      %gather3A_733 = tpu.vector_load_idx %arg5[%bitcast3A_732] : memref<100000xf32, #tpu.memory_space<vmem>>[vector<16xi32>], vector<16xf32>,
      %swap3A_734 = arith.index_cast %add3A_729 : i32 to index
      %swap3A_735 = tpu.vector_load %arg6[%swap3A_734] {strides = array<i32>} : memref<16384xf32, #tpu.memory_space<vmem>>, vector<16xf32>,
      tpu.vector_store %arg6[%swap3A_734], %gather3A_733 {strides = array<i32>} : memref<16384xf32, #tpu.memory_space<vmem>>, vector<16xf32>,
      %mul3A_736 = arith.constant 256 : i32
      %mul3A_737 = arith.muli %scan3A_649, %mul3A_736 : i32
      %add3A_738 = arith.constant 144 : i32
      %add3A_739 = arith.addi %mul3A_737, %add3A_738 : i32
      %get3A_740 = arith.index_cast %add3A_739 : i32 to index
      %get3A_741 = tpu.vector_load %arg6[%get3A_740] {strides = array<i32>} : memref<16384xf32, #tpu.memory_space<vmem>>, vector<16xf32>,
      %bitcast3A_742 = vector.bitcast %get3A_741 : vector<16xf32> to vector<16xi32>
      %gather3A_743 = tpu.vector_load_idx %arg5[%bitcast3A_742] : memref<100000xf32, #tpu.memory_space<vmem>>[vector<16xi32>], vector<16xf32>,
      %swap3A_744 = arith.index_cast %add3A_739 : i32 to index
      %swap3A_745 = tpu.vector_load %arg6[%swap3A_744] {strides = array<i32>} : memref<16384xf32, #tpu.memory_space<vmem>>, vector<16xf32>,
      tpu.vector_store %arg6[%swap3A_744], %gather3A_743 {strides = array<i32>} : memref<16384xf32, #tpu.memory_space<vmem>>, vector<16xf32>,
      %mul3A_746 = arith.constant 256 : i32
      %mul3A_747 = arith.muli %scan3A_649, %mul3A_746 : i32
      %add3A_748 = arith.constant 160 : i32
      %add3A_749 = arith.addi %mul3A_747, %add3A_748 : i32
      %get3A_750 = arith.index_cast %add3A_749 : i32 to index
      %get3A_751 = tpu.vector_load %arg6[%get3A_750] {strides = array<i32>} : memref<16384xf32, #tpu.memory_space<vmem>>, vector<16xf32>,
      %bitcast3A_752 = vector.bitcast %get3A_751 : vector<16xf32> to vector<16xi32>
      %gather3A_753 = tpu.vector_load_idx %arg5[%bitcast3A_752] : memref<100000xf32, #tpu.memory_space<vmem>>[vector<16xi32>], vector<16xf32>,
      %swap3A_754 = arith.index_cast %add3A_749 : i32 to index
      %swap3A_755 = tpu.vector_load %arg6[%swap3A_754] {strides = array<i32>} : memref<16384xf32, #tpu.memory_space<vmem>>, vector<16xf32>,
      tpu.vector_store %arg6[%swap3A_754], %gather3A_753 {strides = array<i32>} : memref<16384xf32, #tpu.memory_space<vmem>>, vector<16xf32>,
      %mul3A_756 = arith.constant 256 : i32
      %mul3A_757 = arith.muli %scan3A_649, %mul3A_756 : i32
      %add3A_758 = arith.constant 176 : i32
      %add3A_759 = arith.addi %mul3A_757, %add3A_758 : i32
      %get3A_760 = arith.index_cast %add3A_759 : i32 to index
      %get3A_761 = tpu.vector_load %arg6[%get3A_760] {strides = array<i32>} : memref<16384xf32, #tpu.memory_space<vmem>>, vector<16xf32>,
      %bitcast3A_762 = vector.bitcast %get3A_761 : vector<16xf32> to vector<16xi32>
      %gather3A_763 = tpu.vector_load_idx %arg5[%bitcast3A_762] : memref<100000xf32, #tpu.memory_space<vmem>>[vector<16xi32>], vector<16xf32>,
      %swap3A_764 = arith.index_cast %add3A_759 : i32 to index
      %swap3A_765 = tpu.vector_load %arg6[%swap3A_764] {strides = array<i32>} : memref<16384xf32, #tpu.memory_space<vmem>>, vector<16xf32>,
      tpu.vector_store %arg6[%swap3A_764], %gather3A_763 {strides = array<i32>} : memref<16384xf32, #tpu.memory_space<vmem>>, vector<16xf32>,
      %mul3A_766 = arith.constant 256 : i32
      %mul3A_767 = arith.muli %scan3A_649, %mul3A_766 : i32
      %add3A_768 = arith.constant 192 : i32
      %add3A_769 = arith.addi %mul3A_767, %add3A_768 : i32
      %get3A_770 = arith.index_cast %add3A_769 : i32 to index
      %get3A_771 = tpu.vector_load %arg6[%get3A_770] {strides = array<i32>} : memref<16384xf32, #tpu.memory_space<vmem>>, vector<16xf32>,
      %bitcast3A_772 = vector.bitcast %get3A_771 : vector<16xf32> to vector<16xi32>
      %gather3A_773 = tpu.vector_load_idx %arg5[%bitcast3A_772] : memref<100000xf32, #tpu.memory_space<vmem>>[vector<16xi32>], vector<16xf32>,
      %swap3A_774 = arith.index_cast %add3A_769 : i32 to index
      %swap3A_775 = tpu.vector_load %arg6[%swap3A_774] {strides = array<i32>} : memref<16384xf32, #tpu.memory_space<vmem>>, vector<16xf32>,
      tpu.vector_store %arg6[%swap3A_774], %gather3A_773 {strides = array<i32>} : memref<16384xf32, #tpu.memory_space<vmem>>, vector<16xf32>,
      %mul3A_776 = arith.constant 256 : i32
      %mul3A_777 = arith.muli %scan3A_649, %mul3A_776 : i32
      %add3A_778 = arith.constant 208 : i32
      %add3A_779 = arith.addi %mul3A_777, %add3A_778 : i32
      %get3A_780 = arith.index_cast %add3A_779 : i32 to index
      %get3A_781 = tpu.vector_load %arg6[%get3A_780] {strides = array<i32>} : memref<16384xf32, #tpu.memory_space<vmem>>, vector<16xf32>,
      %bitcast3A_782 = vector.bitcast %get3A_781 : vector<16xf32> to vector<16xi32>
      %gather3A_783 = tpu.vector_load_idx %arg5[%bitcast3A_782] : memref<100000xf32, #tpu.memory_space<vmem>>[vector<16xi32>], vector<16xf32>,
      %swap3A_784 = arith.index_cast %add3A_779 : i32 to index
      %swap3A_785 = tpu.vector_load %arg6[%swap3A_784] {strides = array<i32>} : memref<16384xf32, #tpu.memory_space<vmem>>, vector<16xf32>,
      tpu.vector_store %arg6[%swap3A_784], %gather3A_783 {strides = array<i32>} : memref<16384xf32, #tpu.memory_space<vmem>>, vector<16xf32>,
      %mul3A_786 = arith.constant 256 : i32
      %mul3A_787 = arith.muli %scan3A_649, %mul3A_786 : i32
      %add3A_788 = arith.constant 224 : i32
      %add3A_789 = arith.addi %mul3A_787, %add3A_788 : i32
      %get3A_790 = arith.index_cast %add3A_789 : i32 to index
      %get3A_791 = tpu.vector_load %arg6[%get3A_790] {strides = array<i32>} : memref<16384xf32, #tpu.memory_space<vmem>>, vector<16xf32>,
      %bitcast3A_792 = vector.bitcast %get3A_791 : vector<16xf32> to vector<16xi32>
      %gather3A_793 = tpu.vector_load_idx %arg5[%bitcast3A_792] : memref<100000xf32, #tpu.memory_space<vmem>>[vector<16xi32>], vector<16xf32>,
      %swap3A_794 = arith.index_cast %add3A_789 : i32 to index
      %swap3A_795 = tpu.vector_load %arg6[%swap3A_794] {strides = array<i32>} : memref<16384xf32, #tpu.memory_space<vmem>>, vector<16xf32>,
      tpu.vector_store %arg6[%swap3A_794], %gather3A_793 {strides = array<i32>} : memref<16384xf32, #tpu.memory_space<vmem>>, vector<16xf32>,
      %mul3A_796 = arith.constant 256 : i32
      %mul3A_797 = arith.muli %scan3A_649, %mul3A_796 : i32
      %add3A_798 = arith.constant 240 : i32
      %add3A_799 = arith.addi %mul3A_797, %add3A_798 : i32
      %get3A_800 = arith.index_cast %add3A_799 : i32 to index
      %get3A_801 = tpu.vector_load %arg6[%get3A_800] {strides = array<i32>} : memref<16384xf32, #tpu.memory_space<vmem>>, vector<16xf32>,
      %bitcast3A_802 = vector.bitcast %get3A_801 : vector<16xf32> to vector<16xi32>
      %gather3A_803 = tpu.vector_load_idx %arg5[%bitcast3A_802] : memref<100000xf32, #tpu.memory_space<vmem>>[vector<16xi32>], vector<16xf32>,
      %swap3A_804 = arith.index_cast %add3A_799 : i32 to index
      %swap3A_805 = tpu.vector_load %arg6[%swap3A_804] {strides = array<i32>} : memref<16384xf32, #tpu.memory_space<vmem>>, vector<16xf32>,
      tpu.vector_store %arg6[%swap3A_804], %gather3A_803 {strides = array<i32>} : memref<16384xf32, #tpu.memory_space<vmem>>, vector<16xf32>,
    }
    %scan3A_584 = arith.constant 64 : i32
    %add3A_585 = arith.constant 12 : i32
    %add3A_586 = arith.addi %mul3A_2, %add3A_585 : i32
    %dma_start3A_587 = arith.constant 0 : i32
    %dma_start3A_588 = tpu.memref_slice %arg2[%add3A_586, %dma_start3A_587] : memref<416x100000xf32, #tpu.memory_space<hbm>> -> memref<1x100000xf32, #tpu.memory_space<hbm>>
    %dma_start3A_589 = tpu.memref_squeeze %dma_start3A_588 : memref<1x100000xf32, #tpu.memory_space<hbm>> -> memref<100000xf32, #tpu.memory_space<hbm>>
    %dma_start3A_590 = arith.constant 0 : i32
    %dma_start3A_591 = tpu.memref_slice %arg2[%add3A_586, %dma_start3A_590] : memref<416x100000xf32, #tpu.memory_space<hbm>> -> memref<1x100000xf32, #tpu.memory_space<hbm>>
    %dma_start3A_592 = tpu.memref_squeeze %dma_start3A_591 : memref<1x100000xf32, #tpu.memory_space<hbm>> -> memref<100000xf32, #tpu.memory_space<hbm>>
    tpu.enqueue_dma source(%dma_start3A_592 : memref<100000xf32, #tpu.memory_space<hbm>>) target(%arg5 : memref<100000xf32, #tpu.memory_space<vmem>>) target_semaphore(%arg7 : memref<!tpu.dma_semaphore, #tpu.memory_space<semaphore_mem>>)
    %add3A_593 = arith.constant 11 : i32
    %add3A_594 = arith.addi %mul3A_2, %add3A_593 : i32
    %dma_start3A_595 = arith.constant 0 : i32
    %dma_start3A_596 = tpu.memref_slice %arg4[%add3A_594, %dma_start3A_595] : memref<416x16384xf32, #tpu.memory_space<hbm>> -> memref<1x16384xf32, #tpu.memory_space<hbm>>
    %dma_start3A_597 = tpu.memref_squeeze %dma_start3A_596 : memref<1x16384xf32, #tpu.memory_space<hbm>> -> memref<16384xf32, #tpu.memory_space<hbm>>
    %dma_start3A_598 = arith.constant 0 : i32
    %dma_start3A_599 = tpu.memref_slice %arg4[%add3A_594, %dma_start3A_598] : memref<416x16384xf32, #tpu.memory_space<hbm>> -> memref<1x16384xf32, #tpu.memory_space<hbm>>
    %dma_start3A_600 = tpu.memref_squeeze %dma_start3A_599 : memref<1x16384xf32, #tpu.memory_space<hbm>> -> memref<16384xf32, #tpu.memory_space<hbm>>
    tpu.enqueue_dma source(%arg6 : memref<16384xf32, #tpu.memory_space<vmem>>) target(%dma_start3A_600 : memref<16384xf32, #tpu.memory_space<hbm>>) target_semaphore(%arg9 : memref<!tpu.dma_semaphore, #tpu.memory_space<semaphore_mem>>)
    %dma_wait3A_601 = arith.constant 0 : i32
    %dma_wait3A_602 = tpu.memref_slice %arg4[%add3A_594, %dma_wait3A_601] : memref<416x16384xf32, #tpu.memory_space<hbm>> -> memref<1x16384xf32, #tpu.memory_space<hbm>>
    %dma_wait3A_603 = tpu.memref_squeeze %dma_wait3A_602 : memref<1x16384xf32, #tpu.memory_space<hbm>> -> memref<16384xf32, #tpu.memory_space<hbm>>
    %dma_wait3A_604 = arith.constant 0 : i32
    %dma_wait3A_605 = tpu.memref_slice %arg4[%add3A_594, %dma_wait3A_604] : memref<416x16384xf32, #tpu.memory_space<hbm>> -> memref<1x16384xf32, #tpu.memory_space<hbm>>
    %dma_wait3A_606 = tpu.memref_squeeze %dma_wait3A_605 : memref<1x16384xf32, #tpu.memory_space<hbm>> -> memref<16384xf32, #tpu.memory_space<hbm>>
    tpu.wait_dma2 semaphore(%arg9 : memref<!tpu.dma_semaphore, #tpu.memory_space<semaphore_mem>>) src(%arg6 : memref<16384xf32, #tpu.memory_space<vmem>>) dst(%dma_wait3A_606 : memref<16384xf32, #tpu.memory_space<hbm>>)
    %add3A_607 = arith.constant 12 : i32
    %add3A_608 = arith.addi %mul3A_2, %add3A_607 : i32
    %shift_right_logical3A_609 = arith.constant 4 : i32
    %shift_right_logical3A_610 = arith.shrui %add3A_608, %shift_right_logical3A_609 : i32
    %dma_start3A_611 = arith.constant 0 : i32
    %dma_start3A_612 = tpu.memref_slice %arg3[%shift_right_logical3A_610, %dma_start3A_611] : memref<26x16384xf32, #tpu.memory_space<hbm>> -> memref<1x16384xf32, #tpu.memory_space<hbm>>
    %dma_start3A_613 = tpu.memref_squeeze %dma_start3A_612 : memref<1x16384xf32, #tpu.memory_space<hbm>> -> memref<16384xf32, #tpu.memory_space<hbm>>
    %dma_start3A_614 = arith.constant 0 : i32
    %dma_start3A_615 = tpu.memref_slice %arg3[%shift_right_logical3A_610, %dma_start3A_614] : memref<26x16384xf32, #tpu.memory_space<hbm>> -> memref<1x16384xf32, #tpu.memory_space<hbm>>
    %dma_start3A_616 = tpu.memref_squeeze %dma_start3A_615 : memref<1x16384xf32, #tpu.memory_space<hbm>> -> memref<16384xf32, #tpu.memory_space<hbm>>
    tpu.enqueue_dma source(%dma_start3A_616 : memref<16384xf32, #tpu.memory_space<hbm>>) target(%arg6 : memref<16384xf32, #tpu.memory_space<vmem>>) target_semaphore(%arg8 : memref<!tpu.dma_semaphore, #tpu.memory_space<semaphore_mem>>)
    %dma_wait3A_617 = arith.constant 0 : i32
    %dma_wait3A_618 = tpu.memref_slice %arg2[%add3A_586, %dma_wait3A_617] : memref<416x100000xf32, #tpu.memory_space<hbm>> -> memref<1x100000xf32, #tpu.memory_space<hbm>>
    %dma_wait3A_619 = tpu.memref_squeeze %dma_wait3A_618 : memref<1x100000xf32, #tpu.memory_space<hbm>> -> memref<100000xf32, #tpu.memory_space<hbm>>
    %dma_wait3A_620 = arith.constant 0 : i32
    %dma_wait3A_621 = tpu.memref_slice %arg2[%add3A_586, %dma_wait3A_620] : memref<416x100000xf32, #tpu.memory_space<hbm>> -> memref<1x100000xf32, #tpu.memory_space<hbm>>
    %dma_wait3A_622 = tpu.memref_squeeze %dma_wait3A_621 : memref<1x100000xf32, #tpu.memory_space<hbm>> -> memref<100000xf32, #tpu.memory_space<hbm>>
    tpu.wait_dma2 semaphore(%arg7 : memref<!tpu.dma_semaphore, #tpu.memory_space<semaphore_mem>>) src(%dma_wait3A_622 : memref<100000xf32, #tpu.memory_space<hbm>>) dst(%arg5 : memref<100000xf32, #tpu.memory_space<vmem>>)
    %dma_wait3A_623 = arith.constant 0 : i32
    %dma_wait3A_624 = tpu.memref_slice %arg3[%shift_right_logical3A_610, %dma_wait3A_623] : memref<26x16384xf32, #tpu.memory_space<hbm>> -> memref<1x16384xf32, #tpu.memory_space<hbm>>
    %dma_wait3A_625 = tpu.memref_squeeze %dma_wait3A_624 : memref<1x16384xf32, #tpu.memory_space<hbm>> -> memref<16384xf32, #tpu.memory_space<hbm>>
    %dma_wait3A_626 = arith.constant 0 : i32
    %dma_wait3A_627 = tpu.memref_slice %arg3[%shift_right_logical3A_610, %dma_wait3A_626] : memref<26x16384xf32, #tpu.memory_space<hbm>> -> memref<1x16384xf32, #tpu.memory_space<hbm>>
    %dma_wait3A_628 = tpu.memref_squeeze %dma_wait3A_627 : memref<1x16384xf32, #tpu.memory_space<hbm>> -> memref<16384xf32, #tpu.memory_space<hbm>>
    tpu.wait_dma2 semaphore(%arg8 : memref<!tpu.dma_semaphore, #tpu.memory_space<semaphore_mem>>) src(%dma_wait3A_628 : memref<16384xf32, #tpu.memory_space<hbm>>) dst(%arg6 : memref<16384xf32, #tpu.memory_space<vmem>>)
    %scan3A_629 = arith.constant 0 : i32
    %scan3A_630 = arith.constant 0 : i32
    %scan3A_631 = arith.constant 64 : i32
    %scan3A_632 = arith.addi %scan3A_630, %scan3A_631 : i32
    %scan3A_633 = arith.constant 1 : i32
    scf.for %scan3A_649 = %scan3A_630 to %scan3A_632 step %scan3A_633  : i32 {
      %mul3A_650 = arith.constant 256 : i32
      %mul3A_651 = arith.muli %scan3A_649, %mul3A_650 : i32
      %add3A_652 = arith.constant 0 : i32
      %add3A_653 = arith.addi %mul3A_651, %add3A_652 : i32
      %get3A = arith.index_cast %add3A_653 : i32 to index
      %get3A_654 = tpu.vector_load %arg6[%get3A] {strides = array<i32>} : memref<16384xf32, #tpu.memory_space<vmem>>, vector<16xf32>,
      %bitcast3A = vector.bitcast %get3A_654 : vector<16xf32> to vector<16xi32>
      %gather3A = tpu.vector_load_idx %arg5[%bitcast3A] : memref<100000xf32, #tpu.memory_space<vmem>>[vector<16xi32>], vector<16xf32>,
      %swap3A = arith.index_cast %add3A_653 : i32 to index
      %swap3A_655 = tpu.vector_load %arg6[%swap3A] {strides = array<i32>} : memref<16384xf32, #tpu.memory_space<vmem>>, vector<16xf32>,
      tpu.vector_store %arg6[%swap3A], %gather3A {strides = array<i32>} : memref<16384xf32, #tpu.memory_space<vmem>>, vector<16xf32>,
      %mul3A_656 = arith.constant 256 : i32
      %mul3A_657 = arith.muli %scan3A_649, %mul3A_656 : i32
      %add3A_658 = arith.constant 16 : i32
      %add3A_659 = arith.addi %mul3A_657, %add3A_658 : i32
      %get3A_660 = arith.index_cast %add3A_659 : i32 to index
      %get3A_661 = tpu.vector_load %arg6[%get3A_660] {strides = array<i32>} : memref<16384xf32, #tpu.memory_space<vmem>>, vector<16xf32>,
      %bitcast3A_662 = vector.bitcast %get3A_661 : vector<16xf32> to vector<16xi32>
      %gather3A_663 = tpu.vector_load_idx %arg5[%bitcast3A_662] : memref<100000xf32, #tpu.memory_space<vmem>>[vector<16xi32>], vector<16xf32>,
      %swap3A_664 = arith.index_cast %add3A_659 : i32 to index
      %swap3A_665 = tpu.vector_load %arg6[%swap3A_664] {strides = array<i32>} : memref<16384xf32, #tpu.memory_space<vmem>>, vector<16xf32>,
      tpu.vector_store %arg6[%swap3A_664], %gather3A_663 {strides = array<i32>} : memref<16384xf32, #tpu.memory_space<vmem>>, vector<16xf32>,
      %mul3A_666 = arith.constant 256 : i32
      %mul3A_667 = arith.muli %scan3A_649, %mul3A_666 : i32
      %add3A_668 = arith.constant 32 : i32
      %add3A_669 = arith.addi %mul3A_667, %add3A_668 : i32
      %get3A_670 = arith.index_cast %add3A_669 : i32 to index
      %get3A_671 = tpu.vector_load %arg6[%get3A_670] {strides = array<i32>} : memref<16384xf32, #tpu.memory_space<vmem>>, vector<16xf32>,
      %bitcast3A_672 = vector.bitcast %get3A_671 : vector<16xf32> to vector<16xi32>
      %gather3A_673 = tpu.vector_load_idx %arg5[%bitcast3A_672] : memref<100000xf32, #tpu.memory_space<vmem>>[vector<16xi32>], vector<16xf32>,
      %swap3A_674 = arith.index_cast %add3A_669 : i32 to index
      %swap3A_675 = tpu.vector_load %arg6[%swap3A_674] {strides = array<i32>} : memref<16384xf32, #tpu.memory_space<vmem>>, vector<16xf32>,
      tpu.vector_store %arg6[%swap3A_674], %gather3A_673 {strides = array<i32>} : memref<16384xf32, #tpu.memory_space<vmem>>, vector<16xf32>,
      %mul3A_676 = arith.constant 256 : i32
      %mul3A_677 = arith.muli %scan3A_649, %mul3A_676 : i32
      %add3A_678 = arith.constant 48 : i32
      %add3A_679 = arith.addi %mul3A_677, %add3A_678 : i32
      %get3A_680 = arith.index_cast %add3A_679 : i32 to index
      %get3A_681 = tpu.vector_load %arg6[%get3A_680] {strides = array<i32>} : memref<16384xf32, #tpu.memory_space<vmem>>, vector<16xf32>,
      %bitcast3A_682 = vector.bitcast %get3A_681 : vector<16xf32> to vector<16xi32>
      %gather3A_683 = tpu.vector_load_idx %arg5[%bitcast3A_682] : memref<100000xf32, #tpu.memory_space<vmem>>[vector<16xi32>], vector<16xf32>,
      %swap3A_684 = arith.index_cast %add3A_679 : i32 to index
      %swap3A_685 = tpu.vector_load %arg6[%swap3A_684] {strides = array<i32>} : memref<16384xf32, #tpu.memory_space<vmem>>, vector<16xf32>,
      tpu.vector_store %arg6[%swap3A_684], %gather3A_683 {strides = array<i32>} : memref<16384xf32, #tpu.memory_space<vmem>>, vector<16xf32>,
      %mul3A_686 = arith.constant 256 : i32
      %mul3A_687 = arith.muli %scan3A_649, %mul3A_686 : i32
      %add3A_688 = arith.constant 64 : i32
      %add3A_689 = arith.addi %mul3A_687, %add3A_688 : i32
      %get3A_690 = arith.index_cast %add3A_689 : i32 to index
      %get3A_691 = tpu.vector_load %arg6[%get3A_690] {strides = array<i32>} : memref<16384xf32, #tpu.memory_space<vmem>>, vector<16xf32>,
      %bitcast3A_692 = vector.bitcast %get3A_691 : vector<16xf32> to vector<16xi32>
      %gather3A_693 = tpu.vector_load_idx %arg5[%bitcast3A_692] : memref<100000xf32, #tpu.memory_space<vmem>>[vector<16xi32>], vector<16xf32>,
      %swap3A_694 = arith.index_cast %add3A_689 : i32 to index
      %swap3A_695 = tpu.vector_load %arg6[%swap3A_694] {strides = array<i32>} : memref<16384xf32, #tpu.memory_space<vmem>>, vector<16xf32>,
      tpu.vector_store %arg6[%swap3A_694], %gather3A_693 {strides = array<i32>} : memref<16384xf32, #tpu.memory_space<vmem>>, vector<16xf32>,
      %mul3A_696 = arith.constant 256 : i32
      %mul3A_697 = arith.muli %scan3A_649, %mul3A_696 : i32
      %add3A_698 = arith.constant 80 : i32
      %add3A_699 = arith.addi %mul3A_697, %add3A_698 : i32
      %get3A_700 = arith.index_cast %add3A_699 : i32 to index
      %get3A_701 = tpu.vector_load %arg6[%get3A_700] {strides = array<i32>} : memref<16384xf32, #tpu.memory_space<vmem>>, vector<16xf32>,
      %bitcast3A_702 = vector.bitcast %get3A_701 : vector<16xf32> to vector<16xi32>
      %gather3A_703 = tpu.vector_load_idx %arg5[%bitcast3A_702] : memref<100000xf32, #tpu.memory_space<vmem>>[vector<16xi32>], vector<16xf32>,
      %swap3A_704 = arith.index_cast %add3A_699 : i32 to index
      %swap3A_705 = tpu.vector_load %arg6[%swap3A_704] {strides = array<i32>} : memref<16384xf32, #tpu.memory_space<vmem>>, vector<16xf32>,
      tpu.vector_store %arg6[%swap3A_704], %gather3A_703 {strides = array<i32>} : memref<16384xf32, #tpu.memory_space<vmem>>, vector<16xf32>,
      %mul3A_706 = arith.constant 256 : i32
      %mul3A_707 = arith.muli %scan3A_649, %mul3A_706 : i32
      %add3A_708 = arith.constant 96 : i32
      %add3A_709 = arith.addi %mul3A_707, %add3A_708 : i32
      %get3A_710 = arith.index_cast %add3A_709 : i32 to index
      %get3A_711 = tpu.vector_load %arg6[%get3A_710] {strides = array<i32>} : memref<16384xf32, #tpu.memory_space<vmem>>, vector<16xf32>,
      %bitcast3A_712 = vector.bitcast %get3A_711 : vector<16xf32> to vector<16xi32>
      %gather3A_713 = tpu.vector_load_idx %arg5[%bitcast3A_712] : memref<100000xf32, #tpu.memory_space<vmem>>[vector<16xi32>], vector<16xf32>,
      %swap3A_714 = arith.index_cast %add3A_709 : i32 to index
      %swap3A_715 = tpu.vector_load %arg6[%swap3A_714] {strides = array<i32>} : memref<16384xf32, #tpu.memory_space<vmem>>, vector<16xf32>,
      tpu.vector_store %arg6[%swap3A_714], %gather3A_713 {strides = array<i32>} : memref<16384xf32, #tpu.memory_space<vmem>>, vector<16xf32>,
      %mul3A_716 = arith.constant 256 : i32
      %mul3A_717 = arith.muli %scan3A_649, %mul3A_716 : i32
      %add3A_718 = arith.constant 112 : i32
      %add3A_719 = arith.addi %mul3A_717, %add3A_718 : i32
      %get3A_720 = arith.index_cast %add3A_719 : i32 to index
      %get3A_721 = tpu.vector_load %arg6[%get3A_720] {strides = array<i32>} : memref<16384xf32, #tpu.memory_space<vmem>>, vector<16xf32>,
      %bitcast3A_722 = vector.bitcast %get3A_721 : vector<16xf32> to vector<16xi32>
      %gather3A_723 = tpu.vector_load_idx %arg5[%bitcast3A_722] : memref<100000xf32, #tpu.memory_space<vmem>>[vector<16xi32>], vector<16xf32>,
      %swap3A_724 = arith.index_cast %add3A_719 : i32 to index
      %swap3A_725 = tpu.vector_load %arg6[%swap3A_724] {strides = array<i32>} : memref<16384xf32, #tpu.memory_space<vmem>>, vector<16xf32>,
      tpu.vector_store %arg6[%swap3A_724], %gather3A_723 {strides = array<i32>} : memref<16384xf32, #tpu.memory_space<vmem>>, vector<16xf32>,
      %mul3A_726 = arith.constant 256 : i32
      %mul3A_727 = arith.muli %scan3A_649, %mul3A_726 : i32
      %add3A_728 = arith.constant 128 : i32
      %add3A_729 = arith.addi %mul3A_727, %add3A_728 : i32
      %get3A_730 = arith.index_cast %add3A_729 : i32 to index
      %get3A_731 = tpu.vector_load %arg6[%get3A_730] {strides = array<i32>} : memref<16384xf32, #tpu.memory_space<vmem>>, vector<16xf32>,
      %bitcast3A_732 = vector.bitcast %get3A_731 : vector<16xf32> to vector<16xi32>
      %gather3A_733 = tpu.vector_load_idx %arg5[%bitcast3A_732] : memref<100000xf32, #tpu.memory_space<vmem>>[vector<16xi32>], vector<16xf32>,
      %swap3A_734 = arith.index_cast %add3A_729 : i32 to index
      %swap3A_735 = tpu.vector_load %arg6[%swap3A_734] {strides = array<i32>} : memref<16384xf32, #tpu.memory_space<vmem>>, vector<16xf32>,
      tpu.vector_store %arg6[%swap3A_734], %gather3A_733 {strides = array<i32>} : memref<16384xf32, #tpu.memory_space<vmem>>, vector<16xf32>,
      %mul3A_736 = arith.constant 256 : i32
      %mul3A_737 = arith.muli %scan3A_649, %mul3A_736 : i32
      %add3A_738 = arith.constant 144 : i32
      %add3A_739 = arith.addi %mul3A_737, %add3A_738 : i32
      %get3A_740 = arith.index_cast %add3A_739 : i32 to index
      %get3A_741 = tpu.vector_load %arg6[%get3A_740] {strides = array<i32>} : memref<16384xf32, #tpu.memory_space<vmem>>, vector<16xf32>,
      %bitcast3A_742 = vector.bitcast %get3A_741 : vector<16xf32> to vector<16xi32>
      %gather3A_743 = tpu.vector_load_idx %arg5[%bitcast3A_742] : memref<100000xf32, #tpu.memory_space<vmem>>[vector<16xi32>], vector<16xf32>,
      %swap3A_744 = arith.index_cast %add3A_739 : i32 to index
      %swap3A_745 = tpu.vector_load %arg6[%swap3A_744] {strides = array<i32>} : memref<16384xf32, #tpu.memory_space<vmem>>, vector<16xf32>,
      tpu.vector_store %arg6[%swap3A_744], %gather3A_743 {strides = array<i32>} : memref<16384xf32, #tpu.memory_space<vmem>>, vector<16xf32>,
      %mul3A_746 = arith.constant 256 : i32
      %mul3A_747 = arith.muli %scan3A_649, %mul3A_746 : i32
      %add3A_748 = arith.constant 160 : i32
      %add3A_749 = arith.addi %mul3A_747, %add3A_748 : i32
      %get3A_750 = arith.index_cast %add3A_749 : i32 to index
      %get3A_751 = tpu.vector_load %arg6[%get3A_750] {strides = array<i32>} : memref<16384xf32, #tpu.memory_space<vmem>>, vector<16xf32>,
      %bitcast3A_752 = vector.bitcast %get3A_751 : vector<16xf32> to vector<16xi32>
      %gather3A_753 = tpu.vector_load_idx %arg5[%bitcast3A_752] : memref<100000xf32, #tpu.memory_space<vmem>>[vector<16xi32>], vector<16xf32>,
      %swap3A_754 = arith.index_cast %add3A_749 : i32 to index
      %swap3A_755 = tpu.vector_load %arg6[%swap3A_754] {strides = array<i32>} : memref<16384xf32, #tpu.memory_space<vmem>>, vector<16xf32>,
      tpu.vector_store %arg6[%swap3A_754], %gather3A_753 {strides = array<i32>} : memref<16384xf32, #tpu.memory_space<vmem>>, vector<16xf32>,
      %mul3A_756 = arith.constant 256 : i32
      %mul3A_757 = arith.muli %scan3A_649, %mul3A_756 : i32
      %add3A_758 = arith.constant 176 : i32
      %add3A_759 = arith.addi %mul3A_757, %add3A_758 : i32
      %get3A_760 = arith.index_cast %add3A_759 : i32 to index
      %get3A_761 = tpu.vector_load %arg6[%get3A_760] {strides = array<i32>} : memref<16384xf32, #tpu.memory_space<vmem>>, vector<16xf32>,
      %bitcast3A_762 = vector.bitcast %get3A_761 : vector<16xf32> to vector<16xi32>
      %gather3A_763 = tpu.vector_load_idx %arg5[%bitcast3A_762] : memref<100000xf32, #tpu.memory_space<vmem>>[vector<16xi32>], vector<16xf32>,
      %swap3A_764 = arith.index_cast %add3A_759 : i32 to index
      %swap3A_765 = tpu.vector_load %arg6[%swap3A_764] {strides = array<i32>} : memref<16384xf32, #tpu.memory_space<vmem>>, vector<16xf32>,
      tpu.vector_store %arg6[%swap3A_764], %gather3A_763 {strides = array<i32>} : memref<16384xf32, #tpu.memory_space<vmem>>, vector<16xf32>,
      %mul3A_766 = arith.constant 256 : i32
      %mul3A_767 = arith.muli %scan3A_649, %mul3A_766 : i32
      %add3A_768 = arith.constant 192 : i32
      %add3A_769 = arith.addi %mul3A_767, %add3A_768 : i32
      %get3A_770 = arith.index_cast %add3A_769 : i32 to index
      %get3A_771 = tpu.vector_load %arg6[%get3A_770] {strides = array<i32>} : memref<16384xf32, #tpu.memory_space<vmem>>, vector<16xf32>,
      %bitcast3A_772 = vector.bitcast %get3A_771 : vector<16xf32> to vector<16xi32>
      %gather3A_773 = tpu.vector_load_idx %arg5[%bitcast3A_772] : memref<100000xf32, #tpu.memory_space<vmem>>[vector<16xi32>], vector<16xf32>,
      %swap3A_774 = arith.index_cast %add3A_769 : i32 to index
      %swap3A_775 = tpu.vector_load %arg6[%swap3A_774] {strides = array<i32>} : memref<16384xf32, #tpu.memory_space<vmem>>, vector<16xf32>,
      tpu.vector_store %arg6[%swap3A_774], %gather3A_773 {strides = array<i32>} : memref<16384xf32, #tpu.memory_space<vmem>>, vector<16xf32>,
      %mul3A_776 = arith.constant 256 : i32
      %mul3A_777 = arith.muli %scan3A_649, %mul3A_776 : i32
      %add3A_778 = arith.constant 208 : i32
      %add3A_779 = arith.addi %mul3A_777, %add3A_778 : i32
      %get3A_780 = arith.index_cast %add3A_779 : i32 to index
      %get3A_781 = tpu.vector_load %arg6[%get3A_780] {strides = array<i32>} : memref<16384xf32, #tpu.memory_space<vmem>>, vector<16xf32>,
      %bitcast3A_782 = vector.bitcast %get3A_781 : vector<16xf32> to vector<16xi32>
      %gather3A_783 = tpu.vector_load_idx %arg5[%bitcast3A_782] : memref<100000xf32, #tpu.memory_space<vmem>>[vector<16xi32>], vector<16xf32>,
      %swap3A_784 = arith.index_cast %add3A_779 : i32 to index
      %swap3A_785 = tpu.vector_load %arg6[%swap3A_784] {strides = array<i32>} : memref<16384xf32, #tpu.memory_space<vmem>>, vector<16xf32>,
      tpu.vector_store %arg6[%swap3A_784], %gather3A_783 {strides = array<i32>} : memref<16384xf32, #tpu.memory_space<vmem>>, vector<16xf32>,
      %mul3A_786 = arith.constant 256 : i32
      %mul3A_787 = arith.muli %scan3A_649, %mul3A_786 : i32
      %add3A_788 = arith.constant 224 : i32
      %add3A_789 = arith.addi %mul3A_787, %add3A_788 : i32
      %get3A_790 = arith.index_cast %add3A_789 : i32 to index
      %get3A_791 = tpu.vector_load %arg6[%get3A_790] {strides = array<i32>} : memref<16384xf32, #tpu.memory_space<vmem>>, vector<16xf32>,
      %bitcast3A_792 = vector.bitcast %get3A_791 : vector<16xf32> to vector<16xi32>
      %gather3A_793 = tpu.vector_load_idx %arg5[%bitcast3A_792] : memref<100000xf32, #tpu.memory_space<vmem>>[vector<16xi32>], vector<16xf32>,
      %swap3A_794 = arith.index_cast %add3A_789 : i32 to index
      %swap3A_795 = tpu.vector_load %arg6[%swap3A_794] {strides = array<i32>} : memref<16384xf32, #tpu.memory_space<vmem>>, vector<16xf32>,
      tpu.vector_store %arg6[%swap3A_794], %gather3A_793 {strides = array<i32>} : memref<16384xf32, #tpu.memory_space<vmem>>, vector<16xf32>,
      %mul3A_796 = arith.constant 256 : i32
      %mul3A_797 = arith.muli %scan3A_649, %mul3A_796 : i32
      %add3A_798 = arith.constant 240 : i32
      %add3A_799 = arith.addi %mul3A_797, %add3A_798 : i32
      %get3A_800 = arith.index_cast %add3A_799 : i32 to index
      %get3A_801 = tpu.vector_load %arg6[%get3A_800] {strides = array<i32>} : memref<16384xf32, #tpu.memory_space<vmem>>, vector<16xf32>,
      %bitcast3A_802 = vector.bitcast %get3A_801 : vector<16xf32> to vector<16xi32>
      %gather3A_803 = tpu.vector_load_idx %arg5[%bitcast3A_802] : memref<100000xf32, #tpu.memory_space<vmem>>[vector<16xi32>], vector<16xf32>,
      %swap3A_804 = arith.index_cast %add3A_799 : i32 to index
      %swap3A_805 = tpu.vector_load %arg6[%swap3A_804] {strides = array<i32>} : memref<16384xf32, #tpu.memory_space<vmem>>, vector<16xf32>,
      tpu.vector_store %arg6[%swap3A_804], %gather3A_803 {strides = array<i32>} : memref<16384xf32, #tpu.memory_space<vmem>>, vector<16xf32>,
    }
    %scan3A_634 = arith.constant 64 : i32
    %add3A_635 = arith.constant 12 : i32
    %add3A_636 = arith.addi %mul3A_2, %add3A_635 : i32
    %dma_start3A_637 = arith.constant 0 : i32
    %dma_start3A_638 = tpu.memref_slice %arg4[%add3A_636, %dma_start3A_637] : memref<416x16384xf32, #tpu.memory_space<hbm>> -> memref<1x16384xf32, #tpu.memory_space<hbm>>
    %dma_start3A_639 = tpu.memref_squeeze %dma_start3A_638 : memref<1x16384xf32, #tpu.memory_space<hbm>> -> memref<16384xf32, #tpu.memory_space<hbm>>
    %dma_start3A_640 = arith.constant 0 : i32
    %dma_start3A_641 = tpu.memref_slice %arg4[%add3A_636, %dma_start3A_640] : memref<416x16384xf32, #tpu.memory_space<hbm>> -> memref<1x16384xf32, #tpu.memory_space<hbm>>
    %dma_start3A_642 = tpu.memref_squeeze %dma_start3A_641 : memref<1x16384xf32, #tpu.memory_space<hbm>> -> memref<16384xf32, #tpu.memory_space<hbm>>
    tpu.enqueue_dma source(%arg6 : memref<16384xf32, #tpu.memory_space<vmem>>) target(%dma_start3A_642 : memref<16384xf32, #tpu.memory_space<hbm>>) target_semaphore(%arg9 : memref<!tpu.dma_semaphore, #tpu.memory_space<semaphore_mem>>)
    %dma_wait3A_643 = arith.constant 0 : i32
    %dma_wait3A_644 = tpu.memref_slice %arg4[%add3A_636, %dma_wait3A_643] : memref<416x16384xf32, #tpu.memory_space<hbm>> -> memref<1x16384xf32, #tpu.memory_space<hbm>>
    %dma_wait3A_645 = tpu.memref_squeeze %dma_wait3A_644 : memref<1x16384xf32, #tpu.memory_space<hbm>> -> memref<16384xf32, #tpu.memory_space<hbm>>
    %dma_wait3A_646 = arith.constant 0 : i32
    %dma_wait3A_647 = tpu.memref_slice %arg4[%add3A_636, %dma_wait3A_646] : memref<416x16384xf32, #tpu.memory_space<hbm>> -> memref<1x16384xf32, #tpu.memory_space<hbm>>
    %dma_wait3A_648 = tpu.memref_squeeze %dma_wait3A_647 : memref<1x16384xf32, #tpu.memory_space<hbm>> -> memref<16384xf32, #tpu.memory_space<hbm>>
    tpu.wait_dma2 semaphore(%arg9 : memref<!tpu.dma_semaphore, #tpu.memory_space<semaphore_mem>>) src(%arg6 : memref<16384xf32, #tpu.memory_space<vmem>>) dst(%dma_wait3A_648 : memref<16384xf32, #tpu.memory_space<hbm>>)
    return
  }
}

module attributes {stable_mosaic.version = 14 : i64} {
  func.func @_mlp_body(%arg0: i32, %arg1: memref<4096x13xf32, #tpu.memory_space<vmem>>, %arg2: memref<416x4096xf32, #tpu.memory_space<vmem>>, %arg3: memref<13x128xf32, #tpu.memory_space<vmem>>, %arg4: memref<416x128xf32, #tpu.memory_space<vmem>>, %arg5: memref<128x1xf32, #tpu.memory_space<vmem>>, %arg6: memref<128x64xf32, #tpu.memory_space<vmem>>, %arg7: memref<64x1xf32, #tpu.memory_space<vmem>>, %arg8: memref<64x32xf32, #tpu.memory_space<vmem>>, %arg9: memref<32x1xf32, #tpu.memory_space<vmem>>, %arg10: memref<32x8xf32, #tpu.memory_space<vmem>>, %arg11: memref<8x1xf32, #tpu.memory_space<vmem>>, %arg12: memref<8x4096xf32, #tpu.memory_space<vmem>>) attributes {dimension_semantics = [#tpu.dimension_semantics<arbitrary>], iteration_bounds = array<i64: 4>, scalar_prefetch = 0 : i64, scratch_operands = 0 : i64, tpu.core_type = #tpu.core_type<tc>, window_params = [{transform_indices = @transform_0, window_bounds = array<i64: 4096, 13>}, {transform_indices = @transform_1, window_bounds = array<i64: 416, 4096>}, {pipeline_mode = #tpu.pipeline_mode<synchronous>, transform_indices = @transform_2, window_bounds = array<i64: 13, 128>}, {pipeline_mode = #tpu.pipeline_mode<synchronous>, transform_indices = @transform_3, window_bounds = array<i64: 416, 128>}, {pipeline_mode = #tpu.pipeline_mode<synchronous>, transform_indices = @transform_4, window_bounds = array<i64: 128, 1>}, {pipeline_mode = #tpu.pipeline_mode<synchronous>, transform_indices = @transform_5, window_bounds = array<i64: 128, 64>}, {pipeline_mode = #tpu.pipeline_mode<synchronous>, transform_indices = @transform_6, window_bounds = array<i64: 64, 1>}, {pipeline_mode = #tpu.pipeline_mode<synchronous>, transform_indices = @transform_7, window_bounds = array<i64: 64, 32>}, {pipeline_mode = #tpu.pipeline_mode<synchronous>, transform_indices = @transform_8, window_bounds = array<i64: 32, 1>}, {pipeline_mode = #tpu.pipeline_mode<synchronous>, transform_indices = @transform_9, window_bounds = array<i64: 32, 8>}, {pipeline_mode = #tpu.pipeline_mode<synchronous>, transform_indices = @transform_10, window_bounds = array<i64: 8, 1>}, {transform_indices = @transform_11, window_bounds = array<i64: 8, 4096>}]} {
    %get3A = arith.constant 0 : index
    %get3A_0 = arith.constant 0 : index
    %get3A_1 = vector.load %arg4[%get3A, %get3A_0] : memref<416x128xf32, #tpu.memory_space<vmem>>, vector<416x128xf32>
    %get3A_2 = arith.constant 0 : index
    %get3A_3 = arith.constant 0 : index
    %get3A_4 = vector.load %arg2[%get3A_2, %get3A_3] : memref<416x4096xf32, #tpu.memory_space<vmem>>, vector<416x4096xf32>
    %dot_general3A = arith.constant dense<0.000000e+00> : vector<128x4096xf32>
    %dot_general3A_5 = tpu.matmul %get3A_1, %get3A_4, %dot_general3A {dimension_numbers = #tpu.dot_dimension_numbers<[0], [0], [1], [1], [0, 1, 1, 1], [], []>, transpose_lhs_hint = false} : vector<416x128xf32>, vector<416x4096xf32>, vector<128x4096xf32> -> vector<128x4096xf32>
    %get3A_6 = arith.constant 0 : index
    %get3A_7 = arith.constant 0 : index
    %get3A_8 = vector.load %arg3[%get3A_6, %get3A_7] : memref<13x128xf32, #tpu.memory_space<vmem>>, vector<13x128xf32>
    %get3A_9 = arith.constant 0 : index
    %get3A_10 = arith.constant 0 : index
    %get3A_11 = vector.load %arg1[%get3A_9, %get3A_10] : memref<4096x13xf32, #tpu.memory_space<vmem>>, vector<4096x13xf32>
    %dot_general3A_12 = arith.constant dense<0.000000e+00> : vector<128x4096xf32>
    %dot_general3A_13 = tpu.matmul %get3A_8, %get3A_11, %dot_general3A_12 {dimension_numbers = #tpu.dot_dimension_numbers<[0], [1], [1], [0], [0, 1, 1, 0], [], []>, transpose_lhs_hint = false} : vector<13x128xf32>, vector<4096x13xf32>, vector<128x4096xf32> -> vector<128x4096xf32>
    %add3A = arith.addf %dot_general3A_5, %dot_general3A_13 : vector<128x4096xf32>
    %get3A_14 = arith.constant 0 : index
    %get3A_15 = arith.constant 0 : index
    %get3A_16 = vector.load %arg5[%get3A_14, %get3A_15] : memref<128x1xf32, #tpu.memory_space<vmem>>, vector<128x1xf32>
    %add3A_17 = vector.broadcast %get3A_16 : vector<128x1xf32> to vector<128x4096xf32>
    %add3A_18 = arith.addf %add3A, %add3A_17 : vector<128x4096xf32>
    %max3A = arith.constant 0.000000e+00 : f32
    %max3A_19 = vector.broadcast %max3A : f32 to vector<128x4096xf32>
    %max3A_20 = arith.maximumf %add3A_18, %max3A_19 : vector<128x4096xf32>
    %get3A_21 = arith.constant 0 : index
    %get3A_22 = arith.constant 0 : index
    %get3A_23 = vector.load %arg6[%get3A_21, %get3A_22] : memref<128x64xf32, #tpu.memory_space<vmem>>, vector<128x64xf32>
    %dot_general3A_24 = arith.constant dense<0.000000e+00> : vector<64x4096xf32>
    %dot_general3A_25 = tpu.matmul %get3A_23, %max3A_20, %dot_general3A_24 {dimension_numbers = #tpu.dot_dimension_numbers<[0], [0], [1], [1], [0, 1, 1, 1], [], []>, transpose_lhs_hint = false} : vector<128x64xf32>, vector<128x4096xf32>, vector<64x4096xf32> -> vector<64x4096xf32>
    %get3A_26 = arith.constant 0 : index
    %get3A_27 = arith.constant 0 : index
    %get3A_28 = vector.load %arg7[%get3A_26, %get3A_27] : memref<64x1xf32, #tpu.memory_space<vmem>>, vector<64x1xf32>
    %add3A_29 = vector.broadcast %get3A_28 : vector<64x1xf32> to vector<64x4096xf32>
    %add3A_30 = arith.addf %dot_general3A_25, %add3A_29 : vector<64x4096xf32>
    %max3A_31 = arith.constant 0.000000e+00 : f32
    %max3A_32 = vector.broadcast %max3A_31 : f32 to vector<64x4096xf32>
    %max3A_33 = arith.maximumf %add3A_30, %max3A_32 : vector<64x4096xf32>
    %get3A_34 = arith.constant 0 : index
    %get3A_35 = arith.constant 0 : index
    %get3A_36 = vector.load %arg8[%get3A_34, %get3A_35] : memref<64x32xf32, #tpu.memory_space<vmem>>, vector<64x32xf32>
    %dot_general3A_37 = arith.constant dense<0.000000e+00> : vector<32x4096xf32>
    %dot_general3A_38 = tpu.matmul %get3A_36, %max3A_33, %dot_general3A_37 {dimension_numbers = #tpu.dot_dimension_numbers<[0], [0], [1], [1], [0, 1, 1, 1], [], []>, transpose_lhs_hint = false} : vector<64x32xf32>, vector<64x4096xf32>, vector<32x4096xf32> -> vector<32x4096xf32>
    %get3A_39 = arith.constant 0 : index
    %get3A_40 = arith.constant 0 : index
    %get3A_41 = vector.load %arg9[%get3A_39, %get3A_40] : memref<32x1xf32, #tpu.memory_space<vmem>>, vector<32x1xf32>
    %add3A_42 = vector.broadcast %get3A_41 : vector<32x1xf32> to vector<32x4096xf32>
    %add3A_43 = arith.addf %dot_general3A_38, %add3A_42 : vector<32x4096xf32>
    %max3A_44 = arith.constant 0.000000e+00 : f32
    %max3A_45 = vector.broadcast %max3A_44 : f32 to vector<32x4096xf32>
    %max3A_46 = arith.maximumf %add3A_43, %max3A_45 : vector<32x4096xf32>
    %get3A_47 = arith.constant 0 : index
    %get3A_48 = arith.constant 0 : index
    %get3A_49 = vector.load %arg10[%get3A_47, %get3A_48] : memref<32x8xf32, #tpu.memory_space<vmem>>, vector<32x8xf32>
    %dot_general3A_50 = arith.constant dense<0.000000e+00> : vector<8x4096xf32>
    %dot_general3A_51 = tpu.matmul %get3A_49, %max3A_46, %dot_general3A_50 {dimension_numbers = #tpu.dot_dimension_numbers<[0], [0], [1], [1], [0, 1, 1, 1], [], []>, transpose_lhs_hint = false} : vector<32x8xf32>, vector<32x4096xf32>, vector<8x4096xf32> -> vector<8x4096xf32>
    %get3A_52 = arith.constant 0 : index
    %get3A_53 = arith.constant 0 : index
    %get3A_54 = vector.load %arg11[%get3A_52, %get3A_53] : memref<8x1xf32, #tpu.memory_space<vmem>>, vector<8x1xf32>
    %add3A_55 = vector.broadcast %get3A_54 : vector<8x1xf32> to vector<8x4096xf32>
    %add3A_56 = arith.addf %dot_general3A_51, %add3A_55 : vector<8x4096xf32>
    %swap3A = arith.constant 0 : index
    %swap3A_57 = arith.constant 0 : index
    %swap3A_58 = vector.load %arg12[%swap3A, %swap3A_57] : memref<8x4096xf32, #tpu.memory_space<vmem>>, vector<8x4096xf32>
    tpu.vector_store %arg12[%swap3A, %swap3A_57], %add3A_56 {strides = array<i32>} : memref<8x4096xf32, #tpu.memory_space<vmem>>, vector<8x4096xf32>,
    return
  }
  func.func @transform_0(%arg0: i32) -> (i32, i32) {
    %c0_i32 = arith.constant 0 : i32
    %c0_i32_0 = arith.constant 0 : i32
    return %arg0, %c0_i32 : i32, i32
  }
  func.func @transform_1(%arg0: i32) -> (i32, i32) {
    %c0_i32 = arith.constant 0 : i32
    %c0_i32_0 = arith.constant 0 : i32
    return %c0_i32, %arg0 : i32, i32
  }
  func.func @transform_2(%arg0: i32) -> (i32, i32) {
    %c0_i32 = arith.constant 0 : i32
    %c0_i32_0 = arith.constant 0 : i32
    %c0_i32_1 = arith.constant 0 : i32
    return %c0_i32, %c0_i32_0 : i32, i32
  }
  func.func @transform_3(%arg0: i32) -> (i32, i32) {
    %c0_i32 = arith.constant 0 : i32
    %c0_i32_0 = arith.constant 0 : i32
    %c0_i32_1 = arith.constant 0 : i32
    return %c0_i32, %c0_i32_0 : i32, i32
  }
  func.func @transform_4(%arg0: i32) -> (i32, i32) {
    %c0_i32 = arith.constant 0 : i32
    %c0_i32_0 = arith.constant 0 : i32
    %c0_i32_1 = arith.constant 0 : i32
    return %c0_i32, %c0_i32_0 : i32, i32
  }
  func.func @transform_5(%arg0: i32) -> (i32, i32) {
    %c0_i32 = arith.constant 0 : i32
    %c0_i32_0 = arith.constant 0 : i32
    %c0_i32_1 = arith.constant 0 : i32
    return %c0_i32, %c0_i32_0 : i32, i32
  }
  func.func @transform_6(%arg0: i32) -> (i32, i32) {
    %c0_i32 = arith.constant 0 : i32
    %c0_i32_0 = arith.constant 0 : i32
    %c0_i32_1 = arith.constant 0 : i32
    return %c0_i32, %c0_i32_0 : i32, i32
  }
  func.func @transform_7(%arg0: i32) -> (i32, i32) {
    %c0_i32 = arith.constant 0 : i32
    %c0_i32_0 = arith.constant 0 : i32
    %c0_i32_1 = arith.constant 0 : i32
    return %c0_i32, %c0_i32_0 : i32, i32
  }
  func.func @transform_8(%arg0: i32) -> (i32, i32) {
    %c0_i32 = arith.constant 0 : i32
    %c0_i32_0 = arith.constant 0 : i32
    %c0_i32_1 = arith.constant 0 : i32
    return %c0_i32, %c0_i32_0 : i32, i32
  }
  func.func @transform_9(%arg0: i32) -> (i32, i32) {
    %c0_i32 = arith.constant 0 : i32
    %c0_i32_0 = arith.constant 0 : i32
    %c0_i32_1 = arith.constant 0 : i32
    return %c0_i32, %c0_i32_0 : i32, i32
  }
  func.func @transform_10(%arg0: i32) -> (i32, i32) {
    %c0_i32 = arith.constant 0 : i32
    %c0_i32_0 = arith.constant 0 : i32
    %c0_i32_1 = arith.constant 0 : i32
    return %c0_i32, %c0_i32_0 : i32, i32
  }
  func.func @transform_11(%arg0: i32) -> (i32, i32) {
    %c0_i32 = arith.constant 0 : i32
    %c0_i32_0 = arith.constant 0 : i32
    return %c0_i32, %arg0 : i32, i32
  }
}

</mosaic_0001>

<sc_bundles>
// kernel: kernel.4.cloned.1.call-start
scs
__scs_entry_jumppad:
0x0: {  	(pc) =	sbr.rel $0x88, $3  }
0x1: {  	(tag) =	ssettag $0x0;
	lr =	simm.s32 $0x1  }
0x2: {  	[smem:$0x3F90] =	sst lr;
	_ =	strace $0xD0000000  }
0x3: {  	_ = 	snop  }
0x4: {  	_ = 	snop  }
0x5: {  	_ = 	snop  }
0x6: {  	_ = 	snop  }
0x7: {  	_ = 	snop  }
__scs_overlays_trampoline_lowered:
0x8: {  	[smem:$0x3F9F] =	sst s0  }
0x9: {  	[smem:$0x3FA0] =	sst s1  }
0xa: {  	[smem:$0x3FA1] =	sst s2  }
0xb: {  	[smem:$0x3FA2] =	sst s3  }
0xc: {  	[smem:$0x3FA3] =	sst s4  }
0xd: {  	[smem:$0x3FA4] =	sst s5  }
0xe: {  	[smem:$0x3FA5] =	sst s6  }
0xf: {  	[smem:$0x3FA6] =	sst s7  }
0x10: {  	[smem:$0x3FA7] =	sst s8  }
0x11: {  	[smem:$0x3FA8] =	sst s9;
	s0 =	simm.s32 @!p0 $0x0  }
0x12: {  	s1 =	sld [smem:$0x3F8E];
	s0 =	simm.s32 @p0 $0x1  }
0x13: {  	[smem:$0x3FA9] =	sst s0;
	s0 =	simm.s32 @!p1 $0x0  }
0x14: {  	s2 =	sld [smem:$0x3F8D];
	s0 =	simm.s32 @p1 $0x1  }
0x15: {  	[smem:$0x3FAA] =	sst s0;
	s0 =	simm.s32 @!p2 $0x0  }
0x16: {  	s3 =	sld [smem:$0x3FDB];
	s0 =	simm.s32 @p2 $0x1  }
0x17: {  	s4 =	simm.s32 $0x1BF5;
	[smem:$0x3FAC] =	sst s0  }
0x18: {  	s0 =	sld [smem:$0x3F8F];
	_ =	swait.ge [sflag:s4], $0x0  }
0x19: {  	s7 =	sld [smem:$0x3F90]  }
0x1a: {  	s8 =	sadd.s32 $0xFFFFE003, lr  }
0x1b: {  	s9 =	sadd.s32 $0xFFFFFEF7, lr;
	s5 =	simm.s32 $0xFFFFFFFF;
	p2 =	slt.u32 s8, $0xFFFFF086  }
0x1c: {  	p1 =	slt.u32 s9, $0xF7A;
	s5 =	simm.s32 @!p2 $0x0  }
0x1d: {  	s5 =	simm.s32 @p1 $0x1;
	p0 =	seq.s32 s7, s2  }
0x1e: {  	s7 =	smul.u32 @!p0 $0xF7A, s2;
	p2 =	seq.s32 @!p0 s5, $0x0  }
0x1f: {  	s9 =	smul.u32 $0xF7A, s1;
	s8 =	simm.s32 @!p0 $0x1BF5;
	p2 =	por !p2, p0  }
0x20: {  	[sflag:s8] =	ssyncset.s32 @!p0 $0xFFFFF086;
	s6 =	sadd.s32 @!p0 s3, s7;
	s7 =	simm.s32 @!p0 $0x108  }
0x21: {  	s3 =	sadd.s32 s3, s9;
	s6 =	sadd.s32 @!p0 $0x88, s6;
	s7 =	simm.s32 @p2 $0x1082  }
0x22: {  	[simem:s7], [sflag:s8] =	dma.local @!p0 [hbm:s6], $0xF7A  }
0x23: {  	s9 =	sor.u32 $0xD0000000, s2;
	s6 =	simm.s32 $0x108;
	_ =	swait.ge @!p0 [sflag:s8], $0x0  }
0x24: {  	s3 =	sadd.s32 $0x88, s3;
	s6 =	simm.s32 @!p1 $0x1082;
	[sflag:s4] =	ssyncset.s32 $0xFFFFF086  }
0x25: {  	[simem:s6], [sflag:s4] =	dma.local [hbm:s3], $0xF7A  }
0x26: {  	[smem:$0x3F90] =	sst s1;
	(tag) =	ssettag s2;
	_ =	strace s9  }
0x27: {  	s1 =	sld [smem:$0x3FA0]  }
0x28: {  	s2 =	sld [smem:$0x3FA1]  }
0x29: {  	s4 =	sld [smem:$0x3FA3]  }
0x2a: {  	p0 =	seq.s32 s5, $0x0;
	s5 =	sld [smem:$0x3FA4]  }
0x2b: {  	s6 =	sld [smem:$0x3FA5]  }
0x2c: {  	s7 =	sld [smem:$0x3FA6]  }
0x2d: {  	s3 =	simm.s32 $0x108;
	s8 =	sld [smem:$0x3FA7]  }
0x2e: {  	s3 =	simm.s32 @!p0 $0x1082;
	s9 =	sld [smem:$0x3FA8]  }
0x2f: {  	lr =	sadd.s32 s0, s3;
	s0 =	sld [smem:$0x3F9F]  }
0x30: {  	s3 =	sld [smem:$0x3FA2]  }
0x31: {  	[smem:$0x3FAB] =	sst s10  }
0x32: {  	s10 =	sld [smem:$0x3FA9];
	_ =	sdelay $0x3  }
0x33: {  	p0 =	seq.s32 s10, $0x1;
	s10 =	sld [smem:$0x3FAB];
	_ =	sdelay $0x3  }
0x34: {  	[smem:$0x3FAB] =	sst s10  }
0x35: {  	s10 =	sld [smem:$0x3FAA];
	_ =	sdelay $0x3  }
0x36: {  	p1 =	seq.s32 s10, $0x1;
	s10 =	sld [smem:$0x3FAB];
	_ =	sdelay $0x3  }
0x37: {  	[smem:$0x3FAB] =	sst s10  }
0x38: {  	s10 =	sld [smem:$0x3FAC]  }
0x39: {  	_ = 	snop;
	(pc) =	sbr.ind lr, $3  }
0x3a: {  	_ = 	snop  }
0x3b: {  	_ = 	snop  }
0x3c: {  	p2 =	seq.s32 s10, $0x1;
	s10 =	sld [smem:$0x3FAB]  }
0x3d: {  	_ =	shalt  }
0x3e: {  	_ =	shalt  }
0x3f: {  	_ =	shalt  }
0x40: {  	_ =	shalt  }
0x41: {  	_ =	shalt  }
0x42: {  	_ =	shalt  }
0x43: {  	_ =	shalt  }
0x44: {  	_ =	shalt  }
0x45: {  	_ =	shalt  }
0x46: {  	_ =	shalt  }
0x47: {  	_ =	shalt  }
0x48: {  	_ =	shalt  }
0x49: {  	_ =	shalt  }
0x4a: {  	_ =	shalt  }
0x4b: {  	_ =	shalt  }
0x4c: {  	_ =	shalt  }
0x4d: {  	_ =	shalt  }
0x4e: {  	_ =	shalt  }
0x4f: {  	_ =	shalt  }
0x50: {  	_ =	shalt  }
0x51: {  	_ =	shalt  }
0x52: {  	_ =	shalt  }
0x53: {  	_ =	shalt  }
0x54: {  	_ =	shalt  }
0x55: {  	_ =	shalt  }
0x56: {  	_ =	shalt  }
0x57: {  	_ =	shalt  }
0x58: {  	_ =	shalt  }
0x59: {  	_ =	shalt  }
0x5a: {  	_ =	shalt  }
0x5b: {  	_ =	shalt  }
0x5c: {  	_ =	shalt  }
0x5d: {  	_ =	shalt  }
0x5e: {  	_ =	shalt  }
0x5f: {  	_ =	shalt  }
0x60: {  	_ =	shalt  }
0x61: {  	_ =	shalt  }
0x62: {  	_ =	shalt  }
0x63: {  	_ =	shalt  }
0x64: {  	_ =	shalt  }
0x65: {  	_ =	shalt  }
0x66: {  	_ =	shalt  }
0x67: {  	_ =	shalt  }
0x68: {  	_ =	shalt  }
0x69: {  	_ =	shalt  }
0x6a: {  	_ =	shalt  }
0x6b: {  	_ =	shalt  }
0x6c: {  	_ =	shalt  }
0x6d: {  	_ =	shalt  }
0x6e: {  	_ =	shalt  }
0x6f: {  	_ =	shalt  }
0x70: {  	_ =	shalt  }
0x71: {  	_ =	shalt  }
0x72: {  	_ =	shalt  }
0x73: {  	_ =	shalt  }
0x74: {  	_ =	shalt  }
0x75: {  	_ =	shalt  }
0x76: {  	_ =	shalt  }
0x77: {  	_ =	shalt  }
0x78: {  	_ =	shalt  }
0x79: {  	_ =	shalt  }
0x7a: {  	_ =	shalt  }
0x7b: {  	_ =	shalt  }
0x7c: {  	_ =	shalt  }
0x7d: {  	_ =	shalt  }
0x7e: {  	_ =	shalt  }
0x7f: {  	_ =	shalt  }
0x80: {  	_ =	shalt  }
0x81: {  	_ =	shalt  }
0x82: {  	_ =	shalt  }
0x83: {  	_ =	shalt  }
0x84: {  	_ =	shalt  }
0x85: {  	_ =	shalt  }
0x86: {  	_ =	shalt  }
0x87: {  	_ =	shalt  }
.Lfunc_end0:
.L_simem_size_0:
called_computation_lowered:
.L_overlay_start_0:
0x88: {  	s2 =	sld [smem:$0x3FD9]  }
0x89: {  	s3 =	sld [smem:$0x3FFE];
	_ =	sdelay $0x1  }
0x8a: {  	s1 =	srdreg.scid  }
0x8b: {  	s0 =	sand.u32 $0x1, s1  }
0x8c: {  	s17 =	sshll.u32 s0, $0xA;
	s2 =	sadd.s32 s3, s2  }
0x8d: {  	s2 =	sadd.s32 s2, s17  }
0x8e: {  	[smem:$0x3FB7] =	sst s2  }
0x8f: {  	_ = 	snop  }
0x90: {  	s2 =	sld [smem:$0x3FC7];
	(tm) =	ssettm $0x1  }
0x91: {  	s18 =	sld [smem:$0x3FFB];
	_ =	sdelay $0x3  }
0x92: {  	_ =	strace s18  }
0x93: {  	s3 =	sld [smem:$0x3FFC];
	_ =	sdelay $0x3  }
0x94: {  	_ =	strace s3  }
0x95: {  	s3 =	sld [smem:$0x3FFD];
	_ =	sdelay $0x3  }
0x96: {  	_ =	strace s3  }
0x97: {  	_ =	strace $0x8FFFFFFF  }
0x98: {  	s19 =	sld [smem:$0x3FDB];
	_ =	sdelay $0x1  }
0x99: {  	s4 =	simm.s32 $_scs_section_size  }
0x9a: {  	s5 =	simm.s32 $_size__tile_overlayer_lowered;
	s6 =	simm.s32 $_tile_overlayer_lowered  }
0x9b: {  	s22 =	simm.s32 $0x1BFF;
	s21 =	sshll.u32 s6, $0x1;
	s3 =	sadd.s32 s4, s19  }
0x9c: {  	s7 =	simm.s32 $0x0;
	s20 =	sshll.u32 s5, $0x1;
	s5 =	sadd.s32 s21, s3  }
0x9d: {  	[timem:s7], [sflag:s22] =	dma.local [hbm:s5], s20  }
0x9e: {  	_ =	swait.ge [sflag:s22], s20  }
0x9f: {  	s4 =	ssub.s32 $0x0, s20;
	[sflag:s22] =	ssyncset.done $0x0  }
0xa0: {  	[sflag:s22] =	ssyncadd.s32 s4;
	_ =	sdelay $0x1  }
0xa1: {  	s23 =	simm.s32 $0x1B8B  }
0xa2: {  	_ =	swait.ge [sflag:s23], $0x1  }
0xa3: {  	[sflag:s23] =	ssyncset.done $0x0  }
0xa4: {  	s25 =	simm.s32 $0x1B8E;
	s24 =	sld [smem:$0x3FFE];
	[sflag:s23] =	ssyncadd.s32 $0xFFFFFFFF  }
0xa5: {  	s26 =	simm.s32 $execute0_lowered;
	[smem:$0x3FD2] =	sst s25  }
0xa6: {  	s5 =	sshll.u32 s26, $0x1;
	_ =	strace $0x80000046;
	[dreg:$0x1] =	wrdreg $0xFFFFFFFF  }
0xa7: {  	s28 =	simm.s32 $_size_execute0_lowered;
	s3 =	sadd.s32 s3, s5;
	[dreg:$0x0] =	wrdreg $0x0  }
0xa8: {  	s5 =	sshll.u32 s28, $0x1;
	[dreg:$0x2] =	wrdreg s3  }
0xa9: {  	[dreg:$0x3] =	wrdreg s5  }
0xaa: {  	[dreg:$0x4] =	wrdreg $0xC0  }
0xab: {  	_ =	task [dreg:s7], $0x5FFFF  }
0xac: {  	[dreg:$0x1] =	wrdreg $0xFFFFFFFF  }
0xad: {  	[dreg:$0x0] =	wrdreg $0x60  }
0xae: {  	[dreg:$0x2] =	wrdreg s2  }
0xaf: {  	[dreg:$0x3] =	wrdreg s24  }
0xb0: {  	[dreg:$0x4] =	wrdreg $0x9  }
0xb1: {  	_ =	task.clear_ibuf [dreg:s7], $0x5FFFF;
	_ =	strace $0x90000046  }
0xb2: {  	s29 =	simm.s32 $0x9;
	_ =	strace $0x80000048  }
0xb3: {  	_ =	swait.ge [sflag:s29], $0x1  }
0xb4: {  	[sflag:s29] =	ssyncadd.s32 $0xFFFFFFFF  }
0xb5: {  	_ =	strace $0x90000048  }
0xb6: {  	_ =	sfence  }
0xb7: {  	s30 =	sld [smem:$0x0];
	_ =	sdelay $0x2  }
0xb8: {  	s31 =	sshll.u32 s1, $0xD;
	s1 =	sshrl.u32 s1, $0x2  }
0xb9: {  	s3 =	sand.u32 $0x4000, s31;
	s1 =	sadd.s32 s1, s30  }
0xba: {  	s0 =	sor.u32 s3, s0;
	s1 =	sshll.u32 s1, $0x11  }
0xbb: {  	s0 =	sor.u32 s1, s0  }
0xbc: {  	s0 =	sadd.s32 $0x8F2B, s0  }
0xbd: {  	[sflag:s0] =	ssyncadd.remote.s32 $0x1  }
0xbe: {  	_ =	sfence.sel $0xFFFF  }
0xbf: {  	[dreg:$0x0] =	wrdreg $0xFFFFFFFF;
	(pc) =	sbr.abs _section_cstart, $3  }
0xc0: {  	[dreg:$0x1] =	wrdreg $0xFFFFFFFF  }
0xc1: {  	_ =	task.clear_ibuf [dreg:s7], $0x2FFFF;
	_ =	strace $0x9FFFFFFF  }
0xc2: {  	(tm) =	ssettm $0x7FFFFFFF  }
0xc3: {  	_ =	shalt  }
tec
execute0_lowered:
.L_overlay_start_1:
0x0: {  	(tag) =	ssettag $0x1  }
0x1: {  	s0 =	srdreg.scid;
	s1 =	stileid.u32  }
0x2: {  	s0 =	sand.u32 $0x1, s0;
	s1 =	sshll.u32 s1, $0x1  }
0x3: {  	s14 =	sor.u32 s0, s1  }
0x4: {  	s3 =	ssub.s32 $0x2, s0;
	s2 =	smul.u32 $0xD, s14  }
0x5: {  	s4 =	smul.u32 $0x3400, s14;
	s5 =	sshrl.u32 s3, $0x1  }
0x6: {  	s12 =	rddreg [dreg:$0x1];
	s13 =	smul.u32 $0x68, s14;
	s15 =	ssub.s32 s3, s5  }
0x7: {  	s6 =	sadd.s32 $0x2600, s12;
	[dreg:$0x17] =	wrdreg s15  }
0x8: {  	s16 =	sadd.s32 $0x1, s2;
	s10 =	sor.u32 s13, s4;
	s12 =	sadd.s32 $0x2, s2  }
0x9: {  	s21 =	sadd.s32 $0x3, s2;
	s26 =	sadd.s32 $0x4, s2;
	s17 =	sshrl.u32 s16, $0x3  }
0xa: {  	s18 =	sshll.u32 s16, $0x7;
	s3 =	sand.u32 $0x70, s16;
	s15 =	sshrl.u32 s12, $0x3  }
0xb: {  	s13 =	sshll.u32 s12, $0x7;
	s12 =	sand.u32 $0x70, s12;
	s16 =	sshrl.u32 s21, $0x3  }
0xc: {  	s4 =	sand.u32 $0x70, s21;
	s1 =	sshrl.u32 s26, $0x3;
	s7 =	sand.u32 $0x380, s18  }
0xd: {  	s8 =	smul.u32 $0xC3800, s17;
	s5 =	sand.u32 $0x1C000, s18;
	s3 =	sadd.s32 s6, s3  }
0xe: {  	s11 =	smul.u32 $0xC3800, s15;
	s20 =	sshll.u32 s17, $0x11;
	s22 =	sand.u32 $0x1C000, s13  }
0xf: {  	s12 =	sadd.s32 s6, s12;
	s17 =	sshll.u32 s21, $0x7;
	s23 =	smul.u32 $0xC3800, s16  }
0x10: {  	s25 =	sshll.u32 s15, $0x11;
	s18 =	sadd.s32 s6, s4;
	s19 =	sadd.s32 s5, s3  }
0x11: {  	s5 =	sand.u32 $0x380, s13;
	s3 =	sor.u32 s7, s20;
	s24 =	sadd.s32 s22, s12  }
0x12: {  	s0 =	sand.u32 $0x1C000, s17;
	s20 =	smul.u32 $0xC3800, s1;
	s22 =	sshll.u32 s16, $0x11  }
0x13: {  	s12 =	sand.u32 $0x70, s26;
	s1 =	sshll.u32 s1, $0x11;
	[dreg:$0x18] =	wrdreg s19  }
0x14: {  	s9 =	sor.u32 s7, s8;
	s11 =	sor.u32 s5, s11;
	[dreg:$0x3] =	wrdreg s24  }
0x15: {  	s7 =	sand.u32 $0x380, s17;
	s19 =	sshll.u32 s26, $0x7;
	s4 =	sor.u32 s5, s25  }
0x16: {  	s21 =	sadd.s32 s0, s18;
	s12 =	sadd.s32 s6, s12;
	s3 =	sshrl.u32 s3, $0x3  }
0x17: {  	s13 =	sor.u32 s7, s23;
	[dreg:$0x4] =	wrdreg s21;
	s8 =	sand.u32 $0x380, s19  }
0x18: {  	s23 =	sadd.s32 $0x5, s2;
	s24 =	sand.u32 $0x1C000, s19;
	s5 =	sor.u32 s7, s22  }
0x19: {  	s9 =	sshrl.u32 s9, $0x3;
	s4 =	sshrl.u32 s4, $0x3;
	s15 =	sor.u32 s8, s20  }
0x1a: {  	s19 =	sshrl.u32 s23, $0x3;
	s25 =	sshll.u32 s23, $0x7;
	s26 =	sadd.s32 s24, s12  }
0x1b: {  	s7 =	sor.u32 s8, s1;
	s13 =	sshrl.u32 s13, $0x3;
	s21 =	smul.u32 $0xC3800, s19  }
0x1c: {  	[dreg:$0x5] =	wrdreg s26;
	s12 =	sand.u32 $0x380, s25;
	s22 =	sand.u32 $0x1C000, s25  }
0x1d: {  	s26 =	sshll.u32 s19, $0x11;
	s15 =	sshrl.u32 s15, $0x3;
	s7 =	sshrl.u32 s7, $0x3  }
0x1e: {  	s8 =	sor.u32 s12, s26;
	s26 =	smul.u32 $0x280, s14;
	s16 =	sor.u32 s12, s21  }
0x1f: {  	s21 =	sand.u32 $0x70, s23;
	s23 =	sadd.s32 $0x6, s2;
	s8 =	sshrl.u32 s8, $0x3  }
0x20: {  	s17 =	sadd.s32 s6, s21;
	s25 =	sshll.u32 s23, $0x7;
	s0 =	sand.u32 $0x70, s23  }
0x21: {  	s16 =	sshrl.u32 s16, $0x3;
	s24 =	sadd.s32 s22, s17;
	s17 =	sshrl.u32 s23, $0x3  }
0x22: {  	s19 =	sadd.s32 s6, s0;
	s22 =	sand.u32 $0x1C000, s25;
	s0 =	sadd.s32 $0x8, s2  }
0x23: {  	[dreg:$0x6] =	wrdreg s24;
	s1 =	smul.u32 $0xC3800, s17;
	s23 =	sadd.s32 s22, s19  }
0x24: {  	s24 =	sand.u32 $0x380, s25;
	s17 =	sshll.u32 s17, $0x11;
	s25 =	sadd.s32 $0x7, s2  }
0x25: {  	[dreg:$0x7] =	wrdreg s23;
	s12 =	sor.u32 s24, s17;
	s21 =	sshll.u32 s25, $0x7  }
0x26: {  	s18 =	sand.u32 $0x70, s25;
	s17 =	sand.u32 $0x380, s26;
	s20 =	sor.u32 s24, s1  }
0x27: {  	s1 =	sshrl.u32 s25, $0x3;
	s23 =	sand.u32 $0x380, s21;
	s19 =	sand.u32 $0x1C000, s21  }
0x28: {  	s18 =	sadd.s32 s6, s18;
	s25 =	sshrl.u32 s2, $0x3;
	s21 =	sand.u32 $0x70, s0  }
0x29: {  	s22 =	smul.u32 $0xC3800, s1;
	s24 =	sadd.s32 s19, s18;
	s14 =	sshll.u32 s1, $0x11  }
0x2a: {  	s26 =	smul.u32 $0xC3800, s25;
	s18 =	sshll.u32 s25, $0x11;
	s1 =	sshrl.u32 s0, $0x3  }
0x2b: {  	s21 =	sadd.s32 s6, s21;
	[dreg:$0x8] =	wrdreg s24;
	s14 =	sor.u32 s23, s14  }
0x2c: {  	s24 =	sshll.u32 s0, $0x7;
	s25 =	smul.u32 $0xC3800, s1;
	s18 =	sor.u32 s17, s18  }
0x2d: {  	s0 =	sadd.s32 $0x9, s2;
	s22 =	sor.u32 s23, s22;
	s24 =	sand.u32 $0x1C000, s24  }
0x2e: {  	s23 =	sand.u32 $0x70, s0;
	s14 =	sshrl.u32 s14, $0x3;
	s24 =	sadd.s32 s24, s21  }
0x2f: {  	s21 =	sor.u32 s17, s26;
	s26 =	sshll.u32 s0, $0x7;
	s23 =	sadd.s32 s6, s23  }
0x30: {  	[dreg:$0x9] =	wrdreg s24;
	s24 =	sor.u32 s17, s25;
	s25 =	sshll.u32 s1, $0x11  }
0x31: {  	s1 =	sshrl.u32 s0, $0x3;
	s29 =	sand.u32 $0x1C000, s26;
	s0 =	sand.u32 $0x380, s26  }
0x32: {  	s28 =	smul.u32 $0xC3800, s1;
	s17 =	sor.u32 s17, s25;
	s23 =	sadd.s32 s29, s23  }
0x33: {  	s25 =	sshll.u32 s1, $0x11;
	s1 =	sadd.s32 $0xA, s2;
	[dreg:$0xa] =	wrdreg s23  }
0x34: {  	s29 =	sshll.u32 s1, $0x7;
	s26 =	sand.u32 $0x70, s1;
	s19 =	sor.u32 s0, s25  }
0x35: {  	s23 =	sor.u32 s0, s28;
	s28 =	sshrl.u32 s1, $0x3;
	s26 =	sadd.s32 s6, s26  }
0x36: {  	s31 =	sand.u32 $0x1C000, s29;
	s0 =	rddreg [dreg:$0x0];
	s30 =	smul.u32 $0xC3800, s28  }
0x37: {  	s25 =	sadd.s32 s31, s26;
	s26 =	sshrl.u32 s21, $0x3;
	s21 =	sshll.u32 s28, $0x11  }
0x38: {  	s9 =	sadd.s32 s0, s9;
	[dreg:$0xb] =	wrdreg s25;
	s25 =	sand.u32 $0x380, s29  }
0x39: {  	s26 =	sadd.s32 s0, s26;
	[dreg:$0xe] =	wrdreg s9;
	s9 =	sadd.s32 s0, s13  }
0x3a: {  	s13 =	sshrl.u32 s24, $0x3;
	s29 =	sor.u32 s25, s30;
	s30 =	sadd.s32 $0xB, s2  }
0x3b: {  	s21 =	sor.u32 s25, s21;
	[dreg:$0xd] =	wrdreg s26;
	s25 =	sand.u32 $0x60380, s10  }
0x3c: {  	s26 =	sshrl.u32 s11, $0x3;
	[dreg:$0x10] =	wrdreg s9;
	s10 =	sshrl.u32 s20, $0x3  }
0x3d: {  	s20 =	sshrl.u32 s23, $0x3;
	s2 =	sadd.s32 $0xC, s2;
	s28 =	sshll.u32 s30, $0x7  }
0x3e: {  	s31 =	sand.u32 $0x70, s30;
	s11 =	sadd.s32 s0, s26;
	s26 =	sadd.s32 s0, s16  }
0x3f: {  	s9 =	sadd.s32 s0, s10;
	s16 =	sadd.s32 s0, s13;
	[dreg:$0xf] =	wrdreg s11  }
0x40: {  	s10 =	sshrl.u32 s30, $0x3;
	s24 =	sshrl.u32 s29, $0x3;
	[dreg:$0x12] =	wrdreg s26  }
0x41: {  	s31 =	sadd.s32 s6, s31;
	s1 =	sand.u32 $0x1C000, s28;
	[dreg:$0x13] =	wrdreg s9  }
0x42: {  	s11 =	sshrl.u32 s22, $0x3;
	[dreg:$0x15] =	wrdreg s16;
	s9 =	sadd.s32 s0, s20  }
0x43: {  	s22 =	smul.u32 $0xC3800, s10;
	s1 =	sadd.s32 s1, s31;
	[dreg:$0x16] =	wrdreg s9  }
0x44: {  	s13 =	sand.u32 $0x380, s28;
	[dreg:$0xc] =	wrdreg s1;
	s1 =	sshrl.u32 s25, $0x3  }
0x45: {  	s25 =	sadd.s32 s0, s15;
	s15 =	sadd.s32 s0, s11;
	s11 =	sshrl.u32 s2, $0x3  }
0x46: {  	s9 =	sor.u32 s13, s22;
	s22 =	sadd.s32 s0, s24;
	[dreg:$0x11] =	wrdreg s25  }
0x47: {  	[dreg:$0x14] =	wrdreg s15;
	s15 =	sshll.u32 s2, $0x7;
	s23 =	smul.u32 $0xC3800, s11  }
0x48: {  	s9 =	sshrl.u32 s9, $0x3;
	s2 =	sand.u32 $0x70, s2;
	s28 =	sand.u32 $0x380, s15  }
0x49: {  	s26 =	sadd.s32 s6, s2;
	s2 =	sshll.u32 s10, $0x11;
	s16 =	sor.u32 s28, s23  }
0x4a: {  	s23 =	sadd.s32 s0, s9;
	s9 =	sshll.u32 s11, $0x11;
	s10 =	sor.u32 s13, s2  }
0x4b: {  	s2 =	sshrl.u32 s18, $0x3;
	s13 =	sshrl.u32 s12, $0x3;
	s12 =	simm.s32 $0x400  }
0x4c: {  	s25 =	sshrl.u32 s16, $0x3;
	s11 =	sor.u32 s28, s9;
	s16 =	rddreg [dreg:$0x1]  }
0x4d: {  	s28 =	simm.s32 $0x0;
	s18 =	sshrl.u32 s10, $0x3;
	s24 =	sadd.s32 s0, s25  }
0x4e: {  	s25 =	sadd.s32 s6, s1;
	s6 =	sand.u32 $0x1C000, s15;
	s20 =	sadd.s32 $0x12600, s16  }
0x4f: {  	[smem:$0x7FF] =	sst s28;
	s15 =	sshrl.u32 s17, $0x3;
	s16 =	sshrl.u32 s19, $0x3  }
0x50: {  	s17 =	sshrl.u32 s21, $0x3;
	s21 =	rddreg [dreg:$0x18];
	s19 =	sshrl.u32 s11, $0x3  }
0x51: {  	s11 =	simm.s32 $0x80;
	s26 =	sadd.s32 s6, s26;
	s29 =	sadd.s32 s20, s2  }
0x52: {  	s30 =	sadd.s32 s20, s3;
	s6 =	sshrl.u32 s5, $0x3;
	s31 =	sadd.s32 s20, s4  }
0x53: {  	s1 =	sadd.s32 s20, s7;
	s2 =	sadd.s32 s20, s8;
	s3 =	sadd.s32 s20, s13  }
0x54: {  	s4 =	sadd.s32 s20, s14;
	s5 =	sadd.s32 s20, s15;
	s7 =	sadd.s32 s20, s17  }
0x55: {  	s8 =	sadd.s32 s20, s18;
	s9 =	sadd.s32 s20, s19;
	_ =	strace $0x80000047  }
0x56: {  	s13 =	simm.s32 $0x18700;
	s14 =	simm.s32 $0x1;
	s15 =	simm.s32 $0x2  }
0x57: {  	s0 =	sadd.s32 s20, s6;
	s6 =	sadd.s32 s20, s16;
	s20 =	rddreg [dreg:$0x17]  }
0x58: {  	s17 =	simm.s32 $0x0;
	s16 =	simm.s32 $0x3;
	s10 =	smax.u32 s20, $0x1  }
.LBB2_1:
0x59: {  	s18 =	rddreg [dreg:$0xd]  }
0x5a: {  	[tilespmem:s28], [sflag:$0x1] =	stream.strided.gather [hbm4b:s18+s11], $0x18700, s12, s11, $0x38;
	[tilespmem:$0x1C700] =	vst v63  }
0x5b: {  	_ = 	snop  }
0x5c: {  	[tilespmem:s13], [sflag:$0x2] =	stream.strided.gather [hbm4b:s25+s11], $0x4000, s12, s11, $0x38;
	[tilespmem:$0x1C700] =	vst v63  }
0x5d: {  	_ =	swait.ge [sflag:s14], $0x18700  }
0x5e: {  	[sflag:s14] =	ssyncset.done $0x0  }
0x5f: {  	[sflag:s14] =	ssyncadd.s32 $0xFFFE7900  }
0x60: {  	_ =	swait.ge [sflag:s15], $0x4000  }
0x61: {  	[sflag:s15] =	ssyncset.done $0x0  }
0x62: {  	s18 =	simm.s32 $0x0;
	[sflag:s15] =	ssyncadd.s32 $0xFFFFC000  }
0x63: {  	v0 =	vld [tilespmem:s18+$0x18700];
	_ =	sdelay $0x5  }
0x64: {  	v1 =	vld [tilespmem:s18+$0x18710];
	_ =	sdelay $0x1  }
0x65: {  	v0 =	vld.idx.msk [tilespmem:v0+s28+$0x0], $0xffff;
	_ =	sdelay $0x4  }
0x66: {  	[tilespmem:s18+$0x18700] =	vst v0;
	v0 =	vld [tilespmem:s18+$0x18720]  }
0x67: {  	v1 =	vld.idx.msk [tilespmem:v1+s28+$0x0], $0xffff;
	_ =	sdelay $0x4  }
0x68: {  	[tilespmem:s18+$0x18710] =	vst v1;
	v1 =	vld [tilespmem:s18+$0x18730];
	_ =	sdelay $0x1  }
0x69: {  	v0 =	vld.idx.msk [tilespmem:v0+s28+$0x0], $0xffff;
	_ =	sdelay $0x4  }
0x6a: {  	[tilespmem:s18+$0x18720] =	vst v0;
	v0 =	vld [tilespmem:s18+$0x18740]  }
0x6b: {  	v1 =	vld.idx.msk [tilespmem:v1+s28+$0x0], $0xffff;
	_ =	sdelay $0x4  }
0x6c: {  	[tilespmem:s18+$0x18730] =	vst v1;
	v1 =	vld [tilespmem:s18+$0x18750];
	_ =	sdelay $0x1  }
0x6d: {  	v0 =	vld.idx.msk [tilespmem:v0+s28+$0x0], $0xffff;
	_ =	sdelay $0x4  }
0x6e: {  	[tilespmem:s18+$0x18740] =	vst v0;
	v0 =	vld [tilespmem:s18+$0x18760]  }
0x6f: {  	v1 =	vld.idx.msk [tilespmem:v1+s28+$0x0], $0xffff;
	_ =	sdelay $0x4  }
0x70: {  	[tilespmem:s18+$0x18750] =	vst v1;
	v1 =	vld [tilespmem:s18+$0x18770];
	_ =	sdelay $0x1  }
0x71: {  	v0 =	vld.idx.msk [tilespmem:v0+s28+$0x0], $0xffff;
	_ =	sdelay $0x4  }
0x72: {  	[tilespmem:s18+$0x18760] =	vst v0;
	v0 =	vld [tilespmem:s18+$0x18780]  }
0x73: {  	v1 =	vld.idx.msk [tilespmem:v1+s28+$0x0], $0xffff;
	_ =	sdelay $0x4  }
0x74: {  	[tilespmem:s18+$0x18770] =	vst v1;
	v1 =	vld [tilespmem:s18+$0x18790];
	_ =	sdelay $0x1  }
0x75: {  	v0 =	vld.idx.msk [tilespmem:v0+s28+$0x0], $0xffff;
	_ =	sdelay $0x4  }
0x76: {  	[tilespmem:s18+$0x18780] =	vst v0;
	v0 =	vld [tilespmem:s18+$0x187A0]  }
0x77: {  	v1 =	vld.idx.msk [tilespmem:v1+s28+$0x0], $0xffff;
	_ =	sdelay $0x4  }
0x78: {  	[tilespmem:s18+$0x18790] =	vst v1;
	v1 =	vld [tilespmem:s18+$0x187B0];
	_ =	sdelay $0x1  }
0x79: {  	v0 =	vld.idx.msk [tilespmem:v0+s28+$0x0], $0xffff;
	_ =	sdelay $0x4  }
0x7a: {  	[tilespmem:s18+$0x187A0] =	vst v0;
	v0 =	vld [tilespmem:s18+$0x187C0]  }
0x7b: {  	v1 =	vld.idx.msk [tilespmem:v1+s28+$0x0], $0xffff;
	_ =	sdelay $0x4  }
0x7c: {  	[tilespmem:s18+$0x187B0] =	vst v1;
	v1 =	vld [tilespmem:s18+$0x187D0];
	_ =	sdelay $0x1  }
0x7d: {  	v0 =	vld.idx.msk [tilespmem:v0+s28+$0x0], $0xffff;
	_ =	sdelay $0x4  }
0x7e: {  	v2 =	vld [tilespmem:s18+$0x187E0];
	[tilespmem:s18+$0x187C0] =	vst v0  }
0x7f: {  	v0 =	vld.idx.msk [tilespmem:v1+s28+$0x0], $0xffff;
	_ =	sdelay $0x4  }
0x80: {  	[tilespmem:s18+$0x187D0] =	vst v0;
	v0 =	vld [tilespmem:s18+$0x187F0];
	_ =	sdelay $0x1  }
0x81: {  	v1 =	vld.idx.msk [tilespmem:v2+s28+$0x0], $0xffff;
	_ =	sdelay $0x3  }
0x82: {  	s20 =	simm.s32 $0x100;
	s19 =	simm.s32 $0x800  }
.LBB2_2:
0x83: {  	p0 =	sne.s32 s19, $0xFC00;
	v2 =	vld [tilespmem:s20+$0x18700];
	[tilespmem:s18+$0x187E0] =	vst v1  }
0x84: {  	v0 =	vld.idx.msk [tilespmem:v0+s28+$0x0], $0xffff;
	_ =	sdelay $0x5  }
0x85: {  	v1 =	vld [tilespmem:s20+$0x18710];
	[tilespmem:s18+$0x187F0] =	vst v0;
	s18 =	smov.u32 s20  }
0x86: {  	v0 =	vld.idx.msk [tilespmem:v2+s28+$0x0], $0xffff;
	_ =	sdelay $0x5  }
0x87: {  	[tilespmem:s18+$0x18700] =	vst v0;
	v0 =	vld [tilespmem:s18+$0x18720]  }
0x88: {  	v1 =	vld.idx.msk [tilespmem:v1+s28+$0x0], $0xffff;
	_ =	sdelay $0x5  }
0x89: {  	[tilespmem:s18+$0x18710] =	vst v1;
	v1 =	vld [tilespmem:s18+$0x18730]  }
0x8a: {  	v0 =	vld.idx.msk [tilespmem:v0+s28+$0x0], $0xffff;
	_ =	sdelay $0x5  }
0x8b: {  	[tilespmem:s18+$0x18720] =	vst v0;
	v0 =	vld [tilespmem:s18+$0x18740]  }
0x8c: {  	v1 =	vld.idx.msk [tilespmem:v1+s28+$0x0], $0xffff;
	_ =	sdelay $0x5  }
0x8d: {  	[tilespmem:s18+$0x18730] =	vst v1;
	v1 =	vld [tilespmem:s18+$0x18750]  }
0x8e: {  	v0 =	vld.idx.msk [tilespmem:v0+s28+$0x0], $0xffff;
	_ =	sdelay $0x5  }
0x8f: {  	[tilespmem:s18+$0x18740] =	vst v0;
	v0 =	vld [tilespmem:s18+$0x18760]  }
0x90: {  	v1 =	vld.idx.msk [tilespmem:v1+s28+$0x0], $0xffff;
	_ =	sdelay $0x5  }
0x91: {  	[tilespmem:s18+$0x18750] =	vst v1;
	v1 =	vld [tilespmem:s18+$0x18770]  }
0x92: {  	v0 =	vld.idx.msk [tilespmem:v0+s28+$0x0], $0xffff;
	_ =	sdelay $0x5  }
0x93: {  	[tilespmem:s18+$0x18760] =	vst v0;
	v0 =	vld [tilespmem:s18+$0x18780]  }
0x94: {  	v1 =	vld.idx.msk [tilespmem:v1+s28+$0x0], $0xffff;
	_ =	sdelay $0x5  }
0x95: {  	[tilespmem:s18+$0x18770] =	vst v1;
	v1 =	vld [tilespmem:s18+$0x18790]  }
0x96: {  	v0 =	vld.idx.msk [tilespmem:v0+s28+$0x0], $0xffff;
	_ =	sdelay $0x5  }
0x97: {  	[tilespmem:s18+$0x18780] =	vst v0;
	v0 =	vld [tilespmem:s18+$0x187A0]  }
0x98: {  	v1 =	vld.idx.msk [tilespmem:v1+s28+$0x0], $0xffff;
	_ =	sdelay $0x5  }
0x99: {  	[tilespmem:s18+$0x18790] =	vst v1;
	v1 =	vld [tilespmem:s18+$0x187B0]  }
0x9a: {  	v0 =	vld.idx.msk [tilespmem:v0+s28+$0x0], $0xffff;
	_ =	sdelay $0x5  }
0x9b: {  	[tilespmem:s18+$0x187A0] =	vst v0;
	v0 =	vld [tilespmem:s18+$0x187C0]  }
0x9c: {  	v1 =	vld.idx.msk [tilespmem:v1+s28+$0x0], $0xffff;
	_ =	sdelay $0x5  }
0x9d: {  	[tilespmem:s18+$0x187B0] =	vst v1;
	v1 =	vld [tilespmem:s18+$0x187D0]  }
0x9e: {  	v0 =	vld.idx.msk [tilespmem:v0+s28+$0x0], $0xffff;
	_ =	sdelay $0x5  }
0x9f: {  	[tilespmem:s18+$0x187C0] =	vst v0;
	v2 =	vld [tilespmem:s18+$0x187E0]  }
0xa0: {  	v0 =	vld.idx.msk [tilespmem:v1+s28+$0x0], $0xffff;
	_ =	sdelay $0x5  }
0xa1: {  	[tilespmem:s18+$0x187D0] =	vst v0;
	v0 =	vld [tilespmem:s18+$0x187F0]  }
0xa2: {  	v1 =	vld.idx.msk [tilespmem:v2+s28+$0x0], $0xffff  }
.Ltmp0:
0xa3: {  	(pc) =	sbr.rel @p0 .LBB2_2-.Ltmp0, $2  }
0xa4: {  	_ =	sdelay $0x2  }
0xa5: {  	s20 =	sshra.s32 s19, $0x2;
	s19 =	sadd.s32 $0x400, s19  }
0xa6: {  	_ =	sdelay $0x1  }
0xa7: {  	v2 =	vld [tilespmem:s20+$0x18700]  }
0xa8: {  	[tilespmem:s18+$0x187E0] =	vst v1  }
0xa9: {  	v0 =	vld.idx.msk [tilespmem:v0+s28+$0x0], $0xffff;
	_ =	sdelay $0x3  }
0xaa: {  	v1 =	vld [tilespmem:s20+$0x18710]  }
0xab: {  	[tilespmem:s18+$0x187F0] =	vst v0  }
0xac: {  	v0 =	vld.idx.msk [tilespmem:v2+s28+$0x0], $0xffff;
	_ =	sdelay $0x4  }
0xad: {  	[tilespmem:s20+$0x18700] =	vst v0;
	v0 =	vld [tilespmem:s20+$0x18720]  }
0xae: {  	v1 =	vld.idx.msk [tilespmem:v1+s28+$0x0], $0xffff;
	_ =	sdelay $0x4  }
0xaf: {  	[tilespmem:s20+$0x18710] =	vst v1;
	v1 =	vld [tilespmem:s20+$0x18730];
	_ =	sdelay $0x1  }
0xb0: {  	v0 =	vld.idx.msk [tilespmem:v0+s28+$0x0], $0xffff;
	_ =	sdelay $0x4  }
0xb1: {  	[tilespmem:s20+$0x18720] =	vst v0;
	v0 =	vld [tilespmem:s20+$0x18740]  }
0xb2: {  	v1 =	vld.idx.msk [tilespmem:v1+s28+$0x0], $0xffff;
	_ =	sdelay $0x4  }
0xb3: {  	[tilespmem:s20+$0x18730] =	vst v1;
	v1 =	vld [tilespmem:s20+$0x18750];
	_ =	sdelay $0x1  }
0xb4: {  	v0 =	vld.idx.msk [tilespmem:v0+s28+$0x0], $0xffff;
	_ =	sdelay $0x4  }
0xb5: {  	[tilespmem:s20+$0x18740] =	vst v0;
	v0 =	vld [tilespmem:s20+$0x18760]  }
0xb6: {  	v1 =	vld.idx.msk [tilespmem:v1+s28+$0x0], $0xffff;
	_ =	sdelay $0x4  }
0xb7: {  	[tilespmem:s20+$0x18750] =	vst v1;
	v1 =	vld [tilespmem:s20+$0x18770];
	_ =	sdelay $0x1  }
0xb8: {  	v0 =	vld.idx.msk [tilespmem:v0+s28+$0x0], $0xffff;
	_ =	sdelay $0x4  }
0xb9: {  	[tilespmem:s20+$0x18760] =	vst v0;
	v0 =	vld [tilespmem:s20+$0x18780]  }
0xba: {  	v1 =	vld.idx.msk [tilespmem:v1+s28+$0x0], $0xffff;
	_ =	sdelay $0x4  }
0xbb: {  	[tilespmem:s20+$0x18770] =	vst v1;
	v1 =	vld [tilespmem:s20+$0x18790];
	_ =	sdelay $0x1  }
0xbc: {  	v0 =	vld.idx.msk [tilespmem:v0+s28+$0x0], $0xffff;
	_ =	sdelay $0x4  }
0xbd: {  	[tilespmem:s20+$0x18780] =	vst v0;
	v0 =	vld [tilespmem:s20+$0x187A0]  }
0xbe: {  	v1 =	vld.idx.msk [tilespmem:v1+s28+$0x0], $0xffff;
	_ =	sdelay $0x4  }
0xbf: {  	[tilespmem:s20+$0x18790] =	vst v1;
	v1 =	vld [tilespmem:s20+$0x187B0];
	_ =	sdelay $0x1  }
0xc0: {  	v0 =	vld.idx.msk [tilespmem:v0+s28+$0x0], $0xffff;
	_ =	sdelay $0x4  }
0xc1: {  	[tilespmem:s20+$0x187A0] =	vst v0;
	v0 =	vld [tilespmem:s20+$0x187C0]  }
0xc2: {  	v1 =	vld.idx.msk [tilespmem:v1+s28+$0x0], $0xffff;
	_ =	sdelay $0x4  }
0xc3: {  	[tilespmem:s20+$0x187B0] =	vst v1;
	v1 =	vld [tilespmem:s20+$0x187D0];
	_ =	sdelay $0x1  }
0xc4: {  	v0 =	vld.idx.msk [tilespmem:v0+s28+$0x0], $0xffff;
	_ =	sdelay $0x4  }
0xc5: {  	[tilespmem:s20+$0x187C0] =	vst v0;
	v0 =	vld [tilespmem:s20+$0x187E0]  }
0xc6: {  	v1 =	vld.idx.msk [tilespmem:v1+s28+$0x0], $0xffff;
	_ =	sdelay $0x4  }
0xc7: {  	[tilespmem:s20+$0x187D0] =	vst v1;
	v1 =	vld [tilespmem:s20+$0x187F0];
	_ =	sdelay $0x1  }
0xc8: {  	v0 =	vld.idx.msk [tilespmem:v0+s28+$0x0], $0xffff;
	_ =	sdelay $0x4  }
0xc9: {  	[tilespmem:s20+$0x187E0] =	vst v0  }
0xca: {  	v0 =	vld.idx.msk [tilespmem:v1+s28+$0x0], $0xffff;
	_ =	sdelay $0x4  }
0xcb: {  	s19 =	rddreg [dreg:$0xe];
	[tilespmem:s20+$0x187F0] =	vst v0;
	s20 =	simm.s32 $0x0  }
0xcc: {  	[tilespmem:s20], [sflag:$0x1] =	stream.strided.gather [hbm4b:s19+s11], $0x18700, s12, s11, $0x38;
	[tilespmem:$0x1C700] =	vst v63  }
0xcd: {  	_ = 	snop  }
0xce: {  	[hbm4b:s29+s11] =	stream.strided.scatter [tilespmem:s13], [sflag:$0x3], $0x4000, s12, s11, $0x38;
	[tilespmem:$0x1C700] =	vst v63  }
0xcf: {  	_ =	swait.ge [sflag:s16], $0x4000  }
0xd0: {  	[sflag:s16] =	ssyncset.done $0x0  }
0xd1: {  	[sflag:s16] =	ssyncadd.s32 $0xFFFFC000  }
0xd2: {  	[tilespmem:s13], [sflag:$0x2] =	stream.strided.gather [hbm4b:s21+s11], $0x4000, s12, s11, $0x38;
	[tilespmem:$0x1C700] =	vst v63  }
0xd3: {  	_ =	swait.ge [sflag:s14], $0x18700  }
0xd4: {  	[sflag:s14] =	ssyncset.done $0x0  }
0xd5: {  	[sflag:s14] =	ssyncadd.s32 $0xFFFE7900  }
0xd6: {  	_ =	swait.ge [sflag:s15], $0x4000  }
0xd7: {  	[sflag:s15] =	ssyncset.done $0x0  }
0xd8: {  	s18 =	simm.s32 $0x0;
	[sflag:s15] =	ssyncadd.s32 $0xFFFFC000  }
0xd9: {  	v0 =	vld [tilespmem:s18+$0x18700];
	_ =	sdelay $0x5  }
0xda: {  	v1 =	vld [tilespmem:s18+$0x18710];
	_ =	sdelay $0x1  }
0xdb: {  	v0 =	vld.idx.msk [tilespmem:v0+s28+$0x0], $0xffff;
	_ =	sdelay $0x4  }
0xdc: {  	[tilespmem:s18+$0x18700] =	vst v0;
	v0 =	vld [tilespmem:s18+$0x18720]  }
0xdd: {  	v1 =	vld.idx.msk [tilespmem:v1+s28+$0x0], $0xffff;
	_ =	sdelay $0x4  }
0xde: {  	[tilespmem:s18+$0x18710] =	vst v1;
	v1 =	vld [tilespmem:s18+$0x18730];
	_ =	sdelay $0x1  }
0xdf: {  	v0 =	vld.idx.msk [tilespmem:v0+s28+$0x0], $0xffff;
	_ =	sdelay $0x4  }
0xe0: {  	[tilespmem:s18+$0x18720] =	vst v0;
	v0 =	vld [tilespmem:s18+$0x18740]  }
0xe1: {  	v1 =	vld.idx.msk [tilespmem:v1+s28+$0x0], $0xffff;
	_ =	sdelay $0x4  }
0xe2: {  	[tilespmem:s18+$0x18730] =	vst v1;
	v1 =	vld [tilespmem:s18+$0x18750];
	_ =	sdelay $0x1  }
0xe3: {  	v0 =	vld.idx.msk [tilespmem:v0+s28+$0x0], $0xffff;
	_ =	sdelay $0x4  }
0xe4: {  	[tilespmem:s18+$0x18740] =	vst v0;
	v0 =	vld [tilespmem:s18+$0x18760]  }
0xe5: {  	v1 =	vld.idx.msk [tilespmem:v1+s28+$0x0], $0xffff;
	_ =	sdelay $0x4  }
0xe6: {  	[tilespmem:s18+$0x18750] =	vst v1;
	v1 =	vld [tilespmem:s18+$0x18770];
	_ =	sdelay $0x1  }
0xe7: {  	v0 =	vld.idx.msk [tilespmem:v0+s28+$0x0], $0xffff;
	_ =	sdelay $0x4  }
0xe8: {  	[tilespmem:s18+$0x18760] =	vst v0;
	v0 =	vld [tilespmem:s18+$0x18780]  }
0xe9: {  	v1 =	vld.idx.msk [tilespmem:v1+s28+$0x0], $0xffff;
	_ =	sdelay $0x4  }
0xea: {  	[tilespmem:s18+$0x18770] =	vst v1;
	v1 =	vld [tilespmem:s18+$0x18790];
	_ =	sdelay $0x1  }
0xeb: {  	v0 =	vld.idx.msk [tilespmem:v0+s28+$0x0], $0xffff;
	_ =	sdelay $0x4  }
0xec: {  	[tilespmem:s18+$0x18780] =	vst v0;
	v0 =	vld [tilespmem:s18+$0x187A0]  }
0xed: {  	v1 =	vld.idx.msk [tilespmem:v1+s28+$0x0], $0xffff;
	_ =	sdelay $0x4  }
0xee: {  	[tilespmem:s18+$0x18790] =	vst v1;
	v1 =	vld [tilespmem:s18+$0x187B0];
	_ =	sdelay $0x1  }
0xef: {  	v0 =	vld.idx.msk [tilespmem:v0+s28+$0x0], $0xffff;
	_ =	sdelay $0x4  }
0xf0: {  	[tilespmem:s18+$0x187A0] =	vst v0;
	v0 =	vld [tilespmem:s18+$0x187C0]  }
0xf1: {  	v1 =	vld.idx.msk [tilespmem:v1+s28+$0x0], $0xffff;
	_ =	sdelay $0x4  }
0xf2: {  	[tilespmem:s18+$0x187B0] =	vst v1;
	v1 =	vld [tilespmem:s18+$0x187D0];
	_ =	sdelay $0x1  }
0xf3: {  	v0 =	vld.idx.msk [tilespmem:v0+s28+$0x0], $0xffff;
	_ =	sdelay $0x4  }
0xf4: {  	v2 =	vld [tilespmem:s18+$0x187E0];
	[tilespmem:s18+$0x187C0] =	vst v0  }
0xf5: {  	v0 =	vld.idx.msk [tilespmem:v1+s28+$0x0], $0xffff;
	_ =	sdelay $0x4  }
0xf6: {  	[tilespmem:s18+$0x187D0] =	vst v0;
	v0 =	vld [tilespmem:s18+$0x187F0];
	_ =	sdelay $0x1  }
0xf7: {  	v1 =	vld.idx.msk [tilespmem:v2+s28+$0x0], $0xffff;
	_ =	sdelay $0x3  }
0xf8: {  	s20 =	simm.s32 $0x100;
	s19 =	simm.s32 $0x800  }
.LBB2_4:
0xf9: {  	p0 =	sne.s32 s19, $0xFC00;
	v2 =	vld [tilespmem:s20+$0x18700];
	[tilespmem:s18+$0x187E0] =	vst v1  }
0xfa: {  	v0 =	vld.idx.msk [tilespmem:v0+s28+$0x0], $0xffff;
	_ =	sdelay $0x5  }
0xfb: {  	v1 =	vld [tilespmem:s20+$0x18710];
	[tilespmem:s18+$0x187F0] =	vst v0;
	s18 =	smov.u32 s20  }
0xfc: {  	v0 =	vld.idx.msk [tilespmem:v2+s28+$0x0], $0xffff;
	_ =	sdelay $0x5  }
0xfd: {  	[tilespmem:s18+$0x18700] =	vst v0;
	v0 =	vld [tilespmem:s18+$0x18720]  }
0xfe: {  	v1 =	vld.idx.msk [tilespmem:v1+s28+$0x0], $0xffff;
	_ =	sdelay $0x5  }
0xff: {  	[tilespmem:s18+$0x18710] =	vst v1;
	v1 =	vld [tilespmem:s18+$0x18730]  }
0x100: {  	v0 =	vld.idx.msk [tilespmem:v0+s28+$0x0], $0xffff;
	_ =	sdelay $0x5  }
0x101: {  	[tilespmem:s18+$0x18720] =	vst v0;
	v0 =	vld [tilespmem:s18+$0x18740]  }
0x102: {  	v1 =	vld.idx.msk [tilespmem:v1+s28+$0x0], $0xffff;
	_ =	sdelay $0x5  }
0x103: {  	[tilespmem:s18+$0x18730] =	vst v1;
	v1 =	vld [tilespmem:s18+$0x18750]  }
0x104: {  	v0 =	vld.idx.msk [tilespmem:v0+s28+$0x0], $0xffff;
	_ =	sdelay $0x5  }
0x105: {  	[tilespmem:s18+$0x18740] =	vst v0;
	v0 =	vld [tilespmem:s18+$0x18760]  }
0x106: {  	v1 =	vld.idx.msk [tilespmem:v1+s28+$0x0], $0xffff;
	_ =	sdelay $0x5  }
0x107: {  	[tilespmem:s18+$0x18750] =	vst v1;
	v1 =	vld [tilespmem:s18+$0x18770]  }
0x108: {  	v0 =	vld.idx.msk [tilespmem:v0+s28+$0x0], $0xffff;
	_ =	sdelay $0x5  }
0x109: {  	[tilespmem:s18+$0x18760] =	vst v0;
	v0 =	vld [tilespmem:s18+$0x18780]  }
0x10a: {  	v1 =	vld.idx.msk [tilespmem:v1+s28+$0x0], $0xffff;
	_ =	sdelay $0x5  }
0x10b: {  	[tilespmem:s18+$0x18770] =	vst v1;
	v1 =	vld [tilespmem:s18+$0x18790]  }
0x10c: {  	v0 =	vld.idx.msk [tilespmem:v0+s28+$0x0], $0xffff;
	_ =	sdelay $0x5  }
0x10d: {  	[tilespmem:s18+$0x18780] =	vst v0;
	v0 =	vld [tilespmem:s18+$0x187A0]  }
0x10e: {  	v1 =	vld.idx.msk [tilespmem:v1+s28+$0x0], $0xffff;
	_ =	sdelay $0x5  }
0x10f: {  	[tilespmem:s18+$0x18790] =	vst v1;
	v1 =	vld [tilespmem:s18+$0x187B0]  }
0x110: {  	v0 =	vld.idx.msk [tilespmem:v0+s28+$0x0], $0xffff;
	_ =	sdelay $0x5  }
0x111: {  	[tilespmem:s18+$0x187A0] =	vst v0;
	v0 =	vld [tilespmem:s18+$0x187C0]  }
0x112: {  	v1 =	vld.idx.msk [tilespmem:v1+s28+$0x0], $0xffff;
	_ =	sdelay $0x5  }
0x113: {  	[tilespmem:s18+$0x187B0] =	vst v1;
	v1 =	vld [tilespmem:s18+$0x187D0]  }
0x114: {  	v0 =	vld.idx.msk [tilespmem:v0+s28+$0x0], $0xffff;
	_ =	sdelay $0x5  }
0x115: {  	[tilespmem:s18+$0x187C0] =	vst v0;
	v2 =	vld [tilespmem:s18+$0x187E0]  }
0x116: {  	v0 =	vld.idx.msk [tilespmem:v1+s28+$0x0], $0xffff;
	_ =	sdelay $0x5  }
0x117: {  	[tilespmem:s18+$0x187D0] =	vst v0;
	v0 =	vld [tilespmem:s18+$0x187F0]  }
0x118: {  	v1 =	vld.idx.msk [tilespmem:v2+s28+$0x0], $0xffff  }
.Ltmp1:
0x119: {  	(pc) =	sbr.rel @p0 .LBB2_4-.Ltmp1, $2  }
0x11a: {  	_ =	sdelay $0x2  }
0x11b: {  	s20 =	sshra.s32 s19, $0x2;
	s19 =	sadd.s32 $0x400, s19  }
0x11c: {  	_ =	sdelay $0x1  }
0x11d: {  	v2 =	vld [tilespmem:s20+$0x18700]  }
0x11e: {  	[tilespmem:s18+$0x187E0] =	vst v1  }
0x11f: {  	v0 =	vld.idx.msk [tilespmem:v0+s28+$0x0], $0xffff;
	_ =	sdelay $0x3  }
0x120: {  	v1 =	vld [tilespmem:s20+$0x18710]  }
0x121: {  	[tilespmem:s18+$0x187F0] =	vst v0  }
0x122: {  	v0 =	vld.idx.msk [tilespmem:v2+s28+$0x0], $0xffff;
	_ =	sdelay $0x4  }
0x123: {  	[tilespmem:s20+$0x18700] =	vst v0;
	v0 =	vld [tilespmem:s20+$0x18720]  }
0x124: {  	v1 =	vld.idx.msk [tilespmem:v1+s28+$0x0], $0xffff;
	_ =	sdelay $0x4  }
0x125: {  	[tilespmem:s20+$0x18710] =	vst v1;
	v1 =	vld [tilespmem:s20+$0x18730];
	_ =	sdelay $0x1  }
0x126: {  	v0 =	vld.idx.msk [tilespmem:v0+s28+$0x0], $0xffff;
	_ =	sdelay $0x4  }
0x127: {  	[tilespmem:s20+$0x18720] =	vst v0;
	v0 =	vld [tilespmem:s20+$0x18740]  }
0x128: {  	v1 =	vld.idx.msk [tilespmem:v1+s28+$0x0], $0xffff;
	_ =	sdelay $0x4  }
0x129: {  	[tilespmem:s20+$0x18730] =	vst v1;
	v1 =	vld [tilespmem:s20+$0x18750];
	_ =	sdelay $0x1  }
0x12a: {  	v0 =	vld.idx.msk [tilespmem:v0+s28+$0x0], $0xffff;
	_ =	sdelay $0x4  }
0x12b: {  	[tilespmem:s20+$0x18740] =	vst v0;
	v0 =	vld [tilespmem:s20+$0x18760]  }
0x12c: {  	v1 =	vld.idx.msk [tilespmem:v1+s28+$0x0], $0xffff;
	_ =	sdelay $0x4  }
0x12d: {  	[tilespmem:s20+$0x18750] =	vst v1;
	v1 =	vld [tilespmem:s20+$0x18770];
	_ =	sdelay $0x1  }
0x12e: {  	v0 =	vld.idx.msk [tilespmem:v0+s28+$0x0], $0xffff;
	_ =	sdelay $0x4  }
0x12f: {  	[tilespmem:s20+$0x18760] =	vst v0;
	v0 =	vld [tilespmem:s20+$0x18780]  }
0x130: {  	v1 =	vld.idx.msk [tilespmem:v1+s28+$0x0], $0xffff;
	_ =	sdelay $0x4  }
0x131: {  	[tilespmem:s20+$0x18770] =	vst v1;
	v1 =	vld [tilespmem:s20+$0x18790];
	_ =	sdelay $0x1  }
0x132: {  	v0 =	vld.idx.msk [tilespmem:v0+s28+$0x0], $0xffff;
	_ =	sdelay $0x4  }
0x133: {  	[tilespmem:s20+$0x18780] =	vst v0;
	v0 =	vld [tilespmem:s20+$0x187A0]  }
0x134: {  	v1 =	vld.idx.msk [tilespmem:v1+s28+$0x0], $0xffff;
	_ =	sdelay $0x4  }
0x135: {  	[tilespmem:s20+$0x18790] =	vst v1;
	v1 =	vld [tilespmem:s20+$0x187B0];
	_ =	sdelay $0x1  }
0x136: {  	v0 =	vld.idx.msk [tilespmem:v0+s28+$0x0], $0xffff;
	_ =	sdelay $0x4  }
0x137: {  	[tilespmem:s20+$0x187A0] =	vst v0;
	v0 =	vld [tilespmem:s20+$0x187C0]  }
0x138: {  	v1 =	vld.idx.msk [tilespmem:v1+s28+$0x0], $0xffff;
	_ =	sdelay $0x4  }
0x139: {  	[tilespmem:s20+$0x187B0] =	vst v1;
	v1 =	vld [tilespmem:s20+$0x187D0];
	_ =	sdelay $0x1  }
0x13a: {  	v0 =	vld.idx.msk [tilespmem:v0+s28+$0x0], $0xffff;
	_ =	sdelay $0x4  }
0x13b: {  	[tilespmem:s20+$0x187C0] =	vst v0;
	v0 =	vld [tilespmem:s20+$0x187E0]  }
0x13c: {  	v1 =	vld.idx.msk [tilespmem:v1+s28+$0x0], $0xffff;
	_ =	sdelay $0x4  }
0x13d: {  	[tilespmem:s20+$0x187D0] =	vst v1;
	v1 =	vld [tilespmem:s20+$0x187F0];
	_ =	sdelay $0x1  }
0x13e: {  	v0 =	vld.idx.msk [tilespmem:v0+s28+$0x0], $0xffff;
	_ =	sdelay $0x4  }
0x13f: {  	[tilespmem:s20+$0x187E0] =	vst v0  }
0x140: {  	v0 =	vld.idx.msk [tilespmem:v1+s28+$0x0], $0xffff;
	_ =	sdelay $0x4  }
0x141: {  	s19 =	rddreg [dreg:$0xf];
	[tilespmem:s20+$0x187F0] =	vst v0;
	s20 =	simm.s32 $0x0  }
0x142: {  	[tilespmem:s20], [sflag:$0x1] =	stream.strided.gather [hbm4b:s19+s11], $0x18700, s12, s11, $0x38;
	[tilespmem:$0x1C700] =	vst v63  }
0x143: {  	_ = 	snop  }
0x144: {  	[hbm4b:s30+s11] =	stream.strided.scatter [tilespmem:s13], [sflag:$0x3], $0x4000, s12, s11, $0x38;
	[tilespmem:$0x1C700] =	vst v63  }
0x145: {  	_ =	swait.ge [sflag:s16], $0x4000  }
0x146: {  	[sflag:s16] =	ssyncset.done $0x0  }
0x147: {  	s20 =	rddreg [dreg:$0x3];
	[sflag:s16] =	ssyncadd.s32 $0xFFFFC000  }
0x148: {  	[tilespmem:s13], [sflag:$0x2] =	stream.strided.gather [hbm4b:s20+s11], $0x4000, s12, s11, $0x38;
	[tilespmem:$0x1C700] =	vst v63  }
0x149: {  	_ =	swait.ge [sflag:s14], $0x18700  }
0x14a: {  	[sflag:s14] =	ssyncset.done $0x0  }
0x14b: {  	[sflag:s14] =	ssyncadd.s32 $0xFFFE7900  }
0x14c: {  	_ =	swait.ge [sflag:s15], $0x4000  }
0x14d: {  	[sflag:s15] =	ssyncset.done $0x0  }
0x14e: {  	s18 =	simm.s32 $0x0;
	[sflag:s15] =	ssyncadd.s32 $0xFFFFC000  }
0x14f: {  	v0 =	vld [tilespmem:s18+$0x18700];
	_ =	sdelay $0x5  }
0x150: {  	v1 =	vld [tilespmem:s18+$0x18710];
	_ =	sdelay $0x1  }
0x151: {  	v0 =	vld.idx.msk [tilespmem:v0+s28+$0x0], $0xffff;
	_ =	sdelay $0x4  }
0x152: {  	[tilespmem:s18+$0x18700] =	vst v0;
	v0 =	vld [tilespmem:s18+$0x18720]  }
0x153: {  	v1 =	vld.idx.msk [tilespmem:v1+s28+$0x0], $0xffff;
	_ =	sdelay $0x4  }
0x154: {  	[tilespmem:s18+$0x18710] =	vst v1;
	v1 =	vld [tilespmem:s18+$0x18730];
	_ =	sdelay $0x1  }
0x155: {  	v0 =	vld.idx.msk [tilespmem:v0+s28+$0x0], $0xffff;
	_ =	sdelay $0x4  }
0x156: {  	[tilespmem:s18+$0x18720] =	vst v0;
	v0 =	vld [tilespmem:s18+$0x18740]  }
0x157: {  	v1 =	vld.idx.msk [tilespmem:v1+s28+$0x0], $0xffff;
	_ =	sdelay $0x4  }
0x158: {  	[tilespmem:s18+$0x18730] =	vst v1;
	v1 =	vld [tilespmem:s18+$0x18750];
	_ =	sdelay $0x1  }
0x159: {  	v0 =	vld.idx.msk [tilespmem:v0+s28+$0x0], $0xffff;
	_ =	sdelay $0x4  }
0x15a: {  	[tilespmem:s18+$0x18740] =	vst v0;
	v0 =	vld [tilespmem:s18+$0x18760]  }
0x15b: {  	v1 =	vld.idx.msk [tilespmem:v1+s28+$0x0], $0xffff;
	_ =	sdelay $0x4  }
0x15c: {  	[tilespmem:s18+$0x18750] =	vst v1;
	v1 =	vld [tilespmem:s18+$0x18770];
	_ =	sdelay $0x1  }
0x15d: {  	v0 =	vld.idx.msk [tilespmem:v0+s28+$0x0], $0xffff;
	_ =	sdelay $0x4  }
0x15e: {  	[tilespmem:s18+$0x18760] =	vst v0;
	v0 =	vld [tilespmem:s18+$0x18780]  }
0x15f: {  	v1 =	vld.idx.msk [tilespmem:v1+s28+$0x0], $0xffff;
	_ =	sdelay $0x4  }
0x160: {  	[tilespmem:s18+$0x18770] =	vst v1;
	v1 =	vld [tilespmem:s18+$0x18790];
	_ =	sdelay $0x1  }
0x161: {  	v0 =	vld.idx.msk [tilespmem:v0+s28+$0x0], $0xffff;
	_ =	sdelay $0x4  }
0x162: {  	[tilespmem:s18+$0x18780] =	vst v0;
	v0 =	vld [tilespmem:s18+$0x187A0]  }
0x163: {  	v1 =	vld.idx.msk [tilespmem:v1+s28+$0x0], $0xffff;
	_ =	sdelay $0x4  }
0x164: {  	[tilespmem:s18+$0x18790] =	vst v1;
	v1 =	vld [tilespmem:s18+$0x187B0];
	_ =	sdelay $0x1  }
0x165: {  	v0 =	vld.idx.msk [tilespmem:v0+s28+$0x0], $0xffff;
	_ =	sdelay $0x4  }
0x166: {  	[tilespmem:s18+$0x187A0] =	vst v0;
	v0 =	vld [tilespmem:s18+$0x187C0]  }
0x167: {  	v1 =	vld.idx.msk [tilespmem:v1+s28+$0x0], $0xffff;
	_ =	sdelay $0x4  }
0x168: {  	[tilespmem:s18+$0x187B0] =	vst v1;
	v1 =	vld [tilespmem:s18+$0x187D0];
	_ =	sdelay $0x1  }
0x169: {  	v0 =	vld.idx.msk [tilespmem:v0+s28+$0x0], $0xffff;
	_ =	sdelay $0x4  }
0x16a: {  	v2 =	vld [tilespmem:s18+$0x187E0];
	[tilespmem:s18+$0x187C0] =	vst v0  }
0x16b: {  	v0 =	vld.idx.msk [tilespmem:v1+s28+$0x0], $0xffff;
	_ =	sdelay $0x4  }
0x16c: {  	[tilespmem:s18+$0x187D0] =	vst v0;
	v0 =	vld [tilespmem:s18+$0x187F0];
	_ =	sdelay $0x1  }
0x16d: {  	v1 =	vld.idx.msk [tilespmem:v2+s28+$0x0], $0xffff;
	_ =	sdelay $0x3  }
0x16e: {  	s19 =	simm.s32 $0x800;
	s20 =	simm.s32 $0x100  }
.LBB2_6:
0x16f: {  	p0 =	sne.s32 s19, $0xFC00;
	v2 =	vld [tilespmem:s20+$0x18700];
	[tilespmem:s18+$0x187E0] =	vst v1  }
0x170: {  	v0 =	vld.idx.msk [tilespmem:v0+s28+$0x0], $0xffff;
	_ =	sdelay $0x5  }
0x171: {  	v1 =	vld [tilespmem:s20+$0x18710];
	[tilespmem:s18+$0x187F0] =	vst v0;
	s18 =	smov.u32 s20  }
0x172: {  	v0 =	vld.idx.msk [tilespmem:v2+s28+$0x0], $0xffff;
	_ =	sdelay $0x5  }
0x173: {  	[tilespmem:s18+$0x18700] =	vst v0;
	v0 =	vld [tilespmem:s18+$0x18720]  }
0x174: {  	v1 =	vld.idx.msk [tilespmem:v1+s28+$0x0], $0xffff;
	_ =	sdelay $0x5  }
0x175: {  	[tilespmem:s18+$0x18710] =	vst v1;
	v1 =	vld [tilespmem:s18+$0x18730]  }
0x176: {  	v0 =	vld.idx.msk [tilespmem:v0+s28+$0x0], $0xffff;
	_ =	sdelay $0x5  }
0x177: {  	[tilespmem:s18+$0x18720] =	vst v0;
	v0 =	vld [tilespmem:s18+$0x18740]  }
0x178: {  	v1 =	vld.idx.msk [tilespmem:v1+s28+$0x0], $0xffff;
	_ =	sdelay $0x5  }
0x179: {  	[tilespmem:s18+$0x18730] =	vst v1;
	v1 =	vld [tilespmem:s18+$0x18750]  }
0x17a: {  	v0 =	vld.idx.msk [tilespmem:v0+s28+$0x0], $0xffff;
	_ =	sdelay $0x5  }
0x17b: {  	[tilespmem:s18+$0x18740] =	vst v0;
	v0 =	vld [tilespmem:s18+$0x18760]  }
0x17c: {  	v1 =	vld.idx.msk [tilespmem:v1+s28+$0x0], $0xffff;
	_ =	sdelay $0x5  }
0x17d: {  	[tilespmem:s18+$0x18750] =	vst v1;
	v1 =	vld [tilespmem:s18+$0x18770]  }
0x17e: {  	v0 =	vld.idx.msk [tilespmem:v0+s28+$0x0], $0xffff;
	_ =	sdelay $0x5  }
0x17f: {  	[tilespmem:s18+$0x18760] =	vst v0;
	v0 =	vld [tilespmem:s18+$0x18780]  }
0x180: {  	v1 =	vld.idx.msk [tilespmem:v1+s28+$0x0], $0xffff;
	_ =	sdelay $0x5  }
0x181: {  	[tilespmem:s18+$0x18770] =	vst v1;
	v1 =	vld [tilespmem:s18+$0x18790]  }
0x182: {  	v0 =	vld.idx.msk [tilespmem:v0+s28+$0x0], $0xffff;
	_ =	sdelay $0x5  }
0x183: {  	[tilespmem:s18+$0x18780] =	vst v0;
	v0 =	vld [tilespmem:s18+$0x187A0]  }
0x184: {  	v1 =	vld.idx.msk [tilespmem:v1+s28+$0x0], $0xffff;
	_ =	sdelay $0x5  }
0x185: {  	[tilespmem:s18+$0x18790] =	vst v1;
	v1 =	vld [tilespmem:s18+$0x187B0]  }
0x186: {  	v0 =	vld.idx.msk [tilespmem:v0+s28+$0x0], $0xffff;
	_ =	sdelay $0x5  }
0x187: {  	[tilespmem:s18+$0x187A0] =	vst v0;
	v0 =	vld [tilespmem:s18+$0x187C0]  }
0x188: {  	v1 =	vld.idx.msk [tilespmem:v1+s28+$0x0], $0xffff;
	_ =	sdelay $0x5  }
0x189: {  	[tilespmem:s18+$0x187B0] =	vst v1;
	v1 =	vld [tilespmem:s18+$0x187D0]  }
0x18a: {  	v0 =	vld.idx.msk [tilespmem:v0+s28+$0x0], $0xffff;
	_ =	sdelay $0x5  }
0x18b: {  	[tilespmem:s18+$0x187C0] =	vst v0;
	v2 =	vld [tilespmem:s18+$0x187E0]  }
0x18c: {  	v0 =	vld.idx.msk [tilespmem:v1+s28+$0x0], $0xffff;
	_ =	sdelay $0x5  }
0x18d: {  	[tilespmem:s18+$0x187D0] =	vst v0;
	v0 =	vld [tilespmem:s18+$0x187F0]  }
0x18e: {  	v1 =	vld.idx.msk [tilespmem:v2+s28+$0x0], $0xffff  }
.Ltmp2:
0x18f: {  	(pc) =	sbr.rel @p0 .LBB2_6-.Ltmp2, $2  }
0x190: {  	_ =	sdelay $0x2  }
0x191: {  	s20 =	sshra.s32 s19, $0x2;
	s19 =	sadd.s32 $0x400, s19  }
0x192: {  	_ =	sdelay $0x1  }
0x193: {  	v2 =	vld [tilespmem:s20+$0x18700]  }
0x194: {  	[tilespmem:s18+$0x187E0] =	vst v1  }
0x195: {  	v0 =	vld.idx.msk [tilespmem:v0+s28+$0x0], $0xffff;
	_ =	sdelay $0x3  }
0x196: {  	v1 =	vld [tilespmem:s20+$0x18710]  }
0x197: {  	[tilespmem:s18+$0x187F0] =	vst v0  }
0x198: {  	v0 =	vld.idx.msk [tilespmem:v2+s28+$0x0], $0xffff;
	_ =	sdelay $0x4  }
0x199: {  	[tilespmem:s20+$0x18700] =	vst v0;
	v0 =	vld [tilespmem:s20+$0x18720]  }
0x19a: {  	v1 =	vld.idx.msk [tilespmem:v1+s28+$0x0], $0xffff;
	_ =	sdelay $0x4  }
0x19b: {  	[tilespmem:s20+$0x18710] =	vst v1;
	v1 =	vld [tilespmem:s20+$0x18730];
	_ =	sdelay $0x1  }
0x19c: {  	v0 =	vld.idx.msk [tilespmem:v0+s28+$0x0], $0xffff;
	_ =	sdelay $0x4  }
0x19d: {  	[tilespmem:s20+$0x18720] =	vst v0;
	v0 =	vld [tilespmem:s20+$0x18740]  }
0x19e: {  	v1 =	vld.idx.msk [tilespmem:v1+s28+$0x0], $0xffff;
	_ =	sdelay $0x4  }
0x19f: {  	[tilespmem:s20+$0x18730] =	vst v1;
	v1 =	vld [tilespmem:s20+$0x18750];
	_ =	sdelay $0x1  }
0x1a0: {  	v0 =	vld.idx.msk [tilespmem:v0+s28+$0x0], $0xffff;
	_ =	sdelay $0x4  }
0x1a1: {  	[tilespmem:s20+$0x18740] =	vst v0;
	v0 =	vld [tilespmem:s20+$0x18760]  }
0x1a2: {  	v1 =	vld.idx.msk [tilespmem:v1+s28+$0x0], $0xffff;
	_ =	sdelay $0x4  }
0x1a3: {  	[tilespmem:s20+$0x18750] =	vst v1;
	v1 =	vld [tilespmem:s20+$0x18770];
	_ =	sdelay $0x1  }
0x1a4: {  	v0 =	vld.idx.msk [tilespmem:v0+s28+$0x0], $0xffff;
	_ =	sdelay $0x4  }
0x1a5: {  	[tilespmem:s20+$0x18760] =	vst v0;
	v0 =	vld [tilespmem:s20+$0x18780]  }
0x1a6: {  	v1 =	vld.idx.msk [tilespmem:v1+s28+$0x0], $0xffff;
	_ =	sdelay $0x4  }
0x1a7: {  	[tilespmem:s20+$0x18770] =	vst v1;
	v1 =	vld [tilespmem:s20+$0x18790];
	_ =	sdelay $0x1  }
0x1a8: {  	v0 =	vld.idx.msk [tilespmem:v0+s28+$0x0], $0xffff;
	_ =	sdelay $0x4  }
0x1a9: {  	[tilespmem:s20+$0x18780] =	vst v0;
	v0 =	vld [tilespmem:s20+$0x187A0]  }
0x1aa: {  	v1 =	vld.idx.msk [tilespmem:v1+s28+$0x0], $0xffff;
	_ =	sdelay $0x4  }
0x1ab: {  	[tilespmem:s20+$0x18790] =	vst v1;
	v1 =	vld [tilespmem:s20+$0x187B0];
	_ =	sdelay $0x1  }
0x1ac: {  	v0 =	vld.idx.msk [tilespmem:v0+s28+$0x0], $0xffff;
	_ =	sdelay $0x4  }
0x1ad: {  	[tilespmem:s20+$0x187A0] =	vst v0;
	v0 =	vld [tilespmem:s20+$0x187C0]  }
0x1ae: {  	v1 =	vld.idx.msk [tilespmem:v1+s28+$0x0], $0xffff;
	_ =	sdelay $0x4  }
0x1af: {  	[tilespmem:s20+$0x187B0] =	vst v1;
	v1 =	vld [tilespmem:s20+$0x187D0];
	_ =	sdelay $0x1  }
0x1b0: {  	v0 =	vld.idx.msk [tilespmem:v0+s28+$0x0], $0xffff;
	_ =	sdelay $0x4  }
0x1b1: {  	[tilespmem:s20+$0x187C0] =	vst v0;
	v0 =	vld [tilespmem:s20+$0x187E0]  }
0x1b2: {  	v1 =	vld.idx.msk [tilespmem:v1+s28+$0x0], $0xffff;
	_ =	sdelay $0x4  }
0x1b3: {  	[tilespmem:s20+$0x187D0] =	vst v1;
	v1 =	vld [tilespmem:s20+$0x187F0];
	_ =	sdelay $0x1  }
0x1b4: {  	v0 =	vld.idx.msk [tilespmem:v0+s28+$0x0], $0xffff;
	_ =	sdelay $0x4  }
0x1b5: {  	[tilespmem:s20+$0x187E0] =	vst v0  }
0x1b6: {  	v0 =	vld.idx.msk [tilespmem:v1+s28+$0x0], $0xffff;
	_ =	sdelay $0x4  }
0x1b7: {  	s19 =	rddreg [dreg:$0x10];
	[tilespmem:s20+$0x187F0] =	vst v0;
	s20 =	simm.s32 $0x0  }
0x1b8: {  	[tilespmem:s20], [sflag:$0x1] =	stream.strided.gather [hbm4b:s19+s11], $0x18700, s12, s11, $0x38;
	[tilespmem:$0x1C700] =	vst v63  }
0x1b9: {  	_ = 	snop  }
0x1ba: {  	[hbm4b:s31+s11] =	stream.strided.scatter [tilespmem:s13], [sflag:$0x3], $0x4000, s12, s11, $0x38;
	[tilespmem:$0x1C700] =	vst v63  }
0x1bb: {  	_ =	swait.ge [sflag:s16], $0x4000  }
0x1bc: {  	[sflag:s16] =	ssyncset.done $0x0  }
0x1bd: {  	s20 =	rddreg [dreg:$0x4];
	[sflag:s16] =	ssyncadd.s32 $0xFFFFC000  }
0x1be: {  	[tilespmem:s13], [sflag:$0x2] =	stream.strided.gather [hbm4b:s20+s11], $0x4000, s12, s11, $0x38;
	[tilespmem:$0x1C700] =	vst v63  }
0x1bf: {  	_ =	swait.ge [sflag:s14], $0x18700  }
0x1c0: {  	[sflag:s14] =	ssyncset.done $0x0  }
0x1c1: {  	[sflag:s14] =	ssyncadd.s32 $0xFFFE7900  }
0x1c2: {  	_ =	swait.ge [sflag:s15], $0x4000  }
0x1c3: {  	[sflag:s15] =	ssyncset.done $0x0  }
0x1c4: {  	s18 =	simm.s32 $0x0;
	[sflag:s15] =	ssyncadd.s32 $0xFFFFC000  }
0x1c5: {  	v0 =	vld [tilespmem:s18+$0x18700];
	_ =	sdelay $0x5  }
0x1c6: {  	v1 =	vld [tilespmem:s18+$0x18710];
	_ =	sdelay $0x1  }
0x1c7: {  	v0 =	vld.idx.msk [tilespmem:v0+s28+$0x0], $0xffff;
	_ =	sdelay $0x4  }
0x1c8: {  	[tilespmem:s18+$0x18700] =	vst v0;
	v0 =	vld [tilespmem:s18+$0x18720]  }
0x1c9: {  	v1 =	vld.idx.msk [tilespmem:v1+s28+$0x0], $0xffff;
	_ =	sdelay $0x4  }
0x1ca: {  	[tilespmem:s18+$0x18710] =	vst v1;
	v1 =	vld [tilespmem:s18+$0x18730];
	_ =	sdelay $0x1  }
0x1cb: {  	v0 =	vld.idx.msk [tilespmem:v0+s28+$0x0], $0xffff;
	_ =	sdelay $0x4  }
0x1cc: {  	[tilespmem:s18+$0x18720] =	vst v0;
	v0 =	vld [tilespmem:s18+$0x18740]  }
0x1cd: {  	v1 =	vld.idx.msk [tilespmem:v1+s28+$0x0], $0xffff;
	_ =	sdelay $0x4  }
0x1ce: {  	[tilespmem:s18+$0x18730] =	vst v1;
	v1 =	vld [tilespmem:s18+$0x18750];
	_ =	sdelay $0x1  }
0x1cf: {  	v0 =	vld.idx.msk [tilespmem:v0+s28+$0x0], $0xffff;
	_ =	sdelay $0x4  }
0x1d0: {  	[tilespmem:s18+$0x18740] =	vst v0;
	v0 =	vld [tilespmem:s18+$0x18760]  }
0x1d1: {  	v1 =	vld.idx.msk [tilespmem:v1+s28+$0x0], $0xffff;
	_ =	sdelay $0x4  }
0x1d2: {  	[tilespmem:s18+$0x18750] =	vst v1;
	v1 =	vld [tilespmem:s18+$0x18770];
	_ =	sdelay $0x1  }
0x1d3: {  	v0 =	vld.idx.msk [tilespmem:v0+s28+$0x0], $0xffff;
	_ =	sdelay $0x4  }
0x1d4: {  	[tilespmem:s18+$0x18760] =	vst v0;
	v0 =	vld [tilespmem:s18+$0x18780]  }
0x1d5: {  	v1 =	vld.idx.msk [tilespmem:v1+s28+$0x0], $0xffff;
	_ =	sdelay $0x4  }
0x1d6: {  	[tilespmem:s18+$0x18770] =	vst v1;
	v1 =	vld [tilespmem:s18+$0x18790];
	_ =	sdelay $0x1  }
0x1d7: {  	v0 =	vld.idx.msk [tilespmem:v0+s28+$0x0], $0xffff;
	_ =	sdelay $0x4  }
0x1d8: {  	[tilespmem:s18+$0x18780] =	vst v0;
	v0 =	vld [tilespmem:s18+$0x187A0]  }
0x1d9: {  	v1 =	vld.idx.msk [tilespmem:v1+s28+$0x0], $0xffff;
	_ =	sdelay $0x4  }
0x1da: {  	[tilespmem:s18+$0x18790] =	vst v1;
	v1 =	vld [tilespmem:s18+$0x187B0];
	_ =	sdelay $0x1  }
0x1db: {  	v0 =	vld.idx.msk [tilespmem:v0+s28+$0x0], $0xffff;
	_ =	sdelay $0x4  }
0x1dc: {  	[tilespmem:s18+$0x187A0] =	vst v0;
	v0 =	vld [tilespmem:s18+$0x187C0]  }
0x1dd: {  	v1 =	vld.idx.msk [tilespmem:v1+s28+$0x0], $0xffff;
	_ =	sdelay $0x4  }
0x1de: {  	[tilespmem:s18+$0x187B0] =	vst v1;
	v1 =	vld [tilespmem:s18+$0x187D0];
	_ =	sdelay $0x1  }
0x1df: {  	v0 =	vld.idx.msk [tilespmem:v0+s28+$0x0], $0xffff;
	_ =	sdelay $0x4  }
0x1e0: {  	v2 =	vld [tilespmem:s18+$0x187E0];
	[tilespmem:s18+$0x187C0] =	vst v0  }
0x1e1: {  	v0 =	vld.idx.msk [tilespmem:v1+s28+$0x0], $0xffff;
	_ =	sdelay $0x4  }
0x1e2: {  	[tilespmem:s18+$0x187D0] =	vst v0;
	v0 =	vld [tilespmem:s18+$0x187F0];
	_ =	sdelay $0x1  }
0x1e3: {  	v1 =	vld.idx.msk [tilespmem:v2+s28+$0x0], $0xffff;
	_ =	sdelay $0x3  }
0x1e4: {  	s19 =	simm.s32 $0x800;
	s20 =	simm.s32 $0x100  }
.LBB2_8:
0x1e5: {  	p0 =	sne.s32 s19, $0xFC00;
	v2 =	vld [tilespmem:s20+$0x18700];
	[tilespmem:s18+$0x187E0] =	vst v1  }
0x1e6: {  	v0 =	vld.idx.msk [tilespmem:v0+s28+$0x0], $0xffff;
	_ =	sdelay $0x5  }
0x1e7: {  	v1 =	vld [tilespmem:s20+$0x18710];
	[tilespmem:s18+$0x187F0] =	vst v0;
	s18 =	smov.u32 s20  }
0x1e8: {  	v0 =	vld.idx.msk [tilespmem:v2+s28+$0x0], $0xffff;
	_ =	sdelay $0x5  }
0x1e9: {  	[tilespmem:s18+$0x18700] =	vst v0;
	v0 =	vld [tilespmem:s18+$0x18720]  }
0x1ea: {  	v1 =	vld.idx.msk [tilespmem:v1+s28+$0x0], $0xffff;
	_ =	sdelay $0x5  }
0x1eb: {  	[tilespmem:s18+$0x18710] =	vst v1;
	v1 =	vld [tilespmem:s18+$0x18730]  }
0x1ec: {  	v0 =	vld.idx.msk [tilespmem:v0+s28+$0x0], $0xffff;
	_ =	sdelay $0x5  }
0x1ed: {  	[tilespmem:s18+$0x18720] =	vst v0;
	v0 =	vld [tilespmem:s18+$0x18740]  }
0x1ee: {  	v1 =	vld.idx.msk [tilespmem:v1+s28+$0x0], $0xffff;
	_ =	sdelay $0x5  }
0x1ef: {  	[tilespmem:s18+$0x18730] =	vst v1;
	v1 =	vld [tilespmem:s18+$0x18750]  }
0x1f0: {  	v0 =	vld.idx.msk [tilespmem:v0+s28+$0x0], $0xffff;
	_ =	sdelay $0x5  }
0x1f1: {  	[tilespmem:s18+$0x18740] =	vst v0;
	v0 =	vld [tilespmem:s18+$0x18760]  }
0x1f2: {  	v1 =	vld.idx.msk [tilespmem:v1+s28+$0x0], $0xffff;
	_ =	sdelay $0x5  }
0x1f3: {  	[tilespmem:s18+$0x18750] =	vst v1;
	v1 =	vld [tilespmem:s18+$0x18770]  }
0x1f4: {  	v0 =	vld.idx.msk [tilespmem:v0+s28+$0x0], $0xffff;
	_ =	sdelay $0x5  }
0x1f5: {  	[tilespmem:s18+$0x18760] =	vst v0;
	v0 =	vld [tilespmem:s18+$0x18780]  }
0x1f6: {  	v1 =	vld.idx.msk [tilespmem:v1+s28+$0x0], $0xffff;
	_ =	sdelay $0x5  }
0x1f7: {  	[tilespmem:s18+$0x18770] =	vst v1;
	v1 =	vld [tilespmem:s18+$0x18790]  }
0x1f8: {  	v0 =	vld.idx.msk [tilespmem:v0+s28+$0x0], $0xffff;
	_ =	sdelay $0x5  }
0x1f9: {  	[tilespmem:s18+$0x18780] =	vst v0;
	v0 =	vld [tilespmem:s18+$0x187A0]  }
0x1fa: {  	v1 =	vld.idx.msk [tilespmem:v1+s28+$0x0], $0xffff;
	_ =	sdelay $0x5  }
0x1fb: {  	[tilespmem:s18+$0x18790] =	vst v1;
	v1 =	vld [tilespmem:s18+$0x187B0]  }
0x1fc: {  	v0 =	vld.idx.msk [tilespmem:v0+s28+$0x0], $0xffff;
	_ =	sdelay $0x5  }
0x1fd: {  	[tilespmem:s18+$0x187A0] =	vst v0;
	v0 =	vld [tilespmem:s18+$0x187C0]  }
0x1fe: {  	v1 =	vld.idx.msk [tilespmem:v1+s28+$0x0], $0xffff;
	_ =	sdelay $0x5  }
0x1ff: {  	[tilespmem:s18+$0x187B0] =	vst v1;
	v1 =	vld [tilespmem:s18+$0x187D0]  }
0x200: {  	v0 =	vld.idx.msk [tilespmem:v0+s28+$0x0], $0xffff;
	_ =	sdelay $0x5  }
0x201: {  	[tilespmem:s18+$0x187C0] =	vst v0;
	v2 =	vld [tilespmem:s18+$0x187E0]  }
0x202: {  	v0 =	vld.idx.msk [tilespmem:v1+s28+$0x0], $0xffff;
	_ =	sdelay $0x5  }
0x203: {  	[tilespmem:s18+$0x187D0] =	vst v0;
	v0 =	vld [tilespmem:s18+$0x187F0]  }
0x204: {  	v1 =	vld.idx.msk [tilespmem:v2+s28+$0x0], $0xffff  }
.Ltmp3:
0x205: {  	(pc) =	sbr.rel @p0 .LBB2_8-.Ltmp3, $2  }
0x206: {  	_ =	sdelay $0x2  }
0x207: {  	s20 =	sshra.s32 s19, $0x2;
	s19 =	sadd.s32 $0x400, s19  }
0x208: {  	_ =	sdelay $0x1  }
0x209: {  	v2 =	vld [tilespmem:s20+$0x18700]  }
0x20a: {  	[tilespmem:s18+$0x187E0] =	vst v1  }
0x20b: {  	v0 =	vld.idx.msk [tilespmem:v0+s28+$0x0], $0xffff;
	_ =	sdelay $0x3  }
0x20c: {  	v1 =	vld [tilespmem:s20+$0x18710]  }
0x20d: {  	[tilespmem:s18+$0x187F0] =	vst v0  }
0x20e: {  	v0 =	vld.idx.msk [tilespmem:v2+s28+$0x0], $0xffff;
	_ =	sdelay $0x4  }
0x20f: {  	[tilespmem:s20+$0x18700] =	vst v0;
	v0 =	vld [tilespmem:s20+$0x18720]  }
0x210: {  	v1 =	vld.idx.msk [tilespmem:v1+s28+$0x0], $0xffff;
	_ =	sdelay $0x4  }
0x211: {  	[tilespmem:s20+$0x18710] =	vst v1;
	v1 =	vld [tilespmem:s20+$0x18730];
	_ =	sdelay $0x1  }
0x212: {  	v0 =	vld.idx.msk [tilespmem:v0+s28+$0x0], $0xffff;
	_ =	sdelay $0x4  }
0x213: {  	[tilespmem:s20+$0x18720] =	vst v0;
	v0 =	vld [tilespmem:s20+$0x18740]  }
0x214: {  	v1 =	vld.idx.msk [tilespmem:v1+s28+$0x0], $0xffff;
	_ =	sdelay $0x4  }
0x215: {  	[tilespmem:s20+$0x18730] =	vst v1;
	v1 =	vld [tilespmem:s20+$0x18750];
	_ =	sdelay $0x1  }
0x216: {  	v0 =	vld.idx.msk [tilespmem:v0+s28+$0x0], $0xffff;
	_ =	sdelay $0x4  }
0x217: {  	[tilespmem:s20+$0x18740] =	vst v0;
	v0 =	vld [tilespmem:s20+$0x18760]  }
0x218: {  	v1 =	vld.idx.msk [tilespmem:v1+s28+$0x0], $0xffff;
	_ =	sdelay $0x4  }
0x219: {  	[tilespmem:s20+$0x18750] =	vst v1;
	v1 =	vld [tilespmem:s20+$0x18770];
	_ =	sdelay $0x1  }
0x21a: {  	v0 =	vld.idx.msk [tilespmem:v0+s28+$0x0], $0xffff;
	_ =	sdelay $0x4  }
0x21b: {  	[tilespmem:s20+$0x18760] =	vst v0;
	v0 =	vld [tilespmem:s20+$0x18780]  }
0x21c: {  	v1 =	vld.idx.msk [tilespmem:v1+s28+$0x0], $0xffff;
	_ =	sdelay $0x4  }
0x21d: {  	[tilespmem:s20+$0x18770] =	vst v1;
	v1 =	vld [tilespmem:s20+$0x18790];
	_ =	sdelay $0x1  }
0x21e: {  	v0 =	vld.idx.msk [tilespmem:v0+s28+$0x0], $0xffff;
	_ =	sdelay $0x4  }
0x21f: {  	[tilespmem:s20+$0x18780] =	vst v0;
	v0 =	vld [tilespmem:s20+$0x187A0]  }
0x220: {  	v1 =	vld.idx.msk [tilespmem:v1+s28+$0x0], $0xffff;
	_ =	sdelay $0x4  }
0x221: {  	[tilespmem:s20+$0x18790] =	vst v1;
	v1 =	vld [tilespmem:s20+$0x187B0];
	_ =	sdelay $0x1  }
0x222: {  	v0 =	vld.idx.msk [tilespmem:v0+s28+$0x0], $0xffff;
	_ =	sdelay $0x4  }
0x223: {  	[tilespmem:s20+$0x187A0] =	vst v0;
	v0 =	vld [tilespmem:s20+$0x187C0]  }
0x224: {  	v1 =	vld.idx.msk [tilespmem:v1+s28+$0x0], $0xffff;
	_ =	sdelay $0x4  }
0x225: {  	[tilespmem:s20+$0x187B0] =	vst v1;
	v1 =	vld [tilespmem:s20+$0x187D0];
	_ =	sdelay $0x1  }
0x226: {  	v0 =	vld.idx.msk [tilespmem:v0+s28+$0x0], $0xffff;
	_ =	sdelay $0x4  }
0x227: {  	[tilespmem:s20+$0x187C0] =	vst v0;
	v0 =	vld [tilespmem:s20+$0x187E0]  }
0x228: {  	v1 =	vld.idx.msk [tilespmem:v1+s28+$0x0], $0xffff;
	_ =	sdelay $0x4  }
0x229: {  	[tilespmem:s20+$0x187D0] =	vst v1;
	v1 =	vld [tilespmem:s20+$0x187F0];
	_ =	sdelay $0x1  }
0x22a: {  	v0 =	vld.idx.msk [tilespmem:v0+s28+$0x0], $0xffff;
	_ =	sdelay $0x4  }
0x22b: {  	[tilespmem:s20+$0x187E0] =	vst v0  }
0x22c: {  	v0 =	vld.idx.msk [tilespmem:v1+s28+$0x0], $0xffff;
	_ =	sdelay $0x4  }
0x22d: {  	s19 =	rddreg [dreg:$0x11];
	[tilespmem:s20+$0x187F0] =	vst v0;
	s20 =	simm.s32 $0x0  }
0x22e: {  	[tilespmem:s20], [sflag:$0x1] =	stream.strided.gather [hbm4b:s19+s11], $0x18700, s12, s11, $0x38;
	[tilespmem:$0x1C700] =	vst v63  }
0x22f: {  	_ = 	snop  }
0x230: {  	[hbm4b:s0+s11] =	stream.strided.scatter [tilespmem:s13], [sflag:$0x3], $0x4000, s12, s11, $0x38;
	[tilespmem:$0x1C700] =	vst v63  }
0x231: {  	_ =	swait.ge [sflag:s16], $0x4000  }
0x232: {  	[sflag:s16] =	ssyncset.done $0x0  }
0x233: {  	s20 =	rddreg [dreg:$0x5];
	[sflag:s16] =	ssyncadd.s32 $0xFFFFC000  }
0x234: {  	[tilespmem:s13], [sflag:$0x2] =	stream.strided.gather [hbm4b:s20+s11], $0x4000, s12, s11, $0x38;
	[tilespmem:$0x1C700] =	vst v63  }
0x235: {  	_ =	swait.ge [sflag:s14], $0x18700  }
0x236: {  	[sflag:s14] =	ssyncset.done $0x0  }
0x237: {  	[sflag:s14] =	ssyncadd.s32 $0xFFFE7900  }
0x238: {  	_ =	swait.ge [sflag:s15], $0x4000  }
0x239: {  	[sflag:s15] =	ssyncset.done $0x0  }
0x23a: {  	s18 =	simm.s32 $0x0;
	[sflag:s15] =	ssyncadd.s32 $0xFFFFC000  }
0x23b: {  	v0 =	vld [tilespmem:s18+$0x18700];
	_ =	sdelay $0x5  }
0x23c: {  	v1 =	vld [tilespmem:s18+$0x18710];
	_ =	sdelay $0x1  }
0x23d: {  	v0 =	vld.idx.msk [tilespmem:v0+s28+$0x0], $0xffff;
	_ =	sdelay $0x4  }
0x23e: {  	[tilespmem:s18+$0x18700] =	vst v0;
	v0 =	vld [tilespmem:s18+$0x18720]  }
0x23f: {  	v1 =	vld.idx.msk [tilespmem:v1+s28+$0x0], $0xffff;
	_ =	sdelay $0x4  }
0x240: {  	[tilespmem:s18+$0x18710] =	vst v1;
	v1 =	vld [tilespmem:s18+$0x18730];
	_ =	sdelay $0x1  }
0x241: {  	v0 =	vld.idx.msk [tilespmem:v0+s28+$0x0], $0xffff;
	_ =	sdelay $0x4  }
0x242: {  	[tilespmem:s18+$0x18720] =	vst v0;
	v0 =	vld [tilespmem:s18+$0x18740]  }
0x243: {  	v1 =	vld.idx.msk [tilespmem:v1+s28+$0x0], $0xffff;
	_ =	sdelay $0x4  }
0x244: {  	[tilespmem:s18+$0x18730] =	vst v1;
	v1 =	vld [tilespmem:s18+$0x18750];
	_ =	sdelay $0x1  }
0x245: {  	v0 =	vld.idx.msk [tilespmem:v0+s28+$0x0], $0xffff;
	_ =	sdelay $0x4  }
0x246: {  	[tilespmem:s18+$0x18740] =	vst v0;
	v0 =	vld [tilespmem:s18+$0x18760]  }
0x247: {  	v1 =	vld.idx.msk [tilespmem:v1+s28+$0x0], $0xffff;
	_ =	sdelay $0x4  }
0x248: {  	[tilespmem:s18+$0x18750] =	vst v1;
	v1 =	vld [tilespmem:s18+$0x18770];
	_ =	sdelay $0x1  }
0x249: {  	v0 =	vld.idx.msk [tilespmem:v0+s28+$0x0], $0xffff;
	_ =	sdelay $0x4  }
0x24a: {  	[tilespmem:s18+$0x18760] =	vst v0;
	v0 =	vld [tilespmem:s18+$0x18780]  }
0x24b: {  	v1 =	vld.idx.msk [tilespmem:v1+s28+$0x0], $0xffff;
	_ =	sdelay $0x4  }
0x24c: {  	[tilespmem:s18+$0x18770] =	vst v1;
	v1 =	vld [tilespmem:s18+$0x18790];
	_ =	sdelay $0x1  }
0x24d: {  	v0 =	vld.idx.msk [tilespmem:v0+s28+$0x0], $0xffff;
	_ =	sdelay $0x4  }
0x24e: {  	[tilespmem:s18+$0x18780] =	vst v0;
	v0 =	vld [tilespmem:s18+$0x187A0]  }
0x24f: {  	v1 =	vld.idx.msk [tilespmem:v1+s28+$0x0], $0xffff;
	_ =	sdelay $0x4  }
0x250: {  	[tilespmem:s18+$0x18790] =	vst v1;
	v1 =	vld [tilespmem:s18+$0x187B0];
	_ =	sdelay $0x1  }
0x251: {  	v0 =	vld.idx.msk [tilespmem:v0+s28+$0x0], $0xffff;
	_ =	sdelay $0x4  }
0x252: {  	[tilespmem:s18+$0x187A0] =	vst v0;
	v0 =	vld [tilespmem:s18+$0x187C0]  }
0x253: {  	v1 =	vld.idx.msk [tilespmem:v1+s28+$0x0], $0xffff;
	_ =	sdelay $0x4  }
0x254: {  	[tilespmem:s18+$0x187B0] =	vst v1;
	v1 =	vld [tilespmem:s18+$0x187D0];
	_ =	sdelay $0x1  }
0x255: {  	v0 =	vld.idx.msk [tilespmem:v0+s28+$0x0], $0xffff;
	_ =	sdelay $0x4  }
0x256: {  	v2 =	vld [tilespmem:s18+$0x187E0];
	[tilespmem:s18+$0x187C0] =	vst v0  }
0x257: {  	v0 =	vld.idx.msk [tilespmem:v1+s28+$0x0], $0xffff;
	_ =	sdelay $0x4  }
0x258: {  	[tilespmem:s18+$0x187D0] =	vst v0;
	v0 =	vld [tilespmem:s18+$0x187F0];
	_ =	sdelay $0x1  }
0x259: {  	v1 =	vld.idx.msk [tilespmem:v2+s28+$0x0], $0xffff;
	_ =	sdelay $0x3  }
0x25a: {  	s19 =	simm.s32 $0x800;
	s20 =	simm.s32 $0x100  }
.LBB2_10:
0x25b: {  	p0 =	sne.s32 s19, $0xFC00;
	v2 =	vld [tilespmem:s20+$0x18700];
	[tilespmem:s18+$0x187E0] =	vst v1  }
0x25c: {  	v0 =	vld.idx.msk [tilespmem:v0+s28+$0x0], $0xffff;
	_ =	sdelay $0x5  }
0x25d: {  	v1 =	vld [tilespmem:s20+$0x18710];
	[tilespmem:s18+$0x187F0] =	vst v0;
	s18 =	smov.u32 s20  }
0x25e: {  	v0 =	vld.idx.msk [tilespmem:v2+s28+$0x0], $0xffff;
	_ =	sdelay $0x5  }
0x25f: {  	[tilespmem:s18+$0x18700] =	vst v0;
	v0 =	vld [tilespmem:s18+$0x18720]  }
0x260: {  	v1 =	vld.idx.msk [tilespmem:v1+s28+$0x0], $0xffff;
	_ =	sdelay $0x5  }
0x261: {  	[tilespmem:s18+$0x18710] =	vst v1;
	v1 =	vld [tilespmem:s18+$0x18730]  }
0x262: {  	v0 =	vld.idx.msk [tilespmem:v0+s28+$0x0], $0xffff;
	_ =	sdelay $0x5  }
0x263: {  	[tilespmem:s18+$0x18720] =	vst v0;
	v0 =	vld [tilespmem:s18+$0x18740]  }
0x264: {  	v1 =	vld.idx.msk [tilespmem:v1+s28+$0x0], $0xffff;
	_ =	sdelay $0x5  }
0x265: {  	[tilespmem:s18+$0x18730] =	vst v1;
	v1 =	vld [tilespmem:s18+$0x18750]  }
0x266: {  	v0 =	vld.idx.msk [tilespmem:v0+s28+$0x0], $0xffff;
	_ =	sdelay $0x5  }
0x267: {  	[tilespmem:s18+$0x18740] =	vst v0;
	v0 =	vld [tilespmem:s18+$0x18760]  }
0x268: {  	v1 =	vld.idx.msk [tilespmem:v1+s28+$0x0], $0xffff;
	_ =	sdelay $0x5  }
0x269: {  	[tilespmem:s18+$0x18750] =	vst v1;
	v1 =	vld [tilespmem:s18+$0x18770]  }
0x26a: {  	v0 =	vld.idx.msk [tilespmem:v0+s28+$0x0], $0xffff;
	_ =	sdelay $0x5  }
0x26b: {  	[tilespmem:s18+$0x18760] =	vst v0;
	v0 =	vld [tilespmem:s18+$0x18780]  }
0x26c: {  	v1 =	vld.idx.msk [tilespmem:v1+s28+$0x0], $0xffff;
	_ =	sdelay $0x5  }
0x26d: {  	[tilespmem:s18+$0x18770] =	vst v1;
	v1 =	vld [tilespmem:s18+$0x18790]  }
0x26e: {  	v0 =	vld.idx.msk [tilespmem:v0+s28+$0x0], $0xffff;
	_ =	sdelay $0x5  }
0x26f: {  	[tilespmem:s18+$0x18780] =	vst v0;
	v0 =	vld [tilespmem:s18+$0x187A0]  }
0x270: {  	v1 =	vld.idx.msk [tilespmem:v1+s28+$0x0], $0xffff;
	_ =	sdelay $0x5  }
0x271: {  	[tilespmem:s18+$0x18790] =	vst v1;
	v1 =	vld [tilespmem:s18+$0x187B0]  }
0x272: {  	v0 =	vld.idx.msk [tilespmem:v0+s28+$0x0], $0xffff;
	_ =	sdelay $0x5  }
0x273: {  	[tilespmem:s18+$0x187A0] =	vst v0;
	v0 =	vld [tilespmem:s18+$0x187C0]  }
0x274: {  	v1 =	vld.idx.msk [tilespmem:v1+s28+$0x0], $0xffff;
	_ =	sdelay $0x5  }
0x275: {  	[tilespmem:s18+$0x187B0] =	vst v1;
	v1 =	vld [tilespmem:s18+$0x187D0]  }
0x276: {  	v0 =	vld.idx.msk [tilespmem:v0+s28+$0x0], $0xffff;
	_ =	sdelay $0x5  }
0x277: {  	[tilespmem:s18+$0x187C0] =	vst v0;
	v2 =	vld [tilespmem:s18+$0x187E0]  }
0x278: {  	v0 =	vld.idx.msk [tilespmem:v1+s28+$0x0], $0xffff;
	_ =	sdelay $0x5  }
0x279: {  	[tilespmem:s18+$0x187D0] =	vst v0;
	v0 =	vld [tilespmem:s18+$0x187F0]  }
0x27a: {  	v1 =	vld.idx.msk [tilespmem:v2+s28+$0x0], $0xffff  }
.Ltmp4:
0x27b: {  	(pc) =	sbr.rel @p0 .LBB2_10-.Ltmp4, $2  }
0x27c: {  	_ =	sdelay $0x2  }
0x27d: {  	s20 =	sshra.s32 s19, $0x2;
	s19 =	sadd.s32 $0x400, s19  }
0x27e: {  	_ =	sdelay $0x1  }
0x27f: {  	v2 =	vld [tilespmem:s20+$0x18700]  }
0x280: {  	[tilespmem:s18+$0x187E0] =	vst v1  }
0x281: {  	v0 =	vld.idx.msk [tilespmem:v0+s28+$0x0], $0xffff;
	_ =	sdelay $0x3  }
0x282: {  	v1 =	vld [tilespmem:s20+$0x18710]  }
0x283: {  	[tilespmem:s18+$0x187F0] =	vst v0  }
0x284: {  	v0 =	vld.idx.msk [tilespmem:v2+s28+$0x0], $0xffff;
	_ =	sdelay $0x4  }
0x285: {  	[tilespmem:s20+$0x18700] =	vst v0;
	v0 =	vld [tilespmem:s20+$0x18720]  }
0x286: {  	v1 =	vld.idx.msk [tilespmem:v1+s28+$0x0], $0xffff;
	_ =	sdelay $0x4  }
0x287: {  	[tilespmem:s20+$0x18710] =	vst v1;
	v1 =	vld [tilespmem:s20+$0x18730];
	_ =	sdelay $0x1  }
0x288: {  	v0 =	vld.idx.msk [tilespmem:v0+s28+$0x0], $0xffff;
	_ =	sdelay $0x4  }
0x289: {  	[tilespmem:s20+$0x18720] =	vst v0;
	v0 =	vld [tilespmem:s20+$0x18740]  }
0x28a: {  	v1 =	vld.idx.msk [tilespmem:v1+s28+$0x0], $0xffff;
	_ =	sdelay $0x4  }
0x28b: {  	[tilespmem:s20+$0x18730] =	vst v1;
	v1 =	vld [tilespmem:s20+$0x18750];
	_ =	sdelay $0x1  }
0x28c: {  	v0 =	vld.idx.msk [tilespmem:v0+s28+$0x0], $0xffff;
	_ =	sdelay $0x4  }
0x28d: {  	[tilespmem:s20+$0x18740] =	vst v0;
	v0 =	vld [tilespmem:s20+$0x18760]  }
0x28e: {  	v1 =	vld.idx.msk [tilespmem:v1+s28+$0x0], $0xffff;
	_ =	sdelay $0x4  }
0x28f: {  	[tilespmem:s20+$0x18750] =	vst v1;
	v1 =	vld [tilespmem:s20+$0x18770];
	_ =	sdelay $0x1  }
0x290: {  	v0 =	vld.idx.msk [tilespmem:v0+s28+$0x0], $0xffff;
	_ =	sdelay $0x4  }
0x291: {  	[tilespmem:s20+$0x18760] =	vst v0;
	v0 =	vld [tilespmem:s20+$0x18780]  }
0x292: {  	v1 =	vld.idx.msk [tilespmem:v1+s28+$0x0], $0xffff;
	_ =	sdelay $0x4  }
0x293: {  	[tilespmem:s20+$0x18770] =	vst v1;
	v1 =	vld [tilespmem:s20+$0x18790];
	_ =	sdelay $0x1  }
0x294: {  	v0 =	vld.idx.msk [tilespmem:v0+s28+$0x0], $0xffff;
	_ =	sdelay $0x4  }
0x295: {  	[tilespmem:s20+$0x18780] =	vst v0;
	v0 =	vld [tilespmem:s20+$0x187A0]  }
0x296: {  	v1 =	vld.idx.msk [tilespmem:v1+s28+$0x0], $0xffff;
	_ =	sdelay $0x4  }
0x297: {  	[tilespmem:s20+$0x18790] =	vst v1;
	v1 =	vld [tilespmem:s20+$0x187B0];
	_ =	sdelay $0x1  }
0x298: {  	v0 =	vld.idx.msk [tilespmem:v0+s28+$0x0], $0xffff;
	_ =	sdelay $0x4  }
0x299: {  	[tilespmem:s20+$0x187A0] =	vst v0;
	v0 =	vld [tilespmem:s20+$0x187C0]  }
0x29a: {  	v1 =	vld.idx.msk [tilespmem:v1+s28+$0x0], $0xffff;
	_ =	sdelay $0x4  }
0x29b: {  	[tilespmem:s20+$0x187B0] =	vst v1;
	v1 =	vld [tilespmem:s20+$0x187D0];
	_ =	sdelay $0x1  }
0x29c: {  	v0 =	vld.idx.msk [tilespmem:v0+s28+$0x0], $0xffff;
	_ =	sdelay $0x4  }
0x29d: {  	[tilespmem:s20+$0x187C0] =	vst v0;
	v0 =	vld [tilespmem:s20+$0x187E0]  }
0x29e: {  	v1 =	vld.idx.msk [tilespmem:v1+s28+$0x0], $0xffff;
	_ =	sdelay $0x4  }
0x29f: {  	[tilespmem:s20+$0x187D0] =	vst v1;
	v1 =	vld [tilespmem:s20+$0x187F0];
	_ =	sdelay $0x1  }
0x2a0: {  	v0 =	vld.idx.msk [tilespmem:v0+s28+$0x0], $0xffff;
	_ =	sdelay $0x4  }
0x2a1: {  	[tilespmem:s20+$0x187E0] =	vst v0  }
0x2a2: {  	v0 =	vld.idx.msk [tilespmem:v1+s28+$0x0], $0xffff;
	_ =	sdelay $0x4  }
0x2a3: {  	s19 =	rddreg [dreg:$0x12];
	[tilespmem:s20+$0x187F0] =	vst v0;
	s20 =	simm.s32 $0x0  }
0x2a4: {  	[tilespmem:s20], [sflag:$0x1] =	stream.strided.gather [hbm4b:s19+s11], $0x18700, s12, s11, $0x38;
	[tilespmem:$0x1C700] =	vst v63  }
0x2a5: {  	_ = 	snop  }
0x2a6: {  	[hbm4b:s1+s11] =	stream.strided.scatter [tilespmem:s13], [sflag:$0x3], $0x4000, s12, s11, $0x38;
	[tilespmem:$0x1C700] =	vst v63  }
0x2a7: {  	_ =	swait.ge [sflag:s16], $0x4000  }
0x2a8: {  	[sflag:s16] =	ssyncset.done $0x0  }
0x2a9: {  	s20 =	rddreg [dreg:$0x6];
	[sflag:s16] =	ssyncadd.s32 $0xFFFFC000  }
0x2aa: {  	[tilespmem:s13], [sflag:$0x2] =	stream.strided.gather [hbm4b:s20+s11], $0x4000, s12, s11, $0x38;
	[tilespmem:$0x1C700] =	vst v63  }
0x2ab: {  	_ =	swait.ge [sflag:s14], $0x18700  }
0x2ac: {  	[sflag:s14] =	ssyncset.done $0x0  }
0x2ad: {  	[sflag:s14] =	ssyncadd.s32 $0xFFFE7900  }
0x2ae: {  	_ =	swait.ge [sflag:s15], $0x4000  }
0x2af: {  	[sflag:s15] =	ssyncset.done $0x0  }
0x2b0: {  	s18 =	simm.s32 $0x0;
	[sflag:s15] =	ssyncadd.s32 $0xFFFFC000  }
0x2b1: {  	v0 =	vld [tilespmem:s18+$0x18700];
	_ =	sdelay $0x5  }
0x2b2: {  	v1 =	vld [tilespmem:s18+$0x18710];
	_ =	sdelay $0x1  }
0x2b3: {  	v0 =	vld.idx.msk [tilespmem:v0+s28+$0x0], $0xffff;
	_ =	sdelay $0x4  }
0x2b4: {  	[tilespmem:s18+$0x18700] =	vst v0;
	v0 =	vld [tilespmem:s18+$0x18720]  }
0x2b5: {  	v1 =	vld.idx.msk [tilespmem:v1+s28+$0x0], $0xffff;
	_ =	sdelay $0x4  }
0x2b6: {  	[tilespmem:s18+$0x18710] =	vst v1;
	v1 =	vld [tilespmem:s18+$0x18730];
	_ =	sdelay $0x1  }
0x2b7: {  	v0 =	vld.idx.msk [tilespmem:v0+s28+$0x0], $0xffff;
	_ =	sdelay $0x4  }
0x2b8: {  	[tilespmem:s18+$0x18720] =	vst v0;
	v0 =	vld [tilespmem:s18+$0x18740]  }
0x2b9: {  	v1 =	vld.idx.msk [tilespmem:v1+s28+$0x0], $0xffff;
	_ =	sdelay $0x4  }
0x2ba: {  	[tilespmem:s18+$0x18730] =	vst v1;
	v1 =	vld [tilespmem:s18+$0x18750];
	_ =	sdelay $0x1  }
0x2bb: {  	v0 =	vld.idx.msk [tilespmem:v0+s28+$0x0], $0xffff;
	_ =	sdelay $0x4  }
0x2bc: {  	[tilespmem:s18+$0x18740] =	vst v0;
	v0 =	vld [tilespmem:s18+$0x18760]  }
0x2bd: {  	v1 =	vld.idx.msk [tilespmem:v1+s28+$0x0], $0xffff;
	_ =	sdelay $0x4  }
0x2be: {  	[tilespmem:s18+$0x18750] =	vst v1;
	v1 =	vld [tilespmem:s18+$0x18770];
	_ =	sdelay $0x1  }
0x2bf: {  	v0 =	vld.idx.msk [tilespmem:v0+s28+$0x0], $0xffff;
	_ =	sdelay $0x4  }
0x2c0: {  	[tilespmem:s18+$0x18760] =	vst v0;
	v0 =	vld [tilespmem:s18+$0x18780]  }
0x2c1: {  	v1 =	vld.idx.msk [tilespmem:v1+s28+$0x0], $0xffff;
	_ =	sdelay $0x4  }
0x2c2: {  	[tilespmem:s18+$0x18770] =	vst v1;
	v1 =	vld [tilespmem:s18+$0x18790];
	_ =	sdelay $0x1  }
0x2c3: {  	v0 =	vld.idx.msk [tilespmem:v0+s28+$0x0], $0xffff;
	_ =	sdelay $0x4  }
0x2c4: {  	[tilespmem:s18+$0x18780] =	vst v0;
	v0 =	vld [tilespmem:s18+$0x187A0]  }
0x2c5: {  	v1 =	vld.idx.msk [tilespmem:v1+s28+$0x0], $0xffff;
	_ =	sdelay $0x4  }
0x2c6: {  	[tilespmem:s18+$0x18790] =	vst v1;
	v1 =	vld [tilespmem:s18+$0x187B0];
	_ =	sdelay $0x1  }
0x2c7: {  	v0 =	vld.idx.msk [tilespmem:v0+s28+$0x0], $0xffff;
	_ =	sdelay $0x4  }
0x2c8: {  	[tilespmem:s18+$0x187A0] =	vst v0;
	v0 =	vld [tilespmem:s18+$0x187C0]  }
0x2c9: {  	v1 =	vld.idx.msk [tilespmem:v1+s28+$0x0], $0xffff;
	_ =	sdelay $0x4  }
0x2ca: {  	[tilespmem:s18+$0x187B0] =	vst v1;
	v1 =	vld [tilespmem:s18+$0x187D0];
	_ =	sdelay $0x1  }
0x2cb: {  	v0 =	vld.idx.msk [tilespmem:v0+s28+$0x0], $0xffff;
	_ =	sdelay $0x4  }
0x2cc: {  	v2 =	vld [tilespmem:s18+$0x187E0];
	[tilespmem:s18+$0x187C0] =	vst v0  }
0x2cd: {  	v0 =	vld.idx.msk [tilespmem:v1+s28+$0x0], $0xffff;
	_ =	sdelay $0x4  }
0x2ce: {  	[tilespmem:s18+$0x187D0] =	vst v0;
	v0 =	vld [tilespmem:s18+$0x187F0];
	_ =	sdelay $0x1  }
0x2cf: {  	v1 =	vld.idx.msk [tilespmem:v2+s28+$0x0], $0xffff;
	_ =	sdelay $0x3  }
0x2d0: {  	s19 =	simm.s32 $0x800;
	s20 =	simm.s32 $0x100  }
.LBB2_12:
0x2d1: {  	p0 =	sne.s32 s19, $0xFC00;
	v2 =	vld [tilespmem:s20+$0x18700];
	[tilespmem:s18+$0x187E0] =	vst v1  }
0x2d2: {  	v0 =	vld.idx.msk [tilespmem:v0+s28+$0x0], $0xffff;
	_ =	sdelay $0x5  }
0x2d3: {  	v1 =	vld [tilespmem:s20+$0x18710];
	[tilespmem:s18+$0x187F0] =	vst v0;
	s18 =	smov.u32 s20  }
0x2d4: {  	v0 =	vld.idx.msk [tilespmem:v2+s28+$0x0], $0xffff;
	_ =	sdelay $0x5  }
0x2d5: {  	[tilespmem:s18+$0x18700] =	vst v0;
	v0 =	vld [tilespmem:s18+$0x18720]  }
0x2d6: {  	v1 =	vld.idx.msk [tilespmem:v1+s28+$0x0], $0xffff;
	_ =	sdelay $0x5  }
0x2d7: {  	[tilespmem:s18+$0x18710] =	vst v1;
	v1 =	vld [tilespmem:s18+$0x18730]  }
0x2d8: {  	v0 =	vld.idx.msk [tilespmem:v0+s28+$0x0], $0xffff;
	_ =	sdelay $0x5  }
0x2d9: {  	[tilespmem:s18+$0x18720] =	vst v0;
	v0 =	vld [tilespmem:s18+$0x18740]  }
0x2da: {  	v1 =	vld.idx.msk [tilespmem:v1+s28+$0x0], $0xffff;
	_ =	sdelay $0x5  }
0x2db: {  	[tilespmem:s18+$0x18730] =	vst v1;
	v1 =	vld [tilespmem:s18+$0x18750]  }
0x2dc: {  	v0 =	vld.idx.msk [tilespmem:v0+s28+$0x0], $0xffff;
	_ =	sdelay $0x5  }
0x2dd: {  	[tilespmem:s18+$0x18740] =	vst v0;
	v0 =	vld [tilespmem:s18+$0x18760]  }
0x2de: {  	v1 =	vld.idx.msk [tilespmem:v1+s28+$0x0], $0xffff;
	_ =	sdelay $0x5  }
0x2df: {  	[tilespmem:s18+$0x18750] =	vst v1;
	v1 =	vld [tilespmem:s18+$0x18770]  }
0x2e0: {  	v0 =	vld.idx.msk [tilespmem:v0+s28+$0x0], $0xffff;
	_ =	sdelay $0x5  }
0x2e1: {  	[tilespmem:s18+$0x18760] =	vst v0;
	v0 =	vld [tilespmem:s18+$0x18780]  }
0x2e2: {  	v1 =	vld.idx.msk [tilespmem:v1+s28+$0x0], $0xffff;
	_ =	sdelay $0x5  }
0x2e3: {  	[tilespmem:s18+$0x18770] =	vst v1;
	v1 =	vld [tilespmem:s18+$0x18790]  }
0x2e4: {  	v0 =	vld.idx.msk [tilespmem:v0+s28+$0x0], $0xffff;
	_ =	sdelay $0x5  }
0x2e5: {  	[tilespmem:s18+$0x18780] =	vst v0;
	v0 =	vld [tilespmem:s18+$0x187A0]  }
0x2e6: {  	v1 =	vld.idx.msk [tilespmem:v1+s28+$0x0], $0xffff;
	_ =	sdelay $0x5  }
0x2e7: {  	[tilespmem:s18+$0x18790] =	vst v1;
	v1 =	vld [tilespmem:s18+$0x187B0]  }
0x2e8: {  	v0 =	vld.idx.msk [tilespmem:v0+s28+$0x0], $0xffff;
	_ =	sdelay $0x5  }
0x2e9: {  	[tilespmem:s18+$0x187A0] =	vst v0;
	v0 =	vld [tilespmem:s18+$0x187C0]  }
0x2ea: {  	v1 =	vld.idx.msk [tilespmem:v1+s28+$0x0], $0xffff;
	_ =	sdelay $0x5  }
0x2eb: {  	[tilespmem:s18+$0x187B0] =	vst v1;
	v1 =	vld [tilespmem:s18+$0x187D0]  }
0x2ec: {  	v0 =	vld.idx.msk [tilespmem:v0+s28+$0x0], $0xffff;
	_ =	sdelay $0x5  }
0x2ed: {  	[tilespmem:s18+$0x187C0] =	vst v0;
	v2 =	vld [tilespmem:s18+$0x187E0]  }
0x2ee: {  	v0 =	vld.idx.msk [tilespmem:v1+s28+$0x0], $0xffff;
	_ =	sdelay $0x5  }
0x2ef: {  	[tilespmem:s18+$0x187D0] =	vst v0;
	v0 =	vld [tilespmem:s18+$0x187F0]  }
0x2f0: {  	v1 =	vld.idx.msk [tilespmem:v2+s28+$0x0], $0xffff  }
.Ltmp5:
0x2f1: {  	(pc) =	sbr.rel @p0 .LBB2_12-.Ltmp5, $2  }
0x2f2: {  	_ =	sdelay $0x2  }
0x2f3: {  	s20 =	sshra.s32 s19, $0x2;
	s19 =	sadd.s32 $0x400, s19  }
0x2f4: {  	_ =	sdelay $0x1  }
0x2f5: {  	v2 =	vld [tilespmem:s20+$0x18700]  }
0x2f6: {  	[tilespmem:s18+$0x187E0] =	vst v1  }
0x2f7: {  	v0 =	vld.idx.msk [tilespmem:v0+s28+$0x0], $0xffff;
	_ =	sdelay $0x3  }
0x2f8: {  	v1 =	vld [tilespmem:s20+$0x18710]  }
0x2f9: {  	[tilespmem:s18+$0x187F0] =	vst v0  }
0x2fa: {  	v0 =	vld.idx.msk [tilespmem:v2+s28+$0x0], $0xffff;
	_ =	sdelay $0x4  }
0x2fb: {  	[tilespmem:s20+$0x18700] =	vst v0;
	v0 =	vld [tilespmem:s20+$0x18720]  }
0x2fc: {  	v1 =	vld.idx.msk [tilespmem:v1+s28+$0x0], $0xffff;
	_ =	sdelay $0x4  }
0x2fd: {  	[tilespmem:s20+$0x18710] =	vst v1;
	v1 =	vld [tilespmem:s20+$0x18730];
	_ =	sdelay $0x1  }
0x2fe: {  	v0 =	vld.idx.msk [tilespmem:v0+s28+$0x0], $0xffff;
	_ =	sdelay $0x4  }
0x2ff: {  	[tilespmem:s20+$0x18720] =	vst v0;
	v0 =	vld [tilespmem:s20+$0x18740]  }
0x300: {  	v1 =	vld.idx.msk [tilespmem:v1+s28+$0x0], $0xffff;
	_ =	sdelay $0x4  }
0x301: {  	[tilespmem:s20+$0x18730] =	vst v1;
	v1 =	vld [tilespmem:s20+$0x18750];
	_ =	sdelay $0x1  }
0x302: {  	v0 =	vld.idx.msk [tilespmem:v0+s28+$0x0], $0xffff;
	_ =	sdelay $0x4  }
0x303: {  	[tilespmem:s20+$0x18740] =	vst v0;
	v0 =	vld [tilespmem:s20+$0x18760]  }
0x304: {  	v1 =	vld.idx.msk [tilespmem:v1+s28+$0x0], $0xffff;
	_ =	sdelay $0x4  }
0x305: {  	[tilespmem:s20+$0x18750] =	vst v1;
	v1 =	vld [tilespmem:s20+$0x18770];
	_ =	sdelay $0x1  }
0x306: {  	v0 =	vld.idx.msk [tilespmem:v0+s28+$0x0], $0xffff;
	_ =	sdelay $0x4  }
0x307: {  	[tilespmem:s20+$0x18760] =	vst v0;
	v0 =	vld [tilespmem:s20+$0x18780]  }
0x308: {  	v1 =	vld.idx.msk [tilespmem:v1+s28+$0x0], $0xffff;
	_ =	sdelay $0x4  }
0x309: {  	[tilespmem:s20+$0x18770] =	vst v1;
	v1 =	vld [tilespmem:s20+$0x18790];
	_ =	sdelay $0x1  }
0x30a: {  	v0 =	vld.idx.msk [tilespmem:v0+s28+$0x0], $0xffff;
	_ =	sdelay $0x4  }
0x30b: {  	[tilespmem:s20+$0x18780] =	vst v0;
	v0 =	vld [tilespmem:s20+$0x187A0]  }
0x30c: {  	v1 =	vld.idx.msk [tilespmem:v1+s28+$0x0], $0xffff;
	_ =	sdelay $0x4  }
0x30d: {  	[tilespmem:s20+$0x18790] =	vst v1;
	v1 =	vld [tilespmem:s20+$0x187B0];
	_ =	sdelay $0x1  }
0x30e: {  	v0 =	vld.idx.msk [tilespmem:v0+s28+$0x0], $0xffff;
	_ =	sdelay $0x4  }
0x30f: {  	[tilespmem:s20+$0x187A0] =	vst v0;
	v0 =	vld [tilespmem:s20+$0x187C0]  }
0x310: {  	v1 =	vld.idx.msk [tilespmem:v1+s28+$0x0], $0xffff;
	_ =	sdelay $0x4  }
0x311: {  	[tilespmem:s20+$0x187B0] =	vst v1;
	v1 =	vld [tilespmem:s20+$0x187D0];
	_ =	sdelay $0x1  }
0x312: {  	v0 =	vld.idx.msk [tilespmem:v0+s28+$0x0], $0xffff;
	_ =	sdelay $0x4  }
0x313: {  	[tilespmem:s20+$0x187C0] =	vst v0;
	v0 =	vld [tilespmem:s20+$0x187E0]  }
0x314: {  	v1 =	vld.idx.msk [tilespmem:v1+s28+$0x0], $0xffff;
	_ =	sdelay $0x4  }
0x315: {  	[tilespmem:s20+$0x187D0] =	vst v1;
	v1 =	vld [tilespmem:s20+$0x187F0];
	_ =	sdelay $0x1  }
0x316: {  	v0 =	vld.idx.msk [tilespmem:v0+s28+$0x0], $0xffff;
	_ =	sdelay $0x4  }
0x317: {  	[tilespmem:s20+$0x187E0] =	vst v0  }
0x318: {  	v0 =	vld.idx.msk [tilespmem:v1+s28+$0x0], $0xffff;
	_ =	sdelay $0x4  }
0x319: {  	s19 =	rddreg [dreg:$0x13];
	[tilespmem:s20+$0x187F0] =	vst v0;
	s20 =	simm.s32 $0x0  }
0x31a: {  	[tilespmem:s20], [sflag:$0x1] =	stream.strided.gather [hbm4b:s19+s11], $0x18700, s12, s11, $0x38;
	[tilespmem:$0x1C700] =	vst v63  }
0x31b: {  	_ = 	snop  }
0x31c: {  	[hbm4b:s2+s11] =	stream.strided.scatter [tilespmem:s13], [sflag:$0x3], $0x4000, s12, s11, $0x38;
	[tilespmem:$0x1C700] =	vst v63  }
0x31d: {  	_ =	swait.ge [sflag:s16], $0x4000  }
0x31e: {  	[sflag:s16] =	ssyncset.done $0x0  }
0x31f: {  	s20 =	rddreg [dreg:$0x7];
	[sflag:s16] =	ssyncadd.s32 $0xFFFFC000  }
0x320: {  	[tilespmem:s13], [sflag:$0x2] =	stream.strided.gather [hbm4b:s20+s11], $0x4000, s12, s11, $0x38;
	[tilespmem:$0x1C700] =	vst v63  }
0x321: {  	_ =	swait.ge [sflag:s14], $0x18700  }
0x322: {  	[sflag:s14] =	ssyncset.done $0x0  }
0x323: {  	[sflag:s14] =	ssyncadd.s32 $0xFFFE7900  }
0x324: {  	_ =	swait.ge [sflag:s15], $0x4000  }
0x325: {  	[sflag:s15] =	ssyncset.done $0x0  }
0x326: {  	s18 =	simm.s32 $0x0;
	[sflag:s15] =	ssyncadd.s32 $0xFFFFC000  }
0x327: {  	v0 =	vld [tilespmem:s18+$0x18700];
	_ =	sdelay $0x5  }
0x328: {  	v1 =	vld [tilespmem:s18+$0x18710];
	_ =	sdelay $0x1  }
0x329: {  	v0 =	vld.idx.msk [tilespmem:v0+s28+$0x0], $0xffff;
	_ =	sdelay $0x4  }
0x32a: {  	[tilespmem:s18+$0x18700] =	vst v0;
	v0 =	vld [tilespmem:s18+$0x18720]  }
0x32b: {  	v1 =	vld.idx.msk [tilespmem:v1+s28+$0x0], $0xffff;
	_ =	sdelay $0x4  }
0x32c: {  	[tilespmem:s18+$0x18710] =	vst v1;
	v1 =	vld [tilespmem:s18+$0x18730];
	_ =	sdelay $0x1  }
0x32d: {  	v0 =	vld.idx.msk [tilespmem:v0+s28+$0x0], $0xffff;
	_ =	sdelay $0x4  }
0x32e: {  	[tilespmem:s18+$0x18720] =	vst v0;
	v0 =	vld [tilespmem:s18+$0x18740]  }
0x32f: {  	v1 =	vld.idx.msk [tilespmem:v1+s28+$0x0], $0xffff;
	_ =	sdelay $0x4  }
0x330: {  	[tilespmem:s18+$0x18730] =	vst v1;
	v1 =	vld [tilespmem:s18+$0x18750];
	_ =	sdelay $0x1  }
0x331: {  	v0 =	vld.idx.msk [tilespmem:v0+s28+$0x0], $0xffff;
	_ =	sdelay $0x4  }
0x332: {  	[tilespmem:s18+$0x18740] =	vst v0;
	v0 =	vld [tilespmem:s18+$0x18760]  }
0x333: {  	v1 =	vld.idx.msk [tilespmem:v1+s28+$0x0], $0xffff;
	_ =	sdelay $0x4  }
0x334: {  	[tilespmem:s18+$0x18750] =	vst v1;
	v1 =	vld [tilespmem:s18+$0x18770];
	_ =	sdelay $0x1  }
0x335: {  	v0 =	vld.idx.msk [tilespmem:v0+s28+$0x0], $0xffff;
	_ =	sdelay $0x4  }
0x336: {  	[tilespmem:s18+$0x18760] =	vst v0;
	v0 =	vld [tilespmem:s18+$0x18780]  }
0x337: {  	v1 =	vld.idx.msk [tilespmem:v1+s28+$0x0], $0xffff;
	_ =	sdelay $0x4  }
0x338: {  	[tilespmem:s18+$0x18770] =	vst v1;
	v1 =	vld [tilespmem:s18+$0x18790];
	_ =	sdelay $0x1  }
0x339: {  	v0 =	vld.idx.msk [tilespmem:v0+s28+$0x0], $0xffff;
	_ =	sdelay $0x4  }
0x33a: {  	[tilespmem:s18+$0x18780] =	vst v0;
	v0 =	vld [tilespmem:s18+$0x187A0]  }
0x33b: {  	v1 =	vld.idx.msk [tilespmem:v1+s28+$0x0], $0xffff;
	_ =	sdelay $0x4  }
0x33c: {  	[tilespmem:s18+$0x18790] =	vst v1;
	v1 =	vld [tilespmem:s18+$0x187B0];
	_ =	sdelay $0x1  }
0x33d: {  	v0 =	vld.idx.msk [tilespmem:v0+s28+$0x0], $0xffff;
	_ =	sdelay $0x4  }
0x33e: {  	[tilespmem:s18+$0x187A0] =	vst v0;
	v0 =	vld [tilespmem:s18+$0x187C0]  }
0x33f: {  	v1 =	vld.idx.msk [tilespmem:v1+s28+$0x0], $0xffff;
	_ =	sdelay $0x4  }
0x340: {  	[tilespmem:s18+$0x187B0] =	vst v1;
	v1 =	vld [tilespmem:s18+$0x187D0];
	_ =	sdelay $0x1  }
0x341: {  	v0 =	vld.idx.msk [tilespmem:v0+s28+$0x0], $0xffff;
	_ =	sdelay $0x4  }
0x342: {  	v2 =	vld [tilespmem:s18+$0x187E0];
	[tilespmem:s18+$0x187C0] =	vst v0  }
0x343: {  	v0 =	vld.idx.msk [tilespmem:v1+s28+$0x0], $0xffff;
	_ =	sdelay $0x4  }
0x344: {  	[tilespmem:s18+$0x187D0] =	vst v0;
	v0 =	vld [tilespmem:s18+$0x187F0];
	_ =	sdelay $0x1  }
0x345: {  	v1 =	vld.idx.msk [tilespmem:v2+s28+$0x0], $0xffff;
	_ =	sdelay $0x3  }
0x346: {  	s19 =	simm.s32 $0x800;
	s20 =	simm.s32 $0x100  }
.LBB2_14:
0x347: {  	p0 =	sne.s32 s19, $0xFC00;
	v2 =	vld [tilespmem:s20+$0x18700];
	[tilespmem:s18+$0x187E0] =	vst v1  }
0x348: {  	v0 =	vld.idx.msk [tilespmem:v0+s28+$0x0], $0xffff;
	_ =	sdelay $0x5  }
0x349: {  	v1 =	vld [tilespmem:s20+$0x18710];
	[tilespmem:s18+$0x187F0] =	vst v0;
	s18 =	smov.u32 s20  }
0x34a: {  	v0 =	vld.idx.msk [tilespmem:v2+s28+$0x0], $0xffff;
	_ =	sdelay $0x5  }
0x34b: {  	[tilespmem:s18+$0x18700] =	vst v0;
	v0 =	vld [tilespmem:s18+$0x18720]  }
0x34c: {  	v1 =	vld.idx.msk [tilespmem:v1+s28+$0x0], $0xffff;
	_ =	sdelay $0x5  }
0x34d: {  	[tilespmem:s18+$0x18710] =	vst v1;
	v1 =	vld [tilespmem:s18+$0x18730]  }
0x34e: {  	v0 =	vld.idx.msk [tilespmem:v0+s28+$0x0], $0xffff;
	_ =	sdelay $0x5  }
0x34f: {  	[tilespmem:s18+$0x18720] =	vst v0;
	v0 =	vld [tilespmem:s18+$0x18740]  }
0x350: {  	v1 =	vld.idx.msk [tilespmem:v1+s28+$0x0], $0xffff;
	_ =	sdelay $0x5  }
0x351: {  	[tilespmem:s18+$0x18730] =	vst v1;
	v1 =	vld [tilespmem:s18+$0x18750]  }
0x352: {  	v0 =	vld.idx.msk [tilespmem:v0+s28+$0x0], $0xffff;
	_ =	sdelay $0x5  }
0x353: {  	[tilespmem:s18+$0x18740] =	vst v0;
	v0 =	vld [tilespmem:s18+$0x18760]  }
0x354: {  	v1 =	vld.idx.msk [tilespmem:v1+s28+$0x0], $0xffff;
	_ =	sdelay $0x5  }
0x355: {  	[tilespmem:s18+$0x18750] =	vst v1;
	v1 =	vld [tilespmem:s18+$0x18770]  }
0x356: {  	v0 =	vld.idx.msk [tilespmem:v0+s28+$0x0], $0xffff;
	_ =	sdelay $0x5  }
0x357: {  	[tilespmem:s18+$0x18760] =	vst v0;
	v0 =	vld [tilespmem:s18+$0x18780]  }
0x358: {  	v1 =	vld.idx.msk [tilespmem:v1+s28+$0x0], $0xffff;
	_ =	sdelay $0x5  }
0x359: {  	[tilespmem:s18+$0x18770] =	vst v1;
	v1 =	vld [tilespmem:s18+$0x18790]  }
0x35a: {  	v0 =	vld.idx.msk [tilespmem:v0+s28+$0x0], $0xffff;
	_ =	sdelay $0x5  }
0x35b: {  	[tilespmem:s18+$0x18780] =	vst v0;
	v0 =	vld [tilespmem:s18+$0x187A0]  }
0x35c: {  	v1 =	vld.idx.msk [tilespmem:v1+s28+$0x0], $0xffff;
	_ =	sdelay $0x5  }
0x35d: {  	[tilespmem:s18+$0x18790] =	vst v1;
	v1 =	vld [tilespmem:s18+$0x187B0]  }
0x35e: {  	v0 =	vld.idx.msk [tilespmem:v0+s28+$0x0], $0xffff;
	_ =	sdelay $0x5  }
0x35f: {  	[tilespmem:s18+$0x187A0] =	vst v0;
	v0 =	vld [tilespmem:s18+$0x187C0]  }
0x360: {  	v1 =	vld.idx.msk [tilespmem:v1+s28+$0x0], $0xffff;
	_ =	sdelay $0x5  }
0x361: {  	[tilespmem:s18+$0x187B0] =	vst v1;
	v1 =	vld [tilespmem:s18+$0x187D0]  }
0x362: {  	v0 =	vld.idx.msk [tilespmem:v0+s28+$0x0], $0xffff;
	_ =	sdelay $0x5  }
0x363: {  	[tilespmem:s18+$0x187C0] =	vst v0;
	v2 =	vld [tilespmem:s18+$0x187E0]  }
0x364: {  	v0 =	vld.idx.msk [tilespmem:v1+s28+$0x0], $0xffff;
	_ =	sdelay $0x5  }
0x365: {  	[tilespmem:s18+$0x187D0] =	vst v0;
	v0 =	vld [tilespmem:s18+$0x187F0]  }
0x366: {  	v1 =	vld.idx.msk [tilespmem:v2+s28+$0x0], $0xffff  }
.Ltmp6:
0x367: {  	(pc) =	sbr.rel @p0 .LBB2_14-.Ltmp6, $2  }
0x368: {  	_ =	sdelay $0x2  }
0x369: {  	s20 =	sshra.s32 s19, $0x2;
	s19 =	sadd.s32 $0x400, s19  }
0x36a: {  	_ =	sdelay $0x1  }
0x36b: {  	v2 =	vld [tilespmem:s20+$0x18700]  }
0x36c: {  	[tilespmem:s18+$0x187E0] =	vst v1  }
0x36d: {  	v0 =	vld.idx.msk [tilespmem:v0+s28+$0x0], $0xffff;
	_ =	sdelay $0x3  }
0x36e: {  	v1 =	vld [tilespmem:s20+$0x18710]  }
0x36f: {  	[tilespmem:s18+$0x187F0] =	vst v0  }
0x370: {  	v0 =	vld.idx.msk [tilespmem:v2+s28+$0x0], $0xffff;
	_ =	sdelay $0x4  }
0x371: {  	[tilespmem:s20+$0x18700] =	vst v0;
	v0 =	vld [tilespmem:s20+$0x18720]  }
0x372: {  	v1 =	vld.idx.msk [tilespmem:v1+s28+$0x0], $0xffff;
	_ =	sdelay $0x4  }
0x373: {  	[tilespmem:s20+$0x18710] =	vst v1;
	v1 =	vld [tilespmem:s20+$0x18730];
	_ =	sdelay $0x1  }
0x374: {  	v0 =	vld.idx.msk [tilespmem:v0+s28+$0x0], $0xffff;
	_ =	sdelay $0x4  }
0x375: {  	[tilespmem:s20+$0x18720] =	vst v0;
	v0 =	vld [tilespmem:s20+$0x18740]  }
0x376: {  	v1 =	vld.idx.msk [tilespmem:v1+s28+$0x0], $0xffff;
	_ =	sdelay $0x4  }
0x377: {  	[tilespmem:s20+$0x18730] =	vst v1;
	v1 =	vld [tilespmem:s20+$0x18750];
	_ =	sdelay $0x1  }
0x378: {  	v0 =	vld.idx.msk [tilespmem:v0+s28+$0x0], $0xffff;
	_ =	sdelay $0x4  }
0x379: {  	[tilespmem:s20+$0x18740] =	vst v0;
	v0 =	vld [tilespmem:s20+$0x18760]  }
0x37a: {  	v1 =	vld.idx.msk [tilespmem:v1+s28+$0x0], $0xffff;
	_ =	sdelay $0x4  }
0x37b: {  	[tilespmem:s20+$0x18750] =	vst v1;
	v1 =	vld [tilespmem:s20+$0x18770];
	_ =	sdelay $0x1  }
0x37c: {  	v0 =	vld.idx.msk [tilespmem:v0+s28+$0x0], $0xffff;
	_ =	sdelay $0x4  }
0x37d: {  	[tilespmem:s20+$0x18760] =	vst v0;
	v0 =	vld [tilespmem:s20+$0x18780]  }
0x37e: {  	v1 =	vld.idx.msk [tilespmem:v1+s28+$0x0], $0xffff;
	_ =	sdelay $0x4  }
0x37f: {  	[tilespmem:s20+$0x18770] =	vst v1;
	v1 =	vld [tilespmem:s20+$0x18790];
	_ =	sdelay $0x1  }
0x380: {  	v0 =	vld.idx.msk [tilespmem:v0+s28+$0x0], $0xffff;
	_ =	sdelay $0x4  }
0x381: {  	[tilespmem:s20+$0x18780] =	vst v0;
	v0 =	vld [tilespmem:s20+$0x187A0]  }
0x382: {  	v1 =	vld.idx.msk [tilespmem:v1+s28+$0x0], $0xffff;
	_ =	sdelay $0x4  }
0x383: {  	[tilespmem:s20+$0x18790] =	vst v1;
	v1 =	vld [tilespmem:s20+$0x187B0];
	_ =	sdelay $0x1  }
0x384: {  	v0 =	vld.idx.msk [tilespmem:v0+s28+$0x0], $0xffff;
	_ =	sdelay $0x4  }
0x385: {  	[tilespmem:s20+$0x187A0] =	vst v0;
	v0 =	vld [tilespmem:s20+$0x187C0]  }
0x386: {  	v1 =	vld.idx.msk [tilespmem:v1+s28+$0x0], $0xffff;
	_ =	sdelay $0x4  }
0x387: {  	[tilespmem:s20+$0x187B0] =	vst v1;
	v1 =	vld [tilespmem:s20+$0x187D0];
	_ =	sdelay $0x1  }
0x388: {  	v0 =	vld.idx.msk [tilespmem:v0+s28+$0x0], $0xffff;
	_ =	sdelay $0x4  }
0x389: {  	[tilespmem:s20+$0x187C0] =	vst v0;
	v0 =	vld [tilespmem:s20+$0x187E0]  }
0x38a: {  	v1 =	vld.idx.msk [tilespmem:v1+s28+$0x0], $0xffff;
	_ =	sdelay $0x4  }
0x38b: {  	[tilespmem:s20+$0x187D0] =	vst v1;
	v1 =	vld [tilespmem:s20+$0x187F0];
	_ =	sdelay $0x1  }
0x38c: {  	v0 =	vld.idx.msk [tilespmem:v0+s28+$0x0], $0xffff;
	_ =	sdelay $0x4  }
0x38d: {  	[tilespmem:s20+$0x187E0] =	vst v0  }
0x38e: {  	v0 =	vld.idx.msk [tilespmem:v1+s28+$0x0], $0xffff;
	_ =	sdelay $0x4  }
0x38f: {  	s19 =	rddreg [dreg:$0x14];
	[tilespmem:s20+$0x187F0] =	vst v0;
	s20 =	simm.s32 $0x0  }
0x390: {  	[tilespmem:s20], [sflag:$0x1] =	stream.strided.gather [hbm4b:s19+s11], $0x18700, s12, s11, $0x38;
	[tilespmem:$0x1C700] =	vst v63  }
0x391: {  	_ = 	snop  }
0x392: {  	[hbm4b:s3+s11] =	stream.strided.scatter [tilespmem:s13], [sflag:$0x3], $0x4000, s12, s11, $0x38;
	[tilespmem:$0x1C700] =	vst v63  }
0x393: {  	_ =	swait.ge [sflag:s16], $0x4000  }
0x394: {  	[sflag:s16] =	ssyncset.done $0x0  }
0x395: {  	s20 =	rddreg [dreg:$0x8];
	[sflag:s16] =	ssyncadd.s32 $0xFFFFC000  }
0x396: {  	[tilespmem:s13], [sflag:$0x2] =	stream.strided.gather [hbm4b:s20+s11], $0x4000, s12, s11, $0x38;
	[tilespmem:$0x1C700] =	vst v63  }
0x397: {  	_ =	swait.ge [sflag:s14], $0x18700  }
0x398: {  	[sflag:s14] =	ssyncset.done $0x0  }
0x399: {  	[sflag:s14] =	ssyncadd.s32 $0xFFFE7900  }
0x39a: {  	_ =	swait.ge [sflag:s15], $0x4000  }
0x39b: {  	[sflag:s15] =	ssyncset.done $0x0  }
0x39c: {  	s18 =	simm.s32 $0x0;
	[sflag:s15] =	ssyncadd.s32 $0xFFFFC000  }
0x39d: {  	v0 =	vld [tilespmem:s18+$0x18700];
	_ =	sdelay $0x5  }
0x39e: {  	v1 =	vld [tilespmem:s18+$0x18710];
	_ =	sdelay $0x1  }
0x39f: {  	v0 =	vld.idx.msk [tilespmem:v0+s28+$0x0], $0xffff;
	_ =	sdelay $0x4  }
0x3a0: {  	[tilespmem:s18+$0x18700] =	vst v0;
	v0 =	vld [tilespmem:s18+$0x18720]  }
0x3a1: {  	v1 =	vld.idx.msk [tilespmem:v1+s28+$0x0], $0xffff;
	_ =	sdelay $0x4  }
0x3a2: {  	[tilespmem:s18+$0x18710] =	vst v1;
	v1 =	vld [tilespmem:s18+$0x18730];
	_ =	sdelay $0x1  }
0x3a3: {  	v0 =	vld.idx.msk [tilespmem:v0+s28+$0x0], $0xffff;
	_ =	sdelay $0x4  }
0x3a4: {  	[tilespmem:s18+$0x18720] =	vst v0;
	v0 =	vld [tilespmem:s18+$0x18740]  }
0x3a5: {  	v1 =	vld.idx.msk [tilespmem:v1+s28+$0x0], $0xffff;
	_ =	sdelay $0x4  }
0x3a6: {  	[tilespmem:s18+$0x18730] =	vst v1;
	v1 =	vld [tilespmem:s18+$0x18750];
	_ =	sdelay $0x1  }
0x3a7: {  	v0 =	vld.idx.msk [tilespmem:v0+s28+$0x0], $0xffff;
	_ =	sdelay $0x4  }
0x3a8: {  	[tilespmem:s18+$0x18740] =	vst v0;
	v0 =	vld [tilespmem:s18+$0x18760]  }
0x3a9: {  	v1 =	vld.idx.msk [tilespmem:v1+s28+$0x0], $0xffff;
	_ =	sdelay $0x4  }
0x3aa: {  	[tilespmem:s18+$0x18750] =	vst v1;
	v1 =	vld [tilespmem:s18+$0x18770];
	_ =	sdelay $0x1  }
0x3ab: {  	v0 =	vld.idx.msk [tilespmem:v0+s28+$0x0], $0xffff;
	_ =	sdelay $0x4  }
0x3ac: {  	[tilespmem:s18+$0x18760] =	vst v0;
	v0 =	vld [tilespmem:s18+$0x18780]  }
0x3ad: {  	v1 =	vld.idx.msk [tilespmem:v1+s28+$0x0], $0xffff;
	_ =	sdelay $0x4  }
0x3ae: {  	[tilespmem:s18+$0x18770] =	vst v1;
	v1 =	vld [tilespmem:s18+$0x18790];
	_ =	sdelay $0x1  }
0x3af: {  	v0 =	vld.idx.msk [tilespmem:v0+s28+$0x0], $0xffff;
	_ =	sdelay $0x4  }
0x3b0: {  	[tilespmem:s18+$0x18780] =	vst v0;
	v0 =	vld [tilespmem:s18+$0x187A0]  }
0x3b1: {  	v1 =	vld.idx.msk [tilespmem:v1+s28+$0x0], $0xffff;
	_ =	sdelay $0x4  }
0x3b2: {  	[tilespmem:s18+$0x18790] =	vst v1;
	v1 =	vld [tilespmem:s18+$0x187B0];
	_ =	sdelay $0x1  }
0x3b3: {  	v0 =	vld.idx.msk [tilespmem:v0+s28+$0x0], $0xffff;
	_ =	sdelay $0x4  }
0x3b4: {  	[tilespmem:s18+$0x187A0] =	vst v0;
	v0 =	vld [tilespmem:s18+$0x187C0]  }
0x3b5: {  	v1 =	vld.idx.msk [tilespmem:v1+s28+$0x0], $0xffff;
	_ =	sdelay $0x4  }
0x3b6: {  	[tilespmem:s18+$0x187B0] =	vst v1;
	v1 =	vld [tilespmem:s18+$0x187D0];
	_ =	sdelay $0x1  }
0x3b7: {  	v0 =	vld.idx.msk [tilespmem:v0+s28+$0x0], $0xffff;
	_ =	sdelay $0x4  }
0x3b8: {  	v2 =	vld [tilespmem:s18+$0x187E0];
	[tilespmem:s18+$0x187C0] =	vst v0  }
0x3b9: {  	v0 =	vld.idx.msk [tilespmem:v1+s28+$0x0], $0xffff;
	_ =	sdelay $0x4  }
0x3ba: {  	[tilespmem:s18+$0x187D0] =	vst v0;
	v0 =	vld [tilespmem:s18+$0x187F0];
	_ =	sdelay $0x1  }
0x3bb: {  	v1 =	vld.idx.msk [tilespmem:v2+s28+$0x0], $0xffff;
	_ =	sdelay $0x3  }
0x3bc: {  	s19 =	simm.s32 $0x800;
	s20 =	simm.s32 $0x100  }
.LBB2_16:
0x3bd: {  	p0 =	sne.s32 s19, $0xFC00;
	v2 =	vld [tilespmem:s20+$0x18700];
	[tilespmem:s18+$0x187E0] =	vst v1  }
0x3be: {  	v0 =	vld.idx.msk [tilespmem:v0+s28+$0x0], $0xffff;
	_ =	sdelay $0x5  }
0x3bf: {  	v1 =	vld [tilespmem:s20+$0x18710];
	[tilespmem:s18+$0x187F0] =	vst v0;
	s18 =	smov.u32 s20  }
0x3c0: {  	v0 =	vld.idx.msk [tilespmem:v2+s28+$0x0], $0xffff;
	_ =	sdelay $0x5  }
0x3c1: {  	[tilespmem:s18+$0x18700] =	vst v0;
	v0 =	vld [tilespmem:s18+$0x18720]  }
0x3c2: {  	v1 =	vld.idx.msk [tilespmem:v1+s28+$0x0], $0xffff;
	_ =	sdelay $0x5  }
0x3c3: {  	[tilespmem:s18+$0x18710] =	vst v1;
	v1 =	vld [tilespmem:s18+$0x18730]  }
0x3c4: {  	v0 =	vld.idx.msk [tilespmem:v0+s28+$0x0], $0xffff;
	_ =	sdelay $0x5  }
0x3c5: {  	[tilespmem:s18+$0x18720] =	vst v0;
	v0 =	vld [tilespmem:s18+$0x18740]  }
0x3c6: {  	v1 =	vld.idx.msk [tilespmem:v1+s28+$0x0], $0xffff;
	_ =	sdelay $0x5  }
0x3c7: {  	[tilespmem:s18+$0x18730] =	vst v1;
	v1 =	vld [tilespmem:s18+$0x18750]  }
0x3c8: {  	v0 =	vld.idx.msk [tilespmem:v0+s28+$0x0], $0xffff;
	_ =	sdelay $0x5  }
0x3c9: {  	[tilespmem:s18+$0x18740] =	vst v0;
	v0 =	vld [tilespmem:s18+$0x18760]  }
0x3ca: {  	v1 =	vld.idx.msk [tilespmem:v1+s28+$0x0], $0xffff;
	_ =	sdelay $0x5  }
0x3cb: {  	[tilespmem:s18+$0x18750] =	vst v1;
	v1 =	vld [tilespmem:s18+$0x18770]  }
0x3cc: {  	v0 =	vld.idx.msk [tilespmem:v0+s28+$0x0], $0xffff;
	_ =	sdelay $0x5  }
0x3cd: {  	[tilespmem:s18+$0x18760] =	vst v0;
	v0 =	vld [tilespmem:s18+$0x18780]  }
0x3ce: {  	v1 =	vld.idx.msk [tilespmem:v1+s28+$0x0], $0xffff;
	_ =	sdelay $0x5  }
0x3cf: {  	[tilespmem:s18+$0x18770] =	vst v1;
	v1 =	vld [tilespmem:s18+$0x18790]  }
0x3d0: {  	v0 =	vld.idx.msk [tilespmem:v0+s28+$0x0], $0xffff;
	_ =	sdelay $0x5  }
0x3d1: {  	[tilespmem:s18+$0x18780] =	vst v0;
	v0 =	vld [tilespmem:s18+$0x187A0]  }
0x3d2: {  	v1 =	vld.idx.msk [tilespmem:v1+s28+$0x0], $0xffff;
	_ =	sdelay $0x5  }
0x3d3: {  	[tilespmem:s18+$0x18790] =	vst v1;
	v1 =	vld [tilespmem:s18+$0x187B0]  }
0x3d4: {  	v0 =	vld.idx.msk [tilespmem:v0+s28+$0x0], $0xffff;
	_ =	sdelay $0x5  }
0x3d5: {  	[tilespmem:s18+$0x187A0] =	vst v0;
	v0 =	vld [tilespmem:s18+$0x187C0]  }
0x3d6: {  	v1 =	vld.idx.msk [tilespmem:v1+s28+$0x0], $0xffff;
	_ =	sdelay $0x5  }
0x3d7: {  	[tilespmem:s18+$0x187B0] =	vst v1;
	v1 =	vld [tilespmem:s18+$0x187D0]  }
0x3d8: {  	v0 =	vld.idx.msk [tilespmem:v0+s28+$0x0], $0xffff;
	_ =	sdelay $0x5  }
0x3d9: {  	[tilespmem:s18+$0x187C0] =	vst v0;
	v2 =	vld [tilespmem:s18+$0x187E0]  }
0x3da: {  	v0 =	vld.idx.msk [tilespmem:v1+s28+$0x0], $0xffff;
	_ =	sdelay $0x5  }
0x3db: {  	[tilespmem:s18+$0x187D0] =	vst v0;
	v0 =	vld [tilespmem:s18+$0x187F0]  }
0x3dc: {  	v1 =	vld.idx.msk [tilespmem:v2+s28+$0x0], $0xffff  }
.Ltmp7:
0x3dd: {  	(pc) =	sbr.rel @p0 .LBB2_16-.Ltmp7, $2  }
0x3de: {  	_ =	sdelay $0x2  }
0x3df: {  	s20 =	sshra.s32 s19, $0x2;
	s19 =	sadd.s32 $0x400, s19  }
0x3e0: {  	_ =	sdelay $0x1  }
0x3e1: {  	v2 =	vld [tilespmem:s20+$0x18700]  }
0x3e2: {  	[tilespmem:s18+$0x187E0] =	vst v1  }
0x3e3: {  	v0 =	vld.idx.msk [tilespmem:v0+s28+$0x0], $0xffff;
	_ =	sdelay $0x3  }
0x3e4: {  	v1 =	vld [tilespmem:s20+$0x18710]  }
0x3e5: {  	[tilespmem:s18+$0x187F0] =	vst v0  }
0x3e6: {  	v0 =	vld.idx.msk [tilespmem:v2+s28+$0x0], $0xffff;
	_ =	sdelay $0x4  }
0x3e7: {  	[tilespmem:s20+$0x18700] =	vst v0;
	v0 =	vld [tilespmem:s20+$0x18720]  }
0x3e8: {  	v1 =	vld.idx.msk [tilespmem:v1+s28+$0x0], $0xffff;
	_ =	sdelay $0x4  }
0x3e9: {  	[tilespmem:s20+$0x18710] =	vst v1;
	v1 =	vld [tilespmem:s20+$0x18730];
	_ =	sdelay $0x1  }
0x3ea: {  	v0 =	vld.idx.msk [tilespmem:v0+s28+$0x0], $0xffff;
	_ =	sdelay $0x4  }
0x3eb: {  	[tilespmem:s20+$0x18720] =	vst v0;
	v0 =	vld [tilespmem:s20+$0x18740]  }
0x3ec: {  	v1 =	vld.idx.msk [tilespmem:v1+s28+$0x0], $0xffff;
	_ =	sdelay $0x4  }
0x3ed: {  	[tilespmem:s20+$0x18730] =	vst v1;
	v1 =	vld [tilespmem:s20+$0x18750];
	_ =	sdelay $0x1  }
0x3ee: {  	v0 =	vld.idx.msk [tilespmem:v0+s28+$0x0], $0xffff;
	_ =	sdelay $0x4  }
0x3ef: {  	[tilespmem:s20+$0x18740] =	vst v0;
	v0 =	vld [tilespmem:s20+$0x18760]  }
0x3f0: {  	v1 =	vld.idx.msk [tilespmem:v1+s28+$0x0], $0xffff;
	_ =	sdelay $0x4  }
0x3f1: {  	[tilespmem:s20+$0x18750] =	vst v1;
	v1 =	vld [tilespmem:s20+$0x18770];
	_ =	sdelay $0x1  }
0x3f2: {  	v0 =	vld.idx.msk [tilespmem:v0+s28+$0x0], $0xffff;
	_ =	sdelay $0x4  }
0x3f3: {  	[tilespmem:s20+$0x18760] =	vst v0;
	v0 =	vld [tilespmem:s20+$0x18780]  }
0x3f4: {  	v1 =	vld.idx.msk [tilespmem:v1+s28+$0x0], $0xffff;
	_ =	sdelay $0x4  }
0x3f5: {  	[tilespmem:s20+$0x18770] =	vst v1;
	v1 =	vld [tilespmem:s20+$0x18790];
	_ =	sdelay $0x1  }
0x3f6: {  	v0 =	vld.idx.msk [tilespmem:v0+s28+$0x0], $0xffff;
	_ =	sdelay $0x4  }
0x3f7: {  	[tilespmem:s20+$0x18780] =	vst v0;
	v0 =	vld [tilespmem:s20+$0x187A0]  }
0x3f8: {  	v1 =	vld.idx.msk [tilespmem:v1+s28+$0x0], $0xffff;
	_ =	sdelay $0x4  }
0x3f9: {  	[tilespmem:s20+$0x18790] =	vst v1;
	v1 =	vld [tilespmem:s20+$0x187B0];
	_ =	sdelay $0x1  }
0x3fa: {  	v0 =	vld.idx.msk [tilespmem:v0+s28+$0x0], $0xffff;
	_ =	sdelay $0x4  }
0x3fb: {  	[tilespmem:s20+$0x187A0] =	vst v0;
	v0 =	vld [tilespmem:s20+$0x187C0]  }
0x3fc: {  	v1 =	vld.idx.msk [tilespmem:v1+s28+$0x0], $0xffff;
	_ =	sdelay $0x4  }
0x3fd: {  	[tilespmem:s20+$0x187B0] =	vst v1;
	v1 =	vld [tilespmem:s20+$0x187D0];
	_ =	sdelay $0x1  }
0x3fe: {  	v0 =	vld.idx.msk [tilespmem:v0+s28+$0x0], $0xffff;
	_ =	sdelay $0x4  }
0x3ff: {  	[tilespmem:s20+$0x187C0] =	vst v0;
	v0 =	vld [tilespmem:s20+$0x187E0]  }
0x400: {  	v1 =	vld.idx.msk [tilespmem:v1+s28+$0x0], $0xffff;
	_ =	sdelay $0x4  }
0x401: {  	[tilespmem:s20+$0x187D0] =	vst v1;
	v1 =	vld [tilespmem:s20+$0x187F0];
	_ =	sdelay $0x1  }
0x402: {  	v0 =	vld.idx.msk [tilespmem:v0+s28+$0x0], $0xffff;
	_ =	sdelay $0x4  }
0x403: {  	[tilespmem:s20+$0x187E0] =	vst v0  }
0x404: {  	v0 =	vld.idx.msk [tilespmem:v1+s28+$0x0], $0xffff;
	_ =	sdelay $0x4  }
0x405: {  	s19 =	rddreg [dreg:$0x15];
	[tilespmem:s20+$0x187F0] =	vst v0;
	s20 =	simm.s32 $0x0  }
0x406: {  	[tilespmem:s20], [sflag:$0x1] =	stream.strided.gather [hbm4b:s19+s11], $0x18700, s12, s11, $0x38;
	[tilespmem:$0x1C700] =	vst v63  }
0x407: {  	_ = 	snop  }
0x408: {  	[hbm4b:s4+s11] =	stream.strided.scatter [tilespmem:s13], [sflag:$0x3], $0x4000, s12, s11, $0x38;
	[tilespmem:$0x1C700] =	vst v63  }
0x409: {  	_ =	swait.ge [sflag:s16], $0x4000  }
0x40a: {  	[sflag:s16] =	ssyncset.done $0x0  }
0x40b: {  	s20 =	rddreg [dreg:$0x9];
	[sflag:s16] =	ssyncadd.s32 $0xFFFFC000  }
0x40c: {  	[tilespmem:s13], [sflag:$0x2] =	stream.strided.gather [hbm4b:s20+s11], $0x4000, s12, s11, $0x38;
	[tilespmem:$0x1C700] =	vst v63  }
0x40d: {  	_ =	swait.ge [sflag:s14], $0x18700  }
0x40e: {  	[sflag:s14] =	ssyncset.done $0x0  }
0x40f: {  	[sflag:s14] =	ssyncadd.s32 $0xFFFE7900  }
0x410: {  	_ =	swait.ge [sflag:s15], $0x4000  }
0x411: {  	[sflag:s15] =	ssyncset.done $0x0  }
0x412: {  	s18 =	simm.s32 $0x0;
	[sflag:s15] =	ssyncadd.s32 $0xFFFFC000  }
0x413: {  	v0 =	vld [tilespmem:s18+$0x18700];
	_ =	sdelay $0x5  }
0x414: {  	v1 =	vld [tilespmem:s18+$0x18710];
	_ =	sdelay $0x1  }
0x415: {  	v0 =	vld.idx.msk [tilespmem:v0+s28+$0x0], $0xffff;
	_ =	sdelay $0x4  }
0x416: {  	[tilespmem:s18+$0x18700] =	vst v0;
	v0 =	vld [tilespmem:s18+$0x18720]  }
0x417: {  	v1 =	vld.idx.msk [tilespmem:v1+s28+$0x0], $0xffff;
	_ =	sdelay $0x4  }
0x418: {  	[tilespmem:s18+$0x18710] =	vst v1;
	v1 =	vld [tilespmem:s18+$0x18730];
	_ =	sdelay $0x1  }
0x419: {  	v0 =	vld.idx.msk [tilespmem:v0+s28+$0x0], $0xffff;
	_ =	sdelay $0x4  }
0x41a: {  	[tilespmem:s18+$0x18720] =	vst v0;
	v0 =	vld [tilespmem:s18+$0x18740]  }
0x41b: {  	v1 =	vld.idx.msk [tilespmem:v1+s28+$0x0], $0xffff;
	_ =	sdelay $0x4  }
0x41c: {  	[tilespmem:s18+$0x18730] =	vst v1;
	v1 =	vld [tilespmem:s18+$0x18750];
	_ =	sdelay $0x1  }
0x41d: {  	v0 =	vld.idx.msk [tilespmem:v0+s28+$0x0], $0xffff;
	_ =	sdelay $0x4  }
0x41e: {  	[tilespmem:s18+$0x18740] =	vst v0;
	v0 =	vld [tilespmem:s18+$0x18760]  }
0x41f: {  	v1 =	vld.idx.msk [tilespmem:v1+s28+$0x0], $0xffff;
	_ =	sdelay $0x4  }
0x420: {  	[tilespmem:s18+$0x18750] =	vst v1;
	v1 =	vld [tilespmem:s18+$0x18770];
	_ =	sdelay $0x1  }
0x421: {  	v0 =	vld.idx.msk [tilespmem:v0+s28+$0x0], $0xffff;
	_ =	sdelay $0x4  }
0x422: {  	[tilespmem:s18+$0x18760] =	vst v0;
	v0 =	vld [tilespmem:s18+$0x18780]  }
0x423: {  	v1 =	vld.idx.msk [tilespmem:v1+s28+$0x0], $0xffff;
	_ =	sdelay $0x4  }
0x424: {  	[tilespmem:s18+$0x18770] =	vst v1;
	v1 =	vld [tilespmem:s18+$0x18790];
	_ =	sdelay $0x1  }
0x425: {  	v0 =	vld.idx.msk [tilespmem:v0+s28+$0x0], $0xffff;
	_ =	sdelay $0x4  }
0x426: {  	[tilespmem:s18+$0x18780] =	vst v0;
	v0 =	vld [tilespmem:s18+$0x187A0]  }
0x427: {  	v1 =	vld.idx.msk [tilespmem:v1+s28+$0x0], $0xffff;
	_ =	sdelay $0x4  }
0x428: {  	[tilespmem:s18+$0x18790] =	vst v1;
	v1 =	vld [tilespmem:s18+$0x187B0];
	_ =	sdelay $0x1  }
0x429: {  	v0 =	vld.idx.msk [tilespmem:v0+s28+$0x0], $0xffff;
	_ =	sdelay $0x4  }
0x42a: {  	[tilespmem:s18+$0x187A0] =	vst v0;
	v0 =	vld [tilespmem:s18+$0x187C0]  }
0x42b: {  	v1 =	vld.idx.msk [tilespmem:v1+s28+$0x0], $0xffff;
	_ =	sdelay $0x4  }
0x42c: {  	[tilespmem:s18+$0x187B0] =	vst v1;
	v1 =	vld [tilespmem:s18+$0x187D0];
	_ =	sdelay $0x1  }
0x42d: {  	v0 =	vld.idx.msk [tilespmem:v0+s28+$0x0], $0xffff;
	_ =	sdelay $0x4  }
0x42e: {  	v2 =	vld [tilespmem:s18+$0x187E0];
	[tilespmem:s18+$0x187C0] =	vst v0  }
0x42f: {  	v0 =	vld.idx.msk [tilespmem:v1+s28+$0x0], $0xffff;
	_ =	sdelay $0x4  }
0x430: {  	[tilespmem:s18+$0x187D0] =	vst v0;
	v0 =	vld [tilespmem:s18+$0x187F0];
	_ =	sdelay $0x1  }
0x431: {  	v1 =	vld.idx.msk [tilespmem:v2+s28+$0x0], $0xffff;
	_ =	sdelay $0x3  }
0x432: {  	s19 =	simm.s32 $0x800;
	s20 =	simm.s32 $0x100  }
.LBB2_18:
0x433: {  	p0 =	sne.s32 s19, $0xFC00;
	v2 =	vld [tilespmem:s20+$0x18700];
	[tilespmem:s18+$0x187E0] =	vst v1  }
0x434: {  	v0 =	vld.idx.msk [tilespmem:v0+s28+$0x0], $0xffff;
	_ =	sdelay $0x5  }
0x435: {  	v1 =	vld [tilespmem:s20+$0x18710];
	[tilespmem:s18+$0x187F0] =	vst v0;
	s18 =	smov.u32 s20  }
0x436: {  	v0 =	vld.idx.msk [tilespmem:v2+s28+$0x0], $0xffff;
	_ =	sdelay $0x5  }
0x437: {  	[tilespmem:s18+$0x18700] =	vst v0;
	v0 =	vld [tilespmem:s18+$0x18720]  }
0x438: {  	v1 =	vld.idx.msk [tilespmem:v1+s28+$0x0], $0xffff;
	_ =	sdelay $0x5  }
0x439: {  	[tilespmem:s18+$0x18710] =	vst v1;
	v1 =	vld [tilespmem:s18+$0x18730]  }
0x43a: {  	v0 =	vld.idx.msk [tilespmem:v0+s28+$0x0], $0xffff;
	_ =	sdelay $0x5  }
0x43b: {  	[tilespmem:s18+$0x18720] =	vst v0;
	v0 =	vld [tilespmem:s18+$0x18740]  }
0x43c: {  	v1 =	vld.idx.msk [tilespmem:v1+s28+$0x0], $0xffff;
	_ =	sdelay $0x5  }
0x43d: {  	[tilespmem:s18+$0x18730] =	vst v1;
	v1 =	vld [tilespmem:s18+$0x18750]  }
0x43e: {  	v0 =	vld.idx.msk [tilespmem:v0+s28+$0x0], $0xffff;
	_ =	sdelay $0x5  }
0x43f: {  	[tilespmem:s18+$0x18740] =	vst v0;
	v0 =	vld [tilespmem:s18+$0x18760]  }
0x440: {  	v1 =	vld.idx.msk [tilespmem:v1+s28+$0x0], $0xffff;
	_ =	sdelay $0x5  }
0x441: {  	[tilespmem:s18+$0x18750] =	vst v1;
	v1 =	vld [tilespmem:s18+$0x18770]  }
0x442: {  	v0 =	vld.idx.msk [tilespmem:v0+s28+$0x0], $0xffff;
	_ =	sdelay $0x5  }
0x443: {  	[tilespmem:s18+$0x18760] =	vst v0;
	v0 =	vld [tilespmem:s18+$0x18780]  }
0x444: {  	v1 =	vld.idx.msk [tilespmem:v1+s28+$0x0], $0xffff;
	_ =	sdelay $0x5  }
0x445: {  	[tilespmem:s18+$0x18770] =	vst v1;
	v1 =	vld [tilespmem:s18+$0x18790]  }
0x446: {  	v0 =	vld.idx.msk [tilespmem:v0+s28+$0x0], $0xffff;
	_ =	sdelay $0x5  }
0x447: {  	[tilespmem:s18+$0x18780] =	vst v0;
	v0 =	vld [tilespmem:s18+$0x187A0]  }
0x448: {  	v1 =	vld.idx.msk [tilespmem:v1+s28+$0x0], $0xffff;
	_ =	sdelay $0x5  }
0x449: {  	[tilespmem:s18+$0x18790] =	vst v1;
	v1 =	vld [tilespmem:s18+$0x187B0]  }
0x44a: {  	v0 =	vld.idx.msk [tilespmem:v0+s28+$0x0], $0xffff;
	_ =	sdelay $0x5  }
0x44b: {  	[tilespmem:s18+$0x187A0] =	vst v0;
	v0 =	vld [tilespmem:s18+$0x187C0]  }
0x44c: {  	v1 =	vld.idx.msk [tilespmem:v1+s28+$0x0], $0xffff;
	_ =	sdelay $0x5  }
0x44d: {  	[tilespmem:s18+$0x187B0] =	vst v1;
	v1 =	vld [tilespmem:s18+$0x187D0]  }
0x44e: {  	v0 =	vld.idx.msk [tilespmem:v0+s28+$0x0], $0xffff;
	_ =	sdelay $0x5  }
0x44f: {  	[tilespmem:s18+$0x187C0] =	vst v0;
	v2 =	vld [tilespmem:s18+$0x187E0]  }
0x450: {  	v0 =	vld.idx.msk [tilespmem:v1+s28+$0x0], $0xffff;
	_ =	sdelay $0x5  }
0x451: {  	[tilespmem:s18+$0x187D0] =	vst v0;
	v0 =	vld [tilespmem:s18+$0x187F0]  }
0x452: {  	v1 =	vld.idx.msk [tilespmem:v2+s28+$0x0], $0xffff  }
.Ltmp8:
0x453: {  	(pc) =	sbr.rel @p0 .LBB2_18-.Ltmp8, $2  }
0x454: {  	_ =	sdelay $0x2  }
0x455: {  	s20 =	sshra.s32 s19, $0x2;
	s19 =	sadd.s32 $0x400, s19  }
0x456: {  	_ =	sdelay $0x1  }
0x457: {  	v2 =	vld [tilespmem:s20+$0x18700]  }
0x458: {  	[tilespmem:s18+$0x187E0] =	vst v1  }
0x459: {  	v0 =	vld.idx.msk [tilespmem:v0+s28+$0x0], $0xffff;
	_ =	sdelay $0x3  }
0x45a: {  	v1 =	vld [tilespmem:s20+$0x18710]  }
0x45b: {  	[tilespmem:s18+$0x187F0] =	vst v0  }
0x45c: {  	v0 =	vld.idx.msk [tilespmem:v2+s28+$0x0], $0xffff;
	_ =	sdelay $0x4  }
0x45d: {  	[tilespmem:s20+$0x18700] =	vst v0;
	v0 =	vld [tilespmem:s20+$0x18720]  }
0x45e: {  	v1 =	vld.idx.msk [tilespmem:v1+s28+$0x0], $0xffff;
	_ =	sdelay $0x4  }
0x45f: {  	[tilespmem:s20+$0x18710] =	vst v1;
	v1 =	vld [tilespmem:s20+$0x18730];
	_ =	sdelay $0x1  }
0x460: {  	v0 =	vld.idx.msk [tilespmem:v0+s28+$0x0], $0xffff;
	_ =	sdelay $0x4  }
0x461: {  	[tilespmem:s20+$0x18720] =	vst v0;
	v0 =	vld [tilespmem:s20+$0x18740]  }
0x462: {  	v1 =	vld.idx.msk [tilespmem:v1+s28+$0x0], $0xffff;
	_ =	sdelay $0x4  }
0x463: {  	[tilespmem:s20+$0x18730] =	vst v1;
	v1 =	vld [tilespmem:s20+$0x18750];
	_ =	sdelay $0x1  }
0x464: {  	v0 =	vld.idx.msk [tilespmem:v0+s28+$0x0], $0xffff;
	_ =	sdelay $0x4  }
0x465: {  	[tilespmem:s20+$0x18740] =	vst v0;
	v0 =	vld [tilespmem:s20+$0x18760]  }
0x466: {  	v1 =	vld.idx.msk [tilespmem:v1+s28+$0x0], $0xffff;
	_ =	sdelay $0x4  }
0x467: {  	[tilespmem:s20+$0x18750] =	vst v1;
	v1 =	vld [tilespmem:s20+$0x18770];
	_ =	sdelay $0x1  }
0x468: {  	v0 =	vld.idx.msk [tilespmem:v0+s28+$0x0], $0xffff;
	_ =	sdelay $0x4  }
0x469: {  	[tilespmem:s20+$0x18760] =	vst v0;
	v0 =	vld [tilespmem:s20+$0x18780]  }
0x46a: {  	v1 =	vld.idx.msk [tilespmem:v1+s28+$0x0], $0xffff;
	_ =	sdelay $0x4  }
0x46b: {  	[tilespmem:s20+$0x18770] =	vst v1;
	v1 =	vld [tilespmem:s20+$0x18790];
	_ =	sdelay $0x1  }
0x46c: {  	v0 =	vld.idx.msk [tilespmem:v0+s28+$0x0], $0xffff;
	_ =	sdelay $0x4  }
0x46d: {  	[tilespmem:s20+$0x18780] =	vst v0;
	v0 =	vld [tilespmem:s20+$0x187A0]  }
0x46e: {  	v1 =	vld.idx.msk [tilespmem:v1+s28+$0x0], $0xffff;
	_ =	sdelay $0x4  }
0x46f: {  	[tilespmem:s20+$0x18790] =	vst v1;
	v1 =	vld [tilespmem:s20+$0x187B0];
	_ =	sdelay $0x1  }
0x470: {  	v0 =	vld.idx.msk [tilespmem:v0+s28+$0x0], $0xffff;
	_ =	sdelay $0x4  }
0x471: {  	[tilespmem:s20+$0x187A0] =	vst v0;
	v0 =	vld [tilespmem:s20+$0x187C0]  }
0x472: {  	v1 =	vld.idx.msk [tilespmem:v1+s28+$0x0], $0xffff;
	_ =	sdelay $0x4  }
0x473: {  	[tilespmem:s20+$0x187B0] =	vst v1;
	v1 =	vld [tilespmem:s20+$0x187D0];
	_ =	sdelay $0x1  }
0x474: {  	v0 =	vld.idx.msk [tilespmem:v0+s28+$0x0], $0xffff;
	_ =	sdelay $0x4  }
0x475: {  	[tilespmem:s20+$0x187C0] =	vst v0;
	v0 =	vld [tilespmem:s20+$0x187E0]  }
0x476: {  	v1 =	vld.idx.msk [tilespmem:v1+s28+$0x0], $0xffff;
	_ =	sdelay $0x4  }
0x477: {  	[tilespmem:s20+$0x187D0] =	vst v1;
	v1 =	vld [tilespmem:s20+$0x187F0];
	_ =	sdelay $0x1  }
0x478: {  	v0 =	vld.idx.msk [tilespmem:v0+s28+$0x0], $0xffff;
	_ =	sdelay $0x4  }
0x479: {  	[tilespmem:s20+$0x187E0] =	vst v0  }
0x47a: {  	v0 =	vld.idx.msk [tilespmem:v1+s28+$0x0], $0xffff;
	_ =	sdelay $0x4  }
0x47b: {  	s19 =	rddreg [dreg:$0x16];
	[tilespmem:s20+$0x187F0] =	vst v0;
	s20 =	simm.s32 $0x0  }
0x47c: {  	[tilespmem:s20], [sflag:$0x1] =	stream.strided.gather [hbm4b:s19+s11], $0x18700, s12, s11, $0x38;
	[tilespmem:$0x1C700] =	vst v63  }
0x47d: {  	_ = 	snop  }
0x47e: {  	[hbm4b:s5+s11] =	stream.strided.scatter [tilespmem:s13], [sflag:$0x3], $0x4000, s12, s11, $0x38;
	[tilespmem:$0x1C700] =	vst v63  }
0x47f: {  	_ =	swait.ge [sflag:s16], $0x4000  }
0x480: {  	[sflag:s16] =	ssyncset.done $0x0  }
0x481: {  	s20 =	rddreg [dreg:$0xa];
	[sflag:s16] =	ssyncadd.s32 $0xFFFFC000  }
0x482: {  	[tilespmem:s13], [sflag:$0x2] =	stream.strided.gather [hbm4b:s20+s11], $0x4000, s12, s11, $0x38;
	[tilespmem:$0x1C700] =	vst v63  }
0x483: {  	_ =	swait.ge [sflag:s14], $0x18700  }
0x484: {  	[sflag:s14] =	ssyncset.done $0x0  }
0x485: {  	[sflag:s14] =	ssyncadd.s32 $0xFFFE7900  }
0x486: {  	_ =	swait.ge [sflag:s15], $0x4000  }
0x487: {  	[sflag:s15] =	ssyncset.done $0x0  }
0x488: {  	s18 =	simm.s32 $0x0;
	[sflag:s15] =	ssyncadd.s32 $0xFFFFC000  }
0x489: {  	v0 =	vld [tilespmem:s18+$0x18700];
	_ =	sdelay $0x5  }
0x48a: {  	v1 =	vld [tilespmem:s18+$0x18710];
	_ =	sdelay $0x1  }
0x48b: {  	v0 =	vld.idx.msk [tilespmem:v0+s28+$0x0], $0xffff;
	_ =	sdelay $0x4  }
0x48c: {  	[tilespmem:s18+$0x18700] =	vst v0;
	v0 =	vld [tilespmem:s18+$0x18720]  }
0x48d: {  	v1 =	vld.idx.msk [tilespmem:v1+s28+$0x0], $0xffff;
	_ =	sdelay $0x4  }
0x48e: {  	[tilespmem:s18+$0x18710] =	vst v1;
	v1 =	vld [tilespmem:s18+$0x18730];
	_ =	sdelay $0x1  }
0x48f: {  	v0 =	vld.idx.msk [tilespmem:v0+s28+$0x0], $0xffff;
	_ =	sdelay $0x4  }
0x490: {  	[tilespmem:s18+$0x18720] =	vst v0;
	v0 =	vld [tilespmem:s18+$0x18740]  }
0x491: {  	v1 =	vld.idx.msk [tilespmem:v1+s28+$0x0], $0xffff;
	_ =	sdelay $0x4  }
0x492: {  	[tilespmem:s18+$0x18730] =	vst v1;
	v1 =	vld [tilespmem:s18+$0x18750];
	_ =	sdelay $0x1  }
0x493: {  	v0 =	vld.idx.msk [tilespmem:v0+s28+$0x0], $0xffff;
	_ =	sdelay $0x4  }
0x494: {  	[tilespmem:s18+$0x18740] =	vst v0;
	v0 =	vld [tilespmem:s18+$0x18760]  }
0x495: {  	v1 =	vld.idx.msk [tilespmem:v1+s28+$0x0], $0xffff;
	_ =	sdelay $0x4  }
0x496: {  	[tilespmem:s18+$0x18750] =	vst v1;
	v1 =	vld [tilespmem:s18+$0x18770];
	_ =	sdelay $0x1  }
0x497: {  	v0 =	vld.idx.msk [tilespmem:v0+s28+$0x0], $0xffff;
	_ =	sdelay $0x4  }
0x498: {  	[tilespmem:s18+$0x18760] =	vst v0;
	v0 =	vld [tilespmem:s18+$0x18780]  }
0x499: {  	v1 =	vld.idx.msk [tilespmem:v1+s28+$0x0], $0xffff;
	_ =	sdelay $0x4  }
0x49a: {  	[tilespmem:s18+$0x18770] =	vst v1;
	v1 =	vld [tilespmem:s18+$0x18790];
	_ =	sdelay $0x1  }
0x49b: {  	v0 =	vld.idx.msk [tilespmem:v0+s28+$0x0], $0xffff;
	_ =	sdelay $0x4  }
0x49c: {  	[tilespmem:s18+$0x18780] =	vst v0;
	v0 =	vld [tilespmem:s18+$0x187A0]  }
0x49d: {  	v1 =	vld.idx.msk [tilespmem:v1+s28+$0x0], $0xffff;
	_ =	sdelay $0x4  }
0x49e: {  	[tilespmem:s18+$0x18790] =	vst v1;
	v1 =	vld [tilespmem:s18+$0x187B0];
	_ =	sdelay $0x1  }
0x49f: {  	v0 =	vld.idx.msk [tilespmem:v0+s28+$0x0], $0xffff;
	_ =	sdelay $0x4  }
0x4a0: {  	[tilespmem:s18+$0x187A0] =	vst v0;
	v0 =	vld [tilespmem:s18+$0x187C0]  }
0x4a1: {  	v1 =	vld.idx.msk [tilespmem:v1+s28+$0x0], $0xffff;
	_ =	sdelay $0x4  }
0x4a2: {  	[tilespmem:s18+$0x187B0] =	vst v1;
	v1 =	vld [tilespmem:s18+$0x187D0];
	_ =	sdelay $0x1  }
0x4a3: {  	v0 =	vld.idx.msk [tilespmem:v0+s28+$0x0], $0xffff;
	_ =	sdelay $0x4  }
0x4a4: {  	v2 =	vld [tilespmem:s18+$0x187E0];
	[tilespmem:s18+$0x187C0] =	vst v0  }
0x4a5: {  	v0 =	vld.idx.msk [tilespmem:v1+s28+$0x0], $0xffff;
	_ =	sdelay $0x4  }
0x4a6: {  	[tilespmem:s18+$0x187D0] =	vst v0;
	v0 =	vld [tilespmem:s18+$0x187F0];
	_ =	sdelay $0x1  }
0x4a7: {  	v1 =	vld.idx.msk [tilespmem:v2+s28+$0x0], $0xffff;
	_ =	sdelay $0x3  }
0x4a8: {  	s19 =	simm.s32 $0x800;
	s20 =	simm.s32 $0x100  }
.LBB2_20:
0x4a9: {  	p0 =	sne.s32 s19, $0xFC00;
	v2 =	vld [tilespmem:s20+$0x18700];
	[tilespmem:s18+$0x187E0] =	vst v1  }
0x4aa: {  	v0 =	vld.idx.msk [tilespmem:v0+s28+$0x0], $0xffff;
	_ =	sdelay $0x5  }
0x4ab: {  	v1 =	vld [tilespmem:s20+$0x18710];
	[tilespmem:s18+$0x187F0] =	vst v0;
	s18 =	smov.u32 s20  }
0x4ac: {  	v0 =	vld.idx.msk [tilespmem:v2+s28+$0x0], $0xffff;
	_ =	sdelay $0x5  }
0x4ad: {  	[tilespmem:s18+$0x18700] =	vst v0;
	v0 =	vld [tilespmem:s18+$0x18720]  }
0x4ae: {  	v1 =	vld.idx.msk [tilespmem:v1+s28+$0x0], $0xffff;
	_ =	sdelay $0x5  }
0x4af: {  	[tilespmem:s18+$0x18710] =	vst v1;
	v1 =	vld [tilespmem:s18+$0x18730]  }
0x4b0: {  	v0 =	vld.idx.msk [tilespmem:v0+s28+$0x0], $0xffff;
	_ =	sdelay $0x5  }
0x4b1: {  	[tilespmem:s18+$0x18720] =	vst v0;
	v0 =	vld [tilespmem:s18+$0x18740]  }
0x4b2: {  	v1 =	vld.idx.msk [tilespmem:v1+s28+$0x0], $0xffff;
	_ =	sdelay $0x5  }
0x4b3: {  	[tilespmem:s18+$0x18730] =	vst v1;
	v1 =	vld [tilespmem:s18+$0x18750]  }
0x4b4: {  	v0 =	vld.idx.msk [tilespmem:v0+s28+$0x0], $0xffff;
	_ =	sdelay $0x5  }
0x4b5: {  	[tilespmem:s18+$0x18740] =	vst v0;
	v0 =	vld [tilespmem:s18+$0x18760]  }
0x4b6: {  	v1 =	vld.idx.msk [tilespmem:v1+s28+$0x0], $0xffff;
	_ =	sdelay $0x5  }
0x4b7: {  	[tilespmem:s18+$0x18750] =	vst v1;
	v1 =	vld [tilespmem:s18+$0x18770]  }
0x4b8: {  	v0 =	vld.idx.msk [tilespmem:v0+s28+$0x0], $0xffff;
	_ =	sdelay $0x5  }
0x4b9: {  	[tilespmem:s18+$0x18760] =	vst v0;
	v0 =	vld [tilespmem:s18+$0x18780]  }
0x4ba: {  	v1 =	vld.idx.msk [tilespmem:v1+s28+$0x0], $0xffff;
	_ =	sdelay $0x5  }
0x4bb: {  	[tilespmem:s18+$0x18770] =	vst v1;
	v1 =	vld [tilespmem:s18+$0x18790]  }
0x4bc: {  	v0 =	vld.idx.msk [tilespmem:v0+s28+$0x0], $0xffff;
	_ =	sdelay $0x5  }
0x4bd: {  	[tilespmem:s18+$0x18780] =	vst v0;
	v0 =	vld [tilespmem:s18+$0x187A0]  }
0x4be: {  	v1 =	vld.idx.msk [tilespmem:v1+s28+$0x0], $0xffff;
	_ =	sdelay $0x5  }
0x4bf: {  	[tilespmem:s18+$0x18790] =	vst v1;
	v1 =	vld [tilespmem:s18+$0x187B0]  }
0x4c0: {  	v0 =	vld.idx.msk [tilespmem:v0+s28+$0x0], $0xffff;
	_ =	sdelay $0x5  }
0x4c1: {  	[tilespmem:s18+$0x187A0] =	vst v0;
	v0 =	vld [tilespmem:s18+$0x187C0]  }
0x4c2: {  	v1 =	vld.idx.msk [tilespmem:v1+s28+$0x0], $0xffff;
	_ =	sdelay $0x5  }
0x4c3: {  	[tilespmem:s18+$0x187B0] =	vst v1;
	v1 =	vld [tilespmem:s18+$0x187D0]  }
0x4c4: {  	v0 =	vld.idx.msk [tilespmem:v0+s28+$0x0], $0xffff;
	_ =	sdelay $0x5  }
0x4c5: {  	[tilespmem:s18+$0x187C0] =	vst v0;
	v2 =	vld [tilespmem:s18+$0x187E0]  }
0x4c6: {  	v0 =	vld.idx.msk [tilespmem:v1+s28+$0x0], $0xffff;
	_ =	sdelay $0x5  }
0x4c7: {  	[tilespmem:s18+$0x187D0] =	vst v0;
	v0 =	vld [tilespmem:s18+$0x187F0]  }
0x4c8: {  	v1 =	vld.idx.msk [tilespmem:v2+s28+$0x0], $0xffff  }
.Ltmp9:
0x4c9: {  	(pc) =	sbr.rel @p0 .LBB2_20-.Ltmp9, $2  }
0x4ca: {  	_ =	sdelay $0x2  }
0x4cb: {  	s20 =	sshra.s32 s19, $0x2;
	s19 =	sadd.s32 $0x400, s19  }
0x4cc: {  	_ =	sdelay $0x1  }
0x4cd: {  	v2 =	vld [tilespmem:s20+$0x18700]  }
0x4ce: {  	[tilespmem:s18+$0x187E0] =	vst v1  }
0x4cf: {  	v0 =	vld.idx.msk [tilespmem:v0+s28+$0x0], $0xffff;
	_ =	sdelay $0x3  }
0x4d0: {  	v1 =	vld [tilespmem:s20+$0x18710]  }
0x4d1: {  	[tilespmem:s18+$0x187F0] =	vst v0  }
0x4d2: {  	v0 =	vld.idx.msk [tilespmem:v2+s28+$0x0], $0xffff;
	_ =	sdelay $0x4  }
0x4d3: {  	[tilespmem:s20+$0x18700] =	vst v0;
	v0 =	vld [tilespmem:s20+$0x18720]  }
0x4d4: {  	v1 =	vld.idx.msk [tilespmem:v1+s28+$0x0], $0xffff;
	_ =	sdelay $0x4  }
0x4d5: {  	[tilespmem:s20+$0x18710] =	vst v1;
	v1 =	vld [tilespmem:s20+$0x18730];
	_ =	sdelay $0x1  }
0x4d6: {  	v0 =	vld.idx.msk [tilespmem:v0+s28+$0x0], $0xffff;
	_ =	sdelay $0x4  }
0x4d7: {  	[tilespmem:s20+$0x18720] =	vst v0;
	v0 =	vld [tilespmem:s20+$0x18740]  }
0x4d8: {  	v1 =	vld.idx.msk [tilespmem:v1+s28+$0x0], $0xffff;
	_ =	sdelay $0x4  }
0x4d9: {  	[tilespmem:s20+$0x18730] =	vst v1;
	v1 =	vld [tilespmem:s20+$0x18750];
	_ =	sdelay $0x1  }
0x4da: {  	v0 =	vld.idx.msk [tilespmem:v0+s28+$0x0], $0xffff;
	_ =	sdelay $0x4  }
0x4db: {  	[tilespmem:s20+$0x18740] =	vst v0;
	v0 =	vld [tilespmem:s20+$0x18760]  }
0x4dc: {  	v1 =	vld.idx.msk [tilespmem:v1+s28+$0x0], $0xffff;
	_ =	sdelay $0x4  }
0x4dd: {  	[tilespmem:s20+$0x18750] =	vst v1;
	v1 =	vld [tilespmem:s20+$0x18770];
	_ =	sdelay $0x1  }
0x4de: {  	v0 =	vld.idx.msk [tilespmem:v0+s28+$0x0], $0xffff;
	_ =	sdelay $0x4  }
0x4df: {  	[tilespmem:s20+$0x18760] =	vst v0;
	v0 =	vld [tilespmem:s20+$0x18780]  }
0x4e0: {  	v1 =	vld.idx.msk [tilespmem:v1+s28+$0x0], $0xffff;
	_ =	sdelay $0x4  }
0x4e1: {  	[tilespmem:s20+$0x18770] =	vst v1;
	v1 =	vld [tilespmem:s20+$0x18790];
	_ =	sdelay $0x1  }
0x4e2: {  	v0 =	vld.idx.msk [tilespmem:v0+s28+$0x0], $0xffff;
	_ =	sdelay $0x4  }
0x4e3: {  	[tilespmem:s20+$0x18780] =	vst v0;
	v0 =	vld [tilespmem:s20+$0x187A0]  }
0x4e4: {  	v1 =	vld.idx.msk [tilespmem:v1+s28+$0x0], $0xffff;
	_ =	sdelay $0x4  }
0x4e5: {  	[tilespmem:s20+$0x18790] =	vst v1;
	v1 =	vld [tilespmem:s20+$0x187B0];
	_ =	sdelay $0x1  }
0x4e6: {  	v0 =	vld.idx.msk [tilespmem:v0+s28+$0x0], $0xffff;
	_ =	sdelay $0x4  }
0x4e7: {  	[tilespmem:s20+$0x187A0] =	vst v0;
	v0 =	vld [tilespmem:s20+$0x187C0]  }
0x4e8: {  	v1 =	vld.idx.msk [tilespmem:v1+s28+$0x0], $0xffff;
	_ =	sdelay $0x4  }
0x4e9: {  	[tilespmem:s20+$0x187B0] =	vst v1;
	v1 =	vld [tilespmem:s20+$0x187D0];
	_ =	sdelay $0x1  }
0x4ea: {  	v0 =	vld.idx.msk [tilespmem:v0+s28+$0x0], $0xffff;
	_ =	sdelay $0x4  }
0x4eb: {  	[tilespmem:s20+$0x187C0] =	vst v0;
	v0 =	vld [tilespmem:s20+$0x187E0]  }
0x4ec: {  	v1 =	vld.idx.msk [tilespmem:v1+s28+$0x0], $0xffff;
	_ =	sdelay $0x4  }
0x4ed: {  	[tilespmem:s20+$0x187D0] =	vst v1;
	v1 =	vld [tilespmem:s20+$0x187F0];
	_ =	sdelay $0x1  }
0x4ee: {  	v0 =	vld.idx.msk [tilespmem:v0+s28+$0x0], $0xffff;
	_ =	sdelay $0x4  }
0x4ef: {  	[tilespmem:s20+$0x187E0] =	vst v0  }
0x4f0: {  	v0 =	vld.idx.msk [tilespmem:v1+s28+$0x0], $0xffff;
	_ =	sdelay $0x4  }
0x4f1: {  	s19 =	simm.s32 $0x0;
	[tilespmem:s20+$0x187F0] =	vst v0  }
0x4f2: {  	[tilespmem:s19], [sflag:$0x1] =	stream.strided.gather [hbm4b:s22+s11], $0x18700, s12, s11, $0x38;
	[tilespmem:$0x1C700] =	vst v63  }
0x4f3: {  	_ = 	snop  }
0x4f4: {  	[hbm4b:s6+s11] =	stream.strided.scatter [tilespmem:s13], [sflag:$0x3], $0x4000, s12, s11, $0x38;
	[tilespmem:$0x1C700] =	vst v63  }
0x4f5: {  	_ =	swait.ge [sflag:s16], $0x4000  }
0x4f6: {  	[sflag:s16] =	ssyncset.done $0x0  }
0x4f7: {  	s20 =	rddreg [dreg:$0xb];
	[sflag:s16] =	ssyncadd.s32 $0xFFFFC000  }
0x4f8: {  	[tilespmem:s13], [sflag:$0x2] =	stream.strided.gather [hbm4b:s20+s11], $0x4000, s12, s11, $0x38;
	[tilespmem:$0x1C700] =	vst v63  }
0x4f9: {  	_ =	swait.ge [sflag:s14], $0x18700  }
0x4fa: {  	[sflag:s14] =	ssyncset.done $0x0  }
0x4fb: {  	[sflag:s14] =	ssyncadd.s32 $0xFFFE7900  }
0x4fc: {  	_ =	swait.ge [sflag:s15], $0x4000  }
0x4fd: {  	[sflag:s15] =	ssyncset.done $0x0  }
0x4fe: {  	s18 =	simm.s32 $0x0;
	[sflag:s15] =	ssyncadd.s32 $0xFFFFC000  }
0x4ff: {  	v0 =	vld [tilespmem:s18+$0x18700];
	_ =	sdelay $0x5  }
0x500: {  	v1 =	vld [tilespmem:s18+$0x18710];
	_ =	sdelay $0x1  }
0x501: {  	v0 =	vld.idx.msk [tilespmem:v0+s28+$0x0], $0xffff;
	_ =	sdelay $0x4  }
0x502: {  	[tilespmem:s18+$0x18700] =	vst v0;
	v0 =	vld [tilespmem:s18+$0x18720]  }
0x503: {  	v1 =	vld.idx.msk [tilespmem:v1+s28+$0x0], $0xffff;
	_ =	sdelay $0x4  }
0x504: {  	[tilespmem:s18+$0x18710] =	vst v1;
	v1 =	vld [tilespmem:s18+$0x18730];
	_ =	sdelay $0x1  }
0x505: {  	v0 =	vld.idx.msk [tilespmem:v0+s28+$0x0], $0xffff;
	_ =	sdelay $0x4  }
0x506: {  	[tilespmem:s18+$0x18720] =	vst v0;
	v0 =	vld [tilespmem:s18+$0x18740]  }
0x507: {  	v1 =	vld.idx.msk [tilespmem:v1+s28+$0x0], $0xffff;
	_ =	sdelay $0x4  }
0x508: {  	[tilespmem:s18+$0x18730] =	vst v1;
	v1 =	vld [tilespmem:s18+$0x18750];
	_ =	sdelay $0x1  }
0x509: {  	v0 =	vld.idx.msk [tilespmem:v0+s28+$0x0], $0xffff;
	_ =	sdelay $0x4  }
0x50a: {  	[tilespmem:s18+$0x18740] =	vst v0;
	v0 =	vld [tilespmem:s18+$0x18760]  }
0x50b: {  	v1 =	vld.idx.msk [tilespmem:v1+s28+$0x0], $0xffff;
	_ =	sdelay $0x4  }
0x50c: {  	[tilespmem:s18+$0x18750] =	vst v1;
	v1 =	vld [tilespmem:s18+$0x18770];
	_ =	sdelay $0x1  }
0x50d: {  	v0 =	vld.idx.msk [tilespmem:v0+s28+$0x0], $0xffff;
	_ =	sdelay $0x4  }
0x50e: {  	[tilespmem:s18+$0x18760] =	vst v0;
	v0 =	vld [tilespmem:s18+$0x18780]  }
0x50f: {  	v1 =	vld.idx.msk [tilespmem:v1+s28+$0x0], $0xffff;
	_ =	sdelay $0x4  }
0x510: {  	[tilespmem:s18+$0x18770] =	vst v1;
	v1 =	vld [tilespmem:s18+$0x18790];
	_ =	sdelay $0x1  }
0x511: {  	v0 =	vld.idx.msk [tilespmem:v0+s28+$0x0], $0xffff;
	_ =	sdelay $0x4  }
0x512: {  	[tilespmem:s18+$0x18780] =	vst v0;
	v0 =	vld [tilespmem:s18+$0x187A0]  }
0x513: {  	v1 =	vld.idx.msk [tilespmem:v1+s28+$0x0], $0xffff;
	_ =	sdelay $0x4  }
0x514: {  	[tilespmem:s18+$0x18790] =	vst v1;
	v1 =	vld [tilespmem:s18+$0x187B0];
	_ =	sdelay $0x1  }
0x515: {  	v0 =	vld.idx.msk [tilespmem:v0+s28+$0x0], $0xffff;
	_ =	sdelay $0x4  }
0x516: {  	[tilespmem:s18+$0x187A0] =	vst v0;
	v0 =	vld [tilespmem:s18+$0x187C0]  }
0x517: {  	v1 =	vld.idx.msk [tilespmem:v1+s28+$0x0], $0xffff;
	_ =	sdelay $0x4  }
0x518: {  	[tilespmem:s18+$0x187B0] =	vst v1;
	v1 =	vld [tilespmem:s18+$0x187D0];
	_ =	sdelay $0x1  }
0x519: {  	v0 =	vld.idx.msk [tilespmem:v0+s28+$0x0], $0xffff;
	_ =	sdelay $0x4  }
0x51a: {  	v2 =	vld [tilespmem:s18+$0x187E0];
	[tilespmem:s18+$0x187C0] =	vst v0  }
0x51b: {  	v0 =	vld.idx.msk [tilespmem:v1+s28+$0x0], $0xffff;
	_ =	sdelay $0x4  }
0x51c: {  	[tilespmem:s18+$0x187D0] =	vst v0;
	v0 =	vld [tilespmem:s18+$0x187F0];
	_ =	sdelay $0x1  }
0x51d: {  	v1 =	vld.idx.msk [tilespmem:v2+s28+$0x0], $0xffff;
	_ =	sdelay $0x3  }
0x51e: {  	s19 =	simm.s32 $0x800;
	s20 =	simm.s32 $0x100  }
.LBB2_22:
0x51f: {  	p0 =	sne.s32 s19, $0xFC00;
	v2 =	vld [tilespmem:s20+$0x18700];
	[tilespmem:s18+$0x187E0] =	vst v1  }
0x520: {  	v0 =	vld.idx.msk [tilespmem:v0+s28+$0x0], $0xffff;
	_ =	sdelay $0x5  }
0x521: {  	v1 =	vld [tilespmem:s20+$0x18710];
	[tilespmem:s18+$0x187F0] =	vst v0;
	s18 =	smov.u32 s20  }
0x522: {  	v0 =	vld.idx.msk [tilespmem:v2+s28+$0x0], $0xffff;
	_ =	sdelay $0x5  }
0x523: {  	[tilespmem:s18+$0x18700] =	vst v0;
	v0 =	vld [tilespmem:s18+$0x18720]  }
0x524: {  	v1 =	vld.idx.msk [tilespmem:v1+s28+$0x0], $0xffff;
	_ =	sdelay $0x5  }
0x525: {  	[tilespmem:s18+$0x18710] =	vst v1;
	v1 =	vld [tilespmem:s18+$0x18730]  }
0x526: {  	v0 =	vld.idx.msk [tilespmem:v0+s28+$0x0], $0xffff;
	_ =	sdelay $0x5  }
0x527: {  	[tilespmem:s18+$0x18720] =	vst v0;
	v0 =	vld [tilespmem:s18+$0x18740]  }
0x528: {  	v1 =	vld.idx.msk [tilespmem:v1+s28+$0x0], $0xffff;
	_ =	sdelay $0x5  }
0x529: {  	[tilespmem:s18+$0x18730] =	vst v1;
	v1 =	vld [tilespmem:s18+$0x18750]  }
0x52a: {  	v0 =	vld.idx.msk [tilespmem:v0+s28+$0x0], $0xffff;
	_ =	sdelay $0x5  }
0x52b: {  	[tilespmem:s18+$0x18740] =	vst v0;
	v0 =	vld [tilespmem:s18+$0x18760]  }
0x52c: {  	v1 =	vld.idx.msk [tilespmem:v1+s28+$0x0], $0xffff;
	_ =	sdelay $0x5  }
0x52d: {  	[tilespmem:s18+$0x18750] =	vst v1;
	v1 =	vld [tilespmem:s18+$0x18770]  }
0x52e: {  	v0 =	vld.idx.msk [tilespmem:v0+s28+$0x0], $0xffff;
	_ =	sdelay $0x5  }
0x52f: {  	[tilespmem:s18+$0x18760] =	vst v0;
	v0 =	vld [tilespmem:s18+$0x18780]  }
0x530: {  	v1 =	vld.idx.msk [tilespmem:v1+s28+$0x0], $0xffff;
	_ =	sdelay $0x5  }
0x531: {  	[tilespmem:s18+$0x18770] =	vst v1;
	v1 =	vld [tilespmem:s18+$0x18790]  }
0x532: {  	v0 =	vld.idx.msk [tilespmem:v0+s28+$0x0], $0xffff;
	_ =	sdelay $0x5  }
0x533: {  	[tilespmem:s18+$0x18780] =	vst v0;
	v0 =	vld [tilespmem:s18+$0x187A0]  }
0x534: {  	v1 =	vld.idx.msk [tilespmem:v1+s28+$0x0], $0xffff;
	_ =	sdelay $0x5  }
0x535: {  	[tilespmem:s18+$0x18790] =	vst v1;
	v1 =	vld [tilespmem:s18+$0x187B0]  }
0x536: {  	v0 =	vld.idx.msk [tilespmem:v0+s28+$0x0], $0xffff;
	_ =	sdelay $0x5  }
0x537: {  	[tilespmem:s18+$0x187A0] =	vst v0;
	v0 =	vld [tilespmem:s18+$0x187C0]  }
0x538: {  	v1 =	vld.idx.msk [tilespmem:v1+s28+$0x0], $0xffff;
	_ =	sdelay $0x5  }
0x539: {  	[tilespmem:s18+$0x187B0] =	vst v1;
	v1 =	vld [tilespmem:s18+$0x187D0]  }
0x53a: {  	v0 =	vld.idx.msk [tilespmem:v0+s28+$0x0], $0xffff;
	_ =	sdelay $0x5  }
0x53b: {  	[tilespmem:s18+$0x187C0] =	vst v0;
	v2 =	vld [tilespmem:s18+$0x187E0]  }
0x53c: {  	v0 =	vld.idx.msk [tilespmem:v1+s28+$0x0], $0xffff;
	_ =	sdelay $0x5  }
0x53d: {  	[tilespmem:s18+$0x187D0] =	vst v0;
	v0 =	vld [tilespmem:s18+$0x187F0]  }
0x53e: {  	v1 =	vld.idx.msk [tilespmem:v2+s28+$0x0], $0xffff  }
.Ltmp10:
0x53f: {  	(pc) =	sbr.rel @p0 .LBB2_22-.Ltmp10, $2  }
0x540: {  	_ =	sdelay $0x2  }
0x541: {  	s20 =	sshra.s32 s19, $0x2;
	s19 =	sadd.s32 $0x400, s19  }
0x542: {  	_ =	sdelay $0x1  }
0x543: {  	v2 =	vld [tilespmem:s20+$0x18700]  }
0x544: {  	[tilespmem:s18+$0x187E0] =	vst v1  }
0x545: {  	v0 =	vld.idx.msk [tilespmem:v0+s28+$0x0], $0xffff;
	_ =	sdelay $0x3  }
0x546: {  	v1 =	vld [tilespmem:s20+$0x18710]  }
0x547: {  	[tilespmem:s18+$0x187F0] =	vst v0  }
0x548: {  	v0 =	vld.idx.msk [tilespmem:v2+s28+$0x0], $0xffff;
	_ =	sdelay $0x4  }
0x549: {  	[tilespmem:s20+$0x18700] =	vst v0;
	v0 =	vld [tilespmem:s20+$0x18720]  }
0x54a: {  	v1 =	vld.idx.msk [tilespmem:v1+s28+$0x0], $0xffff;
	_ =	sdelay $0x4  }
0x54b: {  	[tilespmem:s20+$0x18710] =	vst v1;
	v1 =	vld [tilespmem:s20+$0x18730];
	_ =	sdelay $0x1  }
0x54c: {  	v0 =	vld.idx.msk [tilespmem:v0+s28+$0x0], $0xffff;
	_ =	sdelay $0x4  }
0x54d: {  	[tilespmem:s20+$0x18720] =	vst v0;
	v0 =	vld [tilespmem:s20+$0x18740]  }
0x54e: {  	v1 =	vld.idx.msk [tilespmem:v1+s28+$0x0], $0xffff;
	_ =	sdelay $0x4  }
0x54f: {  	[tilespmem:s20+$0x18730] =	vst v1;
	v1 =	vld [tilespmem:s20+$0x18750];
	_ =	sdelay $0x1  }
0x550: {  	v0 =	vld.idx.msk [tilespmem:v0+s28+$0x0], $0xffff;
	_ =	sdelay $0x4  }
0x551: {  	[tilespmem:s20+$0x18740] =	vst v0;
	v0 =	vld [tilespmem:s20+$0x18760]  }
0x552: {  	v1 =	vld.idx.msk [tilespmem:v1+s28+$0x0], $0xffff;
	_ =	sdelay $0x4  }
0x553: {  	[tilespmem:s20+$0x18750] =	vst v1;
	v1 =	vld [tilespmem:s20+$0x18770];
	_ =	sdelay $0x1  }
0x554: {  	v0 =	vld.idx.msk [tilespmem:v0+s28+$0x0], $0xffff;
	_ =	sdelay $0x4  }
0x555: {  	[tilespmem:s20+$0x18760] =	vst v0;
	v0 =	vld [tilespmem:s20+$0x18780]  }
0x556: {  	v1 =	vld.idx.msk [tilespmem:v1+s28+$0x0], $0xffff;
	_ =	sdelay $0x4  }
0x557: {  	[tilespmem:s20+$0x18770] =	vst v1;
	v1 =	vld [tilespmem:s20+$0x18790];
	_ =	sdelay $0x1  }
0x558: {  	v0 =	vld.idx.msk [tilespmem:v0+s28+$0x0], $0xffff;
	_ =	sdelay $0x4  }
0x559: {  	[tilespmem:s20+$0x18780] =	vst v0;
	v0 =	vld [tilespmem:s20+$0x187A0]  }
0x55a: {  	v1 =	vld.idx.msk [tilespmem:v1+s28+$0x0], $0xffff;
	_ =	sdelay $0x4  }
0x55b: {  	[tilespmem:s20+$0x18790] =	vst v1;
	v1 =	vld [tilespmem:s20+$0x187B0];
	_ =	sdelay $0x1  }
0x55c: {  	v0 =	vld.idx.msk [tilespmem:v0+s28+$0x0], $0xffff;
	_ =	sdelay $0x4  }
0x55d: {  	[tilespmem:s20+$0x187A0] =	vst v0;
	v0 =	vld [tilespmem:s20+$0x187C0]  }
0x55e: {  	v1 =	vld.idx.msk [tilespmem:v1+s28+$0x0], $0xffff;
	_ =	sdelay $0x4  }
0x55f: {  	[tilespmem:s20+$0x187B0] =	vst v1;
	v1 =	vld [tilespmem:s20+$0x187D0];
	_ =	sdelay $0x1  }
0x560: {  	v0 =	vld.idx.msk [tilespmem:v0+s28+$0x0], $0xffff;
	_ =	sdelay $0x4  }
0x561: {  	[tilespmem:s20+$0x187C0] =	vst v0;
	v0 =	vld [tilespmem:s20+$0x187E0]  }
0x562: {  	v1 =	vld.idx.msk [tilespmem:v1+s28+$0x0], $0xffff;
	_ =	sdelay $0x4  }
0x563: {  	[tilespmem:s20+$0x187D0] =	vst v1;
	v1 =	vld [tilespmem:s20+$0x187F0];
	_ =	sdelay $0x1  }
0x564: {  	v0 =	vld.idx.msk [tilespmem:v0+s28+$0x0], $0xffff;
	_ =	sdelay $0x4  }
0x565: {  	[tilespmem:s20+$0x187E0] =	vst v0  }
0x566: {  	v0 =	vld.idx.msk [tilespmem:v1+s28+$0x0], $0xffff;
	_ =	sdelay $0x4  }
0x567: {  	s19 =	simm.s32 $0x0;
	[tilespmem:s20+$0x187F0] =	vst v0  }
0x568: {  	[tilespmem:s19], [sflag:$0x1] =	stream.strided.gather [hbm4b:s23+s11], $0x18700, s12, s11, $0x38;
	[tilespmem:$0x1C700] =	vst v63  }
0x569: {  	_ = 	snop  }
0x56a: {  	[hbm4b:s7+s11] =	stream.strided.scatter [tilespmem:s13], [sflag:$0x3], $0x4000, s12, s11, $0x38;
	[tilespmem:$0x1C700] =	vst v63  }
0x56b: {  	_ =	swait.ge [sflag:s16], $0x4000  }
0x56c: {  	[sflag:s16] =	ssyncset.done $0x0  }
0x56d: {  	s20 =	rddreg [dreg:$0xc];
	[sflag:s16] =	ssyncadd.s32 $0xFFFFC000  }
0x56e: {  	[tilespmem:s13], [sflag:$0x2] =	stream.strided.gather [hbm4b:s20+s11], $0x4000, s12, s11, $0x38;
	[tilespmem:$0x1C700] =	vst v63  }
0x56f: {  	_ =	swait.ge [sflag:s14], $0x18700  }
0x570: {  	[sflag:s14] =	ssyncset.done $0x0  }
0x571: {  	[sflag:s14] =	ssyncadd.s32 $0xFFFE7900  }
0x572: {  	_ =	swait.ge [sflag:s15], $0x4000  }
0x573: {  	[sflag:s15] =	ssyncset.done $0x0  }
0x574: {  	s18 =	simm.s32 $0x0;
	[sflag:s15] =	ssyncadd.s32 $0xFFFFC000  }
0x575: {  	v0 =	vld [tilespmem:s18+$0x18700];
	_ =	sdelay $0x5  }
0x576: {  	v1 =	vld [tilespmem:s18+$0x18710];
	_ =	sdelay $0x1  }
0x577: {  	v0 =	vld.idx.msk [tilespmem:v0+s28+$0x0], $0xffff;
	_ =	sdelay $0x4  }
0x578: {  	[tilespmem:s18+$0x18700] =	vst v0;
	v0 =	vld [tilespmem:s18+$0x18720]  }
0x579: {  	v1 =	vld.idx.msk [tilespmem:v1+s28+$0x0], $0xffff;
	_ =	sdelay $0x4  }
0x57a: {  	[tilespmem:s18+$0x18710] =	vst v1;
	v1 =	vld [tilespmem:s18+$0x18730];
	_ =	sdelay $0x1  }
0x57b: {  	v0 =	vld.idx.msk [tilespmem:v0+s28+$0x0], $0xffff;
	_ =	sdelay $0x4  }
0x57c: {  	[tilespmem:s18+$0x18720] =	vst v0;
	v0 =	vld [tilespmem:s18+$0x18740]  }
0x57d: {  	v1 =	vld.idx.msk [tilespmem:v1+s28+$0x0], $0xffff;
	_ =	sdelay $0x4  }
0x57e: {  	[tilespmem:s18+$0x18730] =	vst v1;
	v1 =	vld [tilespmem:s18+$0x18750];
	_ =	sdelay $0x1  }
0x57f: {  	v0 =	vld.idx.msk [tilespmem:v0+s28+$0x0], $0xffff;
	_ =	sdelay $0x4  }
0x580: {  	[tilespmem:s18+$0x18740] =	vst v0;
	v0 =	vld [tilespmem:s18+$0x18760]  }
0x581: {  	v1 =	vld.idx.msk [tilespmem:v1+s28+$0x0], $0xffff;
	_ =	sdelay $0x4  }
0x582: {  	[tilespmem:s18+$0x18750] =	vst v1;
	v1 =	vld [tilespmem:s18+$0x18770];
	_ =	sdelay $0x1  }
0x583: {  	v0 =	vld.idx.msk [tilespmem:v0+s28+$0x0], $0xffff;
	_ =	sdelay $0x4  }
0x584: {  	[tilespmem:s18+$0x18760] =	vst v0;
	v0 =	vld [tilespmem:s18+$0x18780]  }
0x585: {  	v1 =	vld.idx.msk [tilespmem:v1+s28+$0x0], $0xffff;
	_ =	sdelay $0x4  }
0x586: {  	[tilespmem:s18+$0x18770] =	vst v1;
	v1 =	vld [tilespmem:s18+$0x18790];
	_ =	sdelay $0x1  }
0x587: {  	v0 =	vld.idx.msk [tilespmem:v0+s28+$0x0], $0xffff;
	_ =	sdelay $0x4  }
0x588: {  	[tilespmem:s18+$0x18780] =	vst v0;
	v0 =	vld [tilespmem:s18+$0x187A0]  }
0x589: {  	v1 =	vld.idx.msk [tilespmem:v1+s28+$0x0], $0xffff;
	_ =	sdelay $0x4  }
0x58a: {  	[tilespmem:s18+$0x18790] =	vst v1;
	v1 =	vld [tilespmem:s18+$0x187B0];
	_ =	sdelay $0x1  }
0x58b: {  	v0 =	vld.idx.msk [tilespmem:v0+s28+$0x0], $0xffff;
	_ =	sdelay $0x4  }
0x58c: {  	[tilespmem:s18+$0x187A0] =	vst v0;
	v0 =	vld [tilespmem:s18+$0x187C0]  }
0x58d: {  	v1 =	vld.idx.msk [tilespmem:v1+s28+$0x0], $0xffff;
	_ =	sdelay $0x4  }
0x58e: {  	[tilespmem:s18+$0x187B0] =	vst v1;
	v1 =	vld [tilespmem:s18+$0x187D0];
	_ =	sdelay $0x1  }
0x58f: {  	v0 =	vld.idx.msk [tilespmem:v0+s28+$0x0], $0xffff;
	_ =	sdelay $0x4  }
0x590: {  	v2 =	vld [tilespmem:s18+$0x187E0];
	[tilespmem:s18+$0x187C0] =	vst v0  }
0x591: {  	v0 =	vld.idx.msk [tilespmem:v1+s28+$0x0], $0xffff;
	_ =	sdelay $0x4  }
0x592: {  	[tilespmem:s18+$0x187D0] =	vst v0;
	v0 =	vld [tilespmem:s18+$0x187F0];
	_ =	sdelay $0x1  }
0x593: {  	v1 =	vld.idx.msk [tilespmem:v2+s28+$0x0], $0xffff;
	_ =	sdelay $0x3  }
0x594: {  	s19 =	simm.s32 $0x800;
	s20 =	simm.s32 $0x100  }
.LBB2_24:
0x595: {  	p0 =	sne.s32 s19, $0xFC00;
	v2 =	vld [tilespmem:s20+$0x18700];
	[tilespmem:s18+$0x187E0] =	vst v1  }
0x596: {  	v0 =	vld.idx.msk [tilespmem:v0+s28+$0x0], $0xffff;
	_ =	sdelay $0x5  }
0x597: {  	v1 =	vld [tilespmem:s20+$0x18710];
	[tilespmem:s18+$0x187F0] =	vst v0;
	s18 =	smov.u32 s20  }
0x598: {  	v0 =	vld.idx.msk [tilespmem:v2+s28+$0x0], $0xffff;
	_ =	sdelay $0x5  }
0x599: {  	[tilespmem:s18+$0x18700] =	vst v0;
	v0 =	vld [tilespmem:s18+$0x18720]  }
0x59a: {  	v1 =	vld.idx.msk [tilespmem:v1+s28+$0x0], $0xffff;
	_ =	sdelay $0x5  }
0x59b: {  	[tilespmem:s18+$0x18710] =	vst v1;
	v1 =	vld [tilespmem:s18+$0x18730]  }
0x59c: {  	v0 =	vld.idx.msk [tilespmem:v0+s28+$0x0], $0xffff;
	_ =	sdelay $0x5  }
0x59d: {  	[tilespmem:s18+$0x18720] =	vst v0;
	v0 =	vld [tilespmem:s18+$0x18740]  }
0x59e: {  	v1 =	vld.idx.msk [tilespmem:v1+s28+$0x0], $0xffff;
	_ =	sdelay $0x5  }
0x59f: {  	[tilespmem:s18+$0x18730] =	vst v1;
	v1 =	vld [tilespmem:s18+$0x18750]  }
0x5a0: {  	v0 =	vld.idx.msk [tilespmem:v0+s28+$0x0], $0xffff;
	_ =	sdelay $0x5  }
0x5a1: {  	[tilespmem:s18+$0x18740] =	vst v0;
	v0 =	vld [tilespmem:s18+$0x18760]  }
0x5a2: {  	v1 =	vld.idx.msk [tilespmem:v1+s28+$0x0], $0xffff;
	_ =	sdelay $0x5  }
0x5a3: {  	[tilespmem:s18+$0x18750] =	vst v1;
	v1 =	vld [tilespmem:s18+$0x18770]  }
0x5a4: {  	v0 =	vld.idx.msk [tilespmem:v0+s28+$0x0], $0xffff;
	_ =	sdelay $0x5  }
0x5a5: {  	[tilespmem:s18+$0x18760] =	vst v0;
	v0 =	vld [tilespmem:s18+$0x18780]  }
0x5a6: {  	v1 =	vld.idx.msk [tilespmem:v1+s28+$0x0], $0xffff;
	_ =	sdelay $0x5  }
0x5a7: {  	[tilespmem:s18+$0x18770] =	vst v1;
	v1 =	vld [tilespmem:s18+$0x18790]  }
0x5a8: {  	v0 =	vld.idx.msk [tilespmem:v0+s28+$0x0], $0xffff;
	_ =	sdelay $0x5  }
0x5a9: {  	[tilespmem:s18+$0x18780] =	vst v0;
	v0 =	vld [tilespmem:s18+$0x187A0]  }
0x5aa: {  	v1 =	vld.idx.msk [tilespmem:v1+s28+$0x0], $0xffff;
	_ =	sdelay $0x5  }
0x5ab: {  	[tilespmem:s18+$0x18790] =	vst v1;
	v1 =	vld [tilespmem:s18+$0x187B0]  }
0x5ac: {  	v0 =	vld.idx.msk [tilespmem:v0+s28+$0x0], $0xffff;
	_ =	sdelay $0x5  }
0x5ad: {  	[tilespmem:s18+$0x187A0] =	vst v0;
	v0 =	vld [tilespmem:s18+$0x187C0]  }
0x5ae: {  	v1 =	vld.idx.msk [tilespmem:v1+s28+$0x0], $0xffff;
	_ =	sdelay $0x5  }
0x5af: {  	[tilespmem:s18+$0x187B0] =	vst v1;
	v1 =	vld [tilespmem:s18+$0x187D0]  }
0x5b0: {  	v0 =	vld.idx.msk [tilespmem:v0+s28+$0x0], $0xffff;
	_ =	sdelay $0x5  }
0x5b1: {  	[tilespmem:s18+$0x187C0] =	vst v0;
	v2 =	vld [tilespmem:s18+$0x187E0]  }
0x5b2: {  	v0 =	vld.idx.msk [tilespmem:v1+s28+$0x0], $0xffff;
	_ =	sdelay $0x5  }
0x5b3: {  	[tilespmem:s18+$0x187D0] =	vst v0;
	v0 =	vld [tilespmem:s18+$0x187F0]  }
0x5b4: {  	v1 =	vld.idx.msk [tilespmem:v2+s28+$0x0], $0xffff  }
.Ltmp11:
0x5b5: {  	(pc) =	sbr.rel @p0 .LBB2_24-.Ltmp11, $2  }
0x5b6: {  	_ =	sdelay $0x2  }
0x5b7: {  	s20 =	sshra.s32 s19, $0x2;
	s19 =	sadd.s32 $0x400, s19  }
0x5b8: {  	_ =	sdelay $0x1  }
0x5b9: {  	v2 =	vld [tilespmem:s20+$0x18700]  }
0x5ba: {  	[tilespmem:s18+$0x187E0] =	vst v1  }
0x5bb: {  	v0 =	vld.idx.msk [tilespmem:v0+s28+$0x0], $0xffff;
	_ =	sdelay $0x3  }
0x5bc: {  	v1 =	vld [tilespmem:s20+$0x18710]  }
0x5bd: {  	[tilespmem:s18+$0x187F0] =	vst v0  }
0x5be: {  	v0 =	vld.idx.msk [tilespmem:v2+s28+$0x0], $0xffff;
	_ =	sdelay $0x4  }
0x5bf: {  	[tilespmem:s20+$0x18700] =	vst v0;
	v0 =	vld [tilespmem:s20+$0x18720]  }
0x5c0: {  	v1 =	vld.idx.msk [tilespmem:v1+s28+$0x0], $0xffff;
	_ =	sdelay $0x4  }
0x5c1: {  	[tilespmem:s20+$0x18710] =	vst v1;
	v1 =	vld [tilespmem:s20+$0x18730];
	_ =	sdelay $0x1  }
0x5c2: {  	v0 =	vld.idx.msk [tilespmem:v0+s28+$0x0], $0xffff;
	_ =	sdelay $0x4  }
0x5c3: {  	[tilespmem:s20+$0x18720] =	vst v0;
	v0 =	vld [tilespmem:s20+$0x18740]  }
0x5c4: {  	v1 =	vld.idx.msk [tilespmem:v1+s28+$0x0], $0xffff;
	_ =	sdelay $0x4  }
0x5c5: {  	[tilespmem:s20+$0x18730] =	vst v1;
	v1 =	vld [tilespmem:s20+$0x18750];
	_ =	sdelay $0x1  }
0x5c6: {  	v0 =	vld.idx.msk [tilespmem:v0+s28+$0x0], $0xffff;
	_ =	sdelay $0x4  }
0x5c7: {  	[tilespmem:s20+$0x18740] =	vst v0;
	v0 =	vld [tilespmem:s20+$0x18760]  }
0x5c8: {  	v1 =	vld.idx.msk [tilespmem:v1+s28+$0x0], $0xffff;
	_ =	sdelay $0x4  }
0x5c9: {  	[tilespmem:s20+$0x18750] =	vst v1;
	v1 =	vld [tilespmem:s20+$0x18770];
	_ =	sdelay $0x1  }
0x5ca: {  	v0 =	vld.idx.msk [tilespmem:v0+s28+$0x0], $0xffff;
	_ =	sdelay $0x4  }
0x5cb: {  	[tilespmem:s20+$0x18760] =	vst v0;
	v0 =	vld [tilespmem:s20+$0x18780]  }
0x5cc: {  	v1 =	vld.idx.msk [tilespmem:v1+s28+$0x0], $0xffff;
	_ =	sdelay $0x4  }
0x5cd: {  	[tilespmem:s20+$0x18770] =	vst v1;
	v1 =	vld [tilespmem:s20+$0x18790];
	_ =	sdelay $0x1  }
0x5ce: {  	v0 =	vld.idx.msk [tilespmem:v0+s28+$0x0], $0xffff;
	_ =	sdelay $0x4  }
0x5cf: {  	[tilespmem:s20+$0x18780] =	vst v0;
	v0 =	vld [tilespmem:s20+$0x187A0]  }
0x5d0: {  	v1 =	vld.idx.msk [tilespmem:v1+s28+$0x0], $0xffff;
	_ =	sdelay $0x4  }
0x5d1: {  	[tilespmem:s20+$0x18790] =	vst v1;
	v1 =	vld [tilespmem:s20+$0x187B0];
	_ =	sdelay $0x1  }
0x5d2: {  	v0 =	vld.idx.msk [tilespmem:v0+s28+$0x0], $0xffff;
	_ =	sdelay $0x4  }
0x5d3: {  	[tilespmem:s20+$0x187A0] =	vst v0;
	v0 =	vld [tilespmem:s20+$0x187C0]  }
0x5d4: {  	v1 =	vld.idx.msk [tilespmem:v1+s28+$0x0], $0xffff;
	_ =	sdelay $0x4  }
0x5d5: {  	[tilespmem:s20+$0x187B0] =	vst v1;
	v1 =	vld [tilespmem:s20+$0x187D0];
	_ =	sdelay $0x1  }
0x5d6: {  	v0 =	vld.idx.msk [tilespmem:v0+s28+$0x0], $0xffff;
	_ =	sdelay $0x4  }
0x5d7: {  	[tilespmem:s20+$0x187C0] =	vst v0;
	v0 =	vld [tilespmem:s20+$0x187E0]  }
0x5d8: {  	v1 =	vld.idx.msk [tilespmem:v1+s28+$0x0], $0xffff;
	_ =	sdelay $0x4  }
0x5d9: {  	[tilespmem:s20+$0x187D0] =	vst v1;
	v1 =	vld [tilespmem:s20+$0x187F0];
	_ =	sdelay $0x1  }
0x5da: {  	v0 =	vld.idx.msk [tilespmem:v0+s28+$0x0], $0xffff;
	_ =	sdelay $0x4  }
0x5db: {  	[tilespmem:s20+$0x187E0] =	vst v0  }
0x5dc: {  	v0 =	vld.idx.msk [tilespmem:v1+s28+$0x0], $0xffff;
	_ =	sdelay $0x4  }
0x5dd: {  	[tilespmem:s20+$0x187F0] =	vst v0;
	s20 =	simm.s32 $0x0  }
0x5de: {  	[tilespmem:s20], [sflag:$0x1] =	stream.strided.gather [hbm4b:s24+s11], $0x18700, s12, s11, $0x38;
	[tilespmem:$0x1C700] =	vst v63  }
0x5df: {  	_ = 	snop  }
0x5e0: {  	[hbm4b:s8+s11] =	stream.strided.scatter [tilespmem:s13], [sflag:$0x3], $0x4000, s12, s11, $0x38;
	[tilespmem:$0x1C700] =	vst v63  }
0x5e1: {  	_ =	swait.ge [sflag:s16], $0x4000  }
0x5e2: {  	[sflag:s16] =	ssyncset.done $0x0  }
0x5e3: {  	[sflag:s16] =	ssyncadd.s32 $0xFFFFC000  }
0x5e4: {  	[tilespmem:s13], [sflag:$0x2] =	stream.strided.gather [hbm4b:s26+s11], $0x4000, s12, s11, $0x38;
	[tilespmem:$0x1C700] =	vst v63  }
0x5e5: {  	_ =	swait.ge [sflag:s14], $0x18700  }
0x5e6: {  	[sflag:s14] =	ssyncset.done $0x0  }
0x5e7: {  	[sflag:s14] =	ssyncadd.s32 $0xFFFE7900  }
0x5e8: {  	_ =	swait.ge [sflag:s15], $0x4000  }
0x5e9: {  	[sflag:s15] =	ssyncset.done $0x0  }
0x5ea: {  	s18 =	simm.s32 $0x0;
	[sflag:s15] =	ssyncadd.s32 $0xFFFFC000  }
0x5eb: {  	v0 =	vld [tilespmem:s18+$0x18700];
	_ =	sdelay $0x5  }
0x5ec: {  	v1 =	vld [tilespmem:s18+$0x18710];
	_ =	sdelay $0x1  }
0x5ed: {  	v0 =	vld.idx.msk [tilespmem:v0+s28+$0x0], $0xffff;
	_ =	sdelay $0x4  }
0x5ee: {  	[tilespmem:s18+$0x18700] =	vst v0;
	v0 =	vld [tilespmem:s18+$0x18720]  }
0x5ef: {  	v1 =	vld.idx.msk [tilespmem:v1+s28+$0x0], $0xffff;
	_ =	sdelay $0x4  }
0x5f0: {  	[tilespmem:s18+$0x18710] =	vst v1;
	v1 =	vld [tilespmem:s18+$0x18730];
	_ =	sdelay $0x1  }
0x5f1: {  	v0 =	vld.idx.msk [tilespmem:v0+s28+$0x0], $0xffff;
	_ =	sdelay $0x4  }
0x5f2: {  	[tilespmem:s18+$0x18720] =	vst v0;
	v0 =	vld [tilespmem:s18+$0x18740]  }
0x5f3: {  	v1 =	vld.idx.msk [tilespmem:v1+s28+$0x0], $0xffff;
	_ =	sdelay $0x4  }
0x5f4: {  	[tilespmem:s18+$0x18730] =	vst v1;
	v1 =	vld [tilespmem:s18+$0x18750];
	_ =	sdelay $0x1  }
0x5f5: {  	v0 =	vld.idx.msk [tilespmem:v0+s28+$0x0], $0xffff;
	_ =	sdelay $0x4  }
0x5f6: {  	[tilespmem:s18+$0x18740] =	vst v0;
	v0 =	vld [tilespmem:s18+$0x18760]  }
0x5f7: {  	v1 =	vld.idx.msk [tilespmem:v1+s28+$0x0], $0xffff;
	_ =	sdelay $0x4  }
0x5f8: {  	[tilespmem:s18+$0x18750] =	vst v1;
	v1 =	vld [tilespmem:s18+$0x18770];
	_ =	sdelay $0x1  }
0x5f9: {  	v0 =	vld.idx.msk [tilespmem:v0+s28+$0x0], $0xffff;
	_ =	sdelay $0x4  }
0x5fa: {  	[tilespmem:s18+$0x18760] =	vst v0;
	v0 =	vld [tilespmem:s18+$0x18780]  }
0x5fb: {  	v1 =	vld.idx.msk [tilespmem:v1+s28+$0x0], $0xffff;
	_ =	sdelay $0x4  }
0x5fc: {  	[tilespmem:s18+$0x18770] =	vst v1;
	v1 =	vld [tilespmem:s18+$0x18790];
	_ =	sdelay $0x1  }
0x5fd: {  	v0 =	vld.idx.msk [tilespmem:v0+s28+$0x0], $0xffff;
	_ =	sdelay $0x4  }
0x5fe: {  	[tilespmem:s18+$0x18780] =	vst v0;
	v0 =	vld [tilespmem:s18+$0x187A0]  }
0x5ff: {  	v1 =	vld.idx.msk [tilespmem:v1+s28+$0x0], $0xffff;
	_ =	sdelay $0x4  }
0x600: {  	[tilespmem:s18+$0x18790] =	vst v1;
	v1 =	vld [tilespmem:s18+$0x187B0];
	_ =	sdelay $0x1  }
0x601: {  	v0 =	vld.idx.msk [tilespmem:v0+s28+$0x0], $0xffff;
	_ =	sdelay $0x4  }
0x602: {  	[tilespmem:s18+$0x187A0] =	vst v0;
	v0 =	vld [tilespmem:s18+$0x187C0]  }
0x603: {  	v1 =	vld.idx.msk [tilespmem:v1+s28+$0x0], $0xffff;
	_ =	sdelay $0x4  }
0x604: {  	[tilespmem:s18+$0x187B0] =	vst v1;
	v1 =	vld [tilespmem:s18+$0x187D0];
	_ =	sdelay $0x1  }
0x605: {  	v0 =	vld.idx.msk [tilespmem:v0+s28+$0x0], $0xffff;
	_ =	sdelay $0x4  }
0x606: {  	v2 =	vld [tilespmem:s18+$0x187E0];
	[tilespmem:s18+$0x187C0] =	vst v0  }
0x607: {  	v0 =	vld.idx.msk [tilespmem:v1+s28+$0x0], $0xffff;
	_ =	sdelay $0x4  }
0x608: {  	[tilespmem:s18+$0x187D0] =	vst v0;
	v0 =	vld [tilespmem:s18+$0x187F0];
	_ =	sdelay $0x1  }
0x609: {  	v1 =	vld.idx.msk [tilespmem:v2+s28+$0x0], $0xffff;
	_ =	sdelay $0x3  }
0x60a: {  	s19 =	simm.s32 $0x800;
	s20 =	simm.s32 $0x100  }
.LBB2_26:
0x60b: {  	p0 =	sne.s32 s19, $0xFC00;
	v2 =	vld [tilespmem:s20+$0x18700];
	[tilespmem:s18+$0x187E0] =	vst v1  }
0x60c: {  	v0 =	vld.idx.msk [tilespmem:v0+s28+$0x0], $0xffff;
	_ =	sdelay $0x5  }
0x60d: {  	v1 =	vld [tilespmem:s20+$0x18710];
	[tilespmem:s18+$0x187F0] =	vst v0;
	s18 =	smov.u32 s20  }
0x60e: {  	v0 =	vld.idx.msk [tilespmem:v2+s28+$0x0], $0xffff;
	_ =	sdelay $0x5  }
0x60f: {  	[tilespmem:s18+$0x18700] =	vst v0;
	v0 =	vld [tilespmem:s18+$0x18720]  }
0x610: {  	v1 =	vld.idx.msk [tilespmem:v1+s28+$0x0], $0xffff;
	_ =	sdelay $0x5  }
0x611: {  	[tilespmem:s18+$0x18710] =	vst v1;
	v1 =	vld [tilespmem:s18+$0x18730]  }
0x612: {  	v0 =	vld.idx.msk [tilespmem:v0+s28+$0x0], $0xffff;
	_ =	sdelay $0x5  }
0x613: {  	[tilespmem:s18+$0x18720] =	vst v0;
	v0 =	vld [tilespmem:s18+$0x18740]  }
0x614: {  	v1 =	vld.idx.msk [tilespmem:v1+s28+$0x0], $0xffff;
	_ =	sdelay $0x5  }
0x615: {  	[tilespmem:s18+$0x18730] =	vst v1;
	v1 =	vld [tilespmem:s18+$0x18750]  }
0x616: {  	v0 =	vld.idx.msk [tilespmem:v0+s28+$0x0], $0xffff;
	_ =	sdelay $0x5  }
0x617: {  	[tilespmem:s18+$0x18740] =	vst v0;
	v0 =	vld [tilespmem:s18+$0x18760]  }
0x618: {  	v1 =	vld.idx.msk [tilespmem:v1+s28+$0x0], $0xffff;
	_ =	sdelay $0x5  }
0x619: {  	[tilespmem:s18+$0x18750] =	vst v1;
	v1 =	vld [tilespmem:s18+$0x18770]  }
0x61a: {  	v0 =	vld.idx.msk [tilespmem:v0+s28+$0x0], $0xffff;
	_ =	sdelay $0x5  }
0x61b: {  	[tilespmem:s18+$0x18760] =	vst v0;
	v0 =	vld [tilespmem:s18+$0x18780]  }
0x61c: {  	v1 =	vld.idx.msk [tilespmem:v1+s28+$0x0], $0xffff;
	_ =	sdelay $0x5  }
0x61d: {  	[tilespmem:s18+$0x18770] =	vst v1;
	v1 =	vld [tilespmem:s18+$0x18790]  }
0x61e: {  	v0 =	vld.idx.msk [tilespmem:v0+s28+$0x0], $0xffff;
	_ =	sdelay $0x5  }
0x61f: {  	[tilespmem:s18+$0x18780] =	vst v0;
	v0 =	vld [tilespmem:s18+$0x187A0]  }
0x620: {  	v1 =	vld.idx.msk [tilespmem:v1+s28+$0x0], $0xffff;
	_ =	sdelay $0x5  }
0x621: {  	[tilespmem:s18+$0x18790] =	vst v1;
	v1 =	vld [tilespmem:s18+$0x187B0]  }
0x622: {  	v0 =	vld.idx.msk [tilespmem:v0+s28+$0x0], $0xffff;
	_ =	sdelay $0x5  }
0x623: {  	[tilespmem:s18+$0x187A0] =	vst v0;
	v0 =	vld [tilespmem:s18+$0x187C0]  }
0x624: {  	v1 =	vld.idx.msk [tilespmem:v1+s28+$0x0], $0xffff;
	_ =	sdelay $0x5  }
0x625: {  	[tilespmem:s18+$0x187B0] =	vst v1;
	v1 =	vld [tilespmem:s18+$0x187D0]  }
0x626: {  	v0 =	vld.idx.msk [tilespmem:v0+s28+$0x0], $0xffff;
	_ =	sdelay $0x5  }
0x627: {  	[tilespmem:s18+$0x187C0] =	vst v0;
	v2 =	vld [tilespmem:s18+$0x187E0]  }
0x628: {  	v0 =	vld.idx.msk [tilespmem:v1+s28+$0x0], $0xffff;
	_ =	sdelay $0x5  }
0x629: {  	[tilespmem:s18+$0x187D0] =	vst v0;
	v0 =	vld [tilespmem:s18+$0x187F0]  }
0x62a: {  	v1 =	vld.idx.msk [tilespmem:v2+s28+$0x0], $0xffff  }
.Ltmp12:
0x62b: {  	(pc) =	sbr.rel @p0 .LBB2_26-.Ltmp12, $2  }
0x62c: {  	_ =	sdelay $0x2  }
0x62d: {  	s20 =	sshra.s32 s19, $0x2;
	s19 =	sadd.s32 $0x400, s19  }
0x62e: {  	_ =	sdelay $0x1  }
0x62f: {  	v2 =	vld [tilespmem:s20+$0x18700]  }
0x630: {  	[tilespmem:s18+$0x187E0] =	vst v1  }
0x631: {  	v0 =	vld.idx.msk [tilespmem:v0+s28+$0x0], $0xffff;
	_ =	sdelay $0x3  }
0x632: {  	v1 =	vld [tilespmem:s20+$0x18710]  }
0x633: {  	[tilespmem:s18+$0x187F0] =	vst v0  }
0x634: {  	v0 =	vld.idx.msk [tilespmem:v2+s28+$0x0], $0xffff;
	_ =	sdelay $0x3  }
0x635: {  	v50 =	vld [tilespmem:s20+$0x18720]  }
0x636: {  	[tilespmem:s20+$0x18700] =	vst v0  }
0x637: {  	v1 =	vld.idx.msk [tilespmem:v1+s28+$0x0], $0xffff;
	_ =	sdelay $0x3  }
0x638: {  	v51 =	vld [tilespmem:s20+$0x18730]  }
0x639: {  	[tilespmem:s20+$0x18710] =	vst v1  }
0x63a: {  	v0 =	vld.idx.msk [tilespmem:v50+s28+$0x0], $0xffff;
	_ =	sdelay $0x3  }
0x63b: {  	v52 =	vld [tilespmem:s20+$0x18740]  }
0x63c: {  	[tilespmem:s20+$0x18720] =	vst v0  }
0x63d: {  	v1 =	vld.idx.msk [tilespmem:v51+s28+$0x0], $0xffff;
	_ =	sdelay $0x3  }
0x63e: {  	v53 =	vld [tilespmem:s20+$0x18750]  }
0x63f: {  	[tilespmem:s20+$0x18730] =	vst v1  }
0x640: {  	v0 =	vld.idx.msk [tilespmem:v52+s28+$0x0], $0xffff;
	_ =	sdelay $0x3  }
0x641: {  	v54 =	vld [tilespmem:s20+$0x18760]  }
0x642: {  	[tilespmem:s20+$0x18740] =	vst v0  }
0x643: {  	v1 =	vld.idx.msk [tilespmem:v53+s28+$0x0], $0xffff;
	_ =	sdelay $0x3  }
0x644: {  	v55 =	vld [tilespmem:s20+$0x18770]  }
0x645: {  	[tilespmem:s20+$0x18750] =	vst v1  }
0x646: {  	v0 =	vld.idx.msk [tilespmem:v54+s28+$0x0], $0xffff;
	_ =	sdelay $0x3  }
0x647: {  	v56 =	vld [tilespmem:s20+$0x18780]  }
0x648: {  	[tilespmem:s20+$0x18760] =	vst v0  }
0x649: {  	v1 =	vld.idx.msk [tilespmem:v55+s28+$0x0], $0xffff;
	_ =	sdelay $0x3  }
0x64a: {  	v57 =	vld [tilespmem:s20+$0x18790]  }
0x64b: {  	[tilespmem:s20+$0x18770] =	vst v1  }
0x64c: {  	v0 =	vld.idx.msk [tilespmem:v56+s28+$0x0], $0xffff;
	_ =	sdelay $0x3  }
0x64d: {  	v58 =	vld [tilespmem:s20+$0x187A0]  }
0x64e: {  	[tilespmem:s20+$0x18780] =	vst v0  }
0x64f: {  	v1 =	vld.idx.msk [tilespmem:v57+s28+$0x0], $0xffff;
	_ =	sdelay $0x3  }
0x650: {  	v59 =	vld [tilespmem:s20+$0x187B0]  }
0x651: {  	[tilespmem:s20+$0x18790] =	vst v1  }
0x652: {  	v0 =	vld.idx.msk [tilespmem:v58+s28+$0x0], $0xffff;
	_ =	sdelay $0x3  }
0x653: {  	v60 =	vld [tilespmem:s20+$0x187C0]  }
0x654: {  	[tilespmem:s20+$0x187A0] =	vst v0  }
0x655: {  	v1 =	vld.idx.msk [tilespmem:v59+s28+$0x0], $0xffff;
	_ =	sdelay $0x3  }
0x656: {  	v61 =	vld [tilespmem:s20+$0x187D0]  }
0x657: {  	[tilespmem:s20+$0x187B0] =	vst v1  }
0x658: {  	v0 =	vld.idx.msk [tilespmem:v60+s28+$0x0], $0xffff;
	_ =	sdelay $0x3  }
0x659: {  	v62 =	vld [tilespmem:s20+$0x187E0]  }
0x65a: {  	[tilespmem:s20+$0x187C0] =	vst v0  }
0x65b: {  	v1 =	vld.idx.msk [tilespmem:v61+s28+$0x0], $0xffff;
	_ =	sdelay $0x3  }
0x65c: {  	v63 =	vld [tilespmem:s20+$0x187F0]  }
0x65d: {  	[tilespmem:s20+$0x187D0] =	vst v1  }
0x65e: {  	v0 =	vld.idx.msk [tilespmem:v62+s28+$0x0], $0xffff;
	_ =	sdelay $0x4  }
0x65f: {  	[tilespmem:s20+$0x187E0] =	vst v0  }
0x660: {  	v0 =	vld.idx.msk [tilespmem:v63+s28+$0x0], $0xffff;
	_ =	sdelay $0x2  }
0x661: {  	s17 =	sadd.s32 $0x1, s17  }
0x662: {  	p0 =	sne.s32 s17, s10  }
.Ltmp13:
0x663: {  	[tilespmem:s20+$0x187F0] =	vst v0;
	(pc) =	sbr.rel @p0 .LBB2_1-.Ltmp13, $4  }
0x664: {  	[hbm4b:s9+s11] =	stream.strided.scatter [tilespmem:s13], [sflag:$0x3], $0x4000, s12, s11, $0x38;
	[tilespmem:$0x1C700] =	vst v63  }
0x665: {  	_ =	swait.ge [sflag:s16], $0x4000  }
0x666: {  	[sflag:s16] =	ssyncset.done $0x0  }
0x667: {  	[sflag:s16] =	ssyncadd.s32 $0xFFFFC000  }
0x668: {  	_ =	sfence.sel $0x180000  }
0x669: {  	[bflag:$0x0] =	sbarrier.arrive $0xFFFF  }
0x66a: {  	_ =	strace $0x90000047  }
0x66b: {  	s0 =	stileid.u32;
	[bflag:$0x2] =	sbarrier.arrive $0xFFFF  }
0x66c: {  	p0 =	sne.s32 s0, $0x0;
	s0 =	rddreg [dreg:$0x2]  }
0x66d: {  	s0 =	sadd.s32 @!p0 $0x100000, s0  }
0x66e: {  	[sflag:s0] =	ssyncadd.tile.s32 @!p0 $0x1;
	_ =	shalt  }
.Lfunc_end2:
_tile_overlayer_lowered:
.L_overlay_start_2:
0x66f: {  	(tag) =	ssettag $0x2  }
0x670: {  	s0 =	rddreg [dreg:$0x0];
	s2 =	stileid.u32  }
0x671: {  	s1 =	rddreg [dreg:$0x1];
	p0 =	sne.s32 s2, $0x0  }
0x672: {  	s3 =	rddreg [dreg:$0x2];
	[bflag:$0x3] =	sbarrier.arrive $0xFFFF;
	s2 =	simm.s32 @!p0 $0x1C04  }
0x673: {  	[timem:s3], [sflag:s2] =	dma.local @!p0 [hbm:s0], s1  }
0x674: {  	s0 =	simm.s32 @!p0 $0x4  }
0x675: {  	_ =	swait.ge @!p0 [sflag:s0], s1  }
0x676: {  	s1 =	ssub.s32 @!p0 $0x0, s1;
	[sflag:s0] =	ssyncset.done @!p0 $0x0  }
0x677: {  	[sflag:s0] =	ssyncadd.s32 @!p0 s1  }
0x678: {  	[bflag:$0x3] =	sbarrier.arrive $0xFFFF  }
0x679: {  	_ =	shalt  }

</sc_bundles>
